<compile_context>
chip_gen: v7x
topology: tpu7x:2x2x1
jax: 0.10.2.dev20260603
libtpu: 0.0.44.dev20260713+nightly
codegen_flags: <defaults>
</compile_context>

<pallas_src>
import functools

import jax
import jax.numpy as jnp
import numpy as np
from jax import lax
from jax.experimental import pallas as pl
from jax.experimental.pallas import tpu as pltpu
from jax.experimental.pallas import tpu_sc as plsc

N = 10000
E = 320000
D = 128
H = 128
G = 64
NC = 2

NCORES = 2
NSUB = 16
NW = NCORES * NSUB
EPW = E // NW
CH = 128
NFULL = EPW // CH
TAIL = EPW - NFULL * CH
RPT = 640

_sc_mesh = plsc.VectorSubcoreMesh(core_axis_name="c", subcore_axis_name="s")


@functools.partial(
    pl.kernel,
    out_type=jax.ShapeDtypeStruct((2 * N, H), jnp.float32),
    mesh=_sc_mesh,
    scratch_types=[
        [pltpu.VMEM((CH,), jnp.int32) for _ in range(3)],
        [pltpu.VMEM((CH,), jnp.int32) for _ in range(6)],
        [pltpu.VMEM((CH, H), jnp.float32) for _ in range(3)],
        pltpu.VMEM((TAIL,), jnp.int32),
        pltpu.VMEM((TAIL,), jnp.int32),
        [pltpu.SemaphoreType.DMA for _ in range(3)],
        [pltpu.SemaphoreType.DMA for _ in range(3)],
        [pltpu.SemaphoreType.DMA for _ in range(2)],
        pltpu.SemaphoreType.DMA,
        pltpu.VMEM_SHARED((N, H), jnp.float32),
    ],
)
def _sc_agg(h_hbm, src_hbm, dst_hbm, out_hbm,
            sidxs, didxs, rows, sidx2, didx2, gsems, isems, ssems, tsem,
            agg_sh):
    rows0 = rows[0]
    cid = lax.axis_index("c")
    sid = lax.axis_index("s")
    wid = cid * NSUB + sid
    base = wid * EPW

    ZB = 128
    zbuf = rows[2]
    def _zrow(r, carry):
        for c8 in range(H // 16):
            zbuf[r, pl.ds(c8 * 16, 16)] = jnp.zeros((16,), jnp.float32)
        return carry
    lax.fori_loop(0, ZB, _zrow, 0)
    row0 = sid * RPT

    def _idx(j, r):
        off = base + j * CH
        pltpu.async_copy(src_hbm.at[pl.ds(off, CH)], sidxs[r % 3],
                         isems[r % 3])
        pltpu.async_copy(dst_hbm.at[pl.ds(off, CH)], didxs[r % 6],
                         isems[r % 3])

    def _iwait(j, r):
        off = base + j * CH
        pltpu.make_async_copy(src_hbm.at[pl.ds(off, CH)], sidxs[r % 3],
                              isems[r % 3]).wait()
        pltpu.make_async_copy(dst_hbm.at[pl.ds(off, CH)], didxs[r % 6],
                              isems[r % 3]).wait()

    def _gather(r):
        pltpu.async_copy(h_hbm.at[sidxs[r % 3]], rows[r % 3], gsems[r % 3])

    def _gwait(r):
        pltpu.make_async_copy(h_hbm.at[sidxs[r % 3]], rows[r % 3],
                              gsems[r % 3]).wait()

    def _sstart(r):
        pltpu.async_copy(rows[r % 3], agg_sh.at[didxs[r % 6]], ssems[r % 2],
                         add=True)

    def _swait(r):
        pltpu.make_async_copy(rows[r % 3], agg_sh.at[didxs[r % 6]],
                              ssems[r % 2]).wait()

    for j in range(3):
        _idx(j, j)
    toff = base + NFULL * CH
    pltpu.async_copy(src_hbm.at[pl.ds(toff, TAIL)], sidx2, tsem)
    pltpu.async_copy(dst_hbm.at[pl.ds(toff, TAIL)], didx2, tsem)

    @pl.when(sid < NSUB - 1)
    def _():
        for t in range(RPT // ZB):
            pltpu.sync_copy(zbuf.at[pl.ds(0, ZB)],
                            agg_sh.at[pl.ds(row0 + t * ZB, ZB)])

    @pl.when(sid == NSUB - 1)
    def _():
        for t in range(3):
            pltpu.sync_copy(zbuf.at[pl.ds(0, ZB)],
                            agg_sh.at[pl.ds(row0 + t * ZB, ZB)])
        last = N - (NSUB - 1) * RPT - 3 * ZB
        pltpu.sync_copy(zbuf.at[pl.ds(0, last)],
                        agg_sh.at[pl.ds(row0 + 3 * ZB, last)])

    for j in range(2):
        _iwait(j, j)
        _gather(j)
    plsc.subcore_barrier()

    def _slot(j, r):
        _gwait(r)
        _sstart(r)
        _idx(j + 3, r + 3)
        _swait(r + 5)
        _iwait(j + 2, r + 2)
        _gather(r + 2)

    _gwait(0); _sstart(0); _idx(3, 3); _iwait(2, 2); _gather(2)
    _gwait(1); _sstart(1); _idx(4, 4); _swait(0); _iwait(3, 3); _gather(3)

    def _six(t, carry):
        j0 = 6 * t + 2
        for k in range(6):
            _slot(j0 + k, 2 + k)
        return carry
    lax.fori_loop(0, 12, _six, 0)

    _gwait(74); _sstart(74); _idx(77, 77); _swait(73); _iwait(76, 76); _gather(76)
    _gwait(75); _sstart(75); _swait(74); _iwait(77, 77); _gather(77)
    _gwait(76); _sstart(76); _swait(75)
    pltpu.make_async_copy(src_hbm.at[pl.ds(toff, TAIL)], sidx2, tsem).wait()
    pltpu.make_async_copy(dst_hbm.at[pl.ds(toff, TAIL)], didx2, tsem).wait()
    tail_dst = rows[0].at[pl.ds(0, TAIL)]
    pltpu.async_copy(h_hbm.at[sidx2], tail_dst, tsem)
    _gwait(77); _sstart(77); _swait(76)
    pltpu.make_async_copy(h_hbm.at[sidx2], tail_dst, tsem).wait()
    _swait(77)
    pltpu.sync_copy(tail_dst, agg_sh.at[didx2], add=True)

    plsc.subcore_barrier()

    @pl.when(sid < NSUB - 1)
    def _():
        pltpu.sync_copy(agg_sh.at[pl.ds(row0, RPT)],
                        out_hbm.at[pl.ds(cid * N + row0, RPT)])

    @pl.when(sid == NSUB - 1)
    def _():
        pltpu.sync_copy(agg_sh.at[pl.ds(row0, N - (NSUB - 1) * RPT)],
                        out_hbm.at[pl.ds(cid * N + row0, N - (NSUB - 1) * RPT)])


BR = 1000
NBLK = N // BR


def _mlp_body(h_ref, a0_ref, a1_ref, w1_ref, b1_ref, w2_ref, b2_ref, o_ref):
    z = h_ref[...] + a0_ref[...] + a1_ref[...]
    t = jnp.maximum(
        jnp.dot(z, w1_ref[...], preferred_element_type=jnp.float32) + b1_ref[...],
        0.0)
    o_ref[...] = jnp.maximum(
        jnp.dot(t, w2_ref[...], preferred_element_type=jnp.float32) + b2_ref[...],
        0.0)


_mlp = pl.pallas_call(
    _mlp_body,
    grid=(NBLK,),
    in_specs=[
        pl.BlockSpec((BR, H), lambda i: (i, 0)),
        pl.BlockSpec((BR, H), lambda i: (i, 0)),
        pl.BlockSpec((BR, H), lambda i: (NBLK + i, 0)),
        pl.BlockSpec((H, H), lambda i: (0, 0)),
        pl.BlockSpec((1, H), lambda i: (0, 0)),
        pl.BlockSpec((H, H), lambda i: (0, 0)),
        pl.BlockSpec((1, H), lambda i: (0, 0)),
    ],
    out_specs=pl.BlockSpec((BR, H), lambda i: (i, 0)),
    out_shape=jax.ShapeDtypeStruct((N, H), jnp.float32),
)

_BN_SCALE = float(1.0 / np.sqrt(1.0 + 1e-5))


def _mlp3_body(b_ref, h2_ref, a0_ref, a1_ref, w1_ref, b1_ref, w2_ref,
               b2_ref, h1_ref, cw1_ref, cb1_ref, g_ref, be_ref, cw2_ref,
               cb2_ref, o_ref, acc_ref):
    i = pl.program_id(0)

    @pl.when(i == 0)
    def _():
        acc_ref[...] = jnp.zeros_like(acc_ref)

    z = h2_ref[...] + a0_ref[...] + a1_ref[...]
    t = jnp.maximum(
        jnp.dot(z, w1_ref[...], preferred_element_type=jnp.float32) + b1_ref[...],
        0.0)
    h3 = jnp.maximum(
        jnp.dot(t, w2_ref[...], preferred_element_type=jnp.float32) + b2_ref[...],
        0.0)
    oh = (b_ref[...] == lax.broadcasted_iota(jnp.int32, (1, G), 1)
          ).astype(jnp.float32)
    hcat = jnp.concatenate([h1_ref[...], h2_ref[...], h3], axis=1)
    acc_ref[...] += jnp.dot(oh.T, hcat, preferred_element_type=jnp.float32)

    @pl.when(i == pl.num_programs(0) - 1)
    def _():
        zc = jnp.dot(acc_ref[...], cw1_ref[...],
                     preferred_element_type=jnp.float32) + cb1_ref[...]
        zc = zc * _BN_SCALE * g_ref[...] + be_ref[...]
        zc = jnp.maximum(zc, 0.0)
        o_ref[...] = jnp.dot(zc, cw2_ref[...],
                             preferred_element_type=jnp.float32) + cb2_ref[...]


_mlp3_pool = pl.pallas_call(
    _mlp3_body,
    grid=(NBLK,),
    in_specs=[
        pl.BlockSpec((BR, 1), lambda i: (i, 0)),
        pl.BlockSpec((BR, H), lambda i: (i, 0)),
        pl.BlockSpec((BR, H), lambda i: (i, 0)),
        pl.BlockSpec((BR, H), lambda i: (NBLK + i, 0)),
        pl.BlockSpec((H, H), lambda i: (0, 0)),
        pl.BlockSpec((1, H), lambda i: (0, 0)),
        pl.BlockSpec((H, H), lambda i: (0, 0)),
        pl.BlockSpec((1, H), lambda i: (0, 0)),
        pl.BlockSpec((BR, H), lambda i: (i, 0)),
        pl.BlockSpec((3 * H, 2 * H), lambda i: (0, 0)),
        pl.BlockSpec((1, 2 * H), lambda i: (0, 0)),
        pl.BlockSpec((1, 2 * H), lambda i: (0, 0)),
        pl.BlockSpec((1, 2 * H), lambda i: (0, 0)),
        pl.BlockSpec((2 * H, NC), lambda i: (0, 0)),
        pl.BlockSpec((1, NC), lambda i: (0, 0)),
    ],
    out_specs=pl.BlockSpec((G, NC), lambda i: (0, 0)),
    out_shape=jax.ShapeDtypeStruct((G, NC), jnp.float32),
    scratch_shapes=[pltpu.VMEM((G, 3 * H), jnp.float32)],
)


def kernel(x, edge_index, batch, W1_0, b1_0, W2_0, b2_0, W1_1, b1_1, W2_1,
           b2_1, W1_2, b1_2, W2_2, b2_2, cW1, cb1, bn_gamma, bn_beta, cW2,
           cb2):
    src = edge_index[0]
    dst = edge_index[1]
    params = [(W1_0, b1_0, W2_0, b2_0), (W1_1, b1_1, W2_1, b2_1),
              (W1_2, b1_2, W2_2, b2_2)]

    h = x
    hs = []
    for (W1, b1, W2, b2) in params[:2]:
        agg = _sc_agg(h, src, dst)
        h = _mlp(h, agg, agg, W1, b1.reshape(1, H), W2, b2.reshape(1, H))
        hs.append(h)

    agg = _sc_agg(h, src, dst)
    return _mlp3_pool(batch.reshape(N, 1), h, agg, agg, W1_2,
                      b1_2.reshape(1, H), W2_2, b2_2.reshape(1, H), hs[0],
                      cW1, cb1.reshape(1, 2 * H), bn_gamma.reshape(1, 2 * H),
                      bn_beta.reshape(1, 2 * H), cW2, cb2.reshape(1, NC))

# --- scband reference (transcript-rebuilt; emitter-appended) ---
"""Pipeline reference for scband-ginmodel-15058155340592 (READ-ONLY COPY).

The authoritative reference and input builder live on the scoring server;
editing this copy changes nothing except your own understanding.
"""

import jax, jax.numpy as jnp
import numpy as np

N = 10000
E = 320000
D = 128
H = 128
G = 64
NC = 2

def setup_inputs(seed: int = 0):
    key = jax.random.key(seed)
    ks = jax.random.split(key, 16)
    inp = {}
    inp["x"] = jax.random.normal(ks[0], (N, D), dtype=jnp.float32)
    inp["edge_index"] = jax.random.randint(ks[1], (2, E), 0, N, dtype=jnp.int32)
    inp["batch"] = jnp.sort(jax.random.randint(ks[2], (N,), 0, G, dtype=jnp.int32))
    dims = [D, H, H]
    k = 3
    for l in range(3):
        din = dims[l]
        inp["W1_%d" % l] = jax.random.normal(ks[k], (din, H), dtype=jnp.float32) / np.sqrt(din)
        inp["b1_%d" % l] = jnp.zeros((H,), jnp.float32)
        k += 1
        inp["W2_%d" % l] = jax.random.normal(ks[k], (H, H), dtype=jnp.float32) / np.sqrt(H)
        inp["b2_%d" % l] = jnp.zeros((H,), jnp.float32)
        k += 1
    inp["cW1"] = jax.random.normal(ks[k], (3 * H, 2 * H), dtype=jnp.float32) / np.sqrt(3 * H)
    k += 1
    inp["cb1"] = jnp.zeros((2 * H,), jnp.float32)
    inp["bn_gamma"] = jnp.ones((2 * H,), jnp.float32)
    inp["bn_beta"] = jnp.zeros((2 * H,), jnp.float32)
    inp["cW2"] = jax.random.normal(ks[k], (2 * H, NC), dtype=jnp.float32) / np.sqrt(2 * H)
    inp["cb2"] = jnp.zeros((NC,), jnp.float32)
    return inp

def _gnn(x, params, edge_index, batch):
    src = edge_index[0]
    dst = edge_index[1]
    xs = []
    h = x
    for (W1, b1, W2, b2) in params:
        # GINConv: mlp((1+eps)*x_i + sum_{j->i} x_j), eps=0
        agg = jnp.zeros((N, h.shape[1]), h.dtype).at[dst].add(h[src])
        z = h + agg
        z = jax.nn.relu(z @ W1 + b1) @ W2 + b2  # inner MLP: Linear-ReLU-Linear
        h = jax.nn.relu(z)  # BasicGNN activation after each conv (dropout=identity in eval)
        xs.append(h)
    hcat = jnp.concatenate(xs, axis=1)  # JumpingKnowledge jk='cat' -> [N, 3H]
    pooled = jax.ops.segment_sum(hcat, batch, num_segments=G)  # global_add_pool
    return pooled

def _classifier(pooled, cW1, cb1, bn_gamma, bn_beta, cW2, cb2):
    z = pooled @ cW1 + cb1
    # eval-mode BatchNorm with running_mean=0, running_var=1, eps=1e-5
    z = z / jnp.sqrt(1.0 + 1e-05) * bn_gamma + bn_beta
    z = jax.nn.relu(z)
    return z @ cW2 + cb2

def reference(x, edge_index, batch, W1_0, b1_0, W2_0, b2_0, W1_1, b1_1, W2_1, b2_1, W1_2, b1_2, W2_2, b2_2, cW1, cb1, bn_gamma, bn_beta, cW2, cb2):
    params = [(W1_0, b1_0, W2_0, b2_0), (W1_1, b1_1, W2_1, b2_1), (W1_2, b1_2, W2_2, b2_2)]
    pooled = _gnn(x, params, edge_index, batch)
    return _classifier(pooled, cW1, cb1, bn_gamma, bn_beta, cW2, cb2)

if __name__ == "__main__":
    import jax
    _d = setup_inputs()
    print(jax.jit(kernel)(*tuple(_d.values())))

</pallas_src>

<mosaic_0001>
#map = affine_map<(d0, d1) -> (0, 0)>
#map1 = affine_map<(d0, d1) -> (0)>
module attributes {stable_mosaic.version = 14 : i64} {
  func.func @_sc_agg(%arg0: i32, %arg1: i32, %arg2: memref<10000x128xf32, #tpu.memory_space<hbm>>, %arg3: memref<320000xi32, #tpu.memory_space<hbm>>, %arg4: memref<320000xi32, #tpu.memory_space<hbm>>, %arg5: memref<20000x128xf32, #tpu.memory_space<hbm>>, %arg6: memref<128xi32, #tpu.memory_space<vmem>>, %arg7: memref<128xi32, #tpu.memory_space<vmem>>, %arg8: memref<128xi32, #tpu.memory_space<vmem>>, %arg9: memref<128xi32, #tpu.memory_space<vmem>>, %arg10: memref<128xi32, #tpu.memory_space<vmem>>, %arg11: memref<128xi32, #tpu.memory_space<vmem>>, %arg12: memref<128xi32, #tpu.memory_space<vmem>>, %arg13: memref<128xi32, #tpu.memory_space<vmem>>, %arg14: memref<128xi32, #tpu.memory_space<vmem>>, %arg15: memref<128x128xf32, #tpu.memory_space<vmem>>, %arg16: memref<128x128xf32, #tpu.memory_space<vmem>>, %arg17: memref<128x128xf32, #tpu.memory_space<vmem>>, %arg18: memref<16xi32, #tpu.memory_space<vmem>>, %arg19: memref<16xi32, #tpu.memory_space<vmem>>, %arg20: memref<!tpu.dma_semaphore, #tpu.memory_space<semaphore_mem>>, %arg21: memref<!tpu.dma_semaphore, #tpu.memory_space<semaphore_mem>>, %arg22: memref<!tpu.dma_semaphore, #tpu.memory_space<semaphore_mem>>, %arg23: memref<!tpu.dma_semaphore, #tpu.memory_space<semaphore_mem>>, %arg24: memref<!tpu.dma_semaphore, #tpu.memory_space<semaphore_mem>>, %arg25: memref<!tpu.dma_semaphore, #tpu.memory_space<semaphore_mem>>, %arg26: memref<!tpu.dma_semaphore, #tpu.memory_space<semaphore_mem>>, %arg27: memref<!tpu.dma_semaphore, #tpu.memory_space<semaphore_mem>>, %arg28: memref<!tpu.dma_semaphore, #tpu.memory_space<semaphore_mem>>, %arg29: memref<10000x128xf32, #tpu.memory_space<vmem_shared>>) attributes {dimension_semantics = [#tpu.dimension_semantics<core_parallel>, #tpu.dimension_semantics<subcore_parallel>], iteration_bounds = array<i64: 2, 16>, scalar_prefetch = 0 : i64, scratch_operands = 24 : i64, tpu.core_type = #tpu.core_type<sc_vector_subcore>, window_params = [{transform_indices = #map}, {transform_indices = #map1}, {transform_indices = #map1}, {transform_indices = #map}]} {
    %mul3A = arith.constant 16 : i32
    %mul3A_0 = arith.muli %arg0, %mul3A : i32
    %add3A = arith.addi %mul3A_0, %arg1 : i32
    %mul3A_1 = arith.constant 10000 : i32
    %mul3A_2 = arith.muli %add3A, %mul3A_1 : i32
    %scan3A = arith.constant 0 : i32
    %scan3A_3 = arith.constant 0 : i32
    %scan3A_4 = arith.constant 128 : i32
    %scan3A_5 = arith.addi %scan3A_3, %scan3A_4 : i32
    %scan3A_6 = arith.constant 1 : i32
    scf.for %scan3A_197 = %scan3A_3 to %scan3A_5 step %scan3A_6  : i32 {
      %broadcast_in_dim3A = arith.constant 0.000000e+00 : f32
      %broadcast_in_dim3A_198 = vector.broadcast %broadcast_in_dim3A : f32 to vector<16xf32>
      %swap3A = arith.index_cast %scan3A_197 : i32 to index
      %swap3A_199 = arith.constant 0 : index
      %swap3A_200 = tpu.vector_load %arg17[%swap3A, %swap3A_199] {strides = array<i32>} : memref<128x128xf32, #tpu.memory_space<vmem>>, vector<1x16xf32>,
      %swap3A_201 = vector.shape_cast %swap3A_200 : vector<1x16xf32> to vector<16xf32>
      %swap3A_202 = vector.shape_cast %broadcast_in_dim3A_198 : vector<16xf32> to vector<1x16xf32>
      tpu.vector_store %arg17[%swap3A, %swap3A_199], %swap3A_202 {strides = array<i32>} : memref<128x128xf32, #tpu.memory_space<vmem>>, vector<1x16xf32>,
      %broadcast_in_dim3A_203 = arith.constant 0.000000e+00 : f32
      %broadcast_in_dim3A_204 = vector.broadcast %broadcast_in_dim3A_203 : f32 to vector<16xf32>
      %swap3A_205 = arith.index_cast %scan3A_197 : i32 to index
      %swap3A_206 = arith.constant 16 : index
      %swap3A_207 = tpu.vector_load %arg17[%swap3A_205, %swap3A_206] {strides = array<i32>} : memref<128x128xf32, #tpu.memory_space<vmem>>, vector<1x16xf32>,
      %swap3A_208 = vector.shape_cast %swap3A_207 : vector<1x16xf32> to vector<16xf32>
      %swap3A_209 = vector.shape_cast %broadcast_in_dim3A_204 : vector<16xf32> to vector<1x16xf32>
      tpu.vector_store %arg17[%swap3A_205, %swap3A_206], %swap3A_209 {strides = array<i32>} : memref<128x128xf32, #tpu.memory_space<vmem>>, vector<1x16xf32>,
      %broadcast_in_dim3A_210 = arith.constant 0.000000e+00 : f32
      %broadcast_in_dim3A_211 = vector.broadcast %broadcast_in_dim3A_210 : f32 to vector<16xf32>
      %swap3A_212 = arith.index_cast %scan3A_197 : i32 to index
      %swap3A_213 = arith.constant 32 : index
      %swap3A_214 = tpu.vector_load %arg17[%swap3A_212, %swap3A_213] {strides = array<i32>} : memref<128x128xf32, #tpu.memory_space<vmem>>, vector<1x16xf32>,
      %swap3A_215 = vector.shape_cast %swap3A_214 : vector<1x16xf32> to vector<16xf32>
      %swap3A_216 = vector.shape_cast %broadcast_in_dim3A_211 : vector<16xf32> to vector<1x16xf32>
      tpu.vector_store %arg17[%swap3A_212, %swap3A_213], %swap3A_216 {strides = array<i32>} : memref<128x128xf32, #tpu.memory_space<vmem>>, vector<1x16xf32>,
      %broadcast_in_dim3A_217 = arith.constant 0.000000e+00 : f32
      %broadcast_in_dim3A_218 = vector.broadcast %broadcast_in_dim3A_217 : f32 to vector<16xf32>
      %swap3A_219 = arith.index_cast %scan3A_197 : i32 to index
      %swap3A_220 = arith.constant 48 : index
      %swap3A_221 = tpu.vector_load %arg17[%swap3A_219, %swap3A_220] {strides = array<i32>} : memref<128x128xf32, #tpu.memory_space<vmem>>, vector<1x16xf32>,
      %swap3A_222 = vector.shape_cast %swap3A_221 : vector<1x16xf32> to vector<16xf32>
      %swap3A_223 = vector.shape_cast %broadcast_in_dim3A_218 : vector<16xf32> to vector<1x16xf32>
      tpu.vector_store %arg17[%swap3A_219, %swap3A_220], %swap3A_223 {strides = array<i32>} : memref<128x128xf32, #tpu.memory_space<vmem>>, vector<1x16xf32>,
      %broadcast_in_dim3A_224 = arith.constant 0.000000e+00 : f32
      %broadcast_in_dim3A_225 = vector.broadcast %broadcast_in_dim3A_224 : f32 to vector<16xf32>
      %swap3A_226 = arith.index_cast %scan3A_197 : i32 to index
      %swap3A_227 = arith.constant 64 : index
      %swap3A_228 = tpu.vector_load %arg17[%swap3A_226, %swap3A_227] {strides = array<i32>} : memref<128x128xf32, #tpu.memory_space<vmem>>, vector<1x16xf32>,
      %swap3A_229 = vector.shape_cast %swap3A_228 : vector<1x16xf32> to vector<16xf32>
      %swap3A_230 = vector.shape_cast %broadcast_in_dim3A_225 : vector<16xf32> to vector<1x16xf32>
      tpu.vector_store %arg17[%swap3A_226, %swap3A_227], %swap3A_230 {strides = array<i32>} : memref<128x128xf32, #tpu.memory_space<vmem>>, vector<1x16xf32>,
      %broadcast_in_dim3A_231 = arith.constant 0.000000e+00 : f32
      %broadcast_in_dim3A_232 = vector.broadcast %broadcast_in_dim3A_231 : f32 to vector<16xf32>
      %swap3A_233 = arith.index_cast %scan3A_197 : i32 to index
      %swap3A_234 = arith.constant 80 : index
      %swap3A_235 = tpu.vector_load %arg17[%swap3A_233, %swap3A_234] {strides = array<i32>} : memref<128x128xf32, #tpu.memory_space<vmem>>, vector<1x16xf32>,
      %swap3A_236 = vector.shape_cast %swap3A_235 : vector<1x16xf32> to vector<16xf32>
      %swap3A_237 = vector.shape_cast %broadcast_in_dim3A_232 : vector<16xf32> to vector<1x16xf32>
      tpu.vector_store %arg17[%swap3A_233, %swap3A_234], %swap3A_237 {strides = array<i32>} : memref<128x128xf32, #tpu.memory_space<vmem>>, vector<1x16xf32>,
      %broadcast_in_dim3A_238 = arith.constant 0.000000e+00 : f32
      %broadcast_in_dim3A_239 = vector.broadcast %broadcast_in_dim3A_238 : f32 to vector<16xf32>
      %swap3A_240 = arith.index_cast %scan3A_197 : i32 to index
      %swap3A_241 = arith.constant 96 : index
      %swap3A_242 = tpu.vector_load %arg17[%swap3A_240, %swap3A_241] {strides = array<i32>} : memref<128x128xf32, #tpu.memory_space<vmem>>, vector<1x16xf32>,
      %swap3A_243 = vector.shape_cast %swap3A_242 : vector<1x16xf32> to vector<16xf32>
      %swap3A_244 = vector.shape_cast %broadcast_in_dim3A_239 : vector<16xf32> to vector<1x16xf32>
      tpu.vector_store %arg17[%swap3A_240, %swap3A_241], %swap3A_244 {strides = array<i32>} : memref<128x128xf32, #tpu.memory_space<vmem>>, vector<1x16xf32>,
      %broadcast_in_dim3A_245 = arith.constant 0.000000e+00 : f32
      %broadcast_in_dim3A_246 = vector.broadcast %broadcast_in_dim3A_245 : f32 to vector<16xf32>
      %swap3A_247 = arith.index_cast %scan3A_197 : i32 to index
      %swap3A_248 = arith.constant 112 : index
      %swap3A_249 = tpu.vector_load %arg17[%swap3A_247, %swap3A_248] {strides = array<i32>} : memref<128x128xf32, #tpu.memory_space<vmem>>, vector<1x16xf32>,
      %swap3A_250 = vector.shape_cast %swap3A_249 : vector<1x16xf32> to vector<16xf32>
      %swap3A_251 = vector.shape_cast %broadcast_in_dim3A_246 : vector<16xf32> to vector<1x16xf32>
      tpu.vector_store %arg17[%swap3A_247, %swap3A_248], %swap3A_251 {strides = array<i32>} : memref<128x128xf32, #tpu.memory_space<vmem>>, vector<1x16xf32>,
    }
    %scan3A_7 = arith.constant 128 : i32
    %mul3A_8 = arith.constant 640 : i32
    %mul3A_9 = arith.muli %arg1, %mul3A_8 : i32
    %add3A_10 = arith.constant 0 : i32
    %add3A_11 = arith.addi %mul3A_2, %add3A_10 : i32
    %dma_start3A = tpu.memref_slice %arg3[%add3A_11] : memref<320000xi32, #tpu.memory_space<hbm>> -> memref<128xi32, #tpu.memory_space<hbm>>
    %dma_start3A_12 = tpu.memref_slice %arg3[%add3A_11] : memref<320000xi32, #tpu.memory_space<hbm>> -> memref<128xi32, #tpu.memory_space<hbm>>
    tpu.enqueue_dma source(%dma_start3A_12 : memref<128xi32, #tpu.memory_space<hbm>>) target(%arg6 : memref<128xi32, #tpu.memory_space<vmem>>) target_semaphore(%arg23 : memref<!tpu.dma_semaphore, #tpu.memory_space<semaphore_mem>>)
    %dma_start3A_13 = tpu.memref_slice %arg4[%add3A_11] : memref<320000xi32, #tpu.memory_space<hbm>> -> memref<128xi32, #tpu.memory_space<hbm>>
    %dma_start3A_14 = tpu.memref_slice %arg4[%add3A_11] : memref<320000xi32, #tpu.memory_space<hbm>> -> memref<128xi32, #tpu.memory_space<hbm>>
    tpu.enqueue_dma source(%dma_start3A_14 : memref<128xi32, #tpu.memory_space<hbm>>) target(%arg9 : memref<128xi32, #tpu.memory_space<vmem>>) target_semaphore(%arg23 : memref<!tpu.dma_semaphore, #tpu.memory_space<semaphore_mem>>)
    %add3A_15 = arith.constant 128 : i32
    %add3A_16 = arith.addi %mul3A_2, %add3A_15 : i32
    %dma_start3A_17 = tpu.memref_slice %arg3[%add3A_16] : memref<320000xi32, #tpu.memory_space<hbm>> -> memref<128xi32, #tpu.memory_space<hbm>>
    %dma_start3A_18 = tpu.memref_slice %arg3[%add3A_16] : memref<320000xi32, #tpu.memory_space<hbm>> -> memref<128xi32, #tpu.memory_space<hbm>>
    tpu.enqueue_dma source(%dma_start3A_18 : memref<128xi32, #tpu.memory_space<hbm>>) target(%arg7 : memref<128xi32, #tpu.memory_space<vmem>>) target_semaphore(%arg24 : memref<!tpu.dma_semaphore, #tpu.memory_space<semaphore_mem>>)
    %dma_start3A_19 = tpu.memref_slice %arg4[%add3A_16] : memref<320000xi32, #tpu.memory_space<hbm>> -> memref<128xi32, #tpu.memory_space<hbm>>
    %dma_start3A_20 = tpu.memref_slice %arg4[%add3A_16] : memref<320000xi32, #tpu.memory_space<hbm>> -> memref<128xi32, #tpu.memory_space<hbm>>
    tpu.enqueue_dma source(%dma_start3A_20 : memref<128xi32, #tpu.memory_space<hbm>>) target(%arg10 : memref<128xi32, #tpu.memory_space<vmem>>) target_semaphore(%arg24 : memref<!tpu.dma_semaphore, #tpu.memory_space<semaphore_mem>>)
    %add3A_21 = arith.constant 256 : i32
    %add3A_22 = arith.addi %mul3A_2, %add3A_21 : i32
    %dma_start3A_23 = tpu.memref_slice %arg3[%add3A_22] : memref<320000xi32, #tpu.memory_space<hbm>> -> memref<128xi32, #tpu.memory_space<hbm>>
    %dma_start3A_24 = tpu.memref_slice %arg3[%add3A_22] : memref<320000xi32, #tpu.memory_space<hbm>> -> memref<128xi32, #tpu.memory_space<hbm>>
    tpu.enqueue_dma source(%dma_start3A_24 : memref<128xi32, #tpu.memory_space<hbm>>) target(%arg8 : memref<128xi32, #tpu.memory_space<vmem>>) target_semaphore(%arg25 : memref<!tpu.dma_semaphore, #tpu.memory_space<semaphore_mem>>)
    %dma_start3A_25 = tpu.memref_slice %arg4[%add3A_22] : memref<320000xi32, #tpu.memory_space<hbm>> -> memref<128xi32, #tpu.memory_space<hbm>>
    %dma_start3A_26 = tpu.memref_slice %arg4[%add3A_22] : memref<320000xi32, #tpu.memory_space<hbm>> -> memref<128xi32, #tpu.memory_space<hbm>>
    tpu.enqueue_dma source(%dma_start3A_26 : memref<128xi32, #tpu.memory_space<hbm>>) target(%arg11 : memref<128xi32, #tpu.memory_space<vmem>>) target_semaphore(%arg25 : memref<!tpu.dma_semaphore, #tpu.memory_space<semaphore_mem>>)
    %add3A_27 = arith.constant 9984 : i32
    %add3A_28 = arith.addi %mul3A_2, %add3A_27 : i32
    %dma_start3A_29 = tpu.memref_slice %arg3[%add3A_28] : memref<320000xi32, #tpu.memory_space<hbm>> -> memref<16xi32, #tpu.memory_space<hbm>>
    %dma_start3A_30 = tpu.memref_slice %arg3[%add3A_28] : memref<320000xi32, #tpu.memory_space<hbm>> -> memref<16xi32, #tpu.memory_space<hbm>>
    tpu.enqueue_dma source(%dma_start3A_30 : memref<16xi32, #tpu.memory_space<hbm>>) target(%arg18 : memref<16xi32, #tpu.memory_space<vmem>>) target_semaphore(%arg28 : memref<!tpu.dma_semaphore, #tpu.memory_space<semaphore_mem>>)
    %dma_start3A_31 = tpu.memref_slice %arg4[%add3A_28] : memref<320000xi32, #tpu.memory_space<hbm>> -> memref<16xi32, #tpu.memory_space<hbm>>
    %dma_start3A_32 = tpu.memref_slice %arg4[%add3A_28] : memref<320000xi32, #tpu.memory_space<hbm>> -> memref<16xi32, #tpu.memory_space<hbm>>
    tpu.enqueue_dma source(%dma_start3A_32 : memref<16xi32, #tpu.memory_space<hbm>>) target(%arg19 : memref<16xi32, #tpu.memory_space<vmem>>) target_semaphore(%arg28 : memref<!tpu.dma_semaphore, #tpu.memory_space<semaphore_mem>>)
    %lt3A = arith.constant 15 : i32
    %lt3A_33 = arith.cmpi slt, %arg1, %lt3A : i32
    %convert_element_type3A = arith.extui %lt3A_33 : i1 to i32
    %cond3A = arith.constant 0 : i32
    %cond3A_34 = arith.cmpi ne, %convert_element_type3A, %cond3A : i32
    scf.if %cond3A_34 {
      %add3A_197 = arith.constant 0 : i32
      %add3A_198 = arith.addi %mul3A_9, %add3A_197 : i32
      "tpu.region"() ({
        %run_scoped3A = tpu.sem_alloc : memref<!tpu.dma_semaphore, #tpu.memory_space<semaphore_mem>>
        %dma_start3A_207 = arith.constant 0 : i32
        %dma_start3A_208 = arith.constant 0 : i32
        %dma_start3A_209 = tpu.memref_slice %arg17[%dma_start3A_207, %dma_start3A_208] : memref<128x128xf32, #tpu.memory_space<vmem>> -> memref<128x128xf32, #tpu.memory_space<vmem>>
        %dma_start3A_210 = arith.constant 0 : i32
        %dma_start3A_211 = tpu.memref_slice %arg29[%add3A_198, %dma_start3A_210] : memref<10000x128xf32, #tpu.memory_space<vmem_shared>> -> memref<128x128xf32, #tpu.memory_space<vmem_shared>>
        %dma_start3A_212 = arith.constant 0 : i32
        %dma_start3A_213 = tpu.memref_slice %arg29[%add3A_198, %dma_start3A_212] : memref<10000x128xf32, #tpu.memory_space<vmem_shared>> -> memref<128x128xf32, #tpu.memory_space<vmem_shared>>
        %dma_start3A_214 = arith.constant 0 : i32
        %dma_start3A_215 = arith.constant 0 : i32
        %dma_start3A_216 = tpu.memref_slice %arg17[%dma_start3A_214, %dma_start3A_215] : memref<128x128xf32, #tpu.memory_space<vmem>> -> memref<128x128xf32, #tpu.memory_space<vmem>>
        tpu.enqueue_dma source(%dma_start3A_216 : memref<128x128xf32, #tpu.memory_space<vmem>>) target(%dma_start3A_213 : memref<128x128xf32, #tpu.memory_space<vmem_shared>>) target_semaphore(%run_scoped3A : memref<!tpu.dma_semaphore, #tpu.memory_space<semaphore_mem>>)
        %dma_wait3A_217 = arith.constant 0 : i32
        %dma_wait3A_218 = arith.constant 0 : i32
        %dma_wait3A_219 = tpu.memref_slice %arg17[%dma_wait3A_217, %dma_wait3A_218] : memref<128x128xf32, #tpu.memory_space<vmem>> -> memref<128x128xf32, #tpu.memory_space<vmem>>
        %dma_wait3A_220 = arith.constant 0 : i32
        %dma_wait3A_221 = tpu.memref_slice %arg29[%add3A_198, %dma_wait3A_220] : memref<10000x128xf32, #tpu.memory_space<vmem_shared>> -> memref<128x128xf32, #tpu.memory_space<vmem_shared>>
        %dma_wait3A_222 = arith.constant 0 : i32
        %dma_wait3A_223 = tpu.memref_slice %arg29[%add3A_198, %dma_wait3A_222] : memref<10000x128xf32, #tpu.memory_space<vmem_shared>> -> memref<128x128xf32, #tpu.memory_space<vmem_shared>>
        %dma_wait3A_224 = arith.constant 0 : i32
        %dma_wait3A_225 = arith.constant 0 : i32
        %dma_wait3A_226 = tpu.memref_slice %arg17[%dma_wait3A_224, %dma_wait3A_225] : memref<128x128xf32, #tpu.memory_space<vmem>> -> memref<128x128xf32, #tpu.memory_space<vmem>>
        tpu.wait_dma2 semaphore(%run_scoped3A : memref<!tpu.dma_semaphore, #tpu.memory_space<semaphore_mem>>) src(%dma_wait3A_226 : memref<128x128xf32, #tpu.memory_space<vmem>>) dst(%dma_wait3A_223 : memref<128x128xf32, #tpu.memory_space<vmem_shared>>)
        tpu.yield
      }) : () -> ()
      %add3A_199 = arith.constant 128 : i32
      %add3A_200 = arith.addi %mul3A_9, %add3A_199 : i32
      "tpu.region"() ({
        %run_scoped3A = tpu.sem_alloc : memref<!tpu.dma_semaphore, #tpu.memory_space<semaphore_mem>>
        %dma_start3A_207 = arith.constant 0 : i32
        %dma_start3A_208 = arith.constant 0 : i32
        %dma_start3A_209 = tpu.memref_slice %arg17[%dma_start3A_207, %dma_start3A_208] : memref<128x128xf32, #tpu.memory_space<vmem>> -> memref<128x128xf32, #tpu.memory_space<vmem>>
        %dma_start3A_210 = arith.constant 0 : i32
        %dma_start3A_211 = tpu.memref_slice %arg29[%add3A_200, %dma_start3A_210] : memref<10000x128xf32, #tpu.memory_space<vmem_shared>> -> memref<128x128xf32, #tpu.memory_space<vmem_shared>>
        %dma_start3A_212 = arith.constant 0 : i32
        %dma_start3A_213 = tpu.memref_slice %arg29[%add3A_200, %dma_start3A_212] : memref<10000x128xf32, #tpu.memory_space<vmem_shared>> -> memref<128x128xf32, #tpu.memory_space<vmem_shared>>
        %dma_start3A_214 = arith.constant 0 : i32
        %dma_start3A_215 = arith.constant 0 : i32
        %dma_start3A_216 = tpu.memref_slice %arg17[%dma_start3A_214, %dma_start3A_215] : memref<128x128xf32, #tpu.memory_space<vmem>> -> memref<128x128xf32, #tpu.memory_space<vmem>>
        tpu.enqueue_dma source(%dma_start3A_216 : memref<128x128xf32, #tpu.memory_space<vmem>>) target(%dma_start3A_213 : memref<128x128xf32, #tpu.memory_space<vmem_shared>>) target_semaphore(%run_scoped3A : memref<!tpu.dma_semaphore, #tpu.memory_space<semaphore_mem>>)
        %dma_wait3A_217 = arith.constant 0 : i32
        %dma_wait3A_218 = arith.constant 0 : i32
        %dma_wait3A_219 = tpu.memref_slice %arg17[%dma_wait3A_217, %dma_wait3A_218] : memref<128x128xf32, #tpu.memory_space<vmem>> -> memref<128x128xf32, #tpu.memory_space<vmem>>
        %dma_wait3A_220 = arith.constant 0 : i32
        %dma_wait3A_221 = tpu.memref_slice %arg29[%add3A_200, %dma_wait3A_220] : memref<10000x128xf32, #tpu.memory_space<vmem_shared>> -> memref<128x128xf32, #tpu.memory_space<vmem_shared>>
        %dma_wait3A_222 = arith.constant 0 : i32
        %dma_wait3A_223 = tpu.memref_slice %arg29[%add3A_200, %dma_wait3A_222] : memref<10000x128xf32, #tpu.memory_space<vmem_shared>> -> memref<128x128xf32, #tpu.memory_space<vmem_shared>>
        %dma_wait3A_224 = arith.constant 0 : i32
        %dma_wait3A_225 = arith.constant 0 : i32
        %dma_wait3A_226 = tpu.memref_slice %arg17[%dma_wait3A_224, %dma_wait3A_225] : memref<128x128xf32, #tpu.memory_space<vmem>> -> memref<128x128xf32, #tpu.memory_space<vmem>>
        tpu.wait_dma2 semaphore(%run_scoped3A : memref<!tpu.dma_semaphore, #tpu.memory_space<semaphore_mem>>) src(%dma_wait3A_226 : memref<128x128xf32, #tpu.memory_space<vmem>>) dst(%dma_wait3A_223 : memref<128x128xf32, #tpu.memory_space<vmem_shared>>)
        tpu.yield
      }) : () -> ()
      %add3A_201 = arith.constant 256 : i32
      %add3A_202 = arith.addi %mul3A_9, %add3A_201 : i32
      "tpu.region"() ({
        %run_scoped3A = tpu.sem_alloc : memref<!tpu.dma_semaphore, #tpu.memory_space<semaphore_mem>>
        %dma_start3A_207 = arith.constant 0 : i32
        %dma_start3A_208 = arith.constant 0 : i32
        %dma_start3A_209 = tpu.memref_slice %arg17[%dma_start3A_207, %dma_start3A_208] : memref<128x128xf32, #tpu.memory_space<vmem>> -> memref<128x128xf32, #tpu.memory_space<vmem>>
        %dma_start3A_210 = arith.constant 0 : i32
        %dma_start3A_211 = tpu.memref_slice %arg29[%add3A_202, %dma_start3A_210] : memref<10000x128xf32, #tpu.memory_space<vmem_shared>> -> memref<128x128xf32, #tpu.memory_space<vmem_shared>>
        %dma_start3A_212 = arith.constant 0 : i32
        %dma_start3A_213 = tpu.memref_slice %arg29[%add3A_202, %dma_start3A_212] : memref<10000x128xf32, #tpu.memory_space<vmem_shared>> -> memref<128x128xf32, #tpu.memory_space<vmem_shared>>
        %dma_start3A_214 = arith.constant 0 : i32
        %dma_start3A_215 = arith.constant 0 : i32
        %dma_start3A_216 = tpu.memref_slice %arg17[%dma_start3A_214, %dma_start3A_215] : memref<128x128xf32, #tpu.memory_space<vmem>> -> memref<128x128xf32, #tpu.memory_space<vmem>>
        tpu.enqueue_dma source(%dma_start3A_216 : memref<128x128xf32, #tpu.memory_space<vmem>>) target(%dma_start3A_213 : memref<128x128xf32, #tpu.memory_space<vmem_shared>>) target_semaphore(%run_scoped3A : memref<!tpu.dma_semaphore, #tpu.memory_space<semaphore_mem>>)
        %dma_wait3A_217 = arith.constant 0 : i32
        %dma_wait3A_218 = arith.constant 0 : i32
        %dma_wait3A_219 = tpu.memref_slice %arg17[%dma_wait3A_217, %dma_wait3A_218] : memref<128x128xf32, #tpu.memory_space<vmem>> -> memref<128x128xf32, #tpu.memory_space<vmem>>
        %dma_wait3A_220 = arith.constant 0 : i32
        %dma_wait3A_221 = tpu.memref_slice %arg29[%add3A_202, %dma_wait3A_220] : memref<10000x128xf32, #tpu.memory_space<vmem_shared>> -> memref<128x128xf32, #tpu.memory_space<vmem_shared>>
        %dma_wait3A_222 = arith.constant 0 : i32
        %dma_wait3A_223 = tpu.memref_slice %arg29[%add3A_202, %dma_wait3A_222] : memref<10000x128xf32, #tpu.memory_space<vmem_shared>> -> memref<128x128xf32, #tpu.memory_space<vmem_shared>>
        %dma_wait3A_224 = arith.constant 0 : i32
        %dma_wait3A_225 = arith.constant 0 : i32
        %dma_wait3A_226 = tpu.memref_slice %arg17[%dma_wait3A_224, %dma_wait3A_225] : memref<128x128xf32, #tpu.memory_space<vmem>> -> memref<128x128xf32, #tpu.memory_space<vmem>>
        tpu.wait_dma2 semaphore(%run_scoped3A : memref<!tpu.dma_semaphore, #tpu.memory_space<semaphore_mem>>) src(%dma_wait3A_226 : memref<128x128xf32, #tpu.memory_space<vmem>>) dst(%dma_wait3A_223 : memref<128x128xf32, #tpu.memory_space<vmem_shared>>)
        tpu.yield
      }) : () -> ()
      %add3A_203 = arith.constant 384 : i32
      %add3A_204 = arith.addi %mul3A_9, %add3A_203 : i32
      "tpu.region"() ({
        %run_scoped3A = tpu.sem_alloc : memref<!tpu.dma_semaphore, #tpu.memory_space<semaphore_mem>>
        %dma_start3A_207 = arith.constant 0 : i32
        %dma_start3A_208 = arith.constant 0 : i32
        %dma_start3A_209 = tpu.memref_slice %arg17[%dma_start3A_207, %dma_start3A_208] : memref<128x128xf32, #tpu.memory_space<vmem>> -> memref<128x128xf32, #tpu.memory_space<vmem>>
        %dma_start3A_210 = arith.constant 0 : i32
        %dma_start3A_211 = tpu.memref_slice %arg29[%add3A_204, %dma_start3A_210] : memref<10000x128xf32, #tpu.memory_space<vmem_shared>> -> memref<128x128xf32, #tpu.memory_space<vmem_shared>>
        %dma_start3A_212 = arith.constant 0 : i32
        %dma_start3A_213 = tpu.memref_slice %arg29[%add3A_204, %dma_start3A_212] : memref<10000x128xf32, #tpu.memory_space<vmem_shared>> -> memref<128x128xf32, #tpu.memory_space<vmem_shared>>
        %dma_start3A_214 = arith.constant 0 : i32
        %dma_start3A_215 = arith.constant 0 : i32
        %dma_start3A_216 = tpu.memref_slice %arg17[%dma_start3A_214, %dma_start3A_215] : memref<128x128xf32, #tpu.memory_space<vmem>> -> memref<128x128xf32, #tpu.memory_space<vmem>>
        tpu.enqueue_dma source(%dma_start3A_216 : memref<128x128xf32, #tpu.memory_space<vmem>>) target(%dma_start3A_213 : memref<128x128xf32, #tpu.memory_space<vmem_shared>>) target_semaphore(%run_scoped3A : memref<!tpu.dma_semaphore, #tpu.memory_space<semaphore_mem>>)
        %dma_wait3A_217 = arith.constant 0 : i32
        %dma_wait3A_218 = arith.constant 0 : i32
        %dma_wait3A_219 = tpu.memref_slice %arg17[%dma_wait3A_217, %dma_wait3A_218] : memref<128x128xf32, #tpu.memory_space<vmem>> -> memref<128x128xf32, #tpu.memory_space<vmem>>
        %dma_wait3A_220 = arith.constant 0 : i32
        %dma_wait3A_221 = tpu.memref_slice %arg29[%add3A_204, %dma_wait3A_220] : memref<10000x128xf32, #tpu.memory_space<vmem_shared>> -> memref<128x128xf32, #tpu.memory_space<vmem_shared>>
        %dma_wait3A_222 = arith.constant 0 : i32
        %dma_wait3A_223 = tpu.memref_slice %arg29[%add3A_204, %dma_wait3A_222] : memref<10000x128xf32, #tpu.memory_space<vmem_shared>> -> memref<128x128xf32, #tpu.memory_space<vmem_shared>>
        %dma_wait3A_224 = arith.constant 0 : i32
        %dma_wait3A_225 = arith.constant 0 : i32
        %dma_wait3A_226 = tpu.memref_slice %arg17[%dma_wait3A_224, %dma_wait3A_225] : memref<128x128xf32, #tpu.memory_space<vmem>> -> memref<128x128xf32, #tpu.memory_space<vmem>>
        tpu.wait_dma2 semaphore(%run_scoped3A : memref<!tpu.dma_semaphore, #tpu.memory_space<semaphore_mem>>) src(%dma_wait3A_226 : memref<128x128xf32, #tpu.memory_space<vmem>>) dst(%dma_wait3A_223 : memref<128x128xf32, #tpu.memory_space<vmem_shared>>)
        tpu.yield
      }) : () -> ()
      %add3A_205 = arith.constant 512 : i32
      %add3A_206 = arith.addi %mul3A_9, %add3A_205 : i32
      "tpu.region"() ({
        %run_scoped3A = tpu.sem_alloc : memref<!tpu.dma_semaphore, #tpu.memory_space<semaphore_mem>>
        %dma_start3A_207 = arith.constant 0 : i32
        %dma_start3A_208 = arith.constant 0 : i32
        %dma_start3A_209 = tpu.memref_slice %arg17[%dma_start3A_207, %dma_start3A_208] : memref<128x128xf32, #tpu.memory_space<vmem>> -> memref<128x128xf32, #tpu.memory_space<vmem>>
        %dma_start3A_210 = arith.constant 0 : i32
        %dma_start3A_211 = tpu.memref_slice %arg29[%add3A_206, %dma_start3A_210] : memref<10000x128xf32, #tpu.memory_space<vmem_shared>> -> memref<128x128xf32, #tpu.memory_space<vmem_shared>>
        %dma_start3A_212 = arith.constant 0 : i32
        %dma_start3A_213 = tpu.memref_slice %arg29[%add3A_206, %dma_start3A_212] : memref<10000x128xf32, #tpu.memory_space<vmem_shared>> -> memref<128x128xf32, #tpu.memory_space<vmem_shared>>
        %dma_start3A_214 = arith.constant 0 : i32
        %dma_start3A_215 = arith.constant 0 : i32
        %dma_start3A_216 = tpu.memref_slice %arg17[%dma_start3A_214, %dma_start3A_215] : memref<128x128xf32, #tpu.memory_space<vmem>> -> memref<128x128xf32, #tpu.memory_space<vmem>>
        tpu.enqueue_dma source(%dma_start3A_216 : memref<128x128xf32, #tpu.memory_space<vmem>>) target(%dma_start3A_213 : memref<128x128xf32, #tpu.memory_space<vmem_shared>>) target_semaphore(%run_scoped3A : memref<!tpu.dma_semaphore, #tpu.memory_space<semaphore_mem>>)
        %dma_wait3A_217 = arith.constant 0 : i32
        %dma_wait3A_218 = arith.constant 0 : i32
        %dma_wait3A_219 = tpu.memref_slice %arg17[%dma_wait3A_217, %dma_wait3A_218] : memref<128x128xf32, #tpu.memory_space<vmem>> -> memref<128x128xf32, #tpu.memory_space<vmem>>
        %dma_wait3A_220 = arith.constant 0 : i32
        %dma_wait3A_221 = tpu.memref_slice %arg29[%add3A_206, %dma_wait3A_220] : memref<10000x128xf32, #tpu.memory_space<vmem_shared>> -> memref<128x128xf32, #tpu.memory_space<vmem_shared>>
        %dma_wait3A_222 = arith.constant 0 : i32
        %dma_wait3A_223 = tpu.memref_slice %arg29[%add3A_206, %dma_wait3A_222] : memref<10000x128xf32, #tpu.memory_space<vmem_shared>> -> memref<128x128xf32, #tpu.memory_space<vmem_shared>>
        %dma_wait3A_224 = arith.constant 0 : i32
        %dma_wait3A_225 = arith.constant 0 : i32
        %dma_wait3A_226 = tpu.memref_slice %arg17[%dma_wait3A_224, %dma_wait3A_225] : memref<128x128xf32, #tpu.memory_space<vmem>> -> memref<128x128xf32, #tpu.memory_space<vmem>>
        tpu.wait_dma2 semaphore(%run_scoped3A : memref<!tpu.dma_semaphore, #tpu.memory_space<semaphore_mem>>) src(%dma_wait3A_226 : memref<128x128xf32, #tpu.memory_space<vmem>>) dst(%dma_wait3A_223 : memref<128x128xf32, #tpu.memory_space<vmem_shared>>)
        tpu.yield
      }) : () -> ()
    } else {
    }
    %eq3A = arith.constant 15 : i32
    %eq3A_35 = arith.cmpi eq, %arg1, %eq3A : i32
    %convert_element_type3A_36 = arith.extui %eq3A_35 : i1 to i32
    %cond3A_37 = arith.constant 0 : i32
    %cond3A_38 = arith.cmpi ne, %convert_element_type3A_36, %cond3A_37 : i32
    scf.if %cond3A_38 {
      %add3A_197 = arith.constant 0 : i32
      %add3A_198 = arith.addi %mul3A_9, %add3A_197 : i32
      "tpu.region"() ({
        %run_scoped3A = tpu.sem_alloc : memref<!tpu.dma_semaphore, #tpu.memory_space<semaphore_mem>>
        %dma_start3A_205 = arith.constant 0 : i32
        %dma_start3A_206 = arith.constant 0 : i32
        %dma_start3A_207 = tpu.memref_slice %arg17[%dma_start3A_205, %dma_start3A_206] : memref<128x128xf32, #tpu.memory_space<vmem>> -> memref<128x128xf32, #tpu.memory_space<vmem>>
        %dma_start3A_208 = arith.constant 0 : i32
        %dma_start3A_209 = tpu.memref_slice %arg29[%add3A_198, %dma_start3A_208] : memref<10000x128xf32, #tpu.memory_space<vmem_shared>> -> memref<128x128xf32, #tpu.memory_space<vmem_shared>>
        %dma_start3A_210 = arith.constant 0 : i32
        %dma_start3A_211 = tpu.memref_slice %arg29[%add3A_198, %dma_start3A_210] : memref<10000x128xf32, #tpu.memory_space<vmem_shared>> -> memref<128x128xf32, #tpu.memory_space<vmem_shared>>
        %dma_start3A_212 = arith.constant 0 : i32
        %dma_start3A_213 = arith.constant 0 : i32
        %dma_start3A_214 = tpu.memref_slice %arg17[%dma_start3A_212, %dma_start3A_213] : memref<128x128xf32, #tpu.memory_space<vmem>> -> memref<128x128xf32, #tpu.memory_space<vmem>>
        tpu.enqueue_dma source(%dma_start3A_214 : memref<128x128xf32, #tpu.memory_space<vmem>>) target(%dma_start3A_211 : memref<128x128xf32, #tpu.memory_space<vmem_shared>>) target_semaphore(%run_scoped3A : memref<!tpu.dma_semaphore, #tpu.memory_space<semaphore_mem>>)
        %dma_wait3A_215 = arith.constant 0 : i32
        %dma_wait3A_216 = arith.constant 0 : i32
        %dma_wait3A_217 = tpu.memref_slice %arg17[%dma_wait3A_215, %dma_wait3A_216] : memref<128x128xf32, #tpu.memory_space<vmem>> -> memref<128x128xf32, #tpu.memory_space<vmem>>
        %dma_wait3A_218 = arith.constant 0 : i32
        %dma_wait3A_219 = tpu.memref_slice %arg29[%add3A_198, %dma_wait3A_218] : memref<10000x128xf32, #tpu.memory_space<vmem_shared>> -> memref<128x128xf32, #tpu.memory_space<vmem_shared>>
        %dma_wait3A_220 = arith.constant 0 : i32
        %dma_wait3A_221 = tpu.memref_slice %arg29[%add3A_198, %dma_wait3A_220] : memref<10000x128xf32, #tpu.memory_space<vmem_shared>> -> memref<128x128xf32, #tpu.memory_space<vmem_shared>>
        %dma_wait3A_222 = arith.constant 0 : i32
        %dma_wait3A_223 = arith.constant 0 : i32
        %dma_wait3A_224 = tpu.memref_slice %arg17[%dma_wait3A_222, %dma_wait3A_223] : memref<128x128xf32, #tpu.memory_space<vmem>> -> memref<128x128xf32, #tpu.memory_space<vmem>>
        tpu.wait_dma2 semaphore(%run_scoped3A : memref<!tpu.dma_semaphore, #tpu.memory_space<semaphore_mem>>) src(%dma_wait3A_224 : memref<128x128xf32, #tpu.memory_space<vmem>>) dst(%dma_wait3A_221 : memref<128x128xf32, #tpu.memory_space<vmem_shared>>)
        tpu.yield
      }) : () -> ()
      %add3A_199 = arith.constant 128 : i32
      %add3A_200 = arith.addi %mul3A_9, %add3A_199 : i32
      "tpu.region"() ({
        %run_scoped3A = tpu.sem_alloc : memref<!tpu.dma_semaphore, #tpu.memory_space<semaphore_mem>>
        %dma_start3A_205 = arith.constant 0 : i32
        %dma_start3A_206 = arith.constant 0 : i32
        %dma_start3A_207 = tpu.memref_slice %arg17[%dma_start3A_205, %dma_start3A_206] : memref<128x128xf32, #tpu.memory_space<vmem>> -> memref<128x128xf32, #tpu.memory_space<vmem>>
        %dma_start3A_208 = arith.constant 0 : i32
        %dma_start3A_209 = tpu.memref_slice %arg29[%add3A_200, %dma_start3A_208] : memref<10000x128xf32, #tpu.memory_space<vmem_shared>> -> memref<128x128xf32, #tpu.memory_space<vmem_shared>>
        %dma_start3A_210 = arith.constant 0 : i32
        %dma_start3A_211 = tpu.memref_slice %arg29[%add3A_200, %dma_start3A_210] : memref<10000x128xf32, #tpu.memory_space<vmem_shared>> -> memref<128x128xf32, #tpu.memory_space<vmem_shared>>
        %dma_start3A_212 = arith.constant 0 : i32
        %dma_start3A_213 = arith.constant 0 : i32
        %dma_start3A_214 = tpu.memref_slice %arg17[%dma_start3A_212, %dma_start3A_213] : memref<128x128xf32, #tpu.memory_space<vmem>> -> memref<128x128xf32, #tpu.memory_space<vmem>>
        tpu.enqueue_dma source(%dma_start3A_214 : memref<128x128xf32, #tpu.memory_space<vmem>>) target(%dma_start3A_211 : memref<128x128xf32, #tpu.memory_space<vmem_shared>>) target_semaphore(%run_scoped3A : memref<!tpu.dma_semaphore, #tpu.memory_space<semaphore_mem>>)
        %dma_wait3A_215 = arith.constant 0 : i32
        %dma_wait3A_216 = arith.constant 0 : i32
        %dma_wait3A_217 = tpu.memref_slice %arg17[%dma_wait3A_215, %dma_wait3A_216] : memref<128x128xf32, #tpu.memory_space<vmem>> -> memref<128x128xf32, #tpu.memory_space<vmem>>
        %dma_wait3A_218 = arith.constant 0 : i32
        %dma_wait3A_219 = tpu.memref_slice %arg29[%add3A_200, %dma_wait3A_218] : memref<10000x128xf32, #tpu.memory_space<vmem_shared>> -> memref<128x128xf32, #tpu.memory_space<vmem_shared>>
        %dma_wait3A_220 = arith.constant 0 : i32
        %dma_wait3A_221 = tpu.memref_slice %arg29[%add3A_200, %dma_wait3A_220] : memref<10000x128xf32, #tpu.memory_space<vmem_shared>> -> memref<128x128xf32, #tpu.memory_space<vmem_shared>>
        %dma_wait3A_222 = arith.constant 0 : i32
        %dma_wait3A_223 = arith.constant 0 : i32
        %dma_wait3A_224 = tpu.memref_slice %arg17[%dma_wait3A_222, %dma_wait3A_223] : memref<128x128xf32, #tpu.memory_space<vmem>> -> memref<128x128xf32, #tpu.memory_space<vmem>>
        tpu.wait_dma2 semaphore(%run_scoped3A : memref<!tpu.dma_semaphore, #tpu.memory_space<semaphore_mem>>) src(%dma_wait3A_224 : memref<128x128xf32, #tpu.memory_space<vmem>>) dst(%dma_wait3A_221 : memref<128x128xf32, #tpu.memory_space<vmem_shared>>)
        tpu.yield
      }) : () -> ()
      %add3A_201 = arith.constant 256 : i32
      %add3A_202 = arith.addi %mul3A_9, %add3A_201 : i32
      "tpu.region"() ({
        %run_scoped3A = tpu.sem_alloc : memref<!tpu.dma_semaphore, #tpu.memory_space<semaphore_mem>>
        %dma_start3A_205 = arith.constant 0 : i32
        %dma_start3A_206 = arith.constant 0 : i32
        %dma_start3A_207 = tpu.memref_slice %arg17[%dma_start3A_205, %dma_start3A_206] : memref<128x128xf32, #tpu.memory_space<vmem>> -> memref<128x128xf32, #tpu.memory_space<vmem>>
        %dma_start3A_208 = arith.constant 0 : i32
        %dma_start3A_209 = tpu.memref_slice %arg29[%add3A_202, %dma_start3A_208] : memref<10000x128xf32, #tpu.memory_space<vmem_shared>> -> memref<128x128xf32, #tpu.memory_space<vmem_shared>>
        %dma_start3A_210 = arith.constant 0 : i32
        %dma_start3A_211 = tpu.memref_slice %arg29[%add3A_202, %dma_start3A_210] : memref<10000x128xf32, #tpu.memory_space<vmem_shared>> -> memref<128x128xf32, #tpu.memory_space<vmem_shared>>
        %dma_start3A_212 = arith.constant 0 : i32
        %dma_start3A_213 = arith.constant 0 : i32
        %dma_start3A_214 = tpu.memref_slice %arg17[%dma_start3A_212, %dma_start3A_213] : memref<128x128xf32, #tpu.memory_space<vmem>> -> memref<128x128xf32, #tpu.memory_space<vmem>>
        tpu.enqueue_dma source(%dma_start3A_214 : memref<128x128xf32, #tpu.memory_space<vmem>>) target(%dma_start3A_211 : memref<128x128xf32, #tpu.memory_space<vmem_shared>>) target_semaphore(%run_scoped3A : memref<!tpu.dma_semaphore, #tpu.memory_space<semaphore_mem>>)
        %dma_wait3A_215 = arith.constant 0 : i32
        %dma_wait3A_216 = arith.constant 0 : i32
        %dma_wait3A_217 = tpu.memref_slice %arg17[%dma_wait3A_215, %dma_wait3A_216] : memref<128x128xf32, #tpu.memory_space<vmem>> -> memref<128x128xf32, #tpu.memory_space<vmem>>
        %dma_wait3A_218 = arith.constant 0 : i32
        %dma_wait3A_219 = tpu.memref_slice %arg29[%add3A_202, %dma_wait3A_218] : memref<10000x128xf32, #tpu.memory_space<vmem_shared>> -> memref<128x128xf32, #tpu.memory_space<vmem_shared>>
        %dma_wait3A_220 = arith.constant 0 : i32
        %dma_wait3A_221 = tpu.memref_slice %arg29[%add3A_202, %dma_wait3A_220] : memref<10000x128xf32, #tpu.memory_space<vmem_shared>> -> memref<128x128xf32, #tpu.memory_space<vmem_shared>>
        %dma_wait3A_222 = arith.constant 0 : i32
        %dma_wait3A_223 = arith.constant 0 : i32
        %dma_wait3A_224 = tpu.memref_slice %arg17[%dma_wait3A_222, %dma_wait3A_223] : memref<128x128xf32, #tpu.memory_space<vmem>> -> memref<128x128xf32, #tpu.memory_space<vmem>>
        tpu.wait_dma2 semaphore(%run_scoped3A : memref<!tpu.dma_semaphore, #tpu.memory_space<semaphore_mem>>) src(%dma_wait3A_224 : memref<128x128xf32, #tpu.memory_space<vmem>>) dst(%dma_wait3A_221 : memref<128x128xf32, #tpu.memory_space<vmem_shared>>)
        tpu.yield
      }) : () -> ()
      %add3A_203 = arith.constant 384 : i32
      %add3A_204 = arith.addi %mul3A_9, %add3A_203 : i32
      "tpu.region"() ({
        %run_scoped3A = tpu.sem_alloc : memref<!tpu.dma_semaphore, #tpu.memory_space<semaphore_mem>>
        %dma_start3A_205 = arith.constant 0 : i32
        %dma_start3A_206 = arith.constant 0 : i32
        %dma_start3A_207 = tpu.memref_slice %arg17[%dma_start3A_205, %dma_start3A_206] : memref<128x128xf32, #tpu.memory_space<vmem>> -> memref<16x128xf32, #tpu.memory_space<vmem>>
        %dma_start3A_208 = arith.constant 0 : i32
        %dma_start3A_209 = tpu.memref_slice %arg29[%add3A_204, %dma_start3A_208] : memref<10000x128xf32, #tpu.memory_space<vmem_shared>> -> memref<16x128xf32, #tpu.memory_space<vmem_shared>>
        %dma_start3A_210 = arith.constant 0 : i32
        %dma_start3A_211 = tpu.memref_slice %arg29[%add3A_204, %dma_start3A_210] : memref<10000x128xf32, #tpu.memory_space<vmem_shared>> -> memref<16x128xf32, #tpu.memory_space<vmem_shared>>
        %dma_start3A_212 = arith.constant 0 : i32
        %dma_start3A_213 = arith.constant 0 : i32
        %dma_start3A_214 = tpu.memref_slice %arg17[%dma_start3A_212, %dma_start3A_213] : memref<128x128xf32, #tpu.memory_space<vmem>> -> memref<16x128xf32, #tpu.memory_space<vmem>>
        tpu.enqueue_dma source(%dma_start3A_214 : memref<16x128xf32, #tpu.memory_space<vmem>>) target(%dma_start3A_211 : memref<16x128xf32, #tpu.memory_space<vmem_shared>>) target_semaphore(%run_scoped3A : memref<!tpu.dma_semaphore, #tpu.memory_space<semaphore_mem>>)
        %dma_wait3A_215 = arith.constant 0 : i32
        %dma_wait3A_216 = arith.constant 0 : i32
        %dma_wait3A_217 = tpu.memref_slice %arg17[%dma_wait3A_215, %dma_wait3A_216] : memref<128x128xf32, #tpu.memory_space<vmem>> -> memref<16x128xf32, #tpu.memory_space<vmem>>
        %dma_wait3A_218 = arith.constant 0 : i32
        %dma_wait3A_219 = tpu.memref_slice %arg29[%add3A_204, %dma_wait3A_218] : memref<10000x128xf32, #tpu.memory_space<vmem_shared>> -> memref<16x128xf32, #tpu.memory_space<vmem_shared>>
        %dma_wait3A_220 = arith.constant 0 : i32
        %dma_wait3A_221 = tpu.memref_slice %arg29[%add3A_204, %dma_wait3A_220] : memref<10000x128xf32, #tpu.memory_space<vmem_shared>> -> memref<16x128xf32, #tpu.memory_space<vmem_shared>>
        %dma_wait3A_222 = arith.constant 0 : i32
        %dma_wait3A_223 = arith.constant 0 : i32
        %dma_wait3A_224 = tpu.memref_slice %arg17[%dma_wait3A_222, %dma_wait3A_223] : memref<128x128xf32, #tpu.memory_space<vmem>> -> memref<16x128xf32, #tpu.memory_space<vmem>>
        tpu.wait_dma2 semaphore(%run_scoped3A : memref<!tpu.dma_semaphore, #tpu.memory_space<semaphore_mem>>) src(%dma_wait3A_224 : memref<16x128xf32, #tpu.memory_space<vmem>>) dst(%dma_wait3A_221 : memref<16x128xf32, #tpu.memory_space<vmem_shared>>)
        tpu.yield
      }) : () -> ()
    } else {
    }
    %add3A_39 = arith.constant 0 : i32
    %add3A_40 = arith.addi %mul3A_2, %add3A_39 : i32
    %dma_wait3A = tpu.memref_slice %arg3[%add3A_40] : memref<320000xi32, #tpu.memory_space<hbm>> -> memref<128xi32, #tpu.memory_space<hbm>>
    %dma_wait3A_41 = tpu.memref_slice %arg3[%add3A_40] : memref<320000xi32, #tpu.memory_space<hbm>> -> memref<128xi32, #tpu.memory_space<hbm>>
    tpu.wait_dma2 semaphore(%arg23 : memref<!tpu.dma_semaphore, #tpu.memory_space<semaphore_mem>>) src(%dma_wait3A_41 : memref<128xi32, #tpu.memory_space<hbm>>) dst(%arg6 : memref<128xi32, #tpu.memory_space<vmem>>)
    %dma_wait3A_42 = tpu.memref_slice %arg4[%add3A_40] : memref<320000xi32, #tpu.memory_space<hbm>> -> memref<128xi32, #tpu.memory_space<hbm>>
    %dma_wait3A_43 = tpu.memref_slice %arg4[%add3A_40] : memref<320000xi32, #tpu.memory_space<hbm>> -> memref<128xi32, #tpu.memory_space<hbm>>
    tpu.wait_dma2 semaphore(%arg23 : memref<!tpu.dma_semaphore, #tpu.memory_space<semaphore_mem>>) src(%dma_wait3A_43 : memref<128xi32, #tpu.memory_space<hbm>>) dst(%arg9 : memref<128xi32, #tpu.memory_space<vmem>>)
    %dma_start3A_44 = arith.constant 0 : i32
    %dma_start3A_45 = arith.constant 0 : i32
    %dma_start3A_46 = tpu.memref_slice %arg2[%dma_start3A_44, %dma_start3A_45] : memref<10000x128xf32, #tpu.memory_space<hbm>> -> memref<10000x128xf32, #tpu.memory_space<hbm>>
    tpu.enqueue_indirect_dma source(%dma_start3A_46 : memref<10000x128xf32, #tpu.memory_space<hbm>>) target(%arg15 : memref<128x128xf32, #tpu.memory_space<vmem>>) offsets(%arg6 : memref<128xi32, #tpu.memory_space<vmem>>) semaphore(%arg20 : memref<!tpu.dma_semaphore, #tpu.memory_space<semaphore_mem>>)
    %add3A_47 = arith.constant 128 : i32
    %add3A_48 = arith.addi %mul3A_2, %add3A_47 : i32
    %dma_wait3A_49 = tpu.memref_slice %arg3[%add3A_48] : memref<320000xi32, #tpu.memory_space<hbm>> -> memref<128xi32, #tpu.memory_space<hbm>>
    %dma_wait3A_50 = tpu.memref_slice %arg3[%add3A_48] : memref<320000xi32, #tpu.memory_space<hbm>> -> memref<128xi32, #tpu.memory_space<hbm>>
    tpu.wait_dma2 semaphore(%arg24 : memref<!tpu.dma_semaphore, #tpu.memory_space<semaphore_mem>>) src(%dma_wait3A_50 : memref<128xi32, #tpu.memory_space<hbm>>) dst(%arg7 : memref<128xi32, #tpu.memory_space<vmem>>)
    %dma_wait3A_51 = tpu.memref_slice %arg4[%add3A_48] : memref<320000xi32, #tpu.memory_space<hbm>> -> memref<128xi32, #tpu.memory_space<hbm>>
    %dma_wait3A_52 = tpu.memref_slice %arg4[%add3A_48] : memref<320000xi32, #tpu.memory_space<hbm>> -> memref<128xi32, #tpu.memory_space<hbm>>
    tpu.wait_dma2 semaphore(%arg24 : memref<!tpu.dma_semaphore, #tpu.memory_space<semaphore_mem>>) src(%dma_wait3A_52 : memref<128xi32, #tpu.memory_space<hbm>>) dst(%arg10 : memref<128xi32, #tpu.memory_space<vmem>>)
    %dma_start3A_53 = arith.constant 0 : i32
    %dma_start3A_54 = arith.constant 0 : i32
    %dma_start3A_55 = tpu.memref_slice %arg2[%dma_start3A_53, %dma_start3A_54] : memref<10000x128xf32, #tpu.memory_space<hbm>> -> memref<10000x128xf32, #tpu.memory_space<hbm>>
    tpu.enqueue_indirect_dma source(%dma_start3A_55 : memref<10000x128xf32, #tpu.memory_space<hbm>>) target(%arg16 : memref<128x128xf32, #tpu.memory_space<vmem>>) offsets(%arg7 : memref<128xi32, #tpu.memory_space<vmem>>) semaphore(%arg21 : memref<!tpu.dma_semaphore, #tpu.memory_space<semaphore_mem>>)
    %barrier3A = arith.constant 0 : index
    tpu.barrier barrier_id(%barrier3A)
    %dma_wait3A_56 = arith.constant 0 : i32
    %dma_wait3A_57 = arith.constant 0 : i32
    %dma_wait3A_58 = tpu.memref_slice %arg2[%dma_wait3A_56, %dma_wait3A_57] : memref<10000x128xf32, #tpu.memory_space<hbm>> -> memref<10000x128xf32, #tpu.memory_space<hbm>>
    tpu.wait_indirect_dma semaphore(%arg20 : memref<!tpu.dma_semaphore, #tpu.memory_space<semaphore_mem>>) src(%dma_wait3A_58 : memref<10000x128xf32, #tpu.memory_space<hbm>>) dst(%arg15 : memref<128x128xf32, #tpu.memory_space<vmem>>)
    %dma_start3A_59 = arith.constant 0 : i32
    %dma_start3A_60 = arith.constant 0 : i32
    %dma_start3A_61 = tpu.memref_slice %arg29[%dma_start3A_59, %dma_start3A_60] : memref<10000x128xf32, #tpu.memory_space<vmem_shared>> -> memref<10000x128xf32, #tpu.memory_space<vmem_shared>>
    tpu.enqueue_indirect_dma source(%arg15 : memref<128x128xf32, #tpu.memory_space<vmem>>) target(%dma_start3A_61 : memref<10000x128xf32, #tpu.memory_space<vmem_shared>>) offsets(%arg9 : memref<128xi32, #tpu.memory_space<vmem>>) semaphore(%arg26 : memref<!tpu.dma_semaphore, #tpu.memory_space<semaphore_mem>>) {add = true}
    %add3A_62 = arith.constant 384 : i32
    %add3A_63 = arith.addi %mul3A_2, %add3A_62 : i32
    %dma_start3A_64 = tpu.memref_slice %arg3[%add3A_63] : memref<320000xi32, #tpu.memory_space<hbm>> -> memref<128xi32, #tpu.memory_space<hbm>>
    %dma_start3A_65 = tpu.memref_slice %arg3[%add3A_63] : memref<320000xi32, #tpu.memory_space<hbm>> -> memref<128xi32, #tpu.memory_space<hbm>>
    tpu.enqueue_dma source(%dma_start3A_65 : memref<128xi32, #tpu.memory_space<hbm>>) target(%arg6 : memref<128xi32, #tpu.memory_space<vmem>>) target_semaphore(%arg23 : memref<!tpu.dma_semaphore, #tpu.memory_space<semaphore_mem>>)
    %dma_start3A_66 = tpu.memref_slice %arg4[%add3A_63] : memref<320000xi32, #tpu.memory_space<hbm>> -> memref<128xi32, #tpu.memory_space<hbm>>
    %dma_start3A_67 = tpu.memref_slice %arg4[%add3A_63] : memref<320000xi32, #tpu.memory_space<hbm>> -> memref<128xi32, #tpu.memory_space<hbm>>
    tpu.enqueue_dma source(%dma_start3A_67 : memref<128xi32, #tpu.memory_space<hbm>>) target(%arg12 : memref<128xi32, #tpu.memory_space<vmem>>) target_semaphore(%arg23 : memref<!tpu.dma_semaphore, #tpu.memory_space<semaphore_mem>>)
    %add3A_68 = arith.constant 256 : i32
    %add3A_69 = arith.addi %mul3A_2, %add3A_68 : i32
    %dma_wait3A_70 = tpu.memref_slice %arg3[%add3A_69] : memref<320000xi32, #tpu.memory_space<hbm>> -> memref<128xi32, #tpu.memory_space<hbm>>
    %dma_wait3A_71 = tpu.memref_slice %arg3[%add3A_69] : memref<320000xi32, #tpu.memory_space<hbm>> -> memref<128xi32, #tpu.memory_space<hbm>>
    tpu.wait_dma2 semaphore(%arg25 : memref<!tpu.dma_semaphore, #tpu.memory_space<semaphore_mem>>) src(%dma_wait3A_71 : memref<128xi32, #tpu.memory_space<hbm>>) dst(%arg8 : memref<128xi32, #tpu.memory_space<vmem>>)
    %dma_wait3A_72 = tpu.memref_slice %arg4[%add3A_69] : memref<320000xi32, #tpu.memory_space<hbm>> -> memref<128xi32, #tpu.memory_space<hbm>>
    %dma_wait3A_73 = tpu.memref_slice %arg4[%add3A_69] : memref<320000xi32, #tpu.memory_space<hbm>> -> memref<128xi32, #tpu.memory_space<hbm>>
    tpu.wait_dma2 semaphore(%arg25 : memref<!tpu.dma_semaphore, #tpu.memory_space<semaphore_mem>>) src(%dma_wait3A_73 : memref<128xi32, #tpu.memory_space<hbm>>) dst(%arg11 : memref<128xi32, #tpu.memory_space<vmem>>)
    %dma_start3A_74 = arith.constant 0 : i32
    %dma_start3A_75 = arith.constant 0 : i32
    %dma_start3A_76 = tpu.memref_slice %arg2[%dma_start3A_74, %dma_start3A_75] : memref<10000x128xf32, #tpu.memory_space<hbm>> -> memref<10000x128xf32, #tpu.memory_space<hbm>>
    tpu.enqueue_indirect_dma source(%dma_start3A_76 : memref<10000x128xf32, #tpu.memory_space<hbm>>) target(%arg17 : memref<128x128xf32, #tpu.memory_space<vmem>>) offsets(%arg8 : memref<128xi32, #tpu.memory_space<vmem>>) semaphore(%arg22 : memref<!tpu.dma_semaphore, #tpu.memory_space<semaphore_mem>>)
    %dma_wait3A_77 = arith.constant 0 : i32
    %dma_wait3A_78 = arith.constant 0 : i32
    %dma_wait3A_79 = tpu.memref_slice %arg2[%dma_wait3A_77, %dma_wait3A_78] : memref<10000x128xf32, #tpu.memory_space<hbm>> -> memref<10000x128xf32, #tpu.memory_space<hbm>>
    tpu.wait_indirect_dma semaphore(%arg21 : memref<!tpu.dma_semaphore, #tpu.memory_space<semaphore_mem>>) src(%dma_wait3A_79 : memref<10000x128xf32, #tpu.memory_space<hbm>>) dst(%arg16 : memref<128x128xf32, #tpu.memory_space<vmem>>)
    %dma_start3A_80 = arith.constant 0 : i32
    %dma_start3A_81 = arith.constant 0 : i32
    %dma_start3A_82 = tpu.memref_slice %arg29[%dma_start3A_80, %dma_start3A_81] : memref<10000x128xf32, #tpu.memory_space<vmem_shared>> -> memref<10000x128xf32, #tpu.memory_space<vmem_shared>>
    tpu.enqueue_indirect_dma source(%arg16 : memref<128x128xf32, #tpu.memory_space<vmem>>) target(%dma_start3A_82 : memref<10000x128xf32, #tpu.memory_space<vmem_shared>>) offsets(%arg10 : memref<128xi32, #tpu.memory_space<vmem>>) semaphore(%arg27 : memref<!tpu.dma_semaphore, #tpu.memory_space<semaphore_mem>>) {add = true}
    %add3A_83 = arith.constant 512 : i32
    %add3A_84 = arith.addi %mul3A_2, %add3A_83 : i32
    %dma_start3A_85 = tpu.memref_slice %arg3[%add3A_84] : memref<320000xi32, #tpu.memory_space<hbm>> -> memref<128xi32, #tpu.memory_space<hbm>>
    %dma_start3A_86 = tpu.memref_slice %arg3[%add3A_84] : memref<320000xi32, #tpu.memory_space<hbm>> -> memref<128xi32, #tpu.memory_space<hbm>>
    tpu.enqueue_dma source(%dma_start3A_86 : memref<128xi32, #tpu.memory_space<hbm>>) target(%arg7 : memref<128xi32, #tpu.memory_space<vmem>>) target_semaphore(%arg24 : memref<!tpu.dma_semaphore, #tpu.memory_space<semaphore_mem>>)
    %dma_start3A_87 = tpu.memref_slice %arg4[%add3A_84] : memref<320000xi32, #tpu.memory_space<hbm>> -> memref<128xi32, #tpu.memory_space<hbm>>
    %dma_start3A_88 = tpu.memref_slice %arg4[%add3A_84] : memref<320000xi32, #tpu.memory_space<hbm>> -> memref<128xi32, #tpu.memory_space<hbm>>
    tpu.enqueue_dma source(%dma_start3A_88 : memref<128xi32, #tpu.memory_space<hbm>>) target(%arg13 : memref<128xi32, #tpu.memory_space<vmem>>) target_semaphore(%arg24 : memref<!tpu.dma_semaphore, #tpu.memory_space<semaphore_mem>>)
    %dma_wait3A_89 = arith.constant 0 : i32
    %dma_wait3A_90 = arith.constant 0 : i32
    %dma_wait3A_91 = tpu.memref_slice %arg29[%dma_wait3A_89, %dma_wait3A_90] : memref<10000x128xf32, #tpu.memory_space<vmem_shared>> -> memref<10000x128xf32, #tpu.memory_space<vmem_shared>>
    tpu.wait_indirect_dma semaphore(%arg26 : memref<!tpu.dma_semaphore, #tpu.memory_space<semaphore_mem>>) src(%arg15 : memref<128x128xf32, #tpu.memory_space<vmem>>) dst(%dma_wait3A_91 : memref<10000x128xf32, #tpu.memory_space<vmem_shared>>)
    %add3A_92 = arith.constant 384 : i32
    %add3A_93 = arith.addi %mul3A_2, %add3A_92 : i32
    %dma_wait3A_94 = tpu.memref_slice %arg3[%add3A_93] : memref<320000xi32, #tpu.memory_space<hbm>> -> memref<128xi32, #tpu.memory_space<hbm>>
    %dma_wait3A_95 = tpu.memref_slice %arg3[%add3A_93] : memref<320000xi32, #tpu.memory_space<hbm>> -> memref<128xi32, #tpu.memory_space<hbm>>
    tpu.wait_dma2 semaphore(%arg23 : memref<!tpu.dma_semaphore, #tpu.memory_space<semaphore_mem>>) src(%dma_wait3A_95 : memref<128xi32, #tpu.memory_space<hbm>>) dst(%arg6 : memref<128xi32, #tpu.memory_space<vmem>>)
    %dma_wait3A_96 = tpu.memref_slice %arg4[%add3A_93] : memref<320000xi32, #tpu.memory_space<hbm>> -> memref<128xi32, #tpu.memory_space<hbm>>
    %dma_wait3A_97 = tpu.memref_slice %arg4[%add3A_93] : memref<320000xi32, #tpu.memory_space<hbm>> -> memref<128xi32, #tpu.memory_space<hbm>>
    tpu.wait_dma2 semaphore(%arg23 : memref<!tpu.dma_semaphore, #tpu.memory_space<semaphore_mem>>) src(%dma_wait3A_97 : memref<128xi32, #tpu.memory_space<hbm>>) dst(%arg12 : memref<128xi32, #tpu.memory_space<vmem>>)
    %dma_start3A_98 = arith.constant 0 : i32
    %dma_start3A_99 = arith.constant 0 : i32
    %dma_start3A_100 = tpu.memref_slice %arg2[%dma_start3A_98, %dma_start3A_99] : memref<10000x128xf32, #tpu.memory_space<hbm>> -> memref<10000x128xf32, #tpu.memory_space<hbm>>
    tpu.enqueue_indirect_dma source(%dma_start3A_100 : memref<10000x128xf32, #tpu.memory_space<hbm>>) target(%arg15 : memref<128x128xf32, #tpu.memory_space<vmem>>) offsets(%arg6 : memref<128xi32, #tpu.memory_space<vmem>>) semaphore(%arg20 : memref<!tpu.dma_semaphore, #tpu.memory_space<semaphore_mem>>)
    %scan3A_101 = arith.constant 0 : i32
    %scan3A_102 = arith.constant 0 : i32
    %scan3A_103 = arith.constant 12 : i32
    %scan3A_104 = arith.addi %scan3A_102, %scan3A_103 : i32
    %scan3A_105 = arith.constant 1 : i32
    scf.for %scan3A_197 = %scan3A_102 to %scan3A_104 step %scan3A_105  : i32 {
      %mul3A_198 = arith.constant 6 : i32
      %mul3A_199 = arith.muli %mul3A_198, %scan3A_197 : i32
      %add3A_200 = arith.constant 2 : i32
      %add3A_201 = arith.addi %mul3A_199, %add3A_200 : i32
      %add3A_202 = arith.constant 0 : i32
      %add3A_203 = arith.addi %add3A_201, %add3A_202 : i32
      %dma_wait3A_204 = arith.constant 0 : i32
      %dma_wait3A_205 = arith.constant 0 : i32
      %dma_wait3A_206 = tpu.memref_slice %arg2[%dma_wait3A_204, %dma_wait3A_205] : memref<10000x128xf32, #tpu.memory_space<hbm>> -> memref<10000x128xf32, #tpu.memory_space<hbm>>
      tpu.wait_indirect_dma semaphore(%arg22 : memref<!tpu.dma_semaphore, #tpu.memory_space<semaphore_mem>>) src(%dma_wait3A_206 : memref<10000x128xf32, #tpu.memory_space<hbm>>) dst(%arg17 : memref<128x128xf32, #tpu.memory_space<vmem>>)
      %dma_start3A_207 = arith.constant 0 : i32
      %dma_start3A_208 = arith.constant 0 : i32
      %dma_start3A_209 = tpu.memref_slice %arg29[%dma_start3A_207, %dma_start3A_208] : memref<10000x128xf32, #tpu.memory_space<vmem_shared>> -> memref<10000x128xf32, #tpu.memory_space<vmem_shared>>
      tpu.enqueue_indirect_dma source(%arg17 : memref<128x128xf32, #tpu.memory_space<vmem>>) target(%dma_start3A_209 : memref<10000x128xf32, #tpu.memory_space<vmem_shared>>) offsets(%arg11 : memref<128xi32, #tpu.memory_space<vmem>>) semaphore(%arg26 : memref<!tpu.dma_semaphore, #tpu.memory_space<semaphore_mem>>) {add = true}
      %add3A_210 = arith.constant 3 : i32
      %add3A_211 = arith.addi %add3A_203, %add3A_210 : i32
      %mul3A_212 = arith.constant 128 : i32
      %mul3A_213 = arith.muli %add3A_211, %mul3A_212 : i32
      %add3A_214 = arith.addi %mul3A_2, %mul3A_213 : i32
      %dma_start3A_215 = tpu.memref_slice %arg3[%add3A_214] : memref<320000xi32, #tpu.memory_space<hbm>> -> memref<128xi32, #tpu.memory_space<hbm>>
      %dma_start3A_216 = tpu.memref_slice %arg3[%add3A_214] : memref<320000xi32, #tpu.memory_space<hbm>> -> memref<128xi32, #tpu.memory_space<hbm>>
      tpu.enqueue_dma source(%dma_start3A_216 : memref<128xi32, #tpu.memory_space<hbm>>) target(%arg8 : memref<128xi32, #tpu.memory_space<vmem>>) target_semaphore(%arg25 : memref<!tpu.dma_semaphore, #tpu.memory_space<semaphore_mem>>)
      %dma_start3A_217 = tpu.memref_slice %arg4[%add3A_214] : memref<320000xi32, #tpu.memory_space<hbm>> -> memref<128xi32, #tpu.memory_space<hbm>>
      %dma_start3A_218 = tpu.memref_slice %arg4[%add3A_214] : memref<320000xi32, #tpu.memory_space<hbm>> -> memref<128xi32, #tpu.memory_space<hbm>>
      tpu.enqueue_dma source(%dma_start3A_218 : memref<128xi32, #tpu.memory_space<hbm>>) target(%arg14 : memref<128xi32, #tpu.memory_space<vmem>>) target_semaphore(%arg25 : memref<!tpu.dma_semaphore, #tpu.memory_space<semaphore_mem>>)
      %dma_wait3A_219 = arith.constant 0 : i32
      %dma_wait3A_220 = arith.constant 0 : i32
      %dma_wait3A_221 = tpu.memref_slice %arg29[%dma_wait3A_219, %dma_wait3A_220] : memref<10000x128xf32, #tpu.memory_space<vmem_shared>> -> memref<10000x128xf32, #tpu.memory_space<vmem_shared>>
      tpu.wait_indirect_dma semaphore(%arg27 : memref<!tpu.dma_semaphore, #tpu.memory_space<semaphore_mem>>) src(%arg16 : memref<128x128xf32, #tpu.memory_space<vmem>>) dst(%dma_wait3A_221 : memref<10000x128xf32, #tpu.memory_space<vmem_shared>>)
      %add3A_222 = arith.constant 2 : i32
      %add3A_223 = arith.addi %add3A_203, %add3A_222 : i32
      %mul3A_224 = arith.constant 128 : i32
      %mul3A_225 = arith.muli %add3A_223, %mul3A_224 : i32
      %add3A_226 = arith.addi %mul3A_2, %mul3A_225 : i32
      %dma_wait3A_227 = tpu.memref_slice %arg3[%add3A_226] : memref<320000xi32, #tpu.memory_space<hbm>> -> memref<128xi32, #tpu.memory_space<hbm>>
      %dma_wait3A_228 = tpu.memref_slice %arg3[%add3A_226] : memref<320000xi32, #tpu.memory_space<hbm>> -> memref<128xi32, #tpu.memory_space<hbm>>
      tpu.wait_dma2 semaphore(%arg24 : memref<!tpu.dma_semaphore, #tpu.memory_space<semaphore_mem>>) src(%dma_wait3A_228 : memref<128xi32, #tpu.memory_space<hbm>>) dst(%arg7 : memref<128xi32, #tpu.memory_space<vmem>>)
      %dma_wait3A_229 = tpu.memref_slice %arg4[%add3A_226] : memref<320000xi32, #tpu.memory_space<hbm>> -> memref<128xi32, #tpu.memory_space<hbm>>
      %dma_wait3A_230 = tpu.memref_slice %arg4[%add3A_226] : memref<320000xi32, #tpu.memory_space<hbm>> -> memref<128xi32, #tpu.memory_space<hbm>>
      tpu.wait_dma2 semaphore(%arg24 : memref<!tpu.dma_semaphore, #tpu.memory_space<semaphore_mem>>) src(%dma_wait3A_230 : memref<128xi32, #tpu.memory_space<hbm>>) dst(%arg13 : memref<128xi32, #tpu.memory_space<vmem>>)
      %dma_start3A_231 = arith.constant 0 : i32
      %dma_start3A_232 = arith.constant 0 : i32
      %dma_start3A_233 = tpu.memref_slice %arg2[%dma_start3A_231, %dma_start3A_232] : memref<10000x128xf32, #tpu.memory_space<hbm>> -> memref<10000x128xf32, #tpu.memory_space<hbm>>
      tpu.enqueue_indirect_dma source(%dma_start3A_233 : memref<10000x128xf32, #tpu.memory_space<hbm>>) target(%arg16 : memref<128x128xf32, #tpu.memory_space<vmem>>) offsets(%arg7 : memref<128xi32, #tpu.memory_space<vmem>>) semaphore(%arg21 : memref<!tpu.dma_semaphore, #tpu.memory_space<semaphore_mem>>)
      %add3A_234 = arith.constant 1 : i32
      %add3A_235 = arith.addi %add3A_201, %add3A_234 : i32
      %dma_wait3A_236 = arith.constant 0 : i32
      %dma_wait3A_237 = arith.constant 0 : i32
      %dma_wait3A_238 = tpu.memref_slice %arg2[%dma_wait3A_236, %dma_wait3A_237] : memref<10000x128xf32, #tpu.memory_space<hbm>> -> memref<10000x128xf32, #tpu.memory_space<hbm>>
      tpu.wait_indirect_dma semaphore(%arg20 : memref<!tpu.dma_semaphore, #tpu.memory_space<semaphore_mem>>) src(%dma_wait3A_238 : memref<10000x128xf32, #tpu.memory_space<hbm>>) dst(%arg15 : memref<128x128xf32, #tpu.memory_space<vmem>>)
      %dma_start3A_239 = arith.constant 0 : i32
      %dma_start3A_240 = arith.constant 0 : i32
      %dma_start3A_241 = tpu.memref_slice %arg29[%dma_start3A_239, %dma_start3A_240] : memref<10000x128xf32, #tpu.memory_space<vmem_shared>> -> memref<10000x128xf32, #tpu.memory_space<vmem_shared>>
      tpu.enqueue_indirect_dma source(%arg15 : memref<128x128xf32, #tpu.memory_space<vmem>>) target(%dma_start3A_241 : memref<10000x128xf32, #tpu.memory_space<vmem_shared>>) offsets(%arg12 : memref<128xi32, #tpu.memory_space<vmem>>) semaphore(%arg27 : memref<!tpu.dma_semaphore, #tpu.memory_space<semaphore_mem>>) {add = true}
      %add3A_242 = arith.constant 3 : i32
      %add3A_243 = arith.addi %add3A_235, %add3A_242 : i32
      %mul3A_244 = arith.constant 128 : i32
      %mul3A_245 = arith.muli %add3A_243, %mul3A_244 : i32
      %add3A_246 = arith.addi %mul3A_2, %mul3A_245 : i32
      %dma_start3A_247 = tpu.memref_slice %arg3[%add3A_246] : memref<320000xi32, #tpu.memory_space<hbm>> -> memref<128xi32, #tpu.memory_space<hbm>>
      %dma_start3A_248 = tpu.memref_slice %arg3[%add3A_246] : memref<320000xi32, #tpu.memory_space<hbm>> -> memref<128xi32, #tpu.memory_space<hbm>>
      tpu.enqueue_dma source(%dma_start3A_248 : memref<128xi32, #tpu.memory_space<hbm>>) target(%arg6 : memref<128xi32, #tpu.memory_space<vmem>>) target_semaphore(%arg23 : memref<!tpu.dma_semaphore, #tpu.memory_space<semaphore_mem>>)
      %dma_start3A_249 = tpu.memref_slice %arg4[%add3A_246] : memref<320000xi32, #tpu.memory_space<hbm>> -> memref<128xi32, #tpu.memory_space<hbm>>
      %dma_start3A_250 = tpu.memref_slice %arg4[%add3A_246] : memref<320000xi32, #tpu.memory_space<hbm>> -> memref<128xi32, #tpu.memory_space<hbm>>
      tpu.enqueue_dma source(%dma_start3A_250 : memref<128xi32, #tpu.memory_space<hbm>>) target(%arg9 : memref<128xi32, #tpu.memory_space<vmem>>) target_semaphore(%arg23 : memref<!tpu.dma_semaphore, #tpu.memory_space<semaphore_mem>>)
      %dma_wait3A_251 = arith.constant 0 : i32
      %dma_wait3A_252 = arith.constant 0 : i32
      %dma_wait3A_253 = tpu.memref_slice %arg29[%dma_wait3A_251, %dma_wait3A_252] : memref<10000x128xf32, #tpu.memory_space<vmem_shared>> -> memref<10000x128xf32, #tpu.memory_space<vmem_shared>>
      tpu.wait_indirect_dma semaphore(%arg26 : memref<!tpu.dma_semaphore, #tpu.memory_space<semaphore_mem>>) src(%arg17 : memref<128x128xf32, #tpu.memory_space<vmem>>) dst(%dma_wait3A_253 : memref<10000x128xf32, #tpu.memory_space<vmem_shared>>)
      %add3A_254 = arith.constant 2 : i32
      %add3A_255 = arith.addi %add3A_235, %add3A_254 : i32
      %mul3A_256 = arith.constant 128 : i32
      %mul3A_257 = arith.muli %add3A_255, %mul3A_256 : i32
      %add3A_258 = arith.addi %mul3A_2, %mul3A_257 : i32
      %dma_wait3A_259 = tpu.memref_slice %arg3[%add3A_258] : memref<320000xi32, #tpu.memory_space<hbm>> -> memref<128xi32, #tpu.memory_space<hbm>>
      %dma_wait3A_260 = tpu.memref_slice %arg3[%add3A_258] : memref<320000xi32, #tpu.memory_space<hbm>> -> memref<128xi32, #tpu.memory_space<hbm>>
      tpu.wait_dma2 semaphore(%arg25 : memref<!tpu.dma_semaphore, #tpu.memory_space<semaphore_mem>>) src(%dma_wait3A_260 : memref<128xi32, #tpu.memory_space<hbm>>) dst(%arg8 : memref<128xi32, #tpu.memory_space<vmem>>)
      %dma_wait3A_261 = tpu.memref_slice %arg4[%add3A_258] : memref<320000xi32, #tpu.memory_space<hbm>> -> memref<128xi32, #tpu.memory_space<hbm>>
      %dma_wait3A_262 = tpu.memref_slice %arg4[%add3A_258] : memref<320000xi32, #tpu.memory_space<hbm>> -> memref<128xi32, #tpu.memory_space<hbm>>
      tpu.wait_dma2 semaphore(%arg25 : memref<!tpu.dma_semaphore, #tpu.memory_space<semaphore_mem>>) src(%dma_wait3A_262 : memref<128xi32, #tpu.memory_space<hbm>>) dst(%arg14 : memref<128xi32, #tpu.memory_space<vmem>>)
      %dma_start3A_263 = arith.constant 0 : i32
      %dma_start3A_264 = arith.constant 0 : i32
      %dma_start3A_265 = tpu.memref_slice %arg2[%dma_start3A_263, %dma_start3A_264] : memref<10000x128xf32, #tpu.memory_space<hbm>> -> memref<10000x128xf32, #tpu.memory_space<hbm>>
      tpu.enqueue_indirect_dma source(%dma_start3A_265 : memref<10000x128xf32, #tpu.memory_space<hbm>>) target(%arg17 : memref<128x128xf32, #tpu.memory_space<vmem>>) offsets(%arg8 : memref<128xi32, #tpu.memory_space<vmem>>) semaphore(%arg22 : memref<!tpu.dma_semaphore, #tpu.memory_space<semaphore_mem>>)
      %add3A_266 = arith.constant 2 : i32
      %add3A_267 = arith.addi %add3A_201, %add3A_266 : i32
      %dma_wait3A_268 = arith.constant 0 : i32
      %dma_wait3A_269 = arith.constant 0 : i32
      %dma_wait3A_270 = tpu.memref_slice %arg2[%dma_wait3A_268, %dma_wait3A_269] : memref<10000x128xf32, #tpu.memory_space<hbm>> -> memref<10000x128xf32, #tpu.memory_space<hbm>>
      tpu.wait_indirect_dma semaphore(%arg21 : memref<!tpu.dma_semaphore, #tpu.memory_space<semaphore_mem>>) src(%dma_wait3A_270 : memref<10000x128xf32, #tpu.memory_space<hbm>>) dst(%arg16 : memref<128x128xf32, #tpu.memory_space<vmem>>)
      %dma_start3A_271 = arith.constant 0 : i32
      %dma_start3A_272 = arith.constant 0 : i32
      %dma_start3A_273 = tpu.memref_slice %arg29[%dma_start3A_271, %dma_start3A_272] : memref<10000x128xf32, #tpu.memory_space<vmem_shared>> -> memref<10000x128xf32, #tpu.memory_space<vmem_shared>>
      tpu.enqueue_indirect_dma source(%arg16 : memref<128x128xf32, #tpu.memory_space<vmem>>) target(%dma_start3A_273 : memref<10000x128xf32, #tpu.memory_space<vmem_shared>>) offsets(%arg13 : memref<128xi32, #tpu.memory_space<vmem>>) semaphore(%arg26 : memref<!tpu.dma_semaphore, #tpu.memory_space<semaphore_mem>>) {add = true}
      %add3A_274 = arith.constant 3 : i32
      %add3A_275 = arith.addi %add3A_267, %add3A_274 : i32
      %mul3A_276 = arith.constant 128 : i32
      %mul3A_277 = arith.muli %add3A_275, %mul3A_276 : i32
      %add3A_278 = arith.addi %mul3A_2, %mul3A_277 : i32
      %dma_start3A_279 = tpu.memref_slice %arg3[%add3A_278] : memref<320000xi32, #tpu.memory_space<hbm>> -> memref<128xi32, #tpu.memory_space<hbm>>
      %dma_start3A_280 = tpu.memref_slice %arg3[%add3A_278] : memref<320000xi32, #tpu.memory_space<hbm>> -> memref<128xi32, #tpu.memory_space<hbm>>
      tpu.enqueue_dma source(%dma_start3A_280 : memref<128xi32, #tpu.memory_space<hbm>>) target(%arg7 : memref<128xi32, #tpu.memory_space<vmem>>) target_semaphore(%arg24 : memref<!tpu.dma_semaphore, #tpu.memory_space<semaphore_mem>>)
      %dma_start3A_281 = tpu.memref_slice %arg4[%add3A_278] : memref<320000xi32, #tpu.memory_space<hbm>> -> memref<128xi32, #tpu.memory_space<hbm>>
      %dma_start3A_282 = tpu.memref_slice %arg4[%add3A_278] : memref<320000xi32, #tpu.memory_space<hbm>> -> memref<128xi32, #tpu.memory_space<hbm>>
      tpu.enqueue_dma source(%dma_start3A_282 : memref<128xi32, #tpu.memory_space<hbm>>) target(%arg10 : memref<128xi32, #tpu.memory_space<vmem>>) target_semaphore(%arg24 : memref<!tpu.dma_semaphore, #tpu.memory_space<semaphore_mem>>)
      %dma_wait3A_283 = arith.constant 0 : i32
      %dma_wait3A_284 = arith.constant 0 : i32
      %dma_wait3A_285 = tpu.memref_slice %arg29[%dma_wait3A_283, %dma_wait3A_284] : memref<10000x128xf32, #tpu.memory_space<vmem_shared>> -> memref<10000x128xf32, #tpu.memory_space<vmem_shared>>
      tpu.wait_indirect_dma semaphore(%arg27 : memref<!tpu.dma_semaphore, #tpu.memory_space<semaphore_mem>>) src(%arg15 : memref<128x128xf32, #tpu.memory_space<vmem>>) dst(%dma_wait3A_285 : memref<10000x128xf32, #tpu.memory_space<vmem_shared>>)
      %add3A_286 = arith.constant 2 : i32
      %add3A_287 = arith.addi %add3A_267, %add3A_286 : i32
      %mul3A_288 = arith.constant 128 : i32
      %mul3A_289 = arith.muli %add3A_287, %mul3A_288 : i32
      %add3A_290 = arith.addi %mul3A_2, %mul3A_289 : i32
      %dma_wait3A_291 = tpu.memref_slice %arg3[%add3A_290] : memref<320000xi32, #tpu.memory_space<hbm>> -> memref<128xi32, #tpu.memory_space<hbm>>
      %dma_wait3A_292 = tpu.memref_slice %arg3[%add3A_290] : memref<320000xi32, #tpu.memory_space<hbm>> -> memref<128xi32, #tpu.memory_space<hbm>>
      tpu.wait_dma2 semaphore(%arg23 : memref<!tpu.dma_semaphore, #tpu.memory_space<semaphore_mem>>) src(%dma_wait3A_292 : memref<128xi32, #tpu.memory_space<hbm>>) dst(%arg6 : memref<128xi32, #tpu.memory_space<vmem>>)
      %dma_wait3A_293 = tpu.memref_slice %arg4[%add3A_290] : memref<320000xi32, #tpu.memory_space<hbm>> -> memref<128xi32, #tpu.memory_space<hbm>>
      %dma_wait3A_294 = tpu.memref_slice %arg4[%add3A_290] : memref<320000xi32, #tpu.memory_space<hbm>> -> memref<128xi32, #tpu.memory_space<hbm>>
      tpu.wait_dma2 semaphore(%arg23 : memref<!tpu.dma_semaphore, #tpu.memory_space<semaphore_mem>>) src(%dma_wait3A_294 : memref<128xi32, #tpu.memory_space<hbm>>) dst(%arg9 : memref<128xi32, #tpu.memory_space<vmem>>)
      %dma_start3A_295 = arith.constant 0 : i32
      %dma_start3A_296 = arith.constant 0 : i32
      %dma_start3A_297 = tpu.memref_slice %arg2[%dma_start3A_295, %dma_start3A_296] : memref<10000x128xf32, #tpu.memory_space<hbm>> -> memref<10000x128xf32, #tpu.memory_space<hbm>>
      tpu.enqueue_indirect_dma source(%dma_start3A_297 : memref<10000x128xf32, #tpu.memory_space<hbm>>) target(%arg15 : memref<128x128xf32, #tpu.memory_space<vmem>>) offsets(%arg6 : memref<128xi32, #tpu.memory_space<vmem>>) semaphore(%arg20 : memref<!tpu.dma_semaphore, #tpu.memory_space<semaphore_mem>>)
      %add3A_298 = arith.constant 3 : i32
      %add3A_299 = arith.addi %add3A_201, %add3A_298 : i32
      %dma_wait3A_300 = arith.constant 0 : i32
      %dma_wait3A_301 = arith.constant 0 : i32
      %dma_wait3A_302 = tpu.memref_slice %arg2[%dma_wait3A_300, %dma_wait3A_301] : memref<10000x128xf32, #tpu.memory_space<hbm>> -> memref<10000x128xf32, #tpu.memory_space<hbm>>
      tpu.wait_indirect_dma semaphore(%arg22 : memref<!tpu.dma_semaphore, #tpu.memory_space<semaphore_mem>>) src(%dma_wait3A_302 : memref<10000x128xf32, #tpu.memory_space<hbm>>) dst(%arg17 : memref<128x128xf32, #tpu.memory_space<vmem>>)
      %dma_start3A_303 = arith.constant 0 : i32
      %dma_start3A_304 = arith.constant 0 : i32
      %dma_start3A_305 = tpu.memref_slice %arg29[%dma_start3A_303, %dma_start3A_304] : memref<10000x128xf32, #tpu.memory_space<vmem_shared>> -> memref<10000x128xf32, #tpu.memory_space<vmem_shared>>
      tpu.enqueue_indirect_dma source(%arg17 : memref<128x128xf32, #tpu.memory_space<vmem>>) target(%dma_start3A_305 : memref<10000x128xf32, #tpu.memory_space<vmem_shared>>) offsets(%arg14 : memref<128xi32, #tpu.memory_space<vmem>>) semaphore(%arg27 : memref<!tpu.dma_semaphore, #tpu.memory_space<semaphore_mem>>) {add = true}
      %add3A_306 = arith.constant 3 : i32
      %add3A_307 = arith.addi %add3A_299, %add3A_306 : i32
      %mul3A_308 = arith.constant 128 : i32
      %mul3A_309 = arith.muli %add3A_307, %mul3A_308 : i32
      %add3A_310 = arith.addi %mul3A_2, %mul3A_309 : i32
      %dma_start3A_311 = tpu.memref_slice %arg3[%add3A_310] : memref<320000xi32, #tpu.memory_space<hbm>> -> memref<128xi32, #tpu.memory_space<hbm>>
      %dma_start3A_312 = tpu.memref_slice %arg3[%add3A_310] : memref<320000xi32, #tpu.memory_space<hbm>> -> memref<128xi32, #tpu.memory_space<hbm>>
      tpu.enqueue_dma source(%dma_start3A_312 : memref<128xi32, #tpu.memory_space<hbm>>) target(%arg8 : memref<128xi32, #tpu.memory_space<vmem>>) target_semaphore(%arg25 : memref<!tpu.dma_semaphore, #tpu.memory_space<semaphore_mem>>)
      %dma_start3A_313 = tpu.memref_slice %arg4[%add3A_310] : memref<320000xi32, #tpu.memory_space<hbm>> -> memref<128xi32, #tpu.memory_space<hbm>>
      %dma_start3A_314 = tpu.memref_slice %arg4[%add3A_310] : memref<320000xi32, #tpu.memory_space<hbm>> -> memref<128xi32, #tpu.memory_space<hbm>>
      tpu.enqueue_dma source(%dma_start3A_314 : memref<128xi32, #tpu.memory_space<hbm>>) target(%arg11 : memref<128xi32, #tpu.memory_space<vmem>>) target_semaphore(%arg25 : memref<!tpu.dma_semaphore, #tpu.memory_space<semaphore_mem>>)
      %dma_wait3A_315 = arith.constant 0 : i32
      %dma_wait3A_316 = arith.constant 0 : i32
      %dma_wait3A_317 = tpu.memref_slice %arg29[%dma_wait3A_315, %dma_wait3A_316] : memref<10000x128xf32, #tpu.memory_space<vmem_shared>> -> memref<10000x128xf32, #tpu.memory_space<vmem_shared>>
      tpu.wait_indirect_dma semaphore(%arg26 : memref<!tpu.dma_semaphore, #tpu.memory_space<semaphore_mem>>) src(%arg16 : memref<128x128xf32, #tpu.memory_space<vmem>>) dst(%dma_wait3A_317 : memref<10000x128xf32, #tpu.memory_space<vmem_shared>>)
      %add3A_318 = arith.constant 2 : i32
      %add3A_319 = arith.addi %add3A_299, %add3A_318 : i32
      %mul3A_320 = arith.constant 128 : i32
      %mul3A_321 = arith.muli %add3A_319, %mul3A_320 : i32
      %add3A_322 = arith.addi %mul3A_2, %mul3A_321 : i32
      %dma_wait3A_323 = tpu.memref_slice %arg3[%add3A_322] : memref<320000xi32, #tpu.memory_space<hbm>> -> memref<128xi32, #tpu.memory_space<hbm>>
      %dma_wait3A_324 = tpu.memref_slice %arg3[%add3A_322] : memref<320000xi32, #tpu.memory_space<hbm>> -> memref<128xi32, #tpu.memory_space<hbm>>
      tpu.wait_dma2 semaphore(%arg24 : memref<!tpu.dma_semaphore, #tpu.memory_space<semaphore_mem>>) src(%dma_wait3A_324 : memref<128xi32, #tpu.memory_space<hbm>>) dst(%arg7 : memref<128xi32, #tpu.memory_space<vmem>>)
      %dma_wait3A_325 = tpu.memref_slice %arg4[%add3A_322] : memref<320000xi32, #tpu.memory_space<hbm>> -> memref<128xi32, #tpu.memory_space<hbm>>
      %dma_wait3A_326 = tpu.memref_slice %arg4[%add3A_322] : memref<320000xi32, #tpu.memory_space<hbm>> -> memref<128xi32, #tpu.memory_space<hbm>>
      tpu.wait_dma2 semaphore(%arg24 : memref<!tpu.dma_semaphore, #tpu.memory_space<semaphore_mem>>) src(%dma_wait3A_326 : memref<128xi32, #tpu.memory_space<hbm>>) dst(%arg10 : memref<128xi32, #tpu.memory_space<vmem>>)
      %dma_start3A_327 = arith.constant 0 : i32
      %dma_start3A_328 = arith.constant 0 : i32
      %dma_start3A_329 = tpu.memref_slice %arg2[%dma_start3A_327, %dma_start3A_328] : memref<10000x128xf32, #tpu.memory_space<hbm>> -> memref<10000x128xf32, #tpu.memory_space<hbm>>
      tpu.enqueue_indirect_dma source(%dma_start3A_329 : memref<10000x128xf32, #tpu.memory_space<hbm>>) target(%arg16 : memref<128x128xf32, #tpu.memory_space<vmem>>) offsets(%arg7 : memref<128xi32, #tpu.memory_space<vmem>>) semaphore(%arg21 : memref<!tpu.dma_semaphore, #tpu.memory_space<semaphore_mem>>)
      %add3A_330 = arith.constant 4 : i32
      %add3A_331 = arith.addi %add3A_201, %add3A_330 : i32
      %dma_wait3A_332 = arith.constant 0 : i32
      %dma_wait3A_333 = arith.constant 0 : i32
      %dma_wait3A_334 = tpu.memref_slice %arg2[%dma_wait3A_332, %dma_wait3A_333] : memref<10000x128xf32, #tpu.memory_space<hbm>> -> memref<10000x128xf32, #tpu.memory_space<hbm>>
      tpu.wait_indirect_dma semaphore(%arg20 : memref<!tpu.dma_semaphore, #tpu.memory_space<semaphore_mem>>) src(%dma_wait3A_334 : memref<10000x128xf32, #tpu.memory_space<hbm>>) dst(%arg15 : memref<128x128xf32, #tpu.memory_space<vmem>>)
      %dma_start3A_335 = arith.constant 0 : i32
      %dma_start3A_336 = arith.constant 0 : i32
      %dma_start3A_337 = tpu.memref_slice %arg29[%dma_start3A_335, %dma_start3A_336] : memref<10000x128xf32, #tpu.memory_space<vmem_shared>> -> memref<10000x128xf32, #tpu.memory_space<vmem_shared>>
      tpu.enqueue_indirect_dma source(%arg15 : memref<128x128xf32, #tpu.memory_space<vmem>>) target(%dma_start3A_337 : memref<10000x128xf32, #tpu.memory_space<vmem_shared>>) offsets(%arg9 : memref<128xi32, #tpu.memory_space<vmem>>) semaphore(%arg26 : memref<!tpu.dma_semaphore, #tpu.memory_space<semaphore_mem>>) {add = true}
      %add3A_338 = arith.constant 3 : i32
      %add3A_339 = arith.addi %add3A_331, %add3A_338 : i32
      %mul3A_340 = arith.constant 128 : i32
      %mul3A_341 = arith.muli %add3A_339, %mul3A_340 : i32
      %add3A_342 = arith.addi %mul3A_2, %mul3A_341 : i32
      %dma_start3A_343 = tpu.memref_slice %arg3[%add3A_342] : memref<320000xi32, #tpu.memory_space<hbm>> -> memref<128xi32, #tpu.memory_space<hbm>>
      %dma_start3A_344 = tpu.memref_slice %arg3[%add3A_342] : memref<320000xi32, #tpu.memory_space<hbm>> -> memref<128xi32, #tpu.memory_space<hbm>>
      tpu.enqueue_dma source(%dma_start3A_344 : memref<128xi32, #tpu.memory_space<hbm>>) target(%arg6 : memref<128xi32, #tpu.memory_space<vmem>>) target_semaphore(%arg23 : memref<!tpu.dma_semaphore, #tpu.memory_space<semaphore_mem>>)
      %dma_start3A_345 = tpu.memref_slice %arg4[%add3A_342] : memref<320000xi32, #tpu.memory_space<hbm>> -> memref<128xi32, #tpu.memory_space<hbm>>
      %dma_start3A_346 = tpu.memref_slice %arg4[%add3A_342] : memref<320000xi32, #tpu.memory_space<hbm>> -> memref<128xi32, #tpu.memory_space<hbm>>
      tpu.enqueue_dma source(%dma_start3A_346 : memref<128xi32, #tpu.memory_space<hbm>>) target(%arg12 : memref<128xi32, #tpu.memory_space<vmem>>) target_semaphore(%arg23 : memref<!tpu.dma_semaphore, #tpu.memory_space<semaphore_mem>>)
      %dma_wait3A_347 = arith.constant 0 : i32
      %dma_wait3A_348 = arith.constant 0 : i32
      %dma_wait3A_349 = tpu.memref_slice %arg29[%dma_wait3A_347, %dma_wait3A_348] : memref<10000x128xf32, #tpu.memory_space<vmem_shared>> -> memref<10000x128xf32, #tpu.memory_space<vmem_shared>>
      tpu.wait_indirect_dma semaphore(%arg27 : memref<!tpu.dma_semaphore, #tpu.memory_space<semaphore_mem>>) src(%arg17 : memref<128x128xf32, #tpu.memory_space<vmem>>) dst(%dma_wait3A_349 : memref<10000x128xf32, #tpu.memory_space<vmem_shared>>)
      %add3A_350 = arith.constant 2 : i32
      %add3A_351 = arith.addi %add3A_331, %add3A_350 : i32
      %mul3A_352 = arith.constant 128 : i32
      %mul3A_353 = arith.muli %add3A_351, %mul3A_352 : i32
      %add3A_354 = arith.addi %mul3A_2, %mul3A_353 : i32
      %dma_wait3A_355 = tpu.memref_slice %arg3[%add3A_354] : memref<320000xi32, #tpu.memory_space<hbm>> -> memref<128xi32, #tpu.memory_space<hbm>>
      %dma_wait3A_356 = tpu.memref_slice %arg3[%add3A_354] : memref<320000xi32, #tpu.memory_space<hbm>> -> memref<128xi32, #tpu.memory_space<hbm>>
      tpu.wait_dma2 semaphore(%arg25 : memref<!tpu.dma_semaphore, #tpu.memory_space<semaphore_mem>>) src(%dma_wait3A_356 : memref<128xi32, #tpu.memory_space<hbm>>) dst(%arg8 : memref<128xi32, #tpu.memory_space<vmem>>)
      %dma_wait3A_357 = tpu.memref_slice %arg4[%add3A_354] : memref<320000xi32, #tpu.memory_space<hbm>> -> memref<128xi32, #tpu.memory_space<hbm>>
      %dma_wait3A_358 = tpu.memref_slice %arg4[%add3A_354] : memref<320000xi32, #tpu.memory_space<hbm>> -> memref<128xi32, #tpu.memory_space<hbm>>
      tpu.wait_dma2 semaphore(%arg25 : memref<!tpu.dma_semaphore, #tpu.memory_space<semaphore_mem>>) src(%dma_wait3A_358 : memref<128xi32, #tpu.memory_space<hbm>>) dst(%arg11 : memref<128xi32, #tpu.memory_space<vmem>>)
      %dma_start3A_359 = arith.constant 0 : i32
      %dma_start3A_360 = arith.constant 0 : i32
      %dma_start3A_361 = tpu.memref_slice %arg2[%dma_start3A_359, %dma_start3A_360] : memref<10000x128xf32, #tpu.memory_space<hbm>> -> memref<10000x128xf32, #tpu.memory_space<hbm>>
      tpu.enqueue_indirect_dma source(%dma_start3A_361 : memref<10000x128xf32, #tpu.memory_space<hbm>>) target(%arg17 : memref<128x128xf32, #tpu.memory_space<vmem>>) offsets(%arg8 : memref<128xi32, #tpu.memory_space<vmem>>) semaphore(%arg22 : memref<!tpu.dma_semaphore, #tpu.memory_space<semaphore_mem>>)
      %add3A_362 = arith.constant 5 : i32
      %add3A_363 = arith.addi %add3A_201, %add3A_362 : i32
      %dma_wait3A_364 = arith.constant 0 : i32
      %dma_wait3A_365 = arith.constant 0 : i32
      %dma_wait3A_366 = tpu.memref_slice %arg2[%dma_wait3A_364, %dma_wait3A_365] : memref<10000x128xf32, #tpu.memory_space<hbm>> -> memref<10000x128xf32, #tpu.memory_space<hbm>>
      tpu.wait_indirect_dma semaphore(%arg21 : memref<!tpu.dma_semaphore, #tpu.memory_space<semaphore_mem>>) src(%dma_wait3A_366 : memref<10000x128xf32, #tpu.memory_space<hbm>>) dst(%arg16 : memref<128x128xf32, #tpu.memory_space<vmem>>)
      %dma_start3A_367 = arith.constant 0 : i32
      %dma_start3A_368 = arith.constant 0 : i32
      %dma_start3A_369 = tpu.memref_slice %arg29[%dma_start3A_367, %dma_start3A_368] : memref<10000x128xf32, #tpu.memory_space<vmem_shared>> -> memref<10000x128xf32, #tpu.memory_space<vmem_shared>>
      tpu.enqueue_indirect_dma source(%arg16 : memref<128x128xf32, #tpu.memory_space<vmem>>) target(%dma_start3A_369 : memref<10000x128xf32, #tpu.memory_space<vmem_shared>>) offsets(%arg10 : memref<128xi32, #tpu.memory_space<vmem>>) semaphore(%arg27 : memref<!tpu.dma_semaphore, #tpu.memory_space<semaphore_mem>>) {add = true}
      %add3A_370 = arith.constant 3 : i32
      %add3A_371 = arith.addi %add3A_363, %add3A_370 : i32
      %mul3A_372 = arith.constant 128 : i32
      %mul3A_373 = arith.muli %add3A_371, %mul3A_372 : i32
      %add3A_374 = arith.addi %mul3A_2, %mul3A_373 : i32
      %dma_start3A_375 = tpu.memref_slice %arg3[%add3A_374] : memref<320000xi32, #tpu.memory_space<hbm>> -> memref<128xi32, #tpu.memory_space<hbm>>
      %dma_start3A_376 = tpu.memref_slice %arg3[%add3A_374] : memref<320000xi32, #tpu.memory_space<hbm>> -> memref<128xi32, #tpu.memory_space<hbm>>
      tpu.enqueue_dma source(%dma_start3A_376 : memref<128xi32, #tpu.memory_space<hbm>>) target(%arg7 : memref<128xi32, #tpu.memory_space<vmem>>) target_semaphore(%arg24 : memref<!tpu.dma_semaphore, #tpu.memory_space<semaphore_mem>>)
      %dma_start3A_377 = tpu.memref_slice %arg4[%add3A_374] : memref<320000xi32, #tpu.memory_space<hbm>> -> memref<128xi32, #tpu.memory_space<hbm>>
      %dma_start3A_378 = tpu.memref_slice %arg4[%add3A_374] : memref<320000xi32, #tpu.memory_space<hbm>> -> memref<128xi32, #tpu.memory_space<hbm>>
      tpu.enqueue_dma source(%dma_start3A_378 : memref<128xi32, #tpu.memory_space<hbm>>) target(%arg13 : memref<128xi32, #tpu.memory_space<vmem>>) target_semaphore(%arg24 : memref<!tpu.dma_semaphore, #tpu.memory_space<semaphore_mem>>)
      %dma_wait3A_379 = arith.constant 0 : i32
      %dma_wait3A_380 = arith.constant 0 : i32
      %dma_wait3A_381 = tpu.memref_slice %arg29[%dma_wait3A_379, %dma_wait3A_380] : memref<10000x128xf32, #tpu.memory_space<vmem_shared>> -> memref<10000x128xf32, #tpu.memory_space<vmem_shared>>
      tpu.wait_indirect_dma semaphore(%arg26 : memref<!tpu.dma_semaphore, #tpu.memory_space<semaphore_mem>>) src(%arg15 : memref<128x128xf32, #tpu.memory_space<vmem>>) dst(%dma_wait3A_381 : memref<10000x128xf32, #tpu.memory_space<vmem_shared>>)
      %add3A_382 = arith.constant 2 : i32
      %add3A_383 = arith.addi %add3A_363, %add3A_382 : i32
      %mul3A_384 = arith.constant 128 : i32
      %mul3A_385 = arith.muli %add3A_383, %mul3A_384 : i32
      %add3A_386 = arith.addi %mul3A_2, %mul3A_385 : i32
      %dma_wait3A_387 = tpu.memref_slice %arg3[%add3A_386] : memref<320000xi32, #tpu.memory_space<hbm>> -> memref<128xi32, #tpu.memory_space<hbm>>
      %dma_wait3A_388 = tpu.memref_slice %arg3[%add3A_386] : memref<320000xi32, #tpu.memory_space<hbm>> -> memref<128xi32, #tpu.memory_space<hbm>>
      tpu.wait_dma2 semaphore(%arg23 : memref<!tpu.dma_semaphore, #tpu.memory_space<semaphore_mem>>) src(%dma_wait3A_388 : memref<128xi32, #tpu.memory_space<hbm>>) dst(%arg6 : memref<128xi32, #tpu.memory_space<vmem>>)
      %dma_wait3A_389 = tpu.memref_slice %arg4[%add3A_386] : memref<320000xi32, #tpu.memory_space<hbm>> -> memref<128xi32, #tpu.memory_space<hbm>>
      %dma_wait3A_390 = tpu.memref_slice %arg4[%add3A_386] : memref<320000xi32, #tpu.memory_space<hbm>> -> memref<128xi32, #tpu.memory_space<hbm>>
      tpu.wait_dma2 semaphore(%arg23 : memref<!tpu.dma_semaphore, #tpu.memory_space<semaphore_mem>>) src(%dma_wait3A_390 : memref<128xi32, #tpu.memory_space<hbm>>) dst(%arg12 : memref<128xi32, #tpu.memory_space<vmem>>)
      %dma_start3A_391 = arith.constant 0 : i32
      %dma_start3A_392 = arith.constant 0 : i32
      %dma_start3A_393 = tpu.memref_slice %arg2[%dma_start3A_391, %dma_start3A_392] : memref<10000x128xf32, #tpu.memory_space<hbm>> -> memref<10000x128xf32, #tpu.memory_space<hbm>>
      tpu.enqueue_indirect_dma source(%dma_start3A_393 : memref<10000x128xf32, #tpu.memory_space<hbm>>) target(%arg15 : memref<128x128xf32, #tpu.memory_space<vmem>>) offsets(%arg6 : memref<128xi32, #tpu.memory_space<vmem>>) semaphore(%arg20 : memref<!tpu.dma_semaphore, #tpu.memory_space<semaphore_mem>>)
    }
    %scan3A_106 = arith.constant 12 : i32
    %dma_wait3A_107 = arith.constant 0 : i32
    %dma_wait3A_108 = arith.constant 0 : i32
    %dma_wait3A_109 = tpu.memref_slice %arg2[%dma_wait3A_107, %dma_wait3A_108] : memref<10000x128xf32, #tpu.memory_space<hbm>> -> memref<10000x128xf32, #tpu.memory_space<hbm>>
    tpu.wait_indirect_dma semaphore(%arg22 : memref<!tpu.dma_semaphore, #tpu.memory_space<semaphore_mem>>) src(%dma_wait3A_109 : memref<10000x128xf32, #tpu.memory_space<hbm>>) dst(%arg17 : memref<128x128xf32, #tpu.memory_space<vmem>>)
    %dma_start3A_110 = arith.constant 0 : i32
    %dma_start3A_111 = arith.constant 0 : i32
    %dma_start3A_112 = tpu.memref_slice %arg29[%dma_start3A_110, %dma_start3A_111] : memref<10000x128xf32, #tpu.memory_space<vmem_shared>> -> memref<10000x128xf32, #tpu.memory_space<vmem_shared>>
    tpu.enqueue_indirect_dma source(%arg17 : memref<128x128xf32, #tpu.memory_space<vmem>>) target(%dma_start3A_112 : memref<10000x128xf32, #tpu.memory_space<vmem_shared>>) offsets(%arg11 : memref<128xi32, #tpu.memory_space<vmem>>) semaphore(%arg26 : memref<!tpu.dma_semaphore, #tpu.memory_space<semaphore_mem>>) {add = true}
    %add3A_113 = arith.constant 9856 : i32
    %add3A_114 = arith.addi %mul3A_2, %add3A_113 : i32
    %dma_start3A_115 = tpu.memref_slice %arg3[%add3A_114] : memref<320000xi32, #tpu.memory_space<hbm>> -> memref<128xi32, #tpu.memory_space<hbm>>
    %dma_start3A_116 = tpu.memref_slice %arg3[%add3A_114] : memref<320000xi32, #tpu.memory_space<hbm>> -> memref<128xi32, #tpu.memory_space<hbm>>
    tpu.enqueue_dma source(%dma_start3A_116 : memref<128xi32, #tpu.memory_space<hbm>>) target(%arg8 : memref<128xi32, #tpu.memory_space<vmem>>) target_semaphore(%arg25 : memref<!tpu.dma_semaphore, #tpu.memory_space<semaphore_mem>>)
    %dma_start3A_117 = tpu.memref_slice %arg4[%add3A_114] : memref<320000xi32, #tpu.memory_space<hbm>> -> memref<128xi32, #tpu.memory_space<hbm>>
    %dma_start3A_118 = tpu.memref_slice %arg4[%add3A_114] : memref<320000xi32, #tpu.memory_space<hbm>> -> memref<128xi32, #tpu.memory_space<hbm>>
    tpu.enqueue_dma source(%dma_start3A_118 : memref<128xi32, #tpu.memory_space<hbm>>) target(%arg14 : memref<128xi32, #tpu.memory_space<vmem>>) target_semaphore(%arg25 : memref<!tpu.dma_semaphore, #tpu.memory_space<semaphore_mem>>)
    %dma_wait3A_119 = arith.constant 0 : i32
    %dma_wait3A_120 = arith.constant 0 : i32
    %dma_wait3A_121 = tpu.memref_slice %arg29[%dma_wait3A_119, %dma_wait3A_120] : memref<10000x128xf32, #tpu.memory_space<vmem_shared>> -> memref<10000x128xf32, #tpu.memory_space<vmem_shared>>
    tpu.wait_indirect_dma semaphore(%arg27 : memref<!tpu.dma_semaphore, #tpu.memory_space<semaphore_mem>>) src(%arg16 : memref<128x128xf32, #tpu.memory_space<vmem>>) dst(%dma_wait3A_121 : memref<10000x128xf32, #tpu.memory_space<vmem_shared>>)
    %add3A_122 = arith.constant 9728 : i32
    %add3A_123 = arith.addi %mul3A_2, %add3A_122 : i32
    %dma_wait3A_124 = tpu.memref_slice %arg3[%add3A_123] : memref<320000xi32, #tpu.memory_space<hbm>> -> memref<128xi32, #tpu.memory_space<hbm>>
    %dma_wait3A_125 = tpu.memref_slice %arg3[%add3A_123] : memref<320000xi32, #tpu.memory_space<hbm>> -> memref<128xi32, #tpu.memory_space<hbm>>
    tpu.wait_dma2 semaphore(%arg24 : memref<!tpu.dma_semaphore, #tpu.memory_space<semaphore_mem>>) src(%dma_wait3A_125 : memref<128xi32, #tpu.memory_space<hbm>>) dst(%arg7 : memref<128xi32, #tpu.memory_space<vmem>>)
    %dma_wait3A_126 = tpu.memref_slice %arg4[%add3A_123] : memref<320000xi32, #tpu.memory_space<hbm>> -> memref<128xi32, #tpu.memory_space<hbm>>
    %dma_wait3A_127 = tpu.memref_slice %arg4[%add3A_123] : memref<320000xi32, #tpu.memory_space<hbm>> -> memref<128xi32, #tpu.memory_space<hbm>>
    tpu.wait_dma2 semaphore(%arg24 : memref<!tpu.dma_semaphore, #tpu.memory_space<semaphore_mem>>) src(%dma_wait3A_127 : memref<128xi32, #tpu.memory_space<hbm>>) dst(%arg13 : memref<128xi32, #tpu.memory_space<vmem>>)
    %dma_start3A_128 = arith.constant 0 : i32
    %dma_start3A_129 = arith.constant 0 : i32
    %dma_start3A_130 = tpu.memref_slice %arg2[%dma_start3A_128, %dma_start3A_129] : memref<10000x128xf32, #tpu.memory_space<hbm>> -> memref<10000x128xf32, #tpu.memory_space<hbm>>
    tpu.enqueue_indirect_dma source(%dma_start3A_130 : memref<10000x128xf32, #tpu.memory_space<hbm>>) target(%arg16 : memref<128x128xf32, #tpu.memory_space<vmem>>) offsets(%arg7 : memref<128xi32, #tpu.memory_space<vmem>>) semaphore(%arg21 : memref<!tpu.dma_semaphore, #tpu.memory_space<semaphore_mem>>)
    %dma_wait3A_131 = arith.constant 0 : i32
    %dma_wait3A_132 = arith.constant 0 : i32
    %dma_wait3A_133 = tpu.memref_slice %arg2[%dma_wait3A_131, %dma_wait3A_132] : memref<10000x128xf32, #tpu.memory_space<hbm>> -> memref<10000x128xf32, #tpu.memory_space<hbm>>
    tpu.wait_indirect_dma semaphore(%arg20 : memref<!tpu.dma_semaphore, #tpu.memory_space<semaphore_mem>>) src(%dma_wait3A_133 : memref<10000x128xf32, #tpu.memory_space<hbm>>) dst(%arg15 : memref<128x128xf32, #tpu.memory_space<vmem>>)
    %dma_start3A_134 = arith.constant 0 : i32
    %dma_start3A_135 = arith.constant 0 : i32
    %dma_start3A_136 = tpu.memref_slice %arg29[%dma_start3A_134, %dma_start3A_135] : memref<10000x128xf32, #tpu.memory_space<vmem_shared>> -> memref<10000x128xf32, #tpu.memory_space<vmem_shared>>
    tpu.enqueue_indirect_dma source(%arg15 : memref<128x128xf32, #tpu.memory_space<vmem>>) target(%dma_start3A_136 : memref<10000x128xf32, #tpu.memory_space<vmem_shared>>) offsets(%arg12 : memref<128xi32, #tpu.memory_space<vmem>>) semaphore(%arg27 : memref<!tpu.dma_semaphore, #tpu.memory_space<semaphore_mem>>) {add = true}
    %dma_wait3A_137 = arith.constant 0 : i32
    %dma_wait3A_138 = arith.constant 0 : i32
    %dma_wait3A_139 = tpu.memref_slice %arg29[%dma_wait3A_137, %dma_wait3A_138] : memref<10000x128xf32, #tpu.memory_space<vmem_shared>> -> memref<10000x128xf32, #tpu.memory_space<vmem_shared>>
    tpu.wait_indirect_dma semaphore(%arg26 : memref<!tpu.dma_semaphore, #tpu.memory_space<semaphore_mem>>) src(%arg17 : memref<128x128xf32, #tpu.memory_space<vmem>>) dst(%dma_wait3A_139 : memref<10000x128xf32, #tpu.memory_space<vmem_shared>>)
    %add3A_140 = arith.constant 9856 : i32
    %add3A_141 = arith.addi %mul3A_2, %add3A_140 : i32
    %dma_wait3A_142 = tpu.memref_slice %arg3[%add3A_141] : memref<320000xi32, #tpu.memory_space<hbm>> -> memref<128xi32, #tpu.memory_space<hbm>>
    %dma_wait3A_143 = tpu.memref_slice %arg3[%add3A_141] : memref<320000xi32, #tpu.memory_space<hbm>> -> memref<128xi32, #tpu.memory_space<hbm>>
    tpu.wait_dma2 semaphore(%arg25 : memref<!tpu.dma_semaphore, #tpu.memory_space<semaphore_mem>>) src(%dma_wait3A_143 : memref<128xi32, #tpu.memory_space<hbm>>) dst(%arg8 : memref<128xi32, #tpu.memory_space<vmem>>)
    %dma_wait3A_144 = tpu.memref_slice %arg4[%add3A_141] : memref<320000xi32, #tpu.memory_space<hbm>> -> memref<128xi32, #tpu.memory_space<hbm>>
    %dma_wait3A_145 = tpu.memref_slice %arg4[%add3A_141] : memref<320000xi32, #tpu.memory_space<hbm>> -> memref<128xi32, #tpu.memory_space<hbm>>
    tpu.wait_dma2 semaphore(%arg25 : memref<!tpu.dma_semaphore, #tpu.memory_space<semaphore_mem>>) src(%dma_wait3A_145 : memref<128xi32, #tpu.memory_space<hbm>>) dst(%arg14 : memref<128xi32, #tpu.memory_space<vmem>>)
    %dma_start3A_146 = arith.constant 0 : i32
    %dma_start3A_147 = arith.constant 0 : i32
    %dma_start3A_148 = tpu.memref_slice %arg2[%dma_start3A_146, %dma_start3A_147] : memref<10000x128xf32, #tpu.memory_space<hbm>> -> memref<10000x128xf32, #tpu.memory_space<hbm>>
    tpu.enqueue_indirect_dma source(%dma_start3A_148 : memref<10000x128xf32, #tpu.memory_space<hbm>>) target(%arg17 : memref<128x128xf32, #tpu.memory_space<vmem>>) offsets(%arg8 : memref<128xi32, #tpu.memory_space<vmem>>) semaphore(%arg22 : memref<!tpu.dma_semaphore, #tpu.memory_space<semaphore_mem>>)
    %dma_wait3A_149 = arith.constant 0 : i32
    %dma_wait3A_150 = arith.constant 0 : i32
    %dma_wait3A_151 = tpu.memref_slice %arg2[%dma_wait3A_149, %dma_wait3A_150] : memref<10000x128xf32, #tpu.memory_space<hbm>> -> memref<10000x128xf32, #tpu.memory_space<hbm>>
    tpu.wait_indirect_dma semaphore(%arg21 : memref<!tpu.dma_semaphore, #tpu.memory_space<semaphore_mem>>) src(%dma_wait3A_151 : memref<10000x128xf32, #tpu.memory_space<hbm>>) dst(%arg16 : memref<128x128xf32, #tpu.memory_space<vmem>>)
    %dma_start3A_152 = arith.constant 0 : i32
    %dma_start3A_153 = arith.constant 0 : i32
    %dma_start3A_154 = tpu.memref_slice %arg29[%dma_start3A_152, %dma_start3A_153] : memref<10000x128xf32, #tpu.memory_space<vmem_shared>> -> memref<10000x128xf32, #tpu.memory_space<vmem_shared>>
    tpu.enqueue_indirect_dma source(%arg16 : memref<128x128xf32, #tpu.memory_space<vmem>>) target(%dma_start3A_154 : memref<10000x128xf32, #tpu.memory_space<vmem_shared>>) offsets(%arg13 : memref<128xi32, #tpu.memory_space<vmem>>) semaphore(%arg26 : memref<!tpu.dma_semaphore, #tpu.memory_space<semaphore_mem>>) {add = true}
    %dma_wait3A_155 = arith.constant 0 : i32
    %dma_wait3A_156 = arith.constant 0 : i32
    %dma_wait3A_157 = tpu.memref_slice %arg29[%dma_wait3A_155, %dma_wait3A_156] : memref<10000x128xf32, #tpu.memory_space<vmem_shared>> -> memref<10000x128xf32, #tpu.memory_space<vmem_shared>>
    tpu.wait_indirect_dma semaphore(%arg27 : memref<!tpu.dma_semaphore, #tpu.memory_space<semaphore_mem>>) src(%arg15 : memref<128x128xf32, #tpu.memory_space<vmem>>) dst(%dma_wait3A_157 : memref<10000x128xf32, #tpu.memory_space<vmem_shared>>)
    %dma_wait3A_158 = tpu.memref_slice %arg3[%add3A_28] : memref<320000xi32, #tpu.memory_space<hbm>> -> memref<16xi32, #tpu.memory_space<hbm>>
    %dma_wait3A_159 = tpu.memref_slice %arg3[%add3A_28] : memref<320000xi32, #tpu.memory_space<hbm>> -> memref<16xi32, #tpu.memory_space<hbm>>
    tpu.wait_dma2 semaphore(%arg28 : memref<!tpu.dma_semaphore, #tpu.memory_space<semaphore_mem>>) src(%dma_wait3A_159 : memref<16xi32, #tpu.memory_space<hbm>>) dst(%arg18 : memref<16xi32, #tpu.memory_space<vmem>>)
    %dma_wait3A_160 = tpu.memref_slice %arg4[%add3A_28] : memref<320000xi32, #tpu.memory_space<hbm>> -> memref<16xi32, #tpu.memory_space<hbm>>
    %dma_wait3A_161 = tpu.memref_slice %arg4[%add3A_28] : memref<320000xi32, #tpu.memory_space<hbm>> -> memref<16xi32, #tpu.memory_space<hbm>>
    tpu.wait_dma2 semaphore(%arg28 : memref<!tpu.dma_semaphore, #tpu.memory_space<semaphore_mem>>) src(%dma_wait3A_161 : memref<16xi32, #tpu.memory_space<hbm>>) dst(%arg19 : memref<16xi32, #tpu.memory_space<vmem>>)
    %dma_start3A_162 = arith.constant 0 : i32
    %dma_start3A_163 = arith.constant 0 : i32
    %dma_start3A_164 = tpu.memref_slice %arg15[%dma_start3A_162, %dma_start3A_163] : memref<128x128xf32, #tpu.memory_space<vmem>> -> memref<16x128xf32, #tpu.memory_space<vmem>>
    %dma_start3A_165 = arith.constant 0 : i32
    %dma_start3A_166 = arith.constant 0 : i32
    %dma_start3A_167 = tpu.memref_slice %arg2[%dma_start3A_165, %dma_start3A_166] : memref<10000x128xf32, #tpu.memory_space<hbm>> -> memref<10000x128xf32, #tpu.memory_space<hbm>>
    tpu.enqueue_indirect_dma source(%dma_start3A_167 : memref<10000x128xf32, #tpu.memory_space<hbm>>) target(%dma_start3A_164 : memref<16x128xf32, #tpu.memory_space<vmem>>) offsets(%arg18 : memref<16xi32, #tpu.memory_space<vmem>>) semaphore(%arg28 : memref<!tpu.dma_semaphore, #tpu.memory_space<semaphore_mem>>)
    %dma_wait3A_168 = arith.constant 0 : i32
    %dma_wait3A_169 = arith.constant 0 : i32
    %dma_wait3A_170 = tpu.memref_slice %arg2[%dma_wait3A_168, %dma_wait3A_169] : memref<10000x128xf32, #tpu.memory_space<hbm>> -> memref<10000x128xf32, #tpu.memory_space<hbm>>
    tpu.wait_indirect_dma semaphore(%arg22 : memref<!tpu.dma_semaphore, #tpu.memory_space<semaphore_mem>>) src(%dma_wait3A_170 : memref<10000x128xf32, #tpu.memory_space<hbm>>) dst(%arg17 : memref<128x128xf32, #tpu.memory_space<vmem>>)
    %dma_start3A_171 = arith.constant 0 : i32
    %dma_start3A_172 = arith.constant 0 : i32
    %dma_start3A_173 = tpu.memref_slice %arg29[%dma_start3A_171, %dma_start3A_172] : memref<10000x128xf32, #tpu.memory_space<vmem_shared>> -> memref<10000x128xf32, #tpu.memory_space<vmem_shared>>
    tpu.enqueue_indirect_dma source(%arg17 : memref<128x128xf32, #tpu.memory_space<vmem>>) target(%dma_start3A_173 : memref<10000x128xf32, #tpu.memory_space<vmem_shared>>) offsets(%arg14 : memref<128xi32, #tpu.memory_space<vmem>>) semaphore(%arg27 : memref<!tpu.dma_semaphore, #tpu.memory_space<semaphore_mem>>) {add = true}
    %dma_wait3A_174 = arith.constant 0 : i32
    %dma_wait3A_175 = arith.constant 0 : i32
    %dma_wait3A_176 = tpu.memref_slice %arg29[%dma_wait3A_174, %dma_wait3A_175] : memref<10000x128xf32, #tpu.memory_space<vmem_shared>> -> memref<10000x128xf32, #tpu.memory_space<vmem_shared>>
    tpu.wait_indirect_dma semaphore(%arg26 : memref<!tpu.dma_semaphore, #tpu.memory_space<semaphore_mem>>) src(%arg16 : memref<128x128xf32, #tpu.memory_space<vmem>>) dst(%dma_wait3A_176 : memref<10000x128xf32, #tpu.memory_space<vmem_shared>>)
    %dma_wait3A_177 = arith.constant 0 : i32
    %dma_wait3A_178 = arith.constant 0 : i32
    %dma_wait3A_179 = tpu.memref_slice %arg15[%dma_wait3A_177, %dma_wait3A_178] : memref<128x128xf32, #tpu.memory_space<vmem>> -> memref<16x128xf32, #tpu.memory_space<vmem>>
    %dma_wait3A_180 = arith.constant 0 : i32
    %dma_wait3A_181 = arith.constant 0 : i32
    %dma_wait3A_182 = tpu.memref_slice %arg2[%dma_wait3A_180, %dma_wait3A_181] : memref<10000x128xf32, #tpu.memory_space<hbm>> -> memref<10000x128xf32, #tpu.memory_space<hbm>>
    tpu.wait_indirect_dma semaphore(%arg28 : memref<!tpu.dma_semaphore, #tpu.memory_space<semaphore_mem>>) src(%dma_wait3A_182 : memref<10000x128xf32, #tpu.memory_space<hbm>>) dst(%dma_wait3A_179 : memref<16x128xf32, #tpu.memory_space<vmem>>)
    %dma_wait3A_183 = arith.constant 0 : i32
    %dma_wait3A_184 = arith.constant 0 : i32
    %dma_wait3A_185 = tpu.memref_slice %arg29[%dma_wait3A_183, %dma_wait3A_184] : memref<10000x128xf32, #tpu.memory_space<vmem_shared>> -> memref<10000x128xf32, #tpu.memory_space<vmem_shared>>
    tpu.wait_indirect_dma semaphore(%arg27 : memref<!tpu.dma_semaphore, #tpu.memory_space<semaphore_mem>>) src(%arg17 : memref<128x128xf32, #tpu.memory_space<vmem>>) dst(%dma_wait3A_185 : memref<10000x128xf32, #tpu.memory_space<vmem_shared>>)
    "tpu.region"() ({
      %run_scoped3A = tpu.sem_alloc : memref<!tpu.dma_semaphore, #tpu.memory_space<semaphore_mem>>
      %dma_start3A_197 = arith.constant 0 : i32
      %dma_start3A_198 = arith.constant 0 : i32
      %dma_start3A_199 = tpu.memref_slice %arg15[%dma_start3A_197, %dma_start3A_198] : memref<128x128xf32, #tpu.memory_space<vmem>> -> memref<16x128xf32, #tpu.memory_space<vmem>>
      %dma_start3A_200 = arith.constant 0 : i32
      %dma_start3A_201 = arith.constant 0 : i32
      %dma_start3A_202 = tpu.memref_slice %arg29[%dma_start3A_200, %dma_start3A_201] : memref<10000x128xf32, #tpu.memory_space<vmem_shared>> -> memref<10000x128xf32, #tpu.memory_space<vmem_shared>>
      tpu.enqueue_indirect_dma source(%dma_start3A_199 : memref<16x128xf32, #tpu.memory_space<vmem>>) target(%dma_start3A_202 : memref<10000x128xf32, #tpu.memory_space<vmem_shared>>) offsets(%arg19 : memref<16xi32, #tpu.memory_space<vmem>>) semaphore(%run_scoped3A : memref<!tpu.dma_semaphore, #tpu.memory_space<semaphore_mem>>) {add = true}
      %dma_wait3A_203 = arith.constant 0 : i32
      %dma_wait3A_204 = arith.constant 0 : i32
      %dma_wait3A_205 = tpu.memref_slice %arg15[%dma_wait3A_203, %dma_wait3A_204] : memref<128x128xf32, #tpu.memory_space<vmem>> -> memref<16x128xf32, #tpu.memory_space<vmem>>
      %dma_wait3A_206 = arith.constant 0 : i32
      %dma_wait3A_207 = arith.constant 0 : i32
      %dma_wait3A_208 = tpu.memref_slice %arg29[%dma_wait3A_206, %dma_wait3A_207] : memref<10000x128xf32, #tpu.memory_space<vmem_shared>> -> memref<10000x128xf32, #tpu.memory_space<vmem_shared>>
      tpu.wait_indirect_dma semaphore(%run_scoped3A : memref<!tpu.dma_semaphore, #tpu.memory_space<semaphore_mem>>) src(%dma_wait3A_205 : memref<16x128xf32, #tpu.memory_space<vmem>>) dst(%dma_wait3A_208 : memref<10000x128xf32, #tpu.memory_space<vmem_shared>>)
      tpu.yield
    }) : () -> ()
    %barrier3A_186 = arith.constant 0 : index
    tpu.barrier barrier_id(%barrier3A_186)
    %lt3A_187 = arith.constant 15 : i32
    %lt3A_188 = arith.cmpi slt, %arg1, %lt3A_187 : i32
    %convert_element_type3A_189 = arith.extui %lt3A_188 : i1 to i32
    %cond3A_190 = arith.constant 0 : i32
    %cond3A_191 = arith.cmpi ne, %convert_element_type3A_189, %cond3A_190 : i32
    scf.if %cond3A_191 {
      %mul3A_197 = arith.constant 10000 : i32
      %mul3A_198 = arith.muli %arg0, %mul3A_197 : i32
      %add3A_199 = arith.addi %mul3A_198, %mul3A_9 : i32
      "tpu.region"() ({
        %run_scoped3A = tpu.sem_alloc : memref<!tpu.dma_semaphore, #tpu.memory_space<semaphore_mem>>
        %dma_start3A_200 = arith.constant 0 : i32
        %dma_start3A_201 = tpu.memref_slice %arg5[%add3A_199, %dma_start3A_200] : memref<20000x128xf32, #tpu.memory_space<hbm>> -> memref<640x128xf32, #tpu.memory_space<hbm>>
        %dma_start3A_202 = arith.constant 0 : i32
        %dma_start3A_203 = tpu.memref_slice %arg29[%mul3A_9, %dma_start3A_202] : memref<10000x128xf32, #tpu.memory_space<vmem_shared>> -> memref<640x128xf32, #tpu.memory_space<vmem_shared>>
        tpu.enqueue_dma source(%dma_start3A_203 : memref<640x128xf32, #tpu.memory_space<vmem_shared>>) target(%dma_start3A_201 : memref<640x128xf32, #tpu.memory_space<hbm>>) target_semaphore(%run_scoped3A : memref<!tpu.dma_semaphore, #tpu.memory_space<semaphore_mem>>)
        %dma_wait3A_204 = arith.constant 0 : i32
        %dma_wait3A_205 = tpu.memref_slice %arg5[%add3A_199, %dma_wait3A_204] : memref<20000x128xf32, #tpu.memory_space<hbm>> -> memref<640x128xf32, #tpu.memory_space<hbm>>
        %dma_wait3A_206 = arith.constant 0 : i32
        %dma_wait3A_207 = tpu.memref_slice %arg29[%mul3A_9, %dma_wait3A_206] : memref<10000x128xf32, #tpu.memory_space<vmem_shared>> -> memref<640x128xf32, #tpu.memory_space<vmem_shared>>
        tpu.wait_dma2 semaphore(%run_scoped3A : memref<!tpu.dma_semaphore, #tpu.memory_space<semaphore_mem>>) src(%dma_wait3A_207 : memref<640x128xf32, #tpu.memory_space<vmem_shared>>) dst(%dma_wait3A_205 : memref<640x128xf32, #tpu.memory_space<hbm>>)
        tpu.yield
      }) : () -> ()
    } else {
    }
    %eq3A_192 = arith.constant 15 : i32
    %eq3A_193 = arith.cmpi eq, %arg1, %eq3A_192 : i32
    %convert_element_type3A_194 = arith.extui %eq3A_193 : i1 to i32
    %cond3A_195 = arith.constant 0 : i32
    %cond3A_196 = arith.cmpi ne, %convert_element_type3A_194, %cond3A_195 : i32
    scf.if %cond3A_196 {
      %mul3A_197 = arith.constant 10000 : i32
      %mul3A_198 = arith.muli %arg0, %mul3A_197 : i32
      %add3A_199 = arith.addi %mul3A_198, %mul3A_9 : i32
      "tpu.region"() ({
        %run_scoped3A = tpu.sem_alloc : memref<!tpu.dma_semaphore, #tpu.memory_space<semaphore_mem>>
        %dma_start3A_200 = arith.constant 0 : i32
        %dma_start3A_201 = tpu.memref_slice %arg5[%add3A_199, %dma_start3A_200] : memref<20000x128xf32, #tpu.memory_space<hbm>> -> memref<400x128xf32, #tpu.memory_space<hbm>>
        %dma_start3A_202 = arith.constant 0 : i32
        %dma_start3A_203 = tpu.memref_slice %arg29[%mul3A_9, %dma_start3A_202] : memref<10000x128xf32, #tpu.memory_space<vmem_shared>> -> memref<400x128xf32, #tpu.memory_space<vmem_shared>>
        tpu.enqueue_dma source(%dma_start3A_203 : memref<400x128xf32, #tpu.memory_space<vmem_shared>>) target(%dma_start3A_201 : memref<400x128xf32, #tpu.memory_space<hbm>>) target_semaphore(%run_scoped3A : memref<!tpu.dma_semaphore, #tpu.memory_space<semaphore_mem>>)
        %dma_wait3A_204 = arith.constant 0 : i32
        %dma_wait3A_205 = tpu.memref_slice %arg5[%add3A_199, %dma_wait3A_204] : memref<20000x128xf32, #tpu.memory_space<hbm>> -> memref<400x128xf32, #tpu.memory_space<hbm>>
        %dma_wait3A_206 = arith.constant 0 : i32
        %dma_wait3A_207 = tpu.memref_slice %arg29[%mul3A_9, %dma_wait3A_206] : memref<10000x128xf32, #tpu.memory_space<vmem_shared>> -> memref<400x128xf32, #tpu.memory_space<vmem_shared>>
        tpu.wait_dma2 semaphore(%run_scoped3A : memref<!tpu.dma_semaphore, #tpu.memory_space<semaphore_mem>>) src(%dma_wait3A_207 : memref<400x128xf32, #tpu.memory_space<vmem_shared>>) dst(%dma_wait3A_205 : memref<400x128xf32, #tpu.memory_space<hbm>>)
        tpu.yield
      }) : () -> ()
    } else {
    }
    return
  }
}

#map = affine_map<(d0, d1) -> (0, 0)>
#map1 = affine_map<(d0, d1) -> (0)>
module attributes {stable_mosaic.version = 14 : i64} {
  func.func @_sc_agg(%arg0: i32, %arg1: i32, %arg2: memref<10000x128xf32, #tpu.memory_space<hbm>>, %arg3: memref<320000xi32, #tpu.memory_space<hbm>>, %arg4: memref<320000xi32, #tpu.memory_space<hbm>>, %arg5: memref<20000x128xf32, #tpu.memory_space<hbm>>, %arg6: memref<128xi32, #tpu.memory_space<vmem>>, %arg7: memref<128xi32, #tpu.memory_space<vmem>>, %arg8: memref<128xi32, #tpu.memory_space<vmem>>, %arg9: memref<128xi32, #tpu.memory_space<vmem>>, %arg10: memref<128xi32, #tpu.memory_space<vmem>>, %arg11: memref<128xi32, #tpu.memory_space<vmem>>, %arg12: memref<128xi32, #tpu.memory_space<vmem>>, %arg13: memref<128xi32, #tpu.memory_space<vmem>>, %arg14: memref<128xi32, #tpu.memory_space<vmem>>, %arg15: memref<128x128xf32, #tpu.memory_space<vmem>>, %arg16: memref<128x128xf32, #tpu.memory_space<vmem>>, %arg17: memref<128x128xf32, #tpu.memory_space<vmem>>, %arg18: memref<16xi32, #tpu.memory_space<vmem>>, %arg19: memref<16xi32, #tpu.memory_space<vmem>>, %arg20: memref<!tpu.dma_semaphore, #tpu.memory_space<semaphore_mem>>, %arg21: memref<!tpu.dma_semaphore, #tpu.memory_space<semaphore_mem>>, %arg22: memref<!tpu.dma_semaphore, #tpu.memory_space<semaphore_mem>>, %arg23: memref<!tpu.dma_semaphore, #tpu.memory_space<semaphore_mem>>, %arg24: memref<!tpu.dma_semaphore, #tpu.memory_space<semaphore_mem>>, %arg25: memref<!tpu.dma_semaphore, #tpu.memory_space<semaphore_mem>>, %arg26: memref<!tpu.dma_semaphore, #tpu.memory_space<semaphore_mem>>, %arg27: memref<!tpu.dma_semaphore, #tpu.memory_space<semaphore_mem>>, %arg28: memref<!tpu.dma_semaphore, #tpu.memory_space<semaphore_mem>>, %arg29: memref<10000x128xf32, #tpu.memory_space<vmem_shared>>) attributes {dimension_semantics = [#tpu.dimension_semantics<core_parallel>, #tpu.dimension_semantics<subcore_parallel>], iteration_bounds = array<i64: 2, 16>, scalar_prefetch = 0 : i64, scratch_operands = 24 : i64, tpu.core_type = #tpu.core_type<sc_vector_subcore>, window_params = [{transform_indices = #map}, {transform_indices = #map1}, {transform_indices = #map1}, {transform_indices = #map}]} {
    %mul3A = arith.constant 16 : i32
    %mul3A_0 = arith.muli %arg0, %mul3A : i32
    %add3A = arith.addi %mul3A_0, %arg1 : i32
    %mul3A_1 = arith.constant 10000 : i32
    %mul3A_2 = arith.muli %add3A, %mul3A_1 : i32
    %scan3A = arith.constant 0 : i32
    %scan3A_3 = arith.constant 0 : i32
    %scan3A_4 = arith.constant 128 : i32
    %scan3A_5 = arith.addi %scan3A_3, %scan3A_4 : i32
    %scan3A_6 = arith.constant 1 : i32
    scf.for %scan3A_197 = %scan3A_3 to %scan3A_5 step %scan3A_6  : i32 {
      %broadcast_in_dim3A = arith.constant 0.000000e+00 : f32
      %broadcast_in_dim3A_198 = vector.broadcast %broadcast_in_dim3A : f32 to vector<16xf32>
      %swap3A = arith.index_cast %scan3A_197 : i32 to index
      %swap3A_199 = arith.constant 0 : index
      %swap3A_200 = tpu.vector_load %arg17[%swap3A, %swap3A_199] {strides = array<i32>} : memref<128x128xf32, #tpu.memory_space<vmem>>, vector<1x16xf32>,
      %swap3A_201 = vector.shape_cast %swap3A_200 : vector<1x16xf32> to vector<16xf32>
      %swap3A_202 = vector.shape_cast %broadcast_in_dim3A_198 : vector<16xf32> to vector<1x16xf32>
      tpu.vector_store %arg17[%swap3A, %swap3A_199], %swap3A_202 {strides = array<i32>} : memref<128x128xf32, #tpu.memory_space<vmem>>, vector<1x16xf32>,
      %broadcast_in_dim3A_203 = arith.constant 0.000000e+00 : f32
      %broadcast_in_dim3A_204 = vector.broadcast %broadcast_in_dim3A_203 : f32 to vector<16xf32>
      %swap3A_205 = arith.index_cast %scan3A_197 : i32 to index
      %swap3A_206 = arith.constant 16 : index
      %swap3A_207 = tpu.vector_load %arg17[%swap3A_205, %swap3A_206] {strides = array<i32>} : memref<128x128xf32, #tpu.memory_space<vmem>>, vector<1x16xf32>,
      %swap3A_208 = vector.shape_cast %swap3A_207 : vector<1x16xf32> to vector<16xf32>
      %swap3A_209 = vector.shape_cast %broadcast_in_dim3A_204 : vector<16xf32> to vector<1x16xf32>
      tpu.vector_store %arg17[%swap3A_205, %swap3A_206], %swap3A_209 {strides = array<i32>} : memref<128x128xf32, #tpu.memory_space<vmem>>, vector<1x16xf32>,
      %broadcast_in_dim3A_210 = arith.constant 0.000000e+00 : f32
      %broadcast_in_dim3A_211 = vector.broadcast %broadcast_in_dim3A_210 : f32 to vector<16xf32>
      %swap3A_212 = arith.index_cast %scan3A_197 : i32 to index
      %swap3A_213 = arith.constant 32 : index
      %swap3A_214 = tpu.vector_load %arg17[%swap3A_212, %swap3A_213] {strides = array<i32>} : memref<128x128xf32, #tpu.memory_space<vmem>>, vector<1x16xf32>,
      %swap3A_215 = vector.shape_cast %swap3A_214 : vector<1x16xf32> to vector<16xf32>
      %swap3A_216 = vector.shape_cast %broadcast_in_dim3A_211 : vector<16xf32> to vector<1x16xf32>
      tpu.vector_store %arg17[%swap3A_212, %swap3A_213], %swap3A_216 {strides = array<i32>} : memref<128x128xf32, #tpu.memory_space<vmem>>, vector<1x16xf32>,
      %broadcast_in_dim3A_217 = arith.constant 0.000000e+00 : f32
      %broadcast_in_dim3A_218 = vector.broadcast %broadcast_in_dim3A_217 : f32 to vector<16xf32>
      %swap3A_219 = arith.index_cast %scan3A_197 : i32 to index
      %swap3A_220 = arith.constant 48 : index
      %swap3A_221 = tpu.vector_load %arg17[%swap3A_219, %swap3A_220] {strides = array<i32>} : memref<128x128xf32, #tpu.memory_space<vmem>>, vector<1x16xf32>,
      %swap3A_222 = vector.shape_cast %swap3A_221 : vector<1x16xf32> to vector<16xf32>
      %swap3A_223 = vector.shape_cast %broadcast_in_dim3A_218 : vector<16xf32> to vector<1x16xf32>
      tpu.vector_store %arg17[%swap3A_219, %swap3A_220], %swap3A_223 {strides = array<i32>} : memref<128x128xf32, #tpu.memory_space<vmem>>, vector<1x16xf32>,
      %broadcast_in_dim3A_224 = arith.constant 0.000000e+00 : f32
      %broadcast_in_dim3A_225 = vector.broadcast %broadcast_in_dim3A_224 : f32 to vector<16xf32>
      %swap3A_226 = arith.index_cast %scan3A_197 : i32 to index
      %swap3A_227 = arith.constant 64 : index
      %swap3A_228 = tpu.vector_load %arg17[%swap3A_226, %swap3A_227] {strides = array<i32>} : memref<128x128xf32, #tpu.memory_space<vmem>>, vector<1x16xf32>,
      %swap3A_229 = vector.shape_cast %swap3A_228 : vector<1x16xf32> to vector<16xf32>
      %swap3A_230 = vector.shape_cast %broadcast_in_dim3A_225 : vector<16xf32> to vector<1x16xf32>
      tpu.vector_store %arg17[%swap3A_226, %swap3A_227], %swap3A_230 {strides = array<i32>} : memref<128x128xf32, #tpu.memory_space<vmem>>, vector<1x16xf32>,
      %broadcast_in_dim3A_231 = arith.constant 0.000000e+00 : f32
      %broadcast_in_dim3A_232 = vector.broadcast %broadcast_in_dim3A_231 : f32 to vector<16xf32>
      %swap3A_233 = arith.index_cast %scan3A_197 : i32 to index
      %swap3A_234 = arith.constant 80 : index
      %swap3A_235 = tpu.vector_load %arg17[%swap3A_233, %swap3A_234] {strides = array<i32>} : memref<128x128xf32, #tpu.memory_space<vmem>>, vector<1x16xf32>,
      %swap3A_236 = vector.shape_cast %swap3A_235 : vector<1x16xf32> to vector<16xf32>
      %swap3A_237 = vector.shape_cast %broadcast_in_dim3A_232 : vector<16xf32> to vector<1x16xf32>
      tpu.vector_store %arg17[%swap3A_233, %swap3A_234], %swap3A_237 {strides = array<i32>} : memref<128x128xf32, #tpu.memory_space<vmem>>, vector<1x16xf32>,
      %broadcast_in_dim3A_238 = arith.constant 0.000000e+00 : f32
      %broadcast_in_dim3A_239 = vector.broadcast %broadcast_in_dim3A_238 : f32 to vector<16xf32>
      %swap3A_240 = arith.index_cast %scan3A_197 : i32 to index
      %swap3A_241 = arith.constant 96 : index
      %swap3A_242 = tpu.vector_load %arg17[%swap3A_240, %swap3A_241] {strides = array<i32>} : memref<128x128xf32, #tpu.memory_space<vmem>>, vector<1x16xf32>,
      %swap3A_243 = vector.shape_cast %swap3A_242 : vector<1x16xf32> to vector<16xf32>
      %swap3A_244 = vector.shape_cast %broadcast_in_dim3A_239 : vector<16xf32> to vector<1x16xf32>
      tpu.vector_store %arg17[%swap3A_240, %swap3A_241], %swap3A_244 {strides = array<i32>} : memref<128x128xf32, #tpu.memory_space<vmem>>, vector<1x16xf32>,
      %broadcast_in_dim3A_245 = arith.constant 0.000000e+00 : f32
      %broadcast_in_dim3A_246 = vector.broadcast %broadcast_in_dim3A_245 : f32 to vector<16xf32>
      %swap3A_247 = arith.index_cast %scan3A_197 : i32 to index
      %swap3A_248 = arith.constant 112 : index
      %swap3A_249 = tpu.vector_load %arg17[%swap3A_247, %swap3A_248] {strides = array<i32>} : memref<128x128xf32, #tpu.memory_space<vmem>>, vector<1x16xf32>,
      %swap3A_250 = vector.shape_cast %swap3A_249 : vector<1x16xf32> to vector<16xf32>
      %swap3A_251 = vector.shape_cast %broadcast_in_dim3A_246 : vector<16xf32> to vector<1x16xf32>
      tpu.vector_store %arg17[%swap3A_247, %swap3A_248], %swap3A_251 {strides = array<i32>} : memref<128x128xf32, #tpu.memory_space<vmem>>, vector<1x16xf32>,
    }
    %scan3A_7 = arith.constant 128 : i32
    %mul3A_8 = arith.constant 640 : i32
    %mul3A_9 = arith.muli %arg1, %mul3A_8 : i32
    %add3A_10 = arith.constant 0 : i32
    %add3A_11 = arith.addi %mul3A_2, %add3A_10 : i32
    %dma_start3A = tpu.memref_slice %arg3[%add3A_11] : memref<320000xi32, #tpu.memory_space<hbm>> -> memref<128xi32, #tpu.memory_space<hbm>>
    %dma_start3A_12 = tpu.memref_slice %arg3[%add3A_11] : memref<320000xi32, #tpu.memory_space<hbm>> -> memref<128xi32, #tpu.memory_space<hbm>>
    tpu.enqueue_dma source(%dma_start3A_12 : memref<128xi32, #tpu.memory_space<hbm>>) target(%arg6 : memref<128xi32, #tpu.memory_space<vmem>>) target_semaphore(%arg23 : memref<!tpu.dma_semaphore, #tpu.memory_space<semaphore_mem>>)
    %dma_start3A_13 = tpu.memref_slice %arg4[%add3A_11] : memref<320000xi32, #tpu.memory_space<hbm>> -> memref<128xi32, #tpu.memory_space<hbm>>
    %dma_start3A_14 = tpu.memref_slice %arg4[%add3A_11] : memref<320000xi32, #tpu.memory_space<hbm>> -> memref<128xi32, #tpu.memory_space<hbm>>
    tpu.enqueue_dma source(%dma_start3A_14 : memref<128xi32, #tpu.memory_space<hbm>>) target(%arg9 : memref<128xi32, #tpu.memory_space<vmem>>) target_semaphore(%arg23 : memref<!tpu.dma_semaphore, #tpu.memory_space<semaphore_mem>>)
    %add3A_15 = arith.constant 128 : i32
    %add3A_16 = arith.addi %mul3A_2, %add3A_15 : i32
    %dma_start3A_17 = tpu.memref_slice %arg3[%add3A_16] : memref<320000xi32, #tpu.memory_space<hbm>> -> memref<128xi32, #tpu.memory_space<hbm>>
    %dma_start3A_18 = tpu.memref_slice %arg3[%add3A_16] : memref<320000xi32, #tpu.memory_space<hbm>> -> memref<128xi32, #tpu.memory_space<hbm>>
    tpu.enqueue_dma source(%dma_start3A_18 : memref<128xi32, #tpu.memory_space<hbm>>) target(%arg7 : memref<128xi32, #tpu.memory_space<vmem>>) target_semaphore(%arg24 : memref<!tpu.dma_semaphore, #tpu.memory_space<semaphore_mem>>)
    %dma_start3A_19 = tpu.memref_slice %arg4[%add3A_16] : memref<320000xi32, #tpu.memory_space<hbm>> -> memref<128xi32, #tpu.memory_space<hbm>>
    %dma_start3A_20 = tpu.memref_slice %arg4[%add3A_16] : memref<320000xi32, #tpu.memory_space<hbm>> -> memref<128xi32, #tpu.memory_space<hbm>>
    tpu.enqueue_dma source(%dma_start3A_20 : memref<128xi32, #tpu.memory_space<hbm>>) target(%arg10 : memref<128xi32, #tpu.memory_space<vmem>>) target_semaphore(%arg24 : memref<!tpu.dma_semaphore, #tpu.memory_space<semaphore_mem>>)
    %add3A_21 = arith.constant 256 : i32
    %add3A_22 = arith.addi %mul3A_2, %add3A_21 : i32
    %dma_start3A_23 = tpu.memref_slice %arg3[%add3A_22] : memref<320000xi32, #tpu.memory_space<hbm>> -> memref<128xi32, #tpu.memory_space<hbm>>
    %dma_start3A_24 = tpu.memref_slice %arg3[%add3A_22] : memref<320000xi32, #tpu.memory_space<hbm>> -> memref<128xi32, #tpu.memory_space<hbm>>
    tpu.enqueue_dma source(%dma_start3A_24 : memref<128xi32, #tpu.memory_space<hbm>>) target(%arg8 : memref<128xi32, #tpu.memory_space<vmem>>) target_semaphore(%arg25 : memref<!tpu.dma_semaphore, #tpu.memory_space<semaphore_mem>>)
    %dma_start3A_25 = tpu.memref_slice %arg4[%add3A_22] : memref<320000xi32, #tpu.memory_space<hbm>> -> memref<128xi32, #tpu.memory_space<hbm>>
    %dma_start3A_26 = tpu.memref_slice %arg4[%add3A_22] : memref<320000xi32, #tpu.memory_space<hbm>> -> memref<128xi32, #tpu.memory_space<hbm>>
    tpu.enqueue_dma source(%dma_start3A_26 : memref<128xi32, #tpu.memory_space<hbm>>) target(%arg11 : memref<128xi32, #tpu.memory_space<vmem>>) target_semaphore(%arg25 : memref<!tpu.dma_semaphore, #tpu.memory_space<semaphore_mem>>)
    %add3A_27 = arith.constant 9984 : i32
    %add3A_28 = arith.addi %mul3A_2, %add3A_27 : i32
    %dma_start3A_29 = tpu.memref_slice %arg3[%add3A_28] : memref<320000xi32, #tpu.memory_space<hbm>> -> memref<16xi32, #tpu.memory_space<hbm>>
    %dma_start3A_30 = tpu.memref_slice %arg3[%add3A_28] : memref<320000xi32, #tpu.memory_space<hbm>> -> memref<16xi32, #tpu.memory_space<hbm>>
    tpu.enqueue_dma source(%dma_start3A_30 : memref<16xi32, #tpu.memory_space<hbm>>) target(%arg18 : memref<16xi32, #tpu.memory_space<vmem>>) target_semaphore(%arg28 : memref<!tpu.dma_semaphore, #tpu.memory_space<semaphore_mem>>)
    %dma_start3A_31 = tpu.memref_slice %arg4[%add3A_28] : memref<320000xi32, #tpu.memory_space<hbm>> -> memref<16xi32, #tpu.memory_space<hbm>>
    %dma_start3A_32 = tpu.memref_slice %arg4[%add3A_28] : memref<320000xi32, #tpu.memory_space<hbm>> -> memref<16xi32, #tpu.memory_space<hbm>>
    tpu.enqueue_dma source(%dma_start3A_32 : memref<16xi32, #tpu.memory_space<hbm>>) target(%arg19 : memref<16xi32, #tpu.memory_space<vmem>>) target_semaphore(%arg28 : memref<!tpu.dma_semaphore, #tpu.memory_space<semaphore_mem>>)
    %lt3A = arith.constant 15 : i32
    %lt3A_33 = arith.cmpi slt, %arg1, %lt3A : i32
    %convert_element_type3A = arith.extui %lt3A_33 : i1 to i32
    %cond3A = arith.constant 0 : i32
    %cond3A_34 = arith.cmpi ne, %convert_element_type3A, %cond3A : i32
    scf.if %cond3A_34 {
      %add3A_197 = arith.constant 0 : i32
      %add3A_198 = arith.addi %mul3A_9, %add3A_197 : i32
      "tpu.region"() ({
        %run_scoped3A = tpu.sem_alloc : memref<!tpu.dma_semaphore, #tpu.memory_space<semaphore_mem>>
        %dma_start3A_207 = arith.constant 0 : i32
        %dma_start3A_208 = arith.constant 0 : i32
        %dma_start3A_209 = tpu.memref_slice %arg17[%dma_start3A_207, %dma_start3A_208] : memref<128x128xf32, #tpu.memory_space<vmem>> -> memref<128x128xf32, #tpu.memory_space<vmem>>
        %dma_start3A_210 = arith.constant 0 : i32
        %dma_start3A_211 = tpu.memref_slice %arg29[%add3A_198, %dma_start3A_210] : memref<10000x128xf32, #tpu.memory_space<vmem_shared>> -> memref<128x128xf32, #tpu.memory_space<vmem_shared>>
        %dma_start3A_212 = arith.constant 0 : i32
        %dma_start3A_213 = tpu.memref_slice %arg29[%add3A_198, %dma_start3A_212] : memref<10000x128xf32, #tpu.memory_space<vmem_shared>> -> memref<128x128xf32, #tpu.memory_space<vmem_shared>>
        %dma_start3A_214 = arith.constant 0 : i32
        %dma_start3A_215 = arith.constant 0 : i32
        %dma_start3A_216 = tpu.memref_slice %arg17[%dma_start3A_214, %dma_start3A_215] : memref<128x128xf32, #tpu.memory_space<vmem>> -> memref<128x128xf32, #tpu.memory_space<vmem>>
        tpu.enqueue_dma source(%dma_start3A_216 : memref<128x128xf32, #tpu.memory_space<vmem>>) target(%dma_start3A_213 : memref<128x128xf32, #tpu.memory_space<vmem_shared>>) target_semaphore(%run_scoped3A : memref<!tpu.dma_semaphore, #tpu.memory_space<semaphore_mem>>)
        %dma_wait3A_217 = arith.constant 0 : i32
        %dma_wait3A_218 = arith.constant 0 : i32
        %dma_wait3A_219 = tpu.memref_slice %arg17[%dma_wait3A_217, %dma_wait3A_218] : memref<128x128xf32, #tpu.memory_space<vmem>> -> memref<128x128xf32, #tpu.memory_space<vmem>>
        %dma_wait3A_220 = arith.constant 0 : i32
        %dma_wait3A_221 = tpu.memref_slice %arg29[%add3A_198, %dma_wait3A_220] : memref<10000x128xf32, #tpu.memory_space<vmem_shared>> -> memref<128x128xf32, #tpu.memory_space<vmem_shared>>
        %dma_wait3A_222 = arith.constant 0 : i32
        %dma_wait3A_223 = tpu.memref_slice %arg29[%add3A_198, %dma_wait3A_222] : memref<10000x128xf32, #tpu.memory_space<vmem_shared>> -> memref<128x128xf32, #tpu.memory_space<vmem_shared>>
        %dma_wait3A_224 = arith.constant 0 : i32
        %dma_wait3A_225 = arith.constant 0 : i32
        %dma_wait3A_226 = tpu.memref_slice %arg17[%dma_wait3A_224, %dma_wait3A_225] : memref<128x128xf32, #tpu.memory_space<vmem>> -> memref<128x128xf32, #tpu.memory_space<vmem>>
        tpu.wait_dma2 semaphore(%run_scoped3A : memref<!tpu.dma_semaphore, #tpu.memory_space<semaphore_mem>>) src(%dma_wait3A_226 : memref<128x128xf32, #tpu.memory_space<vmem>>) dst(%dma_wait3A_223 : memref<128x128xf32, #tpu.memory_space<vmem_shared>>)
        tpu.yield
      }) : () -> ()
      %add3A_199 = arith.constant 128 : i32
      %add3A_200 = arith.addi %mul3A_9, %add3A_199 : i32
      "tpu.region"() ({
        %run_scoped3A = tpu.sem_alloc : memref<!tpu.dma_semaphore, #tpu.memory_space<semaphore_mem>>
        %dma_start3A_207 = arith.constant 0 : i32
        %dma_start3A_208 = arith.constant 0 : i32
        %dma_start3A_209 = tpu.memref_slice %arg17[%dma_start3A_207, %dma_start3A_208] : memref<128x128xf32, #tpu.memory_space<vmem>> -> memref<128x128xf32, #tpu.memory_space<vmem>>
        %dma_start3A_210 = arith.constant 0 : i32
        %dma_start3A_211 = tpu.memref_slice %arg29[%add3A_200, %dma_start3A_210] : memref<10000x128xf32, #tpu.memory_space<vmem_shared>> -> memref<128x128xf32, #tpu.memory_space<vmem_shared>>
        %dma_start3A_212 = arith.constant 0 : i32
        %dma_start3A_213 = tpu.memref_slice %arg29[%add3A_200, %dma_start3A_212] : memref<10000x128xf32, #tpu.memory_space<vmem_shared>> -> memref<128x128xf32, #tpu.memory_space<vmem_shared>>
        %dma_start3A_214 = arith.constant 0 : i32
        %dma_start3A_215 = arith.constant 0 : i32
        %dma_start3A_216 = tpu.memref_slice %arg17[%dma_start3A_214, %dma_start3A_215] : memref<128x128xf32, #tpu.memory_space<vmem>> -> memref<128x128xf32, #tpu.memory_space<vmem>>
        tpu.enqueue_dma source(%dma_start3A_216 : memref<128x128xf32, #tpu.memory_space<vmem>>) target(%dma_start3A_213 : memref<128x128xf32, #tpu.memory_space<vmem_shared>>) target_semaphore(%run_scoped3A : memref<!tpu.dma_semaphore, #tpu.memory_space<semaphore_mem>>)
        %dma_wait3A_217 = arith.constant 0 : i32
        %dma_wait3A_218 = arith.constant 0 : i32
        %dma_wait3A_219 = tpu.memref_slice %arg17[%dma_wait3A_217, %dma_wait3A_218] : memref<128x128xf32, #tpu.memory_space<vmem>> -> memref<128x128xf32, #tpu.memory_space<vmem>>
        %dma_wait3A_220 = arith.constant 0 : i32
        %dma_wait3A_221 = tpu.memref_slice %arg29[%add3A_200, %dma_wait3A_220] : memref<10000x128xf32, #tpu.memory_space<vmem_shared>> -> memref<128x128xf32, #tpu.memory_space<vmem_shared>>
        %dma_wait3A_222 = arith.constant 0 : i32
        %dma_wait3A_223 = tpu.memref_slice %arg29[%add3A_200, %dma_wait3A_222] : memref<10000x128xf32, #tpu.memory_space<vmem_shared>> -> memref<128x128xf32, #tpu.memory_space<vmem_shared>>
        %dma_wait3A_224 = arith.constant 0 : i32
        %dma_wait3A_225 = arith.constant 0 : i32
        %dma_wait3A_226 = tpu.memref_slice %arg17[%dma_wait3A_224, %dma_wait3A_225] : memref<128x128xf32, #tpu.memory_space<vmem>> -> memref<128x128xf32, #tpu.memory_space<vmem>>
        tpu.wait_dma2 semaphore(%run_scoped3A : memref<!tpu.dma_semaphore, #tpu.memory_space<semaphore_mem>>) src(%dma_wait3A_226 : memref<128x128xf32, #tpu.memory_space<vmem>>) dst(%dma_wait3A_223 : memref<128x128xf32, #tpu.memory_space<vmem_shared>>)
        tpu.yield
      }) : () -> ()
      %add3A_201 = arith.constant 256 : i32
      %add3A_202 = arith.addi %mul3A_9, %add3A_201 : i32
      "tpu.region"() ({
        %run_scoped3A = tpu.sem_alloc : memref<!tpu.dma_semaphore, #tpu.memory_space<semaphore_mem>>
        %dma_start3A_207 = arith.constant 0 : i32
        %dma_start3A_208 = arith.constant 0 : i32
        %dma_start3A_209 = tpu.memref_slice %arg17[%dma_start3A_207, %dma_start3A_208] : memref<128x128xf32, #tpu.memory_space<vmem>> -> memref<128x128xf32, #tpu.memory_space<vmem>>
        %dma_start3A_210 = arith.constant 0 : i32
        %dma_start3A_211 = tpu.memref_slice %arg29[%add3A_202, %dma_start3A_210] : memref<10000x128xf32, #tpu.memory_space<vmem_shared>> -> memref<128x128xf32, #tpu.memory_space<vmem_shared>>
        %dma_start3A_212 = arith.constant 0 : i32
        %dma_start3A_213 = tpu.memref_slice %arg29[%add3A_202, %dma_start3A_212] : memref<10000x128xf32, #tpu.memory_space<vmem_shared>> -> memref<128x128xf32, #tpu.memory_space<vmem_shared>>
        %dma_start3A_214 = arith.constant 0 : i32
        %dma_start3A_215 = arith.constant 0 : i32
        %dma_start3A_216 = tpu.memref_slice %arg17[%dma_start3A_214, %dma_start3A_215] : memref<128x128xf32, #tpu.memory_space<vmem>> -> memref<128x128xf32, #tpu.memory_space<vmem>>
        tpu.enqueue_dma source(%dma_start3A_216 : memref<128x128xf32, #tpu.memory_space<vmem>>) target(%dma_start3A_213 : memref<128x128xf32, #tpu.memory_space<vmem_shared>>) target_semaphore(%run_scoped3A : memref<!tpu.dma_semaphore, #tpu.memory_space<semaphore_mem>>)
        %dma_wait3A_217 = arith.constant 0 : i32
        %dma_wait3A_218 = arith.constant 0 : i32
        %dma_wait3A_219 = tpu.memref_slice %arg17[%dma_wait3A_217, %dma_wait3A_218] : memref<128x128xf32, #tpu.memory_space<vmem>> -> memref<128x128xf32, #tpu.memory_space<vmem>>
        %dma_wait3A_220 = arith.constant 0 : i32
        %dma_wait3A_221 = tpu.memref_slice %arg29[%add3A_202, %dma_wait3A_220] : memref<10000x128xf32, #tpu.memory_space<vmem_shared>> -> memref<128x128xf32, #tpu.memory_space<vmem_shared>>
        %dma_wait3A_222 = arith.constant 0 : i32
        %dma_wait3A_223 = tpu.memref_slice %arg29[%add3A_202, %dma_wait3A_222] : memref<10000x128xf32, #tpu.memory_space<vmem_shared>> -> memref<128x128xf32, #tpu.memory_space<vmem_shared>>
        %dma_wait3A_224 = arith.constant 0 : i32
        %dma_wait3A_225 = arith.constant 0 : i32
        %dma_wait3A_226 = tpu.memref_slice %arg17[%dma_wait3A_224, %dma_wait3A_225] : memref<128x128xf32, #tpu.memory_space<vmem>> -> memref<128x128xf32, #tpu.memory_space<vmem>>
        tpu.wait_dma2 semaphore(%run_scoped3A : memref<!tpu.dma_semaphore, #tpu.memory_space<semaphore_mem>>) src(%dma_wait3A_226 : memref<128x128xf32, #tpu.memory_space<vmem>>) dst(%dma_wait3A_223 : memref<128x128xf32, #tpu.memory_space<vmem_shared>>)
        tpu.yield
      }) : () -> ()
      %add3A_203 = arith.constant 384 : i32
      %add3A_204 = arith.addi %mul3A_9, %add3A_203 : i32
      "tpu.region"() ({
        %run_scoped3A = tpu.sem_alloc : memref<!tpu.dma_semaphore, #tpu.memory_space<semaphore_mem>>
        %dma_start3A_207 = arith.constant 0 : i32
        %dma_start3A_208 = arith.constant 0 : i32
        %dma_start3A_209 = tpu.memref_slice %arg17[%dma_start3A_207, %dma_start3A_208] : memref<128x128xf32, #tpu.memory_space<vmem>> -> memref<128x128xf32, #tpu.memory_space<vmem>>
        %dma_start3A_210 = arith.constant 0 : i32
        %dma_start3A_211 = tpu.memref_slice %arg29[%add3A_204, %dma_start3A_210] : memref<10000x128xf32, #tpu.memory_space<vmem_shared>> -> memref<128x128xf32, #tpu.memory_space<vmem_shared>>
        %dma_start3A_212 = arith.constant 0 : i32
        %dma_start3A_213 = tpu.memref_slice %arg29[%add3A_204, %dma_start3A_212] : memref<10000x128xf32, #tpu.memory_space<vmem_shared>> -> memref<128x128xf32, #tpu.memory_space<vmem_shared>>
        %dma_start3A_214 = arith.constant 0 : i32
        %dma_start3A_215 = arith.constant 0 : i32
        %dma_start3A_216 = tpu.memref_slice %arg17[%dma_start3A_214, %dma_start3A_215] : memref<128x128xf32, #tpu.memory_space<vmem>> -> memref<128x128xf32, #tpu.memory_space<vmem>>
        tpu.enqueue_dma source(%dma_start3A_216 : memref<128x128xf32, #tpu.memory_space<vmem>>) target(%dma_start3A_213 : memref<128x128xf32, #tpu.memory_space<vmem_shared>>) target_semaphore(%run_scoped3A : memref<!tpu.dma_semaphore, #tpu.memory_space<semaphore_mem>>)
        %dma_wait3A_217 = arith.constant 0 : i32
        %dma_wait3A_218 = arith.constant 0 : i32
        %dma_wait3A_219 = tpu.memref_slice %arg17[%dma_wait3A_217, %dma_wait3A_218] : memref<128x128xf32, #tpu.memory_space<vmem>> -> memref<128x128xf32, #tpu.memory_space<vmem>>
        %dma_wait3A_220 = arith.constant 0 : i32
        %dma_wait3A_221 = tpu.memref_slice %arg29[%add3A_204, %dma_wait3A_220] : memref<10000x128xf32, #tpu.memory_space<vmem_shared>> -> memref<128x128xf32, #tpu.memory_space<vmem_shared>>
        %dma_wait3A_222 = arith.constant 0 : i32
        %dma_wait3A_223 = tpu.memref_slice %arg29[%add3A_204, %dma_wait3A_222] : memref<10000x128xf32, #tpu.memory_space<vmem_shared>> -> memref<128x128xf32, #tpu.memory_space<vmem_shared>>
        %dma_wait3A_224 = arith.constant 0 : i32
        %dma_wait3A_225 = arith.constant 0 : i32
        %dma_wait3A_226 = tpu.memref_slice %arg17[%dma_wait3A_224, %dma_wait3A_225] : memref<128x128xf32, #tpu.memory_space<vmem>> -> memref<128x128xf32, #tpu.memory_space<vmem>>
        tpu.wait_dma2 semaphore(%run_scoped3A : memref<!tpu.dma_semaphore, #tpu.memory_space<semaphore_mem>>) src(%dma_wait3A_226 : memref<128x128xf32, #tpu.memory_space<vmem>>) dst(%dma_wait3A_223 : memref<128x128xf32, #tpu.memory_space<vmem_shared>>)
        tpu.yield
      }) : () -> ()
      %add3A_205 = arith.constant 512 : i32
      %add3A_206 = arith.addi %mul3A_9, %add3A_205 : i32
      "tpu.region"() ({
        %run_scoped3A = tpu.sem_alloc : memref<!tpu.dma_semaphore, #tpu.memory_space<semaphore_mem>>
        %dma_start3A_207 = arith.constant 0 : i32
        %dma_start3A_208 = arith.constant 0 : i32
        %dma_start3A_209 = tpu.memref_slice %arg17[%dma_start3A_207, %dma_start3A_208] : memref<128x128xf32, #tpu.memory_space<vmem>> -> memref<128x128xf32, #tpu.memory_space<vmem>>
        %dma_start3A_210 = arith.constant 0 : i32
        %dma_start3A_211 = tpu.memref_slice %arg29[%add3A_206, %dma_start3A_210] : memref<10000x128xf32, #tpu.memory_space<vmem_shared>> -> memref<128x128xf32, #tpu.memory_space<vmem_shared>>
        %dma_start3A_212 = arith.constant 0 : i32
        %dma_start3A_213 = tpu.memref_slice %arg29[%add3A_206, %dma_start3A_212] : memref<10000x128xf32, #tpu.memory_space<vmem_shared>> -> memref<128x128xf32, #tpu.memory_space<vmem_shared>>
        %dma_start3A_214 = arith.constant 0 : i32
        %dma_start3A_215 = arith.constant 0 : i32
        %dma_start3A_216 = tpu.memref_slice %arg17[%dma_start3A_214, %dma_start3A_215] : memref<128x128xf32, #tpu.memory_space<vmem>> -> memref<128x128xf32, #tpu.memory_space<vmem>>
        tpu.enqueue_dma source(%dma_start3A_216 : memref<128x128xf32, #tpu.memory_space<vmem>>) target(%dma_start3A_213 : memref<128x128xf32, #tpu.memory_space<vmem_shared>>) target_semaphore(%run_scoped3A : memref<!tpu.dma_semaphore, #tpu.memory_space<semaphore_mem>>)
        %dma_wait3A_217 = arith.constant 0 : i32
        %dma_wait3A_218 = arith.constant 0 : i32
        %dma_wait3A_219 = tpu.memref_slice %arg17[%dma_wait3A_217, %dma_wait3A_218] : memref<128x128xf32, #tpu.memory_space<vmem>> -> memref<128x128xf32, #tpu.memory_space<vmem>>
        %dma_wait3A_220 = arith.constant 0 : i32
        %dma_wait3A_221 = tpu.memref_slice %arg29[%add3A_206, %dma_wait3A_220] : memref<10000x128xf32, #tpu.memory_space<vmem_shared>> -> memref<128x128xf32, #tpu.memory_space<vmem_shared>>
        %dma_wait3A_222 = arith.constant 0 : i32
        %dma_wait3A_223 = tpu.memref_slice %arg29[%add3A_206, %dma_wait3A_222] : memref<10000x128xf32, #tpu.memory_space<vmem_shared>> -> memref<128x128xf32, #tpu.memory_space<vmem_shared>>
        %dma_wait3A_224 = arith.constant 0 : i32
        %dma_wait3A_225 = arith.constant 0 : i32
        %dma_wait3A_226 = tpu.memref_slice %arg17[%dma_wait3A_224, %dma_wait3A_225] : memref<128x128xf32, #tpu.memory_space<vmem>> -> memref<128x128xf32, #tpu.memory_space<vmem>>
        tpu.wait_dma2 semaphore(%run_scoped3A : memref<!tpu.dma_semaphore, #tpu.memory_space<semaphore_mem>>) src(%dma_wait3A_226 : memref<128x128xf32, #tpu.memory_space<vmem>>) dst(%dma_wait3A_223 : memref<128x128xf32, #tpu.memory_space<vmem_shared>>)
        tpu.yield
      }) : () -> ()
    } else {
    }
    %eq3A = arith.constant 15 : i32
    %eq3A_35 = arith.cmpi eq, %arg1, %eq3A : i32
    %convert_element_type3A_36 = arith.extui %eq3A_35 : i1 to i32
    %cond3A_37 = arith.constant 0 : i32
    %cond3A_38 = arith.cmpi ne, %convert_element_type3A_36, %cond3A_37 : i32
    scf.if %cond3A_38 {
      %add3A_197 = arith.constant 0 : i32
      %add3A_198 = arith.addi %mul3A_9, %add3A_197 : i32
      "tpu.region"() ({
        %run_scoped3A = tpu.sem_alloc : memref<!tpu.dma_semaphore, #tpu.memory_space<semaphore_mem>>
        %dma_start3A_205 = arith.constant 0 : i32
        %dma_start3A_206 = arith.constant 0 : i32
        %dma_start3A_207 = tpu.memref_slice %arg17[%dma_start3A_205, %dma_start3A_206] : memref<128x128xf32, #tpu.memory_space<vmem>> -> memref<128x128xf32, #tpu.memory_space<vmem>>
        %dma_start3A_208 = arith.constant 0 : i32
        %dma_start3A_209 = tpu.memref_slice %arg29[%add3A_198, %dma_start3A_208] : memref<10000x128xf32, #tpu.memory_space<vmem_shared>> -> memref<128x128xf32, #tpu.memory_space<vmem_shared>>
        %dma_start3A_210 = arith.constant 0 : i32
        %dma_start3A_211 = tpu.memref_slice %arg29[%add3A_198, %dma_start3A_210] : memref<10000x128xf32, #tpu.memory_space<vmem_shared>> -> memref<128x128xf32, #tpu.memory_space<vmem_shared>>
        %dma_start3A_212 = arith.constant 0 : i32
        %dma_start3A_213 = arith.constant 0 : i32
        %dma_start3A_214 = tpu.memref_slice %arg17[%dma_start3A_212, %dma_start3A_213] : memref<128x128xf32, #tpu.memory_space<vmem>> -> memref<128x128xf32, #tpu.memory_space<vmem>>
        tpu.enqueue_dma source(%dma_start3A_214 : memref<128x128xf32, #tpu.memory_space<vmem>>) target(%dma_start3A_211 : memref<128x128xf32, #tpu.memory_space<vmem_shared>>) target_semaphore(%run_scoped3A : memref<!tpu.dma_semaphore, #tpu.memory_space<semaphore_mem>>)
        %dma_wait3A_215 = arith.constant 0 : i32
        %dma_wait3A_216 = arith.constant 0 : i32
        %dma_wait3A_217 = tpu.memref_slice %arg17[%dma_wait3A_215, %dma_wait3A_216] : memref<128x128xf32, #tpu.memory_space<vmem>> -> memref<128x128xf32, #tpu.memory_space<vmem>>
        %dma_wait3A_218 = arith.constant 0 : i32
        %dma_wait3A_219 = tpu.memref_slice %arg29[%add3A_198, %dma_wait3A_218] : memref<10000x128xf32, #tpu.memory_space<vmem_shared>> -> memref<128x128xf32, #tpu.memory_space<vmem_shared>>
        %dma_wait3A_220 = arith.constant 0 : i32
        %dma_wait3A_221 = tpu.memref_slice %arg29[%add3A_198, %dma_wait3A_220] : memref<10000x128xf32, #tpu.memory_space<vmem_shared>> -> memref<128x128xf32, #tpu.memory_space<vmem_shared>>
        %dma_wait3A_222 = arith.constant 0 : i32
        %dma_wait3A_223 = arith.constant 0 : i32
        %dma_wait3A_224 = tpu.memref_slice %arg17[%dma_wait3A_222, %dma_wait3A_223] : memref<128x128xf32, #tpu.memory_space<vmem>> -> memref<128x128xf32, #tpu.memory_space<vmem>>
        tpu.wait_dma2 semaphore(%run_scoped3A : memref<!tpu.dma_semaphore, #tpu.memory_space<semaphore_mem>>) src(%dma_wait3A_224 : memref<128x128xf32, #tpu.memory_space<vmem>>) dst(%dma_wait3A_221 : memref<128x128xf32, #tpu.memory_space<vmem_shared>>)
        tpu.yield
      }) : () -> ()
      %add3A_199 = arith.constant 128 : i32
      %add3A_200 = arith.addi %mul3A_9, %add3A_199 : i32
      "tpu.region"() ({
        %run_scoped3A = tpu.sem_alloc : memref<!tpu.dma_semaphore, #tpu.memory_space<semaphore_mem>>
        %dma_start3A_205 = arith.constant 0 : i32
        %dma_start3A_206 = arith.constant 0 : i32
        %dma_start3A_207 = tpu.memref_slice %arg17[%dma_start3A_205, %dma_start3A_206] : memref<128x128xf32, #tpu.memory_space<vmem>> -> memref<128x128xf32, #tpu.memory_space<vmem>>
        %dma_start3A_208 = arith.constant 0 : i32
        %dma_start3A_209 = tpu.memref_slice %arg29[%add3A_200, %dma_start3A_208] : memref<10000x128xf32, #tpu.memory_space<vmem_shared>> -> memref<128x128xf32, #tpu.memory_space<vmem_shared>>
        %dma_start3A_210 = arith.constant 0 : i32
        %dma_start3A_211 = tpu.memref_slice %arg29[%add3A_200, %dma_start3A_210] : memref<10000x128xf32, #tpu.memory_space<vmem_shared>> -> memref<128x128xf32, #tpu.memory_space<vmem_shared>>
        %dma_start3A_212 = arith.constant 0 : i32
        %dma_start3A_213 = arith.constant 0 : i32
        %dma_start3A_214 = tpu.memref_slice %arg17[%dma_start3A_212, %dma_start3A_213] : memref<128x128xf32, #tpu.memory_space<vmem>> -> memref<128x128xf32, #tpu.memory_space<vmem>>
        tpu.enqueue_dma source(%dma_start3A_214 : memref<128x128xf32, #tpu.memory_space<vmem>>) target(%dma_start3A_211 : memref<128x128xf32, #tpu.memory_space<vmem_shared>>) target_semaphore(%run_scoped3A : memref<!tpu.dma_semaphore, #tpu.memory_space<semaphore_mem>>)
        %dma_wait3A_215 = arith.constant 0 : i32
        %dma_wait3A_216 = arith.constant 0 : i32
        %dma_wait3A_217 = tpu.memref_slice %arg17[%dma_wait3A_215, %dma_wait3A_216] : memref<128x128xf32, #tpu.memory_space<vmem>> -> memref<128x128xf32, #tpu.memory_space<vmem>>
        %dma_wait3A_218 = arith.constant 0 : i32
        %dma_wait3A_219 = tpu.memref_slice %arg29[%add3A_200, %dma_wait3A_218] : memref<10000x128xf32, #tpu.memory_space<vmem_shared>> -> memref<128x128xf32, #tpu.memory_space<vmem_shared>>
        %dma_wait3A_220 = arith.constant 0 : i32
        %dma_wait3A_221 = tpu.memref_slice %arg29[%add3A_200, %dma_wait3A_220] : memref<10000x128xf32, #tpu.memory_space<vmem_shared>> -> memref<128x128xf32, #tpu.memory_space<vmem_shared>>
        %dma_wait3A_222 = arith.constant 0 : i32
        %dma_wait3A_223 = arith.constant 0 : i32
        %dma_wait3A_224 = tpu.memref_slice %arg17[%dma_wait3A_222, %dma_wait3A_223] : memref<128x128xf32, #tpu.memory_space<vmem>> -> memref<128x128xf32, #tpu.memory_space<vmem>>
        tpu.wait_dma2 semaphore(%run_scoped3A : memref<!tpu.dma_semaphore, #tpu.memory_space<semaphore_mem>>) src(%dma_wait3A_224 : memref<128x128xf32, #tpu.memory_space<vmem>>) dst(%dma_wait3A_221 : memref<128x128xf32, #tpu.memory_space<vmem_shared>>)
        tpu.yield
      }) : () -> ()
      %add3A_201 = arith.constant 256 : i32
      %add3A_202 = arith.addi %mul3A_9, %add3A_201 : i32
      "tpu.region"() ({
        %run_scoped3A = tpu.sem_alloc : memref<!tpu.dma_semaphore, #tpu.memory_space<semaphore_mem>>
        %dma_start3A_205 = arith.constant 0 : i32
        %dma_start3A_206 = arith.constant 0 : i32
        %dma_start3A_207 = tpu.memref_slice %arg17[%dma_start3A_205, %dma_start3A_206] : memref<128x128xf32, #tpu.memory_space<vmem>> -> memref<128x128xf32, #tpu.memory_space<vmem>>
        %dma_start3A_208 = arith.constant 0 : i32
        %dma_start3A_209 = tpu.memref_slice %arg29[%add3A_202, %dma_start3A_208] : memref<10000x128xf32, #tpu.memory_space<vmem_shared>> -> memref<128x128xf32, #tpu.memory_space<vmem_shared>>
        %dma_start3A_210 = arith.constant 0 : i32
        %dma_start3A_211 = tpu.memref_slice %arg29[%add3A_202, %dma_start3A_210] : memref<10000x128xf32, #tpu.memory_space<vmem_shared>> -> memref<128x128xf32, #tpu.memory_space<vmem_shared>>
        %dma_start3A_212 = arith.constant 0 : i32
        %dma_start3A_213 = arith.constant 0 : i32
        %dma_start3A_214 = tpu.memref_slice %arg17[%dma_start3A_212, %dma_start3A_213] : memref<128x128xf32, #tpu.memory_space<vmem>> -> memref<128x128xf32, #tpu.memory_space<vmem>>
        tpu.enqueue_dma source(%dma_start3A_214 : memref<128x128xf32, #tpu.memory_space<vmem>>) target(%dma_start3A_211 : memref<128x128xf32, #tpu.memory_space<vmem_shared>>) target_semaphore(%run_scoped3A : memref<!tpu.dma_semaphore, #tpu.memory_space<semaphore_mem>>)
        %dma_wait3A_215 = arith.constant 0 : i32
        %dma_wait3A_216 = arith.constant 0 : i32
        %dma_wait3A_217 = tpu.memref_slice %arg17[%dma_wait3A_215, %dma_wait3A_216] : memref<128x128xf32, #tpu.memory_space<vmem>> -> memref<128x128xf32, #tpu.memory_space<vmem>>
        %dma_wait3A_218 = arith.constant 0 : i32
        %dma_wait3A_219 = tpu.memref_slice %arg29[%add3A_202, %dma_wait3A_218] : memref<10000x128xf32, #tpu.memory_space<vmem_shared>> -> memref<128x128xf32, #tpu.memory_space<vmem_shared>>
        %dma_wait3A_220 = arith.constant 0 : i32
        %dma_wait3A_221 = tpu.memref_slice %arg29[%add3A_202, %dma_wait3A_220] : memref<10000x128xf32, #tpu.memory_space<vmem_shared>> -> memref<128x128xf32, #tpu.memory_space<vmem_shared>>
        %dma_wait3A_222 = arith.constant 0 : i32
        %dma_wait3A_223 = arith.constant 0 : i32
        %dma_wait3A_224 = tpu.memref_slice %arg17[%dma_wait3A_222, %dma_wait3A_223] : memref<128x128xf32, #tpu.memory_space<vmem>> -> memref<128x128xf32, #tpu.memory_space<vmem>>
        tpu.wait_dma2 semaphore(%run_scoped3A : memref<!tpu.dma_semaphore, #tpu.memory_space<semaphore_mem>>) src(%dma_wait3A_224 : memref<128x128xf32, #tpu.memory_space<vmem>>) dst(%dma_wait3A_221 : memref<128x128xf32, #tpu.memory_space<vmem_shared>>)
        tpu.yield
      }) : () -> ()
      %add3A_203 = arith.constant 384 : i32
      %add3A_204 = arith.addi %mul3A_9, %add3A_203 : i32
      "tpu.region"() ({
        %run_scoped3A = tpu.sem_alloc : memref<!tpu.dma_semaphore, #tpu.memory_space<semaphore_mem>>
        %dma_start3A_205 = arith.constant 0 : i32
        %dma_start3A_206 = arith.constant 0 : i32
        %dma_start3A_207 = tpu.memref_slice %arg17[%dma_start3A_205, %dma_start3A_206] : memref<128x128xf32, #tpu.memory_space<vmem>> -> memref<16x128xf32, #tpu.memory_space<vmem>>
        %dma_start3A_208 = arith.constant 0 : i32
        %dma_start3A_209 = tpu.memref_slice %arg29[%add3A_204, %dma_start3A_208] : memref<10000x128xf32, #tpu.memory_space<vmem_shared>> -> memref<16x128xf32, #tpu.memory_space<vmem_shared>>
        %dma_start3A_210 = arith.constant 0 : i32
        %dma_start3A_211 = tpu.memref_slice %arg29[%add3A_204, %dma_start3A_210] : memref<10000x128xf32, #tpu.memory_space<vmem_shared>> -> memref<16x128xf32, #tpu.memory_space<vmem_shared>>
        %dma_start3A_212 = arith.constant 0 : i32
        %dma_start3A_213 = arith.constant 0 : i32
        %dma_start3A_214 = tpu.memref_slice %arg17[%dma_start3A_212, %dma_start3A_213] : memref<128x128xf32, #tpu.memory_space<vmem>> -> memref<16x128xf32, #tpu.memory_space<vmem>>
        tpu.enqueue_dma source(%dma_start3A_214 : memref<16x128xf32, #tpu.memory_space<vmem>>) target(%dma_start3A_211 : memref<16x128xf32, #tpu.memory_space<vmem_shared>>) target_semaphore(%run_scoped3A : memref<!tpu.dma_semaphore, #tpu.memory_space<semaphore_mem>>)
        %dma_wait3A_215 = arith.constant 0 : i32
        %dma_wait3A_216 = arith.constant 0 : i32
        %dma_wait3A_217 = tpu.memref_slice %arg17[%dma_wait3A_215, %dma_wait3A_216] : memref<128x128xf32, #tpu.memory_space<vmem>> -> memref<16x128xf32, #tpu.memory_space<vmem>>
        %dma_wait3A_218 = arith.constant 0 : i32
        %dma_wait3A_219 = tpu.memref_slice %arg29[%add3A_204, %dma_wait3A_218] : memref<10000x128xf32, #tpu.memory_space<vmem_shared>> -> memref<16x128xf32, #tpu.memory_space<vmem_shared>>
        %dma_wait3A_220 = arith.constant 0 : i32
        %dma_wait3A_221 = tpu.memref_slice %arg29[%add3A_204, %dma_wait3A_220] : memref<10000x128xf32, #tpu.memory_space<vmem_shared>> -> memref<16x128xf32, #tpu.memory_space<vmem_shared>>
        %dma_wait3A_222 = arith.constant 0 : i32
        %dma_wait3A_223 = arith.constant 0 : i32
        %dma_wait3A_224 = tpu.memref_slice %arg17[%dma_wait3A_222, %dma_wait3A_223] : memref<128x128xf32, #tpu.memory_space<vmem>> -> memref<16x128xf32, #tpu.memory_space<vmem>>
        tpu.wait_dma2 semaphore(%run_scoped3A : memref<!tpu.dma_semaphore, #tpu.memory_space<semaphore_mem>>) src(%dma_wait3A_224 : memref<16x128xf32, #tpu.memory_space<vmem>>) dst(%dma_wait3A_221 : memref<16x128xf32, #tpu.memory_space<vmem_shared>>)
        tpu.yield
      }) : () -> ()
    } else {
    }
    %add3A_39 = arith.constant 0 : i32
    %add3A_40 = arith.addi %mul3A_2, %add3A_39 : i32
    %dma_wait3A = tpu.memref_slice %arg3[%add3A_40] : memref<320000xi32, #tpu.memory_space<hbm>> -> memref<128xi32, #tpu.memory_space<hbm>>
    %dma_wait3A_41 = tpu.memref_slice %arg3[%add3A_40] : memref<320000xi32, #tpu.memory_space<hbm>> -> memref<128xi32, #tpu.memory_space<hbm>>
    tpu.wait_dma2 semaphore(%arg23 : memref<!tpu.dma_semaphore, #tpu.memory_space<semaphore_mem>>) src(%dma_wait3A_41 : memref<128xi32, #tpu.memory_space<hbm>>) dst(%arg6 : memref<128xi32, #tpu.memory_space<vmem>>)
    %dma_wait3A_42 = tpu.memref_slice %arg4[%add3A_40] : memref<320000xi32, #tpu.memory_space<hbm>> -> memref<128xi32, #tpu.memory_space<hbm>>
    %dma_wait3A_43 = tpu.memref_slice %arg4[%add3A_40] : memref<320000xi32, #tpu.memory_space<hbm>> -> memref<128xi32, #tpu.memory_space<hbm>>
    tpu.wait_dma2 semaphore(%arg23 : memref<!tpu.dma_semaphore, #tpu.memory_space<semaphore_mem>>) src(%dma_wait3A_43 : memref<128xi32, #tpu.memory_space<hbm>>) dst(%arg9 : memref<128xi32, #tpu.memory_space<vmem>>)
    %dma_start3A_44 = arith.constant 0 : i32
    %dma_start3A_45 = arith.constant 0 : i32
    %dma_start3A_46 = tpu.memref_slice %arg2[%dma_start3A_44, %dma_start3A_45] : memref<10000x128xf32, #tpu.memory_space<hbm>> -> memref<10000x128xf32, #tpu.memory_space<hbm>>
    tpu.enqueue_indirect_dma source(%dma_start3A_46 : memref<10000x128xf32, #tpu.memory_space<hbm>>) target(%arg15 : memref<128x128xf32, #tpu.memory_space<vmem>>) offsets(%arg6 : memref<128xi32, #tpu.memory_space<vmem>>) semaphore(%arg20 : memref<!tpu.dma_semaphore, #tpu.memory_space<semaphore_mem>>)
    %add3A_47 = arith.constant 128 : i32
    %add3A_48 = arith.addi %mul3A_2, %add3A_47 : i32
    %dma_wait3A_49 = tpu.memref_slice %arg3[%add3A_48] : memref<320000xi32, #tpu.memory_space<hbm>> -> memref<128xi32, #tpu.memory_space<hbm>>
    %dma_wait3A_50 = tpu.memref_slice %arg3[%add3A_48] : memref<320000xi32, #tpu.memory_space<hbm>> -> memref<128xi32, #tpu.memory_space<hbm>>
    tpu.wait_dma2 semaphore(%arg24 : memref<!tpu.dma_semaphore, #tpu.memory_space<semaphore_mem>>) src(%dma_wait3A_50 : memref<128xi32, #tpu.memory_space<hbm>>) dst(%arg7 : memref<128xi32, #tpu.memory_space<vmem>>)
    %dma_wait3A_51 = tpu.memref_slice %arg4[%add3A_48] : memref<320000xi32, #tpu.memory_space<hbm>> -> memref<128xi32, #tpu.memory_space<hbm>>
    %dma_wait3A_52 = tpu.memref_slice %arg4[%add3A_48] : memref<320000xi32, #tpu.memory_space<hbm>> -> memref<128xi32, #tpu.memory_space<hbm>>
    tpu.wait_dma2 semaphore(%arg24 : memref<!tpu.dma_semaphore, #tpu.memory_space<semaphore_mem>>) src(%dma_wait3A_52 : memref<128xi32, #tpu.memory_space<hbm>>) dst(%arg10 : memref<128xi32, #tpu.memory_space<vmem>>)
    %dma_start3A_53 = arith.constant 0 : i32
    %dma_start3A_54 = arith.constant 0 : i32
    %dma_start3A_55 = tpu.memref_slice %arg2[%dma_start3A_53, %dma_start3A_54] : memref<10000x128xf32, #tpu.memory_space<hbm>> -> memref<10000x128xf32, #tpu.memory_space<hbm>>
    tpu.enqueue_indirect_dma source(%dma_start3A_55 : memref<10000x128xf32, #tpu.memory_space<hbm>>) target(%arg16 : memref<128x128xf32, #tpu.memory_space<vmem>>) offsets(%arg7 : memref<128xi32, #tpu.memory_space<vmem>>) semaphore(%arg21 : memref<!tpu.dma_semaphore, #tpu.memory_space<semaphore_mem>>)
    %barrier3A = arith.constant 0 : index
    tpu.barrier barrier_id(%barrier3A)
    %dma_wait3A_56 = arith.constant 0 : i32
    %dma_wait3A_57 = arith.constant 0 : i32
    %dma_wait3A_58 = tpu.memref_slice %arg2[%dma_wait3A_56, %dma_wait3A_57] : memref<10000x128xf32, #tpu.memory_space<hbm>> -> memref<10000x128xf32, #tpu.memory_space<hbm>>
    tpu.wait_indirect_dma semaphore(%arg20 : memref<!tpu.dma_semaphore, #tpu.memory_space<semaphore_mem>>) src(%dma_wait3A_58 : memref<10000x128xf32, #tpu.memory_space<hbm>>) dst(%arg15 : memref<128x128xf32, #tpu.memory_space<vmem>>)
    %dma_start3A_59 = arith.constant 0 : i32
    %dma_start3A_60 = arith.constant 0 : i32
    %dma_start3A_61 = tpu.memref_slice %arg29[%dma_start3A_59, %dma_start3A_60] : memref<10000x128xf32, #tpu.memory_space<vmem_shared>> -> memref<10000x128xf32, #tpu.memory_space<vmem_shared>>
    tpu.enqueue_indirect_dma source(%arg15 : memref<128x128xf32, #tpu.memory_space<vmem>>) target(%dma_start3A_61 : memref<10000x128xf32, #tpu.memory_space<vmem_shared>>) offsets(%arg9 : memref<128xi32, #tpu.memory_space<vmem>>) semaphore(%arg26 : memref<!tpu.dma_semaphore, #tpu.memory_space<semaphore_mem>>) {add = true}
    %add3A_62 = arith.constant 384 : i32
    %add3A_63 = arith.addi %mul3A_2, %add3A_62 : i32
    %dma_start3A_64 = tpu.memref_slice %arg3[%add3A_63] : memref<320000xi32, #tpu.memory_space<hbm>> -> memref<128xi32, #tpu.memory_space<hbm>>
    %dma_start3A_65 = tpu.memref_slice %arg3[%add3A_63] : memref<320000xi32, #tpu.memory_space<hbm>> -> memref<128xi32, #tpu.memory_space<hbm>>
    tpu.enqueue_dma source(%dma_start3A_65 : memref<128xi32, #tpu.memory_space<hbm>>) target(%arg6 : memref<128xi32, #tpu.memory_space<vmem>>) target_semaphore(%arg23 : memref<!tpu.dma_semaphore, #tpu.memory_space<semaphore_mem>>)
    %dma_start3A_66 = tpu.memref_slice %arg4[%add3A_63] : memref<320000xi32, #tpu.memory_space<hbm>> -> memref<128xi32, #tpu.memory_space<hbm>>
    %dma_start3A_67 = tpu.memref_slice %arg4[%add3A_63] : memref<320000xi32, #tpu.memory_space<hbm>> -> memref<128xi32, #tpu.memory_space<hbm>>
    tpu.enqueue_dma source(%dma_start3A_67 : memref<128xi32, #tpu.memory_space<hbm>>) target(%arg12 : memref<128xi32, #tpu.memory_space<vmem>>) target_semaphore(%arg23 : memref<!tpu.dma_semaphore, #tpu.memory_space<semaphore_mem>>)
    %add3A_68 = arith.constant 256 : i32
    %add3A_69 = arith.addi %mul3A_2, %add3A_68 : i32
    %dma_wait3A_70 = tpu.memref_slice %arg3[%add3A_69] : memref<320000xi32, #tpu.memory_space<hbm>> -> memref<128xi32, #tpu.memory_space<hbm>>
    %dma_wait3A_71 = tpu.memref_slice %arg3[%add3A_69] : memref<320000xi32, #tpu.memory_space<hbm>> -> memref<128xi32, #tpu.memory_space<hbm>>
    tpu.wait_dma2 semaphore(%arg25 : memref<!tpu.dma_semaphore, #tpu.memory_space<semaphore_mem>>) src(%dma_wait3A_71 : memref<128xi32, #tpu.memory_space<hbm>>) dst(%arg8 : memref<128xi32, #tpu.memory_space<vmem>>)
    %dma_wait3A_72 = tpu.memref_slice %arg4[%add3A_69] : memref<320000xi32, #tpu.memory_space<hbm>> -> memref<128xi32, #tpu.memory_space<hbm>>
    %dma_wait3A_73 = tpu.memref_slice %arg4[%add3A_69] : memref<320000xi32, #tpu.memory_space<hbm>> -> memref<128xi32, #tpu.memory_space<hbm>>
    tpu.wait_dma2 semaphore(%arg25 : memref<!tpu.dma_semaphore, #tpu.memory_space<semaphore_mem>>) src(%dma_wait3A_73 : memref<128xi32, #tpu.memory_space<hbm>>) dst(%arg11 : memref<128xi32, #tpu.memory_space<vmem>>)
    %dma_start3A_74 = arith.constant 0 : i32
    %dma_start3A_75 = arith.constant 0 : i32
    %dma_start3A_76 = tpu.memref_slice %arg2[%dma_start3A_74, %dma_start3A_75] : memref<10000x128xf32, #tpu.memory_space<hbm>> -> memref<10000x128xf32, #tpu.memory_space<hbm>>
    tpu.enqueue_indirect_dma source(%dma_start3A_76 : memref<10000x128xf32, #tpu.memory_space<hbm>>) target(%arg17 : memref<128x128xf32, #tpu.memory_space<vmem>>) offsets(%arg8 : memref<128xi32, #tpu.memory_space<vmem>>) semaphore(%arg22 : memref<!tpu.dma_semaphore, #tpu.memory_space<semaphore_mem>>)
    %dma_wait3A_77 = arith.constant 0 : i32
    %dma_wait3A_78 = arith.constant 0 : i32
    %dma_wait3A_79 = tpu.memref_slice %arg2[%dma_wait3A_77, %dma_wait3A_78] : memref<10000x128xf32, #tpu.memory_space<hbm>> -> memref<10000x128xf32, #tpu.memory_space<hbm>>
    tpu.wait_indirect_dma semaphore(%arg21 : memref<!tpu.dma_semaphore, #tpu.memory_space<semaphore_mem>>) src(%dma_wait3A_79 : memref<10000x128xf32, #tpu.memory_space<hbm>>) dst(%arg16 : memref<128x128xf32, #tpu.memory_space<vmem>>)
    %dma_start3A_80 = arith.constant 0 : i32
    %dma_start3A_81 = arith.constant 0 : i32
    %dma_start3A_82 = tpu.memref_slice %arg29[%dma_start3A_80, %dma_start3A_81] : memref<10000x128xf32, #tpu.memory_space<vmem_shared>> -> memref<10000x128xf32, #tpu.memory_space<vmem_shared>>
    tpu.enqueue_indirect_dma source(%arg16 : memref<128x128xf32, #tpu.memory_space<vmem>>) target(%dma_start3A_82 : memref<10000x128xf32, #tpu.memory_space<vmem_shared>>) offsets(%arg10 : memref<128xi32, #tpu.memory_space<vmem>>) semaphore(%arg27 : memref<!tpu.dma_semaphore, #tpu.memory_space<semaphore_mem>>) {add = true}
    %add3A_83 = arith.constant 512 : i32
    %add3A_84 = arith.addi %mul3A_2, %add3A_83 : i32
    %dma_start3A_85 = tpu.memref_slice %arg3[%add3A_84] : memref<320000xi32, #tpu.memory_space<hbm>> -> memref<128xi32, #tpu.memory_space<hbm>>
    %dma_start3A_86 = tpu.memref_slice %arg3[%add3A_84] : memref<320000xi32, #tpu.memory_space<hbm>> -> memref<128xi32, #tpu.memory_space<hbm>>
    tpu.enqueue_dma source(%dma_start3A_86 : memref<128xi32, #tpu.memory_space<hbm>>) target(%arg7 : memref<128xi32, #tpu.memory_space<vmem>>) target_semaphore(%arg24 : memref<!tpu.dma_semaphore, #tpu.memory_space<semaphore_mem>>)
    %dma_start3A_87 = tpu.memref_slice %arg4[%add3A_84] : memref<320000xi32, #tpu.memory_space<hbm>> -> memref<128xi32, #tpu.memory_space<hbm>>
    %dma_start3A_88 = tpu.memref_slice %arg4[%add3A_84] : memref<320000xi32, #tpu.memory_space<hbm>> -> memref<128xi32, #tpu.memory_space<hbm>>
    tpu.enqueue_dma source(%dma_start3A_88 : memref<128xi32, #tpu.memory_space<hbm>>) target(%arg13 : memref<128xi32, #tpu.memory_space<vmem>>) target_semaphore(%arg24 : memref<!tpu.dma_semaphore, #tpu.memory_space<semaphore_mem>>)
    %dma_wait3A_89 = arith.constant 0 : i32
    %dma_wait3A_90 = arith.constant 0 : i32
    %dma_wait3A_91 = tpu.memref_slice %arg29[%dma_wait3A_89, %dma_wait3A_90] : memref<10000x128xf32, #tpu.memory_space<vmem_shared>> -> memref<10000x128xf32, #tpu.memory_space<vmem_shared>>
    tpu.wait_indirect_dma semaphore(%arg26 : memref<!tpu.dma_semaphore, #tpu.memory_space<semaphore_mem>>) src(%arg15 : memref<128x128xf32, #tpu.memory_space<vmem>>) dst(%dma_wait3A_91 : memref<10000x128xf32, #tpu.memory_space<vmem_shared>>)
    %add3A_92 = arith.constant 384 : i32
    %add3A_93 = arith.addi %mul3A_2, %add3A_92 : i32
    %dma_wait3A_94 = tpu.memref_slice %arg3[%add3A_93] : memref<320000xi32, #tpu.memory_space<hbm>> -> memref<128xi32, #tpu.memory_space<hbm>>
    %dma_wait3A_95 = tpu.memref_slice %arg3[%add3A_93] : memref<320000xi32, #tpu.memory_space<hbm>> -> memref<128xi32, #tpu.memory_space<hbm>>
    tpu.wait_dma2 semaphore(%arg23 : memref<!tpu.dma_semaphore, #tpu.memory_space<semaphore_mem>>) src(%dma_wait3A_95 : memref<128xi32, #tpu.memory_space<hbm>>) dst(%arg6 : memref<128xi32, #tpu.memory_space<vmem>>)
    %dma_wait3A_96 = tpu.memref_slice %arg4[%add3A_93] : memref<320000xi32, #tpu.memory_space<hbm>> -> memref<128xi32, #tpu.memory_space<hbm>>
    %dma_wait3A_97 = tpu.memref_slice %arg4[%add3A_93] : memref<320000xi32, #tpu.memory_space<hbm>> -> memref<128xi32, #tpu.memory_space<hbm>>
    tpu.wait_dma2 semaphore(%arg23 : memref<!tpu.dma_semaphore, #tpu.memory_space<semaphore_mem>>) src(%dma_wait3A_97 : memref<128xi32, #tpu.memory_space<hbm>>) dst(%arg12 : memref<128xi32, #tpu.memory_space<vmem>>)
    %dma_start3A_98 = arith.constant 0 : i32
    %dma_start3A_99 = arith.constant 0 : i32
    %dma_start3A_100 = tpu.memref_slice %arg2[%dma_start3A_98, %dma_start3A_99] : memref<10000x128xf32, #tpu.memory_space<hbm>> -> memref<10000x128xf32, #tpu.memory_space<hbm>>
    tpu.enqueue_indirect_dma source(%dma_start3A_100 : memref<10000x128xf32, #tpu.memory_space<hbm>>) target(%arg15 : memref<128x128xf32, #tpu.memory_space<vmem>>) offsets(%arg6 : memref<128xi32, #tpu.memory_space<vmem>>) semaphore(%arg20 : memref<!tpu.dma_semaphore, #tpu.memory_space<semaphore_mem>>)
    %scan3A_101 = arith.constant 0 : i32
    %scan3A_102 = arith.constant 0 : i32
    %scan3A_103 = arith.constant 12 : i32
    %scan3A_104 = arith.addi %scan3A_102, %scan3A_103 : i32
    %scan3A_105 = arith.constant 1 : i32
    scf.for %scan3A_197 = %scan3A_102 to %scan3A_104 step %scan3A_105  : i32 {
      %mul3A_198 = arith.constant 6 : i32
      %mul3A_199 = arith.muli %mul3A_198, %scan3A_197 : i32
      %add3A_200 = arith.constant 2 : i32
      %add3A_201 = arith.addi %mul3A_199, %add3A_200 : i32
      %add3A_202 = arith.constant 0 : i32
      %add3A_203 = arith.addi %add3A_201, %add3A_202 : i32
      %dma_wait3A_204 = arith.constant 0 : i32
      %dma_wait3A_205 = arith.constant 0 : i32
      %dma_wait3A_206 = tpu.memref_slice %arg2[%dma_wait3A_204, %dma_wait3A_205] : memref<10000x128xf32, #tpu.memory_space<hbm>> -> memref<10000x128xf32, #tpu.memory_space<hbm>>
      tpu.wait_indirect_dma semaphore(%arg22 : memref<!tpu.dma_semaphore, #tpu.memory_space<semaphore_mem>>) src(%dma_wait3A_206 : memref<10000x128xf32, #tpu.memory_space<hbm>>) dst(%arg17 : memref<128x128xf32, #tpu.memory_space<vmem>>)
      %dma_start3A_207 = arith.constant 0 : i32
      %dma_start3A_208 = arith.constant 0 : i32
      %dma_start3A_209 = tpu.memref_slice %arg29[%dma_start3A_207, %dma_start3A_208] : memref<10000x128xf32, #tpu.memory_space<vmem_shared>> -> memref<10000x128xf32, #tpu.memory_space<vmem_shared>>
      tpu.enqueue_indirect_dma source(%arg17 : memref<128x128xf32, #tpu.memory_space<vmem>>) target(%dma_start3A_209 : memref<10000x128xf32, #tpu.memory_space<vmem_shared>>) offsets(%arg11 : memref<128xi32, #tpu.memory_space<vmem>>) semaphore(%arg26 : memref<!tpu.dma_semaphore, #tpu.memory_space<semaphore_mem>>) {add = true}
      %add3A_210 = arith.constant 3 : i32
      %add3A_211 = arith.addi %add3A_203, %add3A_210 : i32
      %mul3A_212 = arith.constant 128 : i32
      %mul3A_213 = arith.muli %add3A_211, %mul3A_212 : i32
      %add3A_214 = arith.addi %mul3A_2, %mul3A_213 : i32
      %dma_start3A_215 = tpu.memref_slice %arg3[%add3A_214] : memref<320000xi32, #tpu.memory_space<hbm>> -> memref<128xi32, #tpu.memory_space<hbm>>
      %dma_start3A_216 = tpu.memref_slice %arg3[%add3A_214] : memref<320000xi32, #tpu.memory_space<hbm>> -> memref<128xi32, #tpu.memory_space<hbm>>
      tpu.enqueue_dma source(%dma_start3A_216 : memref<128xi32, #tpu.memory_space<hbm>>) target(%arg8 : memref<128xi32, #tpu.memory_space<vmem>>) target_semaphore(%arg25 : memref<!tpu.dma_semaphore, #tpu.memory_space<semaphore_mem>>)
      %dma_start3A_217 = tpu.memref_slice %arg4[%add3A_214] : memref<320000xi32, #tpu.memory_space<hbm>> -> memref<128xi32, #tpu.memory_space<hbm>>
      %dma_start3A_218 = tpu.memref_slice %arg4[%add3A_214] : memref<320000xi32, #tpu.memory_space<hbm>> -> memref<128xi32, #tpu.memory_space<hbm>>
      tpu.enqueue_dma source(%dma_start3A_218 : memref<128xi32, #tpu.memory_space<hbm>>) target(%arg14 : memref<128xi32, #tpu.memory_space<vmem>>) target_semaphore(%arg25 : memref<!tpu.dma_semaphore, #tpu.memory_space<semaphore_mem>>)
      %dma_wait3A_219 = arith.constant 0 : i32
      %dma_wait3A_220 = arith.constant 0 : i32
      %dma_wait3A_221 = tpu.memref_slice %arg29[%dma_wait3A_219, %dma_wait3A_220] : memref<10000x128xf32, #tpu.memory_space<vmem_shared>> -> memref<10000x128xf32, #tpu.memory_space<vmem_shared>>
      tpu.wait_indirect_dma semaphore(%arg27 : memref<!tpu.dma_semaphore, #tpu.memory_space<semaphore_mem>>) src(%arg16 : memref<128x128xf32, #tpu.memory_space<vmem>>) dst(%dma_wait3A_221 : memref<10000x128xf32, #tpu.memory_space<vmem_shared>>)
      %add3A_222 = arith.constant 2 : i32
      %add3A_223 = arith.addi %add3A_203, %add3A_222 : i32
      %mul3A_224 = arith.constant 128 : i32
      %mul3A_225 = arith.muli %add3A_223, %mul3A_224 : i32
      %add3A_226 = arith.addi %mul3A_2, %mul3A_225 : i32
      %dma_wait3A_227 = tpu.memref_slice %arg3[%add3A_226] : memref<320000xi32, #tpu.memory_space<hbm>> -> memref<128xi32, #tpu.memory_space<hbm>>
      %dma_wait3A_228 = tpu.memref_slice %arg3[%add3A_226] : memref<320000xi32, #tpu.memory_space<hbm>> -> memref<128xi32, #tpu.memory_space<hbm>>
      tpu.wait_dma2 semaphore(%arg24 : memref<!tpu.dma_semaphore, #tpu.memory_space<semaphore_mem>>) src(%dma_wait3A_228 : memref<128xi32, #tpu.memory_space<hbm>>) dst(%arg7 : memref<128xi32, #tpu.memory_space<vmem>>)
      %dma_wait3A_229 = tpu.memref_slice %arg4[%add3A_226] : memref<320000xi32, #tpu.memory_space<hbm>> -> memref<128xi32, #tpu.memory_space<hbm>>
      %dma_wait3A_230 = tpu.memref_slice %arg4[%add3A_226] : memref<320000xi32, #tpu.memory_space<hbm>> -> memref<128xi32, #tpu.memory_space<hbm>>
      tpu.wait_dma2 semaphore(%arg24 : memref<!tpu.dma_semaphore, #tpu.memory_space<semaphore_mem>>) src(%dma_wait3A_230 : memref<128xi32, #tpu.memory_space<hbm>>) dst(%arg13 : memref<128xi32, #tpu.memory_space<vmem>>)
      %dma_start3A_231 = arith.constant 0 : i32
      %dma_start3A_232 = arith.constant 0 : i32
      %dma_start3A_233 = tpu.memref_slice %arg2[%dma_start3A_231, %dma_start3A_232] : memref<10000x128xf32, #tpu.memory_space<hbm>> -> memref<10000x128xf32, #tpu.memory_space<hbm>>
      tpu.enqueue_indirect_dma source(%dma_start3A_233 : memref<10000x128xf32, #tpu.memory_space<hbm>>) target(%arg16 : memref<128x128xf32, #tpu.memory_space<vmem>>) offsets(%arg7 : memref<128xi32, #tpu.memory_space<vmem>>) semaphore(%arg21 : memref<!tpu.dma_semaphore, #tpu.memory_space<semaphore_mem>>)
      %add3A_234 = arith.constant 1 : i32
      %add3A_235 = arith.addi %add3A_201, %add3A_234 : i32
      %dma_wait3A_236 = arith.constant 0 : i32
      %dma_wait3A_237 = arith.constant 0 : i32
      %dma_wait3A_238 = tpu.memref_slice %arg2[%dma_wait3A_236, %dma_wait3A_237] : memref<10000x128xf32, #tpu.memory_space<hbm>> -> memref<10000x128xf32, #tpu.memory_space<hbm>>
      tpu.wait_indirect_dma semaphore(%arg20 : memref<!tpu.dma_semaphore, #tpu.memory_space<semaphore_mem>>) src(%dma_wait3A_238 : memref<10000x128xf32, #tpu.memory_space<hbm>>) dst(%arg15 : memref<128x128xf32, #tpu.memory_space<vmem>>)
      %dma_start3A_239 = arith.constant 0 : i32
      %dma_start3A_240 = arith.constant 0 : i32
      %dma_start3A_241 = tpu.memref_slice %arg29[%dma_start3A_239, %dma_start3A_240] : memref<10000x128xf32, #tpu.memory_space<vmem_shared>> -> memref<10000x128xf32, #tpu.memory_space<vmem_shared>>
      tpu.enqueue_indirect_dma source(%arg15 : memref<128x128xf32, #tpu.memory_space<vmem>>) target(%dma_start3A_241 : memref<10000x128xf32, #tpu.memory_space<vmem_shared>>) offsets(%arg12 : memref<128xi32, #tpu.memory_space<vmem>>) semaphore(%arg27 : memref<!tpu.dma_semaphore, #tpu.memory_space<semaphore_mem>>) {add = true}
      %add3A_242 = arith.constant 3 : i32
      %add3A_243 = arith.addi %add3A_235, %add3A_242 : i32
      %mul3A_244 = arith.constant 128 : i32
      %mul3A_245 = arith.muli %add3A_243, %mul3A_244 : i32
      %add3A_246 = arith.addi %mul3A_2, %mul3A_245 : i32
      %dma_start3A_247 = tpu.memref_slice %arg3[%add3A_246] : memref<320000xi32, #tpu.memory_space<hbm>> -> memref<128xi32, #tpu.memory_space<hbm>>
      %dma_start3A_248 = tpu.memref_slice %arg3[%add3A_246] : memref<320000xi32, #tpu.memory_space<hbm>> -> memref<128xi32, #tpu.memory_space<hbm>>
      tpu.enqueue_dma source(%dma_start3A_248 : memref<128xi32, #tpu.memory_space<hbm>>) target(%arg6 : memref<128xi32, #tpu.memory_space<vmem>>) target_semaphore(%arg23 : memref<!tpu.dma_semaphore, #tpu.memory_space<semaphore_mem>>)
      %dma_start3A_249 = tpu.memref_slice %arg4[%add3A_246] : memref<320000xi32, #tpu.memory_space<hbm>> -> memref<128xi32, #tpu.memory_space<hbm>>
      %dma_start3A_250 = tpu.memref_slice %arg4[%add3A_246] : memref<320000xi32, #tpu.memory_space<hbm>> -> memref<128xi32, #tpu.memory_space<hbm>>
      tpu.enqueue_dma source(%dma_start3A_250 : memref<128xi32, #tpu.memory_space<hbm>>) target(%arg9 : memref<128xi32, #tpu.memory_space<vmem>>) target_semaphore(%arg23 : memref<!tpu.dma_semaphore, #tpu.memory_space<semaphore_mem>>)
      %dma_wait3A_251 = arith.constant 0 : i32
      %dma_wait3A_252 = arith.constant 0 : i32
      %dma_wait3A_253 = tpu.memref_slice %arg29[%dma_wait3A_251, %dma_wait3A_252] : memref<10000x128xf32, #tpu.memory_space<vmem_shared>> -> memref<10000x128xf32, #tpu.memory_space<vmem_shared>>
      tpu.wait_indirect_dma semaphore(%arg26 : memref<!tpu.dma_semaphore, #tpu.memory_space<semaphore_mem>>) src(%arg17 : memref<128x128xf32, #tpu.memory_space<vmem>>) dst(%dma_wait3A_253 : memref<10000x128xf32, #tpu.memory_space<vmem_shared>>)
      %add3A_254 = arith.constant 2 : i32
      %add3A_255 = arith.addi %add3A_235, %add3A_254 : i32
      %mul3A_256 = arith.constant 128 : i32
      %mul3A_257 = arith.muli %add3A_255, %mul3A_256 : i32
      %add3A_258 = arith.addi %mul3A_2, %mul3A_257 : i32
      %dma_wait3A_259 = tpu.memref_slice %arg3[%add3A_258] : memref<320000xi32, #tpu.memory_space<hbm>> -> memref<128xi32, #tpu.memory_space<hbm>>
      %dma_wait3A_260 = tpu.memref_slice %arg3[%add3A_258] : memref<320000xi32, #tpu.memory_space<hbm>> -> memref<128xi32, #tpu.memory_space<hbm>>
      tpu.wait_dma2 semaphore(%arg25 : memref<!tpu.dma_semaphore, #tpu.memory_space<semaphore_mem>>) src(%dma_wait3A_260 : memref<128xi32, #tpu.memory_space<hbm>>) dst(%arg8 : memref<128xi32, #tpu.memory_space<vmem>>)
      %dma_wait3A_261 = tpu.memref_slice %arg4[%add3A_258] : memref<320000xi32, #tpu.memory_space<hbm>> -> memref<128xi32, #tpu.memory_space<hbm>>
      %dma_wait3A_262 = tpu.memref_slice %arg4[%add3A_258] : memref<320000xi32, #tpu.memory_space<hbm>> -> memref<128xi32, #tpu.memory_space<hbm>>
      tpu.wait_dma2 semaphore(%arg25 : memref<!tpu.dma_semaphore, #tpu.memory_space<semaphore_mem>>) src(%dma_wait3A_262 : memref<128xi32, #tpu.memory_space<hbm>>) dst(%arg14 : memref<128xi32, #tpu.memory_space<vmem>>)
      %dma_start3A_263 = arith.constant 0 : i32
      %dma_start3A_264 = arith.constant 0 : i32
      %dma_start3A_265 = tpu.memref_slice %arg2[%dma_start3A_263, %dma_start3A_264] : memref<10000x128xf32, #tpu.memory_space<hbm>> -> memref<10000x128xf32, #tpu.memory_space<hbm>>
      tpu.enqueue_indirect_dma source(%dma_start3A_265 : memref<10000x128xf32, #tpu.memory_space<hbm>>) target(%arg17 : memref<128x128xf32, #tpu.memory_space<vmem>>) offsets(%arg8 : memref<128xi32, #tpu.memory_space<vmem>>) semaphore(%arg22 : memref<!tpu.dma_semaphore, #tpu.memory_space<semaphore_mem>>)
      %add3A_266 = arith.constant 2 : i32
      %add3A_267 = arith.addi %add3A_201, %add3A_266 : i32
      %dma_wait3A_268 = arith.constant 0 : i32
      %dma_wait3A_269 = arith.constant 0 : i32
      %dma_wait3A_270 = tpu.memref_slice %arg2[%dma_wait3A_268, %dma_wait3A_269] : memref<10000x128xf32, #tpu.memory_space<hbm>> -> memref<10000x128xf32, #tpu.memory_space<hbm>>
      tpu.wait_indirect_dma semaphore(%arg21 : memref<!tpu.dma_semaphore, #tpu.memory_space<semaphore_mem>>) src(%dma_wait3A_270 : memref<10000x128xf32, #tpu.memory_space<hbm>>) dst(%arg16 : memref<128x128xf32, #tpu.memory_space<vmem>>)
      %dma_start3A_271 = arith.constant 0 : i32
      %dma_start3A_272 = arith.constant 0 : i32
      %dma_start3A_273 = tpu.memref_slice %arg29[%dma_start3A_271, %dma_start3A_272] : memref<10000x128xf32, #tpu.memory_space<vmem_shared>> -> memref<10000x128xf32, #tpu.memory_space<vmem_shared>>
      tpu.enqueue_indirect_dma source(%arg16 : memref<128x128xf32, #tpu.memory_space<vmem>>) target(%dma_start3A_273 : memref<10000x128xf32, #tpu.memory_space<vmem_shared>>) offsets(%arg13 : memref<128xi32, #tpu.memory_space<vmem>>) semaphore(%arg26 : memref<!tpu.dma_semaphore, #tpu.memory_space<semaphore_mem>>) {add = true}
      %add3A_274 = arith.constant 3 : i32
      %add3A_275 = arith.addi %add3A_267, %add3A_274 : i32
      %mul3A_276 = arith.constant 128 : i32
      %mul3A_277 = arith.muli %add3A_275, %mul3A_276 : i32
      %add3A_278 = arith.addi %mul3A_2, %mul3A_277 : i32
      %dma_start3A_279 = tpu.memref_slice %arg3[%add3A_278] : memref<320000xi32, #tpu.memory_space<hbm>> -> memref<128xi32, #tpu.memory_space<hbm>>
      %dma_start3A_280 = tpu.memref_slice %arg3[%add3A_278] : memref<320000xi32, #tpu.memory_space<hbm>> -> memref<128xi32, #tpu.memory_space<hbm>>
      tpu.enqueue_dma source(%dma_start3A_280 : memref<128xi32, #tpu.memory_space<hbm>>) target(%arg7 : memref<128xi32, #tpu.memory_space<vmem>>) target_semaphore(%arg24 : memref<!tpu.dma_semaphore, #tpu.memory_space<semaphore_mem>>)
      %dma_start3A_281 = tpu.memref_slice %arg4[%add3A_278] : memref<320000xi32, #tpu.memory_space<hbm>> -> memref<128xi32, #tpu.memory_space<hbm>>
      %dma_start3A_282 = tpu.memref_slice %arg4[%add3A_278] : memref<320000xi32, #tpu.memory_space<hbm>> -> memref<128xi32, #tpu.memory_space<hbm>>
      tpu.enqueue_dma source(%dma_start3A_282 : memref<128xi32, #tpu.memory_space<hbm>>) target(%arg10 : memref<128xi32, #tpu.memory_space<vmem>>) target_semaphore(%arg24 : memref<!tpu.dma_semaphore, #tpu.memory_space<semaphore_mem>>)
      %dma_wait3A_283 = arith.constant 0 : i32
      %dma_wait3A_284 = arith.constant 0 : i32
      %dma_wait3A_285 = tpu.memref_slice %arg29[%dma_wait3A_283, %dma_wait3A_284] : memref<10000x128xf32, #tpu.memory_space<vmem_shared>> -> memref<10000x128xf32, #tpu.memory_space<vmem_shared>>
      tpu.wait_indirect_dma semaphore(%arg27 : memref<!tpu.dma_semaphore, #tpu.memory_space<semaphore_mem>>) src(%arg15 : memref<128x128xf32, #tpu.memory_space<vmem>>) dst(%dma_wait3A_285 : memref<10000x128xf32, #tpu.memory_space<vmem_shared>>)
      %add3A_286 = arith.constant 2 : i32
      %add3A_287 = arith.addi %add3A_267, %add3A_286 : i32
      %mul3A_288 = arith.constant 128 : i32
      %mul3A_289 = arith.muli %add3A_287, %mul3A_288 : i32
      %add3A_290 = arith.addi %mul3A_2, %mul3A_289 : i32
      %dma_wait3A_291 = tpu.memref_slice %arg3[%add3A_290] : memref<320000xi32, #tpu.memory_space<hbm>> -> memref<128xi32, #tpu.memory_space<hbm>>
      %dma_wait3A_292 = tpu.memref_slice %arg3[%add3A_290] : memref<320000xi32, #tpu.memory_space<hbm>> -> memref<128xi32, #tpu.memory_space<hbm>>
      tpu.wait_dma2 semaphore(%arg23 : memref<!tpu.dma_semaphore, #tpu.memory_space<semaphore_mem>>) src(%dma_wait3A_292 : memref<128xi32, #tpu.memory_space<hbm>>) dst(%arg6 : memref<128xi32, #tpu.memory_space<vmem>>)
      %dma_wait3A_293 = tpu.memref_slice %arg4[%add3A_290] : memref<320000xi32, #tpu.memory_space<hbm>> -> memref<128xi32, #tpu.memory_space<hbm>>
      %dma_wait3A_294 = tpu.memref_slice %arg4[%add3A_290] : memref<320000xi32, #tpu.memory_space<hbm>> -> memref<128xi32, #tpu.memory_space<hbm>>
      tpu.wait_dma2 semaphore(%arg23 : memref<!tpu.dma_semaphore, #tpu.memory_space<semaphore_mem>>) src(%dma_wait3A_294 : memref<128xi32, #tpu.memory_space<hbm>>) dst(%arg9 : memref<128xi32, #tpu.memory_space<vmem>>)
      %dma_start3A_295 = arith.constant 0 : i32
      %dma_start3A_296 = arith.constant 0 : i32
      %dma_start3A_297 = tpu.memref_slice %arg2[%dma_start3A_295, %dma_start3A_296] : memref<10000x128xf32, #tpu.memory_space<hbm>> -> memref<10000x128xf32, #tpu.memory_space<hbm>>
      tpu.enqueue_indirect_dma source(%dma_start3A_297 : memref<10000x128xf32, #tpu.memory_space<hbm>>) target(%arg15 : memref<128x128xf32, #tpu.memory_space<vmem>>) offsets(%arg6 : memref<128xi32, #tpu.memory_space<vmem>>) semaphore(%arg20 : memref<!tpu.dma_semaphore, #tpu.memory_space<semaphore_mem>>)
      %add3A_298 = arith.constant 3 : i32
      %add3A_299 = arith.addi %add3A_201, %add3A_298 : i32
      %dma_wait3A_300 = arith.constant 0 : i32
      %dma_wait3A_301 = arith.constant 0 : i32
      %dma_wait3A_302 = tpu.memref_slice %arg2[%dma_wait3A_300, %dma_wait3A_301] : memref<10000x128xf32, #tpu.memory_space<hbm>> -> memref<10000x128xf32, #tpu.memory_space<hbm>>
      tpu.wait_indirect_dma semaphore(%arg22 : memref<!tpu.dma_semaphore, #tpu.memory_space<semaphore_mem>>) src(%dma_wait3A_302 : memref<10000x128xf32, #tpu.memory_space<hbm>>) dst(%arg17 : memref<128x128xf32, #tpu.memory_space<vmem>>)
      %dma_start3A_303 = arith.constant 0 : i32
      %dma_start3A_304 = arith.constant 0 : i32
      %dma_start3A_305 = tpu.memref_slice %arg29[%dma_start3A_303, %dma_start3A_304] : memref<10000x128xf32, #tpu.memory_space<vmem_shared>> -> memref<10000x128xf32, #tpu.memory_space<vmem_shared>>
      tpu.enqueue_indirect_dma source(%arg17 : memref<128x128xf32, #tpu.memory_space<vmem>>) target(%dma_start3A_305 : memref<10000x128xf32, #tpu.memory_space<vmem_shared>>) offsets(%arg14 : memref<128xi32, #tpu.memory_space<vmem>>) semaphore(%arg27 : memref<!tpu.dma_semaphore, #tpu.memory_space<semaphore_mem>>) {add = true}
      %add3A_306 = arith.constant 3 : i32
      %add3A_307 = arith.addi %add3A_299, %add3A_306 : i32
      %mul3A_308 = arith.constant 128 : i32
      %mul3A_309 = arith.muli %add3A_307, %mul3A_308 : i32
      %add3A_310 = arith.addi %mul3A_2, %mul3A_309 : i32
      %dma_start3A_311 = tpu.memref_slice %arg3[%add3A_310] : memref<320000xi32, #tpu.memory_space<hbm>> -> memref<128xi32, #tpu.memory_space<hbm>>
      %dma_start3A_312 = tpu.memref_slice %arg3[%add3A_310] : memref<320000xi32, #tpu.memory_space<hbm>> -> memref<128xi32, #tpu.memory_space<hbm>>
      tpu.enqueue_dma source(%dma_start3A_312 : memref<128xi32, #tpu.memory_space<hbm>>) target(%arg8 : memref<128xi32, #tpu.memory_space<vmem>>) target_semaphore(%arg25 : memref<!tpu.dma_semaphore, #tpu.memory_space<semaphore_mem>>)
      %dma_start3A_313 = tpu.memref_slice %arg4[%add3A_310] : memref<320000xi32, #tpu.memory_space<hbm>> -> memref<128xi32, #tpu.memory_space<hbm>>
      %dma_start3A_314 = tpu.memref_slice %arg4[%add3A_310] : memref<320000xi32, #tpu.memory_space<hbm>> -> memref<128xi32, #tpu.memory_space<hbm>>
      tpu.enqueue_dma source(%dma_start3A_314 : memref<128xi32, #tpu.memory_space<hbm>>) target(%arg11 : memref<128xi32, #tpu.memory_space<vmem>>) target_semaphore(%arg25 : memref<!tpu.dma_semaphore, #tpu.memory_space<semaphore_mem>>)
      %dma_wait3A_315 = arith.constant 0 : i32
      %dma_wait3A_316 = arith.constant 0 : i32
      %dma_wait3A_317 = tpu.memref_slice %arg29[%dma_wait3A_315, %dma_wait3A_316] : memref<10000x128xf32, #tpu.memory_space<vmem_shared>> -> memref<10000x128xf32, #tpu.memory_space<vmem_shared>>
      tpu.wait_indirect_dma semaphore(%arg26 : memref<!tpu.dma_semaphore, #tpu.memory_space<semaphore_mem>>) src(%arg16 : memref<128x128xf32, #tpu.memory_space<vmem>>) dst(%dma_wait3A_317 : memref<10000x128xf32, #tpu.memory_space<vmem_shared>>)
      %add3A_318 = arith.constant 2 : i32
      %add3A_319 = arith.addi %add3A_299, %add3A_318 : i32
      %mul3A_320 = arith.constant 128 : i32
      %mul3A_321 = arith.muli %add3A_319, %mul3A_320 : i32
      %add3A_322 = arith.addi %mul3A_2, %mul3A_321 : i32
      %dma_wait3A_323 = tpu.memref_slice %arg3[%add3A_322] : memref<320000xi32, #tpu.memory_space<hbm>> -> memref<128xi32, #tpu.memory_space<hbm>>
      %dma_wait3A_324 = tpu.memref_slice %arg3[%add3A_322] : memref<320000xi32, #tpu.memory_space<hbm>> -> memref<128xi32, #tpu.memory_space<hbm>>
      tpu.wait_dma2 semaphore(%arg24 : memref<!tpu.dma_semaphore, #tpu.memory_space<semaphore_mem>>) src(%dma_wait3A_324 : memref<128xi32, #tpu.memory_space<hbm>>) dst(%arg7 : memref<128xi32, #tpu.memory_space<vmem>>)
      %dma_wait3A_325 = tpu.memref_slice %arg4[%add3A_322] : memref<320000xi32, #tpu.memory_space<hbm>> -> memref<128xi32, #tpu.memory_space<hbm>>
      %dma_wait3A_326 = tpu.memref_slice %arg4[%add3A_322] : memref<320000xi32, #tpu.memory_space<hbm>> -> memref<128xi32, #tpu.memory_space<hbm>>
      tpu.wait_dma2 semaphore(%arg24 : memref<!tpu.dma_semaphore, #tpu.memory_space<semaphore_mem>>) src(%dma_wait3A_326 : memref<128xi32, #tpu.memory_space<hbm>>) dst(%arg10 : memref<128xi32, #tpu.memory_space<vmem>>)
      %dma_start3A_327 = arith.constant 0 : i32
      %dma_start3A_328 = arith.constant 0 : i32
      %dma_start3A_329 = tpu.memref_slice %arg2[%dma_start3A_327, %dma_start3A_328] : memref<10000x128xf32, #tpu.memory_space<hbm>> -> memref<10000x128xf32, #tpu.memory_space<hbm>>
      tpu.enqueue_indirect_dma source(%dma_start3A_329 : memref<10000x128xf32, #tpu.memory_space<hbm>>) target(%arg16 : memref<128x128xf32, #tpu.memory_space<vmem>>) offsets(%arg7 : memref<128xi32, #tpu.memory_space<vmem>>) semaphore(%arg21 : memref<!tpu.dma_semaphore, #tpu.memory_space<semaphore_mem>>)
      %add3A_330 = arith.constant 4 : i32
      %add3A_331 = arith.addi %add3A_201, %add3A_330 : i32
      %dma_wait3A_332 = arith.constant 0 : i32
      %dma_wait3A_333 = arith.constant 0 : i32
      %dma_wait3A_334 = tpu.memref_slice %arg2[%dma_wait3A_332, %dma_wait3A_333] : memref<10000x128xf32, #tpu.memory_space<hbm>> -> memref<10000x128xf32, #tpu.memory_space<hbm>>
      tpu.wait_indirect_dma semaphore(%arg20 : memref<!tpu.dma_semaphore, #tpu.memory_space<semaphore_mem>>) src(%dma_wait3A_334 : memref<10000x128xf32, #tpu.memory_space<hbm>>) dst(%arg15 : memref<128x128xf32, #tpu.memory_space<vmem>>)
      %dma_start3A_335 = arith.constant 0 : i32
      %dma_start3A_336 = arith.constant 0 : i32
      %dma_start3A_337 = tpu.memref_slice %arg29[%dma_start3A_335, %dma_start3A_336] : memref<10000x128xf32, #tpu.memory_space<vmem_shared>> -> memref<10000x128xf32, #tpu.memory_space<vmem_shared>>
      tpu.enqueue_indirect_dma source(%arg15 : memref<128x128xf32, #tpu.memory_space<vmem>>) target(%dma_start3A_337 : memref<10000x128xf32, #tpu.memory_space<vmem_shared>>) offsets(%arg9 : memref<128xi32, #tpu.memory_space<vmem>>) semaphore(%arg26 : memref<!tpu.dma_semaphore, #tpu.memory_space<semaphore_mem>>) {add = true}
      %add3A_338 = arith.constant 3 : i32
      %add3A_339 = arith.addi %add3A_331, %add3A_338 : i32
      %mul3A_340 = arith.constant 128 : i32
      %mul3A_341 = arith.muli %add3A_339, %mul3A_340 : i32
      %add3A_342 = arith.addi %mul3A_2, %mul3A_341 : i32
      %dma_start3A_343 = tpu.memref_slice %arg3[%add3A_342] : memref<320000xi32, #tpu.memory_space<hbm>> -> memref<128xi32, #tpu.memory_space<hbm>>
      %dma_start3A_344 = tpu.memref_slice %arg3[%add3A_342] : memref<320000xi32, #tpu.memory_space<hbm>> -> memref<128xi32, #tpu.memory_space<hbm>>
      tpu.enqueue_dma source(%dma_start3A_344 : memref<128xi32, #tpu.memory_space<hbm>>) target(%arg6 : memref<128xi32, #tpu.memory_space<vmem>>) target_semaphore(%arg23 : memref<!tpu.dma_semaphore, #tpu.memory_space<semaphore_mem>>)
      %dma_start3A_345 = tpu.memref_slice %arg4[%add3A_342] : memref<320000xi32, #tpu.memory_space<hbm>> -> memref<128xi32, #tpu.memory_space<hbm>>
      %dma_start3A_346 = tpu.memref_slice %arg4[%add3A_342] : memref<320000xi32, #tpu.memory_space<hbm>> -> memref<128xi32, #tpu.memory_space<hbm>>
      tpu.enqueue_dma source(%dma_start3A_346 : memref<128xi32, #tpu.memory_space<hbm>>) target(%arg12 : memref<128xi32, #tpu.memory_space<vmem>>) target_semaphore(%arg23 : memref<!tpu.dma_semaphore, #tpu.memory_space<semaphore_mem>>)
      %dma_wait3A_347 = arith.constant 0 : i32
      %dma_wait3A_348 = arith.constant 0 : i32
      %dma_wait3A_349 = tpu.memref_slice %arg29[%dma_wait3A_347, %dma_wait3A_348] : memref<10000x128xf32, #tpu.memory_space<vmem_shared>> -> memref<10000x128xf32, #tpu.memory_space<vmem_shared>>
      tpu.wait_indirect_dma semaphore(%arg27 : memref<!tpu.dma_semaphore, #tpu.memory_space<semaphore_mem>>) src(%arg17 : memref<128x128xf32, #tpu.memory_space<vmem>>) dst(%dma_wait3A_349 : memref<10000x128xf32, #tpu.memory_space<vmem_shared>>)
      %add3A_350 = arith.constant 2 : i32
      %add3A_351 = arith.addi %add3A_331, %add3A_350 : i32
      %mul3A_352 = arith.constant 128 : i32
      %mul3A_353 = arith.muli %add3A_351, %mul3A_352 : i32
      %add3A_354 = arith.addi %mul3A_2, %mul3A_353 : i32
      %dma_wait3A_355 = tpu.memref_slice %arg3[%add3A_354] : memref<320000xi32, #tpu.memory_space<hbm>> -> memref<128xi32, #tpu.memory_space<hbm>>
      %dma_wait3A_356 = tpu.memref_slice %arg3[%add3A_354] : memref<320000xi32, #tpu.memory_space<hbm>> -> memref<128xi32, #tpu.memory_space<hbm>>
      tpu.wait_dma2 semaphore(%arg25 : memref<!tpu.dma_semaphore, #tpu.memory_space<semaphore_mem>>) src(%dma_wait3A_356 : memref<128xi32, #tpu.memory_space<hbm>>) dst(%arg8 : memref<128xi32, #tpu.memory_space<vmem>>)
      %dma_wait3A_357 = tpu.memref_slice %arg4[%add3A_354] : memref<320000xi32, #tpu.memory_space<hbm>> -> memref<128xi32, #tpu.memory_space<hbm>>
      %dma_wait3A_358 = tpu.memref_slice %arg4[%add3A_354] : memref<320000xi32, #tpu.memory_space<hbm>> -> memref<128xi32, #tpu.memory_space<hbm>>
      tpu.wait_dma2 semaphore(%arg25 : memref<!tpu.dma_semaphore, #tpu.memory_space<semaphore_mem>>) src(%dma_wait3A_358 : memref<128xi32, #tpu.memory_space<hbm>>) dst(%arg11 : memref<128xi32, #tpu.memory_space<vmem>>)
      %dma_start3A_359 = arith.constant 0 : i32
      %dma_start3A_360 = arith.constant 0 : i32
      %dma_start3A_361 = tpu.memref_slice %arg2[%dma_start3A_359, %dma_start3A_360] : memref<10000x128xf32, #tpu.memory_space<hbm>> -> memref<10000x128xf32, #tpu.memory_space<hbm>>
      tpu.enqueue_indirect_dma source(%dma_start3A_361 : memref<10000x128xf32, #tpu.memory_space<hbm>>) target(%arg17 : memref<128x128xf32, #tpu.memory_space<vmem>>) offsets(%arg8 : memref<128xi32, #tpu.memory_space<vmem>>) semaphore(%arg22 : memref<!tpu.dma_semaphore, #tpu.memory_space<semaphore_mem>>)
      %add3A_362 = arith.constant 5 : i32
      %add3A_363 = arith.addi %add3A_201, %add3A_362 : i32
      %dma_wait3A_364 = arith.constant 0 : i32
      %dma_wait3A_365 = arith.constant 0 : i32
      %dma_wait3A_366 = tpu.memref_slice %arg2[%dma_wait3A_364, %dma_wait3A_365] : memref<10000x128xf32, #tpu.memory_space<hbm>> -> memref<10000x128xf32, #tpu.memory_space<hbm>>
      tpu.wait_indirect_dma semaphore(%arg21 : memref<!tpu.dma_semaphore, #tpu.memory_space<semaphore_mem>>) src(%dma_wait3A_366 : memref<10000x128xf32, #tpu.memory_space<hbm>>) dst(%arg16 : memref<128x128xf32, #tpu.memory_space<vmem>>)
      %dma_start3A_367 = arith.constant 0 : i32
      %dma_start3A_368 = arith.constant 0 : i32
      %dma_start3A_369 = tpu.memref_slice %arg29[%dma_start3A_367, %dma_start3A_368] : memref<10000x128xf32, #tpu.memory_space<vmem_shared>> -> memref<10000x128xf32, #tpu.memory_space<vmem_shared>>
      tpu.enqueue_indirect_dma source(%arg16 : memref<128x128xf32, #tpu.memory_space<vmem>>) target(%dma_start3A_369 : memref<10000x128xf32, #tpu.memory_space<vmem_shared>>) offsets(%arg10 : memref<128xi32, #tpu.memory_space<vmem>>) semaphore(%arg27 : memref<!tpu.dma_semaphore, #tpu.memory_space<semaphore_mem>>) {add = true}
      %add3A_370 = arith.constant 3 : i32
      %add3A_371 = arith.addi %add3A_363, %add3A_370 : i32
      %mul3A_372 = arith.constant 128 : i32
      %mul3A_373 = arith.muli %add3A_371, %mul3A_372 : i32
      %add3A_374 = arith.addi %mul3A_2, %mul3A_373 : i32
      %dma_start3A_375 = tpu.memref_slice %arg3[%add3A_374] : memref<320000xi32, #tpu.memory_space<hbm>> -> memref<128xi32, #tpu.memory_space<hbm>>
      %dma_start3A_376 = tpu.memref_slice %arg3[%add3A_374] : memref<320000xi32, #tpu.memory_space<hbm>> -> memref<128xi32, #tpu.memory_space<hbm>>
      tpu.enqueue_dma source(%dma_start3A_376 : memref<128xi32, #tpu.memory_space<hbm>>) target(%arg7 : memref<128xi32, #tpu.memory_space<vmem>>) target_semaphore(%arg24 : memref<!tpu.dma_semaphore, #tpu.memory_space<semaphore_mem>>)
      %dma_start3A_377 = tpu.memref_slice %arg4[%add3A_374] : memref<320000xi32, #tpu.memory_space<hbm>> -> memref<128xi32, #tpu.memory_space<hbm>>
      %dma_start3A_378 = tpu.memref_slice %arg4[%add3A_374] : memref<320000xi32, #tpu.memory_space<hbm>> -> memref<128xi32, #tpu.memory_space<hbm>>
      tpu.enqueue_dma source(%dma_start3A_378 : memref<128xi32, #tpu.memory_space<hbm>>) target(%arg13 : memref<128xi32, #tpu.memory_space<vmem>>) target_semaphore(%arg24 : memref<!tpu.dma_semaphore, #tpu.memory_space<semaphore_mem>>)
      %dma_wait3A_379 = arith.constant 0 : i32
      %dma_wait3A_380 = arith.constant 0 : i32
      %dma_wait3A_381 = tpu.memref_slice %arg29[%dma_wait3A_379, %dma_wait3A_380] : memref<10000x128xf32, #tpu.memory_space<vmem_shared>> -> memref<10000x128xf32, #tpu.memory_space<vmem_shared>>
      tpu.wait_indirect_dma semaphore(%arg26 : memref<!tpu.dma_semaphore, #tpu.memory_space<semaphore_mem>>) src(%arg15 : memref<128x128xf32, #tpu.memory_space<vmem>>) dst(%dma_wait3A_381 : memref<10000x128xf32, #tpu.memory_space<vmem_shared>>)
      %add3A_382 = arith.constant 2 : i32
      %add3A_383 = arith.addi %add3A_363, %add3A_382 : i32
      %mul3A_384 = arith.constant 128 : i32
      %mul3A_385 = arith.muli %add3A_383, %mul3A_384 : i32
      %add3A_386 = arith.addi %mul3A_2, %mul3A_385 : i32
      %dma_wait3A_387 = tpu.memref_slice %arg3[%add3A_386] : memref<320000xi32, #tpu.memory_space<hbm>> -> memref<128xi32, #tpu.memory_space<hbm>>
      %dma_wait3A_388 = tpu.memref_slice %arg3[%add3A_386] : memref<320000xi32, #tpu.memory_space<hbm>> -> memref<128xi32, #tpu.memory_space<hbm>>
      tpu.wait_dma2 semaphore(%arg23 : memref<!tpu.dma_semaphore, #tpu.memory_space<semaphore_mem>>) src(%dma_wait3A_388 : memref<128xi32, #tpu.memory_space<hbm>>) dst(%arg6 : memref<128xi32, #tpu.memory_space<vmem>>)
      %dma_wait3A_389 = tpu.memref_slice %arg4[%add3A_386] : memref<320000xi32, #tpu.memory_space<hbm>> -> memref<128xi32, #tpu.memory_space<hbm>>
      %dma_wait3A_390 = tpu.memref_slice %arg4[%add3A_386] : memref<320000xi32, #tpu.memory_space<hbm>> -> memref<128xi32, #tpu.memory_space<hbm>>
      tpu.wait_dma2 semaphore(%arg23 : memref<!tpu.dma_semaphore, #tpu.memory_space<semaphore_mem>>) src(%dma_wait3A_390 : memref<128xi32, #tpu.memory_space<hbm>>) dst(%arg12 : memref<128xi32, #tpu.memory_space<vmem>>)
      %dma_start3A_391 = arith.constant 0 : i32
      %dma_start3A_392 = arith.constant 0 : i32
      %dma_start3A_393 = tpu.memref_slice %arg2[%dma_start3A_391, %dma_start3A_392] : memref<10000x128xf32, #tpu.memory_space<hbm>> -> memref<10000x128xf32, #tpu.memory_space<hbm>>
      tpu.enqueue_indirect_dma source(%dma_start3A_393 : memref<10000x128xf32, #tpu.memory_space<hbm>>) target(%arg15 : memref<128x128xf32, #tpu.memory_space<vmem>>) offsets(%arg6 : memref<128xi32, #tpu.memory_space<vmem>>) semaphore(%arg20 : memref<!tpu.dma_semaphore, #tpu.memory_space<semaphore_mem>>)
    }
    %scan3A_106 = arith.constant 12 : i32
    %dma_wait3A_107 = arith.constant 0 : i32
    %dma_wait3A_108 = arith.constant 0 : i32
    %dma_wait3A_109 = tpu.memref_slice %arg2[%dma_wait3A_107, %dma_wait3A_108] : memref<10000x128xf32, #tpu.memory_space<hbm>> -> memref<10000x128xf32, #tpu.memory_space<hbm>>
    tpu.wait_indirect_dma semaphore(%arg22 : memref<!tpu.dma_semaphore, #tpu.memory_space<semaphore_mem>>) src(%dma_wait3A_109 : memref<10000x128xf32, #tpu.memory_space<hbm>>) dst(%arg17 : memref<128x128xf32, #tpu.memory_space<vmem>>)
    %dma_start3A_110 = arith.constant 0 : i32
    %dma_start3A_111 = arith.constant 0 : i32
    %dma_start3A_112 = tpu.memref_slice %arg29[%dma_start3A_110, %dma_start3A_111] : memref<10000x128xf32, #tpu.memory_space<vmem_shared>> -> memref<10000x128xf32, #tpu.memory_space<vmem_shared>>
    tpu.enqueue_indirect_dma source(%arg17 : memref<128x128xf32, #tpu.memory_space<vmem>>) target(%dma_start3A_112 : memref<10000x128xf32, #tpu.memory_space<vmem_shared>>) offsets(%arg11 : memref<128xi32, #tpu.memory_space<vmem>>) semaphore(%arg26 : memref<!tpu.dma_semaphore, #tpu.memory_space<semaphore_mem>>) {add = true}
    %add3A_113 = arith.constant 9856 : i32
    %add3A_114 = arith.addi %mul3A_2, %add3A_113 : i32
    %dma_start3A_115 = tpu.memref_slice %arg3[%add3A_114] : memref<320000xi32, #tpu.memory_space<hbm>> -> memref<128xi32, #tpu.memory_space<hbm>>
    %dma_start3A_116 = tpu.memref_slice %arg3[%add3A_114] : memref<320000xi32, #tpu.memory_space<hbm>> -> memref<128xi32, #tpu.memory_space<hbm>>
    tpu.enqueue_dma source(%dma_start3A_116 : memref<128xi32, #tpu.memory_space<hbm>>) target(%arg8 : memref<128xi32, #tpu.memory_space<vmem>>) target_semaphore(%arg25 : memref<!tpu.dma_semaphore, #tpu.memory_space<semaphore_mem>>)
    %dma_start3A_117 = tpu.memref_slice %arg4[%add3A_114] : memref<320000xi32, #tpu.memory_space<hbm>> -> memref<128xi32, #tpu.memory_space<hbm>>
    %dma_start3A_118 = tpu.memref_slice %arg4[%add3A_114] : memref<320000xi32, #tpu.memory_space<hbm>> -> memref<128xi32, #tpu.memory_space<hbm>>
    tpu.enqueue_dma source(%dma_start3A_118 : memref<128xi32, #tpu.memory_space<hbm>>) target(%arg14 : memref<128xi32, #tpu.memory_space<vmem>>) target_semaphore(%arg25 : memref<!tpu.dma_semaphore, #tpu.memory_space<semaphore_mem>>)
    %dma_wait3A_119 = arith.constant 0 : i32
    %dma_wait3A_120 = arith.constant 0 : i32
    %dma_wait3A_121 = tpu.memref_slice %arg29[%dma_wait3A_119, %dma_wait3A_120] : memref<10000x128xf32, #tpu.memory_space<vmem_shared>> -> memref<10000x128xf32, #tpu.memory_space<vmem_shared>>
    tpu.wait_indirect_dma semaphore(%arg27 : memref<!tpu.dma_semaphore, #tpu.memory_space<semaphore_mem>>) src(%arg16 : memref<128x128xf32, #tpu.memory_space<vmem>>) dst(%dma_wait3A_121 : memref<10000x128xf32, #tpu.memory_space<vmem_shared>>)
    %add3A_122 = arith.constant 9728 : i32
    %add3A_123 = arith.addi %mul3A_2, %add3A_122 : i32
    %dma_wait3A_124 = tpu.memref_slice %arg3[%add3A_123] : memref<320000xi32, #tpu.memory_space<hbm>> -> memref<128xi32, #tpu.memory_space<hbm>>
    %dma_wait3A_125 = tpu.memref_slice %arg3[%add3A_123] : memref<320000xi32, #tpu.memory_space<hbm>> -> memref<128xi32, #tpu.memory_space<hbm>>
    tpu.wait_dma2 semaphore(%arg24 : memref<!tpu.dma_semaphore, #tpu.memory_space<semaphore_mem>>) src(%dma_wait3A_125 : memref<128xi32, #tpu.memory_space<hbm>>) dst(%arg7 : memref<128xi32, #tpu.memory_space<vmem>>)
    %dma_wait3A_126 = tpu.memref_slice %arg4[%add3A_123] : memref<320000xi32, #tpu.memory_space<hbm>> -> memref<128xi32, #tpu.memory_space<hbm>>
    %dma_wait3A_127 = tpu.memref_slice %arg4[%add3A_123] : memref<320000xi32, #tpu.memory_space<hbm>> -> memref<128xi32, #tpu.memory_space<hbm>>
    tpu.wait_dma2 semaphore(%arg24 : memref<!tpu.dma_semaphore, #tpu.memory_space<semaphore_mem>>) src(%dma_wait3A_127 : memref<128xi32, #tpu.memory_space<hbm>>) dst(%arg13 : memref<128xi32, #tpu.memory_space<vmem>>)
    %dma_start3A_128 = arith.constant 0 : i32
    %dma_start3A_129 = arith.constant 0 : i32
    %dma_start3A_130 = tpu.memref_slice %arg2[%dma_start3A_128, %dma_start3A_129] : memref<10000x128xf32, #tpu.memory_space<hbm>> -> memref<10000x128xf32, #tpu.memory_space<hbm>>
    tpu.enqueue_indirect_dma source(%dma_start3A_130 : memref<10000x128xf32, #tpu.memory_space<hbm>>) target(%arg16 : memref<128x128xf32, #tpu.memory_space<vmem>>) offsets(%arg7 : memref<128xi32, #tpu.memory_space<vmem>>) semaphore(%arg21 : memref<!tpu.dma_semaphore, #tpu.memory_space<semaphore_mem>>)
    %dma_wait3A_131 = arith.constant 0 : i32
    %dma_wait3A_132 = arith.constant 0 : i32
    %dma_wait3A_133 = tpu.memref_slice %arg2[%dma_wait3A_131, %dma_wait3A_132] : memref<10000x128xf32, #tpu.memory_space<hbm>> -> memref<10000x128xf32, #tpu.memory_space<hbm>>
    tpu.wait_indirect_dma semaphore(%arg20 : memref<!tpu.dma_semaphore, #tpu.memory_space<semaphore_mem>>) src(%dma_wait3A_133 : memref<10000x128xf32, #tpu.memory_space<hbm>>) dst(%arg15 : memref<128x128xf32, #tpu.memory_space<vmem>>)
    %dma_start3A_134 = arith.constant 0 : i32
    %dma_start3A_135 = arith.constant 0 : i32
    %dma_start3A_136 = tpu.memref_slice %arg29[%dma_start3A_134, %dma_start3A_135] : memref<10000x128xf32, #tpu.memory_space<vmem_shared>> -> memref<10000x128xf32, #tpu.memory_space<vmem_shared>>
    tpu.enqueue_indirect_dma source(%arg15 : memref<128x128xf32, #tpu.memory_space<vmem>>) target(%dma_start3A_136 : memref<10000x128xf32, #tpu.memory_space<vmem_shared>>) offsets(%arg12 : memref<128xi32, #tpu.memory_space<vmem>>) semaphore(%arg27 : memref<!tpu.dma_semaphore, #tpu.memory_space<semaphore_mem>>) {add = true}
    %dma_wait3A_137 = arith.constant 0 : i32
    %dma_wait3A_138 = arith.constant 0 : i32
    %dma_wait3A_139 = tpu.memref_slice %arg29[%dma_wait3A_137, %dma_wait3A_138] : memref<10000x128xf32, #tpu.memory_space<vmem_shared>> -> memref<10000x128xf32, #tpu.memory_space<vmem_shared>>
    tpu.wait_indirect_dma semaphore(%arg26 : memref<!tpu.dma_semaphore, #tpu.memory_space<semaphore_mem>>) src(%arg17 : memref<128x128xf32, #tpu.memory_space<vmem>>) dst(%dma_wait3A_139 : memref<10000x128xf32, #tpu.memory_space<vmem_shared>>)
    %add3A_140 = arith.constant 9856 : i32
    %add3A_141 = arith.addi %mul3A_2, %add3A_140 : i32
    %dma_wait3A_142 = tpu.memref_slice %arg3[%add3A_141] : memref<320000xi32, #tpu.memory_space<hbm>> -> memref<128xi32, #tpu.memory_space<hbm>>
    %dma_wait3A_143 = tpu.memref_slice %arg3[%add3A_141] : memref<320000xi32, #tpu.memory_space<hbm>> -> memref<128xi32, #tpu.memory_space<hbm>>
    tpu.wait_dma2 semaphore(%arg25 : memref<!tpu.dma_semaphore, #tpu.memory_space<semaphore_mem>>) src(%dma_wait3A_143 : memref<128xi32, #tpu.memory_space<hbm>>) dst(%arg8 : memref<128xi32, #tpu.memory_space<vmem>>)
    %dma_wait3A_144 = tpu.memref_slice %arg4[%add3A_141] : memref<320000xi32, #tpu.memory_space<hbm>> -> memref<128xi32, #tpu.memory_space<hbm>>
    %dma_wait3A_145 = tpu.memref_slice %arg4[%add3A_141] : memref<320000xi32, #tpu.memory_space<hbm>> -> memref<128xi32, #tpu.memory_space<hbm>>
    tpu.wait_dma2 semaphore(%arg25 : memref<!tpu.dma_semaphore, #tpu.memory_space<semaphore_mem>>) src(%dma_wait3A_145 : memref<128xi32, #tpu.memory_space<hbm>>) dst(%arg14 : memref<128xi32, #tpu.memory_space<vmem>>)
    %dma_start3A_146 = arith.constant 0 : i32
    %dma_start3A_147 = arith.constant 0 : i32
    %dma_start3A_148 = tpu.memref_slice %arg2[%dma_start3A_146, %dma_start3A_147] : memref<10000x128xf32, #tpu.memory_space<hbm>> -> memref<10000x128xf32, #tpu.memory_space<hbm>>
    tpu.enqueue_indirect_dma source(%dma_start3A_148 : memref<10000x128xf32, #tpu.memory_space<hbm>>) target(%arg17 : memref<128x128xf32, #tpu.memory_space<vmem>>) offsets(%arg8 : memref<128xi32, #tpu.memory_space<vmem>>) semaphore(%arg22 : memref<!tpu.dma_semaphore, #tpu.memory_space<semaphore_mem>>)
    %dma_wait3A_149 = arith.constant 0 : i32
    %dma_wait3A_150 = arith.constant 0 : i32
    %dma_wait3A_151 = tpu.memref_slice %arg2[%dma_wait3A_149, %dma_wait3A_150] : memref<10000x128xf32, #tpu.memory_space<hbm>> -> memref<10000x128xf32, #tpu.memory_space<hbm>>
    tpu.wait_indirect_dma semaphore(%arg21 : memref<!tpu.dma_semaphore, #tpu.memory_space<semaphore_mem>>) src(%dma_wait3A_151 : memref<10000x128xf32, #tpu.memory_space<hbm>>) dst(%arg16 : memref<128x128xf32, #tpu.memory_space<vmem>>)
    %dma_start3A_152 = arith.constant 0 : i32
    %dma_start3A_153 = arith.constant 0 : i32
    %dma_start3A_154 = tpu.memref_slice %arg29[%dma_start3A_152, %dma_start3A_153] : memref<10000x128xf32, #tpu.memory_space<vmem_shared>> -> memref<10000x128xf32, #tpu.memory_space<vmem_shared>>
    tpu.enqueue_indirect_dma source(%arg16 : memref<128x128xf32, #tpu.memory_space<vmem>>) target(%dma_start3A_154 : memref<10000x128xf32, #tpu.memory_space<vmem_shared>>) offsets(%arg13 : memref<128xi32, #tpu.memory_space<vmem>>) semaphore(%arg26 : memref<!tpu.dma_semaphore, #tpu.memory_space<semaphore_mem>>) {add = true}
    %dma_wait3A_155 = arith.constant 0 : i32
    %dma_wait3A_156 = arith.constant 0 : i32
    %dma_wait3A_157 = tpu.memref_slice %arg29[%dma_wait3A_155, %dma_wait3A_156] : memref<10000x128xf32, #tpu.memory_space<vmem_shared>> -> memref<10000x128xf32, #tpu.memory_space<vmem_shared>>
    tpu.wait_indirect_dma semaphore(%arg27 : memref<!tpu.dma_semaphore, #tpu.memory_space<semaphore_mem>>) src(%arg15 : memref<128x128xf32, #tpu.memory_space<vmem>>) dst(%dma_wait3A_157 : memref<10000x128xf32, #tpu.memory_space<vmem_shared>>)
    %dma_wait3A_158 = tpu.memref_slice %arg3[%add3A_28] : memref<320000xi32, #tpu.memory_space<hbm>> -> memref<16xi32, #tpu.memory_space<hbm>>
    %dma_wait3A_159 = tpu.memref_slice %arg3[%add3A_28] : memref<320000xi32, #tpu.memory_space<hbm>> -> memref<16xi32, #tpu.memory_space<hbm>>
    tpu.wait_dma2 semaphore(%arg28 : memref<!tpu.dma_semaphore, #tpu.memory_space<semaphore_mem>>) src(%dma_wait3A_159 : memref<16xi32, #tpu.memory_space<hbm>>) dst(%arg18 : memref<16xi32, #tpu.memory_space<vmem>>)
    %dma_wait3A_160 = tpu.memref_slice %arg4[%add3A_28] : memref<320000xi32, #tpu.memory_space<hbm>> -> memref<16xi32, #tpu.memory_space<hbm>>
    %dma_wait3A_161 = tpu.memref_slice %arg4[%add3A_28] : memref<320000xi32, #tpu.memory_space<hbm>> -> memref<16xi32, #tpu.memory_space<hbm>>
    tpu.wait_dma2 semaphore(%arg28 : memref<!tpu.dma_semaphore, #tpu.memory_space<semaphore_mem>>) src(%dma_wait3A_161 : memref<16xi32, #tpu.memory_space<hbm>>) dst(%arg19 : memref<16xi32, #tpu.memory_space<vmem>>)
    %dma_start3A_162 = arith.constant 0 : i32
    %dma_start3A_163 = arith.constant 0 : i32
    %dma_start3A_164 = tpu.memref_slice %arg15[%dma_start3A_162, %dma_start3A_163] : memref<128x128xf32, #tpu.memory_space<vmem>> -> memref<16x128xf32, #tpu.memory_space<vmem>>
    %dma_start3A_165 = arith.constant 0 : i32
    %dma_start3A_166 = arith.constant 0 : i32
    %dma_start3A_167 = tpu.memref_slice %arg2[%dma_start3A_165, %dma_start3A_166] : memref<10000x128xf32, #tpu.memory_space<hbm>> -> memref<10000x128xf32, #tpu.memory_space<hbm>>
    tpu.enqueue_indirect_dma source(%dma_start3A_167 : memref<10000x128xf32, #tpu.memory_space<hbm>>) target(%dma_start3A_164 : memref<16x128xf32, #tpu.memory_space<vmem>>) offsets(%arg18 : memref<16xi32, #tpu.memory_space<vmem>>) semaphore(%arg28 : memref<!tpu.dma_semaphore, #tpu.memory_space<semaphore_mem>>)
    %dma_wait3A_168 = arith.constant 0 : i32
    %dma_wait3A_169 = arith.constant 0 : i32
    %dma_wait3A_170 = tpu.memref_slice %arg2[%dma_wait3A_168, %dma_wait3A_169] : memref<10000x128xf32, #tpu.memory_space<hbm>> -> memref<10000x128xf32, #tpu.memory_space<hbm>>
    tpu.wait_indirect_dma semaphore(%arg22 : memref<!tpu.dma_semaphore, #tpu.memory_space<semaphore_mem>>) src(%dma_wait3A_170 : memref<10000x128xf32, #tpu.memory_space<hbm>>) dst(%arg17 : memref<128x128xf32, #tpu.memory_space<vmem>>)
    %dma_start3A_171 = arith.constant 0 : i32
    %dma_start3A_172 = arith.constant 0 : i32
    %dma_start3A_173 = tpu.memref_slice %arg29[%dma_start3A_171, %dma_start3A_172] : memref<10000x128xf32, #tpu.memory_space<vmem_shared>> -> memref<10000x128xf32, #tpu.memory_space<vmem_shared>>
    tpu.enqueue_indirect_dma source(%arg17 : memref<128x128xf32, #tpu.memory_space<vmem>>) target(%dma_start3A_173 : memref<10000x128xf32, #tpu.memory_space<vmem_shared>>) offsets(%arg14 : memref<128xi32, #tpu.memory_space<vmem>>) semaphore(%arg27 : memref<!tpu.dma_semaphore, #tpu.memory_space<semaphore_mem>>) {add = true}
    %dma_wait3A_174 = arith.constant 0 : i32
    %dma_wait3A_175 = arith.constant 0 : i32
    %dma_wait3A_176 = tpu.memref_slice %arg29[%dma_wait3A_174, %dma_wait3A_175] : memref<10000x128xf32, #tpu.memory_space<vmem_shared>> -> memref<10000x128xf32, #tpu.memory_space<vmem_shared>>
    tpu.wait_indirect_dma semaphore(%arg26 : memref<!tpu.dma_semaphore, #tpu.memory_space<semaphore_mem>>) src(%arg16 : memref<128x128xf32, #tpu.memory_space<vmem>>) dst(%dma_wait3A_176 : memref<10000x128xf32, #tpu.memory_space<vmem_shared>>)
    %dma_wait3A_177 = arith.constant 0 : i32
    %dma_wait3A_178 = arith.constant 0 : i32
    %dma_wait3A_179 = tpu.memref_slice %arg15[%dma_wait3A_177, %dma_wait3A_178] : memref<128x128xf32, #tpu.memory_space<vmem>> -> memref<16x128xf32, #tpu.memory_space<vmem>>
    %dma_wait3A_180 = arith.constant 0 : i32
    %dma_wait3A_181 = arith.constant 0 : i32
    %dma_wait3A_182 = tpu.memref_slice %arg2[%dma_wait3A_180, %dma_wait3A_181] : memref<10000x128xf32, #tpu.memory_space<hbm>> -> memref<10000x128xf32, #tpu.memory_space<hbm>>
    tpu.wait_indirect_dma semaphore(%arg28 : memref<!tpu.dma_semaphore, #tpu.memory_space<semaphore_mem>>) src(%dma_wait3A_182 : memref<10000x128xf32, #tpu.memory_space<hbm>>) dst(%dma_wait3A_179 : memref<16x128xf32, #tpu.memory_space<vmem>>)
    %dma_wait3A_183 = arith.constant 0 : i32
    %dma_wait3A_184 = arith.constant 0 : i32
    %dma_wait3A_185 = tpu.memref_slice %arg29[%dma_wait3A_183, %dma_wait3A_184] : memref<10000x128xf32, #tpu.memory_space<vmem_shared>> -> memref<10000x128xf32, #tpu.memory_space<vmem_shared>>
    tpu.wait_indirect_dma semaphore(%arg27 : memref<!tpu.dma_semaphore, #tpu.memory_space<semaphore_mem>>) src(%arg17 : memref<128x128xf32, #tpu.memory_space<vmem>>) dst(%dma_wait3A_185 : memref<10000x128xf32, #tpu.memory_space<vmem_shared>>)
    "tpu.region"() ({
      %run_scoped3A = tpu.sem_alloc : memref<!tpu.dma_semaphore, #tpu.memory_space<semaphore_mem>>
      %dma_start3A_197 = arith.constant 0 : i32
      %dma_start3A_198 = arith.constant 0 : i32
      %dma_start3A_199 = tpu.memref_slice %arg15[%dma_start3A_197, %dma_start3A_198] : memref<128x128xf32, #tpu.memory_space<vmem>> -> memref<16x128xf32, #tpu.memory_space<vmem>>
      %dma_start3A_200 = arith.constant 0 : i32
      %dma_start3A_201 = arith.constant 0 : i32
      %dma_start3A_202 = tpu.memref_slice %arg29[%dma_start3A_200, %dma_start3A_201] : memref<10000x128xf32, #tpu.memory_space<vmem_shared>> -> memref<10000x128xf32, #tpu.memory_space<vmem_shared>>
      tpu.enqueue_indirect_dma source(%dma_start3A_199 : memref<16x128xf32, #tpu.memory_space<vmem>>) target(%dma_start3A_202 : memref<10000x128xf32, #tpu.memory_space<vmem_shared>>) offsets(%arg19 : memref<16xi32, #tpu.memory_space<vmem>>) semaphore(%run_scoped3A : memref<!tpu.dma_semaphore, #tpu.memory_space<semaphore_mem>>) {add = true}
      %dma_wait3A_203 = arith.constant 0 : i32
      %dma_wait3A_204 = arith.constant 0 : i32
      %dma_wait3A_205 = tpu.memref_slice %arg15[%dma_wait3A_203, %dma_wait3A_204] : memref<128x128xf32, #tpu.memory_space<vmem>> -> memref<16x128xf32, #tpu.memory_space<vmem>>
      %dma_wait3A_206 = arith.constant 0 : i32
      %dma_wait3A_207 = arith.constant 0 : i32
      %dma_wait3A_208 = tpu.memref_slice %arg29[%dma_wait3A_206, %dma_wait3A_207] : memref<10000x128xf32, #tpu.memory_space<vmem_shared>> -> memref<10000x128xf32, #tpu.memory_space<vmem_shared>>
      tpu.wait_indirect_dma semaphore(%run_scoped3A : memref<!tpu.dma_semaphore, #tpu.memory_space<semaphore_mem>>) src(%dma_wait3A_205 : memref<16x128xf32, #tpu.memory_space<vmem>>) dst(%dma_wait3A_208 : memref<10000x128xf32, #tpu.memory_space<vmem_shared>>)
      tpu.yield
    }) : () -> ()
    %barrier3A_186 = arith.constant 0 : index
    tpu.barrier barrier_id(%barrier3A_186)
    %lt3A_187 = arith.constant 15 : i32
    %lt3A_188 = arith.cmpi slt, %arg1, %lt3A_187 : i32
    %convert_element_type3A_189 = arith.extui %lt3A_188 : i1 to i32
    %cond3A_190 = arith.constant 0 : i32
    %cond3A_191 = arith.cmpi ne, %convert_element_type3A_189, %cond3A_190 : i32
    scf.if %cond3A_191 {
      %mul3A_197 = arith.constant 10000 : i32
      %mul3A_198 = arith.muli %arg0, %mul3A_197 : i32
      %add3A_199 = arith.addi %mul3A_198, %mul3A_9 : i32
      "tpu.region"() ({
        %run_scoped3A = tpu.sem_alloc : memref<!tpu.dma_semaphore, #tpu.memory_space<semaphore_mem>>
        %dma_start3A_200 = arith.constant 0 : i32
        %dma_start3A_201 = tpu.memref_slice %arg5[%add3A_199, %dma_start3A_200] : memref<20000x128xf32, #tpu.memory_space<hbm>> -> memref<640x128xf32, #tpu.memory_space<hbm>>
        %dma_start3A_202 = arith.constant 0 : i32
        %dma_start3A_203 = tpu.memref_slice %arg29[%mul3A_9, %dma_start3A_202] : memref<10000x128xf32, #tpu.memory_space<vmem_shared>> -> memref<640x128xf32, #tpu.memory_space<vmem_shared>>
        tpu.enqueue_dma source(%dma_start3A_203 : memref<640x128xf32, #tpu.memory_space<vmem_shared>>) target(%dma_start3A_201 : memref<640x128xf32, #tpu.memory_space<hbm>>) target_semaphore(%run_scoped3A : memref<!tpu.dma_semaphore, #tpu.memory_space<semaphore_mem>>)
        %dma_wait3A_204 = arith.constant 0 : i32
        %dma_wait3A_205 = tpu.memref_slice %arg5[%add3A_199, %dma_wait3A_204] : memref<20000x128xf32, #tpu.memory_space<hbm>> -> memref<640x128xf32, #tpu.memory_space<hbm>>
        %dma_wait3A_206 = arith.constant 0 : i32
        %dma_wait3A_207 = tpu.memref_slice %arg29[%mul3A_9, %dma_wait3A_206] : memref<10000x128xf32, #tpu.memory_space<vmem_shared>> -> memref<640x128xf32, #tpu.memory_space<vmem_shared>>
        tpu.wait_dma2 semaphore(%run_scoped3A : memref<!tpu.dma_semaphore, #tpu.memory_space<semaphore_mem>>) src(%dma_wait3A_207 : memref<640x128xf32, #tpu.memory_space<vmem_shared>>) dst(%dma_wait3A_205 : memref<640x128xf32, #tpu.memory_space<hbm>>)
        tpu.yield
      }) : () -> ()
    } else {
    }
    %eq3A_192 = arith.constant 15 : i32
    %eq3A_193 = arith.cmpi eq, %arg1, %eq3A_192 : i32
    %convert_element_type3A_194 = arith.extui %eq3A_193 : i1 to i32
    %cond3A_195 = arith.constant 0 : i32
    %cond3A_196 = arith.cmpi ne, %convert_element_type3A_194, %cond3A_195 : i32
    scf.if %cond3A_196 {
      %mul3A_197 = arith.constant 10000 : i32
      %mul3A_198 = arith.muli %arg0, %mul3A_197 : i32
      %add3A_199 = arith.addi %mul3A_198, %mul3A_9 : i32
      "tpu.region"() ({
        %run_scoped3A = tpu.sem_alloc : memref<!tpu.dma_semaphore, #tpu.memory_space<semaphore_mem>>
        %dma_start3A_200 = arith.constant 0 : i32
        %dma_start3A_201 = tpu.memref_slice %arg5[%add3A_199, %dma_start3A_200] : memref<20000x128xf32, #tpu.memory_space<hbm>> -> memref<400x128xf32, #tpu.memory_space<hbm>>
        %dma_start3A_202 = arith.constant 0 : i32
        %dma_start3A_203 = tpu.memref_slice %arg29[%mul3A_9, %dma_start3A_202] : memref<10000x128xf32, #tpu.memory_space<vmem_shared>> -> memref<400x128xf32, #tpu.memory_space<vmem_shared>>
        tpu.enqueue_dma source(%dma_start3A_203 : memref<400x128xf32, #tpu.memory_space<vmem_shared>>) target(%dma_start3A_201 : memref<400x128xf32, #tpu.memory_space<hbm>>) target_semaphore(%run_scoped3A : memref<!tpu.dma_semaphore, #tpu.memory_space<semaphore_mem>>)
        %dma_wait3A_204 = arith.constant 0 : i32
        %dma_wait3A_205 = tpu.memref_slice %arg5[%add3A_199, %dma_wait3A_204] : memref<20000x128xf32, #tpu.memory_space<hbm>> -> memref<400x128xf32, #tpu.memory_space<hbm>>
        %dma_wait3A_206 = arith.constant 0 : i32
        %dma_wait3A_207 = tpu.memref_slice %arg29[%mul3A_9, %dma_wait3A_206] : memref<10000x128xf32, #tpu.memory_space<vmem_shared>> -> memref<400x128xf32, #tpu.memory_space<vmem_shared>>
        tpu.wait_dma2 semaphore(%run_scoped3A : memref<!tpu.dma_semaphore, #tpu.memory_space<semaphore_mem>>) src(%dma_wait3A_207 : memref<400x128xf32, #tpu.memory_space<vmem_shared>>) dst(%dma_wait3A_205 : memref<400x128xf32, #tpu.memory_space<hbm>>)
        tpu.yield
      }) : () -> ()
    } else {
    }
    return
  }
}

#map = affine_map<(d0, d1) -> (0, 0)>
#map1 = affine_map<(d0, d1) -> (0)>
module attributes {stable_mosaic.version = 14 : i64} {
  func.func @_sc_agg(%arg0: i32, %arg1: i32, %arg2: memref<10000x128xf32, #tpu.memory_space<hbm>>, %arg3: memref<320000xi32, #tpu.memory_space<hbm>>, %arg4: memref<320000xi32, #tpu.memory_space<hbm>>, %arg5: memref<20000x128xf32, #tpu.memory_space<hbm>>, %arg6: memref<128xi32, #tpu.memory_space<vmem>>, %arg7: memref<128xi32, #tpu.memory_space<vmem>>, %arg8: memref<128xi32, #tpu.memory_space<vmem>>, %arg9: memref<128xi32, #tpu.memory_space<vmem>>, %arg10: memref<128xi32, #tpu.memory_space<vmem>>, %arg11: memref<128xi32, #tpu.memory_space<vmem>>, %arg12: memref<128xi32, #tpu.memory_space<vmem>>, %arg13: memref<128xi32, #tpu.memory_space<vmem>>, %arg14: memref<128xi32, #tpu.memory_space<vmem>>, %arg15: memref<128x128xf32, #tpu.memory_space<vmem>>, %arg16: memref<128x128xf32, #tpu.memory_space<vmem>>, %arg17: memref<128x128xf32, #tpu.memory_space<vmem>>, %arg18: memref<16xi32, #tpu.memory_space<vmem>>, %arg19: memref<16xi32, #tpu.memory_space<vmem>>, %arg20: memref<!tpu.dma_semaphore, #tpu.memory_space<semaphore_mem>>, %arg21: memref<!tpu.dma_semaphore, #tpu.memory_space<semaphore_mem>>, %arg22: memref<!tpu.dma_semaphore, #tpu.memory_space<semaphore_mem>>, %arg23: memref<!tpu.dma_semaphore, #tpu.memory_space<semaphore_mem>>, %arg24: memref<!tpu.dma_semaphore, #tpu.memory_space<semaphore_mem>>, %arg25: memref<!tpu.dma_semaphore, #tpu.memory_space<semaphore_mem>>, %arg26: memref<!tpu.dma_semaphore, #tpu.memory_space<semaphore_mem>>, %arg27: memref<!tpu.dma_semaphore, #tpu.memory_space<semaphore_mem>>, %arg28: memref<!tpu.dma_semaphore, #tpu.memory_space<semaphore_mem>>, %arg29: memref<10000x128xf32, #tpu.memory_space<vmem_shared>>) attributes {dimension_semantics = [#tpu.dimension_semantics<core_parallel>, #tpu.dimension_semantics<subcore_parallel>], iteration_bounds = array<i64: 2, 16>, scalar_prefetch = 0 : i64, scratch_operands = 24 : i64, tpu.core_type = #tpu.core_type<sc_vector_subcore>, window_params = [{transform_indices = #map}, {transform_indices = #map1}, {transform_indices = #map1}, {transform_indices = #map}]} {
    %mul3A = arith.constant 16 : i32
    %mul3A_0 = arith.muli %arg0, %mul3A : i32
    %add3A = arith.addi %mul3A_0, %arg1 : i32
    %mul3A_1 = arith.constant 10000 : i32
    %mul3A_2 = arith.muli %add3A, %mul3A_1 : i32
    %scan3A = arith.constant 0 : i32
    %scan3A_3 = arith.constant 0 : i32
    %scan3A_4 = arith.constant 128 : i32
    %scan3A_5 = arith.addi %scan3A_3, %scan3A_4 : i32
    %scan3A_6 = arith.constant 1 : i32
    scf.for %scan3A_197 = %scan3A_3 to %scan3A_5 step %scan3A_6  : i32 {
      %broadcast_in_dim3A = arith.constant 0.000000e+00 : f32
      %broadcast_in_dim3A_198 = vector.broadcast %broadcast_in_dim3A : f32 to vector<16xf32>
      %swap3A = arith.index_cast %scan3A_197 : i32 to index
      %swap3A_199 = arith.constant 0 : index
      %swap3A_200 = tpu.vector_load %arg17[%swap3A, %swap3A_199] {strides = array<i32>} : memref<128x128xf32, #tpu.memory_space<vmem>>, vector<1x16xf32>,
      %swap3A_201 = vector.shape_cast %swap3A_200 : vector<1x16xf32> to vector<16xf32>
      %swap3A_202 = vector.shape_cast %broadcast_in_dim3A_198 : vector<16xf32> to vector<1x16xf32>
      tpu.vector_store %arg17[%swap3A, %swap3A_199], %swap3A_202 {strides = array<i32>} : memref<128x128xf32, #tpu.memory_space<vmem>>, vector<1x16xf32>,
      %broadcast_in_dim3A_203 = arith.constant 0.000000e+00 : f32
      %broadcast_in_dim3A_204 = vector.broadcast %broadcast_in_dim3A_203 : f32 to vector<16xf32>
      %swap3A_205 = arith.index_cast %scan3A_197 : i32 to index
      %swap3A_206 = arith.constant 16 : index
      %swap3A_207 = tpu.vector_load %arg17[%swap3A_205, %swap3A_206] {strides = array<i32>} : memref<128x128xf32, #tpu.memory_space<vmem>>, vector<1x16xf32>,
      %swap3A_208 = vector.shape_cast %swap3A_207 : vector<1x16xf32> to vector<16xf32>
      %swap3A_209 = vector.shape_cast %broadcast_in_dim3A_204 : vector<16xf32> to vector<1x16xf32>
      tpu.vector_store %arg17[%swap3A_205, %swap3A_206], %swap3A_209 {strides = array<i32>} : memref<128x128xf32, #tpu.memory_space<vmem>>, vector<1x16xf32>,
      %broadcast_in_dim3A_210 = arith.constant 0.000000e+00 : f32
      %broadcast_in_dim3A_211 = vector.broadcast %broadcast_in_dim3A_210 : f32 to vector<16xf32>
      %swap3A_212 = arith.index_cast %scan3A_197 : i32 to index
      %swap3A_213 = arith.constant 32 : index
      %swap3A_214 = tpu.vector_load %arg17[%swap3A_212, %swap3A_213] {strides = array<i32>} : memref<128x128xf32, #tpu.memory_space<vmem>>, vector<1x16xf32>,
      %swap3A_215 = vector.shape_cast %swap3A_214 : vector<1x16xf32> to vector<16xf32>
      %swap3A_216 = vector.shape_cast %broadcast_in_dim3A_211 : vector<16xf32> to vector<1x16xf32>
      tpu.vector_store %arg17[%swap3A_212, %swap3A_213], %swap3A_216 {strides = array<i32>} : memref<128x128xf32, #tpu.memory_space<vmem>>, vector<1x16xf32>,
      %broadcast_in_dim3A_217 = arith.constant 0.000000e+00 : f32
      %broadcast_in_dim3A_218 = vector.broadcast %broadcast_in_dim3A_217 : f32 to vector<16xf32>
      %swap3A_219 = arith.index_cast %scan3A_197 : i32 to index
      %swap3A_220 = arith.constant 48 : index
      %swap3A_221 = tpu.vector_load %arg17[%swap3A_219, %swap3A_220] {strides = array<i32>} : memref<128x128xf32, #tpu.memory_space<vmem>>, vector<1x16xf32>,
      %swap3A_222 = vector.shape_cast %swap3A_221 : vector<1x16xf32> to vector<16xf32>
      %swap3A_223 = vector.shape_cast %broadcast_in_dim3A_218 : vector<16xf32> to vector<1x16xf32>
      tpu.vector_store %arg17[%swap3A_219, %swap3A_220], %swap3A_223 {strides = array<i32>} : memref<128x128xf32, #tpu.memory_space<vmem>>, vector<1x16xf32>,
      %broadcast_in_dim3A_224 = arith.constant 0.000000e+00 : f32
      %broadcast_in_dim3A_225 = vector.broadcast %broadcast_in_dim3A_224 : f32 to vector<16xf32>
      %swap3A_226 = arith.index_cast %scan3A_197 : i32 to index
      %swap3A_227 = arith.constant 64 : index
      %swap3A_228 = tpu.vector_load %arg17[%swap3A_226, %swap3A_227] {strides = array<i32>} : memref<128x128xf32, #tpu.memory_space<vmem>>, vector<1x16xf32>,
      %swap3A_229 = vector.shape_cast %swap3A_228 : vector<1x16xf32> to vector<16xf32>
      %swap3A_230 = vector.shape_cast %broadcast_in_dim3A_225 : vector<16xf32> to vector<1x16xf32>
      tpu.vector_store %arg17[%swap3A_226, %swap3A_227], %swap3A_230 {strides = array<i32>} : memref<128x128xf32, #tpu.memory_space<vmem>>, vector<1x16xf32>,
      %broadcast_in_dim3A_231 = arith.constant 0.000000e+00 : f32
      %broadcast_in_dim3A_232 = vector.broadcast %broadcast_in_dim3A_231 : f32 to vector<16xf32>
      %swap3A_233 = arith.index_cast %scan3A_197 : i32 to index
      %swap3A_234 = arith.constant 80 : index
      %swap3A_235 = tpu.vector_load %arg17[%swap3A_233, %swap3A_234] {strides = array<i32>} : memref<128x128xf32, #tpu.memory_space<vmem>>, vector<1x16xf32>,
      %swap3A_236 = vector.shape_cast %swap3A_235 : vector<1x16xf32> to vector<16xf32>
      %swap3A_237 = vector.shape_cast %broadcast_in_dim3A_232 : vector<16xf32> to vector<1x16xf32>
      tpu.vector_store %arg17[%swap3A_233, %swap3A_234], %swap3A_237 {strides = array<i32>} : memref<128x128xf32, #tpu.memory_space<vmem>>, vector<1x16xf32>,
      %broadcast_in_dim3A_238 = arith.constant 0.000000e+00 : f32
      %broadcast_in_dim3A_239 = vector.broadcast %broadcast_in_dim3A_238 : f32 to vector<16xf32>
      %swap3A_240 = arith.index_cast %scan3A_197 : i32 to index
      %swap3A_241 = arith.constant 96 : index
      %swap3A_242 = tpu.vector_load %arg17[%swap3A_240, %swap3A_241] {strides = array<i32>} : memref<128x128xf32, #tpu.memory_space<vmem>>, vector<1x16xf32>,
      %swap3A_243 = vector.shape_cast %swap3A_242 : vector<1x16xf32> to vector<16xf32>
      %swap3A_244 = vector.shape_cast %broadcast_in_dim3A_239 : vector<16xf32> to vector<1x16xf32>
      tpu.vector_store %arg17[%swap3A_240, %swap3A_241], %swap3A_244 {strides = array<i32>} : memref<128x128xf32, #tpu.memory_space<vmem>>, vector<1x16xf32>,
      %broadcast_in_dim3A_245 = arith.constant 0.000000e+00 : f32
      %broadcast_in_dim3A_246 = vector.broadcast %broadcast_in_dim3A_245 : f32 to vector<16xf32>
      %swap3A_247 = arith.index_cast %scan3A_197 : i32 to index
      %swap3A_248 = arith.constant 112 : index
      %swap3A_249 = tpu.vector_load %arg17[%swap3A_247, %swap3A_248] {strides = array<i32>} : memref<128x128xf32, #tpu.memory_space<vmem>>, vector<1x16xf32>,
      %swap3A_250 = vector.shape_cast %swap3A_249 : vector<1x16xf32> to vector<16xf32>
      %swap3A_251 = vector.shape_cast %broadcast_in_dim3A_246 : vector<16xf32> to vector<1x16xf32>
      tpu.vector_store %arg17[%swap3A_247, %swap3A_248], %swap3A_251 {strides = array<i32>} : memref<128x128xf32, #tpu.memory_space<vmem>>, vector<1x16xf32>,
    }
    %scan3A_7 = arith.constant 128 : i32
    %mul3A_8 = arith.constant 640 : i32
    %mul3A_9 = arith.muli %arg1, %mul3A_8 : i32
    %add3A_10 = arith.constant 0 : i32
    %add3A_11 = arith.addi %mul3A_2, %add3A_10 : i32
    %dma_start3A = tpu.memref_slice %arg3[%add3A_11] : memref<320000xi32, #tpu.memory_space<hbm>> -> memref<128xi32, #tpu.memory_space<hbm>>
    %dma_start3A_12 = tpu.memref_slice %arg3[%add3A_11] : memref<320000xi32, #tpu.memory_space<hbm>> -> memref<128xi32, #tpu.memory_space<hbm>>
    tpu.enqueue_dma source(%dma_start3A_12 : memref<128xi32, #tpu.memory_space<hbm>>) target(%arg6 : memref<128xi32, #tpu.memory_space<vmem>>) target_semaphore(%arg23 : memref<!tpu.dma_semaphore, #tpu.memory_space<semaphore_mem>>)
    %dma_start3A_13 = tpu.memref_slice %arg4[%add3A_11] : memref<320000xi32, #tpu.memory_space<hbm>> -> memref<128xi32, #tpu.memory_space<hbm>>
    %dma_start3A_14 = tpu.memref_slice %arg4[%add3A_11] : memref<320000xi32, #tpu.memory_space<hbm>> -> memref<128xi32, #tpu.memory_space<hbm>>
    tpu.enqueue_dma source(%dma_start3A_14 : memref<128xi32, #tpu.memory_space<hbm>>) target(%arg9 : memref<128xi32, #tpu.memory_space<vmem>>) target_semaphore(%arg23 : memref<!tpu.dma_semaphore, #tpu.memory_space<semaphore_mem>>)
    %add3A_15 = arith.constant 128 : i32
    %add3A_16 = arith.addi %mul3A_2, %add3A_15 : i32
    %dma_start3A_17 = tpu.memref_slice %arg3[%add3A_16] : memref<320000xi32, #tpu.memory_space<hbm>> -> memref<128xi32, #tpu.memory_space<hbm>>
    %dma_start3A_18 = tpu.memref_slice %arg3[%add3A_16] : memref<320000xi32, #tpu.memory_space<hbm>> -> memref<128xi32, #tpu.memory_space<hbm>>
    tpu.enqueue_dma source(%dma_start3A_18 : memref<128xi32, #tpu.memory_space<hbm>>) target(%arg7 : memref<128xi32, #tpu.memory_space<vmem>>) target_semaphore(%arg24 : memref<!tpu.dma_semaphore, #tpu.memory_space<semaphore_mem>>)
    %dma_start3A_19 = tpu.memref_slice %arg4[%add3A_16] : memref<320000xi32, #tpu.memory_space<hbm>> -> memref<128xi32, #tpu.memory_space<hbm>>
    %dma_start3A_20 = tpu.memref_slice %arg4[%add3A_16] : memref<320000xi32, #tpu.memory_space<hbm>> -> memref<128xi32, #tpu.memory_space<hbm>>
    tpu.enqueue_dma source(%dma_start3A_20 : memref<128xi32, #tpu.memory_space<hbm>>) target(%arg10 : memref<128xi32, #tpu.memory_space<vmem>>) target_semaphore(%arg24 : memref<!tpu.dma_semaphore, #tpu.memory_space<semaphore_mem>>)
    %add3A_21 = arith.constant 256 : i32
    %add3A_22 = arith.addi %mul3A_2, %add3A_21 : i32
    %dma_start3A_23 = tpu.memref_slice %arg3[%add3A_22] : memref<320000xi32, #tpu.memory_space<hbm>> -> memref<128xi32, #tpu.memory_space<hbm>>
    %dma_start3A_24 = tpu.memref_slice %arg3[%add3A_22] : memref<320000xi32, #tpu.memory_space<hbm>> -> memref<128xi32, #tpu.memory_space<hbm>>
    tpu.enqueue_dma source(%dma_start3A_24 : memref<128xi32, #tpu.memory_space<hbm>>) target(%arg8 : memref<128xi32, #tpu.memory_space<vmem>>) target_semaphore(%arg25 : memref<!tpu.dma_semaphore, #tpu.memory_space<semaphore_mem>>)
    %dma_start3A_25 = tpu.memref_slice %arg4[%add3A_22] : memref<320000xi32, #tpu.memory_space<hbm>> -> memref<128xi32, #tpu.memory_space<hbm>>
    %dma_start3A_26 = tpu.memref_slice %arg4[%add3A_22] : memref<320000xi32, #tpu.memory_space<hbm>> -> memref<128xi32, #tpu.memory_space<hbm>>
    tpu.enqueue_dma source(%dma_start3A_26 : memref<128xi32, #tpu.memory_space<hbm>>) target(%arg11 : memref<128xi32, #tpu.memory_space<vmem>>) target_semaphore(%arg25 : memref<!tpu.dma_semaphore, #tpu.memory_space<semaphore_mem>>)
    %add3A_27 = arith.constant 9984 : i32
    %add3A_28 = arith.addi %mul3A_2, %add3A_27 : i32
    %dma_start3A_29 = tpu.memref_slice %arg3[%add3A_28] : memref<320000xi32, #tpu.memory_space<hbm>> -> memref<16xi32, #tpu.memory_space<hbm>>
    %dma_start3A_30 = tpu.memref_slice %arg3[%add3A_28] : memref<320000xi32, #tpu.memory_space<hbm>> -> memref<16xi32, #tpu.memory_space<hbm>>
    tpu.enqueue_dma source(%dma_start3A_30 : memref<16xi32, #tpu.memory_space<hbm>>) target(%arg18 : memref<16xi32, #tpu.memory_space<vmem>>) target_semaphore(%arg28 : memref<!tpu.dma_semaphore, #tpu.memory_space<semaphore_mem>>)
    %dma_start3A_31 = tpu.memref_slice %arg4[%add3A_28] : memref<320000xi32, #tpu.memory_space<hbm>> -> memref<16xi32, #tpu.memory_space<hbm>>
    %dma_start3A_32 = tpu.memref_slice %arg4[%add3A_28] : memref<320000xi32, #tpu.memory_space<hbm>> -> memref<16xi32, #tpu.memory_space<hbm>>
    tpu.enqueue_dma source(%dma_start3A_32 : memref<16xi32, #tpu.memory_space<hbm>>) target(%arg19 : memref<16xi32, #tpu.memory_space<vmem>>) target_semaphore(%arg28 : memref<!tpu.dma_semaphore, #tpu.memory_space<semaphore_mem>>)
    %lt3A = arith.constant 15 : i32
    %lt3A_33 = arith.cmpi slt, %arg1, %lt3A : i32
    %convert_element_type3A = arith.extui %lt3A_33 : i1 to i32
    %cond3A = arith.constant 0 : i32
    %cond3A_34 = arith.cmpi ne, %convert_element_type3A, %cond3A : i32
    scf.if %cond3A_34 {
      %add3A_197 = arith.constant 0 : i32
      %add3A_198 = arith.addi %mul3A_9, %add3A_197 : i32
      "tpu.region"() ({
        %run_scoped3A = tpu.sem_alloc : memref<!tpu.dma_semaphore, #tpu.memory_space<semaphore_mem>>
        %dma_start3A_207 = arith.constant 0 : i32
        %dma_start3A_208 = arith.constant 0 : i32
        %dma_start3A_209 = tpu.memref_slice %arg17[%dma_start3A_207, %dma_start3A_208] : memref<128x128xf32, #tpu.memory_space<vmem>> -> memref<128x128xf32, #tpu.memory_space<vmem>>
        %dma_start3A_210 = arith.constant 0 : i32
        %dma_start3A_211 = tpu.memref_slice %arg29[%add3A_198, %dma_start3A_210] : memref<10000x128xf32, #tpu.memory_space<vmem_shared>> -> memref<128x128xf32, #tpu.memory_space<vmem_shared>>
        %dma_start3A_212 = arith.constant 0 : i32
        %dma_start3A_213 = tpu.memref_slice %arg29[%add3A_198, %dma_start3A_212] : memref<10000x128xf32, #tpu.memory_space<vmem_shared>> -> memref<128x128xf32, #tpu.memory_space<vmem_shared>>
        %dma_start3A_214 = arith.constant 0 : i32
        %dma_start3A_215 = arith.constant 0 : i32
        %dma_start3A_216 = tpu.memref_slice %arg17[%dma_start3A_214, %dma_start3A_215] : memref<128x128xf32, #tpu.memory_space<vmem>> -> memref<128x128xf32, #tpu.memory_space<vmem>>
        tpu.enqueue_dma source(%dma_start3A_216 : memref<128x128xf32, #tpu.memory_space<vmem>>) target(%dma_start3A_213 : memref<128x128xf32, #tpu.memory_space<vmem_shared>>) target_semaphore(%run_scoped3A : memref<!tpu.dma_semaphore, #tpu.memory_space<semaphore_mem>>)
        %dma_wait3A_217 = arith.constant 0 : i32
        %dma_wait3A_218 = arith.constant 0 : i32
        %dma_wait3A_219 = tpu.memref_slice %arg17[%dma_wait3A_217, %dma_wait3A_218] : memref<128x128xf32, #tpu.memory_space<vmem>> -> memref<128x128xf32, #tpu.memory_space<vmem>>
        %dma_wait3A_220 = arith.constant 0 : i32
        %dma_wait3A_221 = tpu.memref_slice %arg29[%add3A_198, %dma_wait3A_220] : memref<10000x128xf32, #tpu.memory_space<vmem_shared>> -> memref<128x128xf32, #tpu.memory_space<vmem_shared>>
        %dma_wait3A_222 = arith.constant 0 : i32
        %dma_wait3A_223 = tpu.memref_slice %arg29[%add3A_198, %dma_wait3A_222] : memref<10000x128xf32, #tpu.memory_space<vmem_shared>> -> memref<128x128xf32, #tpu.memory_space<vmem_shared>>
        %dma_wait3A_224 = arith.constant 0 : i32
        %dma_wait3A_225 = arith.constant 0 : i32
        %dma_wait3A_226 = tpu.memref_slice %arg17[%dma_wait3A_224, %dma_wait3A_225] : memref<128x128xf32, #tpu.memory_space<vmem>> -> memref<128x128xf32, #tpu.memory_space<vmem>>
        tpu.wait_dma2 semaphore(%run_scoped3A : memref<!tpu.dma_semaphore, #tpu.memory_space<semaphore_mem>>) src(%dma_wait3A_226 : memref<128x128xf32, #tpu.memory_space<vmem>>) dst(%dma_wait3A_223 : memref<128x128xf32, #tpu.memory_space<vmem_shared>>)
        tpu.yield
      }) : () -> ()
      %add3A_199 = arith.constant 128 : i32
      %add3A_200 = arith.addi %mul3A_9, %add3A_199 : i32
      "tpu.region"() ({
        %run_scoped3A = tpu.sem_alloc : memref<!tpu.dma_semaphore, #tpu.memory_space<semaphore_mem>>
        %dma_start3A_207 = arith.constant 0 : i32
        %dma_start3A_208 = arith.constant 0 : i32
        %dma_start3A_209 = tpu.memref_slice %arg17[%dma_start3A_207, %dma_start3A_208] : memref<128x128xf32, #tpu.memory_space<vmem>> -> memref<128x128xf32, #tpu.memory_space<vmem>>
        %dma_start3A_210 = arith.constant 0 : i32
        %dma_start3A_211 = tpu.memref_slice %arg29[%add3A_200, %dma_start3A_210] : memref<10000x128xf32, #tpu.memory_space<vmem_shared>> -> memref<128x128xf32, #tpu.memory_space<vmem_shared>>
        %dma_start3A_212 = arith.constant 0 : i32
        %dma_start3A_213 = tpu.memref_slice %arg29[%add3A_200, %dma_start3A_212] : memref<10000x128xf32, #tpu.memory_space<vmem_shared>> -> memref<128x128xf32, #tpu.memory_space<vmem_shared>>
        %dma_start3A_214 = arith.constant 0 : i32
        %dma_start3A_215 = arith.constant 0 : i32
        %dma_start3A_216 = tpu.memref_slice %arg17[%dma_start3A_214, %dma_start3A_215] : memref<128x128xf32, #tpu.memory_space<vmem>> -> memref<128x128xf32, #tpu.memory_space<vmem>>
        tpu.enqueue_dma source(%dma_start3A_216 : memref<128x128xf32, #tpu.memory_space<vmem>>) target(%dma_start3A_213 : memref<128x128xf32, #tpu.memory_space<vmem_shared>>) target_semaphore(%run_scoped3A : memref<!tpu.dma_semaphore, #tpu.memory_space<semaphore_mem>>)
        %dma_wait3A_217 = arith.constant 0 : i32
        %dma_wait3A_218 = arith.constant 0 : i32
        %dma_wait3A_219 = tpu.memref_slice %arg17[%dma_wait3A_217, %dma_wait3A_218] : memref<128x128xf32, #tpu.memory_space<vmem>> -> memref<128x128xf32, #tpu.memory_space<vmem>>
        %dma_wait3A_220 = arith.constant 0 : i32
        %dma_wait3A_221 = tpu.memref_slice %arg29[%add3A_200, %dma_wait3A_220] : memref<10000x128xf32, #tpu.memory_space<vmem_shared>> -> memref<128x128xf32, #tpu.memory_space<vmem_shared>>
        %dma_wait3A_222 = arith.constant 0 : i32
        %dma_wait3A_223 = tpu.memref_slice %arg29[%add3A_200, %dma_wait3A_222] : memref<10000x128xf32, #tpu.memory_space<vmem_shared>> -> memref<128x128xf32, #tpu.memory_space<vmem_shared>>
        %dma_wait3A_224 = arith.constant 0 : i32
        %dma_wait3A_225 = arith.constant 0 : i32
        %dma_wait3A_226 = tpu.memref_slice %arg17[%dma_wait3A_224, %dma_wait3A_225] : memref<128x128xf32, #tpu.memory_space<vmem>> -> memref<128x128xf32, #tpu.memory_space<vmem>>
        tpu.wait_dma2 semaphore(%run_scoped3A : memref<!tpu.dma_semaphore, #tpu.memory_space<semaphore_mem>>) src(%dma_wait3A_226 : memref<128x128xf32, #tpu.memory_space<vmem>>) dst(%dma_wait3A_223 : memref<128x128xf32, #tpu.memory_space<vmem_shared>>)
        tpu.yield
      }) : () -> ()
      %add3A_201 = arith.constant 256 : i32
      %add3A_202 = arith.addi %mul3A_9, %add3A_201 : i32
      "tpu.region"() ({
        %run_scoped3A = tpu.sem_alloc : memref<!tpu.dma_semaphore, #tpu.memory_space<semaphore_mem>>
        %dma_start3A_207 = arith.constant 0 : i32
        %dma_start3A_208 = arith.constant 0 : i32
        %dma_start3A_209 = tpu.memref_slice %arg17[%dma_start3A_207, %dma_start3A_208] : memref<128x128xf32, #tpu.memory_space<vmem>> -> memref<128x128xf32, #tpu.memory_space<vmem>>
        %dma_start3A_210 = arith.constant 0 : i32
        %dma_start3A_211 = tpu.memref_slice %arg29[%add3A_202, %dma_start3A_210] : memref<10000x128xf32, #tpu.memory_space<vmem_shared>> -> memref<128x128xf32, #tpu.memory_space<vmem_shared>>
        %dma_start3A_212 = arith.constant 0 : i32
        %dma_start3A_213 = tpu.memref_slice %arg29[%add3A_202, %dma_start3A_212] : memref<10000x128xf32, #tpu.memory_space<vmem_shared>> -> memref<128x128xf32, #tpu.memory_space<vmem_shared>>
        %dma_start3A_214 = arith.constant 0 : i32
        %dma_start3A_215 = arith.constant 0 : i32
        %dma_start3A_216 = tpu.memref_slice %arg17[%dma_start3A_214, %dma_start3A_215] : memref<128x128xf32, #tpu.memory_space<vmem>> -> memref<128x128xf32, #tpu.memory_space<vmem>>
        tpu.enqueue_dma source(%dma_start3A_216 : memref<128x128xf32, #tpu.memory_space<vmem>>) target(%dma_start3A_213 : memref<128x128xf32, #tpu.memory_space<vmem_shared>>) target_semaphore(%run_scoped3A : memref<!tpu.dma_semaphore, #tpu.memory_space<semaphore_mem>>)
        %dma_wait3A_217 = arith.constant 0 : i32
        %dma_wait3A_218 = arith.constant 0 : i32
        %dma_wait3A_219 = tpu.memref_slice %arg17[%dma_wait3A_217, %dma_wait3A_218] : memref<128x128xf32, #tpu.memory_space<vmem>> -> memref<128x128xf32, #tpu.memory_space<vmem>>
        %dma_wait3A_220 = arith.constant 0 : i32
        %dma_wait3A_221 = tpu.memref_slice %arg29[%add3A_202, %dma_wait3A_220] : memref<10000x128xf32, #tpu.memory_space<vmem_shared>> -> memref<128x128xf32, #tpu.memory_space<vmem_shared>>
        %dma_wait3A_222 = arith.constant 0 : i32
        %dma_wait3A_223 = tpu.memref_slice %arg29[%add3A_202, %dma_wait3A_222] : memref<10000x128xf32, #tpu.memory_space<vmem_shared>> -> memref<128x128xf32, #tpu.memory_space<vmem_shared>>
        %dma_wait3A_224 = arith.constant 0 : i32
        %dma_wait3A_225 = arith.constant 0 : i32
        %dma_wait3A_226 = tpu.memref_slice %arg17[%dma_wait3A_224, %dma_wait3A_225] : memref<128x128xf32, #tpu.memory_space<vmem>> -> memref<128x128xf32, #tpu.memory_space<vmem>>
        tpu.wait_dma2 semaphore(%run_scoped3A : memref<!tpu.dma_semaphore, #tpu.memory_space<semaphore_mem>>) src(%dma_wait3A_226 : memref<128x128xf32, #tpu.memory_space<vmem>>) dst(%dma_wait3A_223 : memref<128x128xf32, #tpu.memory_space<vmem_shared>>)
        tpu.yield
      }) : () -> ()
      %add3A_203 = arith.constant 384 : i32
      %add3A_204 = arith.addi %mul3A_9, %add3A_203 : i32
      "tpu.region"() ({
        %run_scoped3A = tpu.sem_alloc : memref<!tpu.dma_semaphore, #tpu.memory_space<semaphore_mem>>
        %dma_start3A_207 = arith.constant 0 : i32
        %dma_start3A_208 = arith.constant 0 : i32
        %dma_start3A_209 = tpu.memref_slice %arg17[%dma_start3A_207, %dma_start3A_208] : memref<128x128xf32, #tpu.memory_space<vmem>> -> memref<128x128xf32, #tpu.memory_space<vmem>>
        %dma_start3A_210 = arith.constant 0 : i32
        %dma_start3A_211 = tpu.memref_slice %arg29[%add3A_204, %dma_start3A_210] : memref<10000x128xf32, #tpu.memory_space<vmem_shared>> -> memref<128x128xf32, #tpu.memory_space<vmem_shared>>
        %dma_start3A_212 = arith.constant 0 : i32
        %dma_start3A_213 = tpu.memref_slice %arg29[%add3A_204, %dma_start3A_212] : memref<10000x128xf32, #tpu.memory_space<vmem_shared>> -> memref<128x128xf32, #tpu.memory_space<vmem_shared>>
        %dma_start3A_214 = arith.constant 0 : i32
        %dma_start3A_215 = arith.constant 0 : i32
        %dma_start3A_216 = tpu.memref_slice %arg17[%dma_start3A_214, %dma_start3A_215] : memref<128x128xf32, #tpu.memory_space<vmem>> -> memref<128x128xf32, #tpu.memory_space<vmem>>
        tpu.enqueue_dma source(%dma_start3A_216 : memref<128x128xf32, #tpu.memory_space<vmem>>) target(%dma_start3A_213 : memref<128x128xf32, #tpu.memory_space<vmem_shared>>) target_semaphore(%run_scoped3A : memref<!tpu.dma_semaphore, #tpu.memory_space<semaphore_mem>>)
        %dma_wait3A_217 = arith.constant 0 : i32
        %dma_wait3A_218 = arith.constant 0 : i32
        %dma_wait3A_219 = tpu.memref_slice %arg17[%dma_wait3A_217, %dma_wait3A_218] : memref<128x128xf32, #tpu.memory_space<vmem>> -> memref<128x128xf32, #tpu.memory_space<vmem>>
        %dma_wait3A_220 = arith.constant 0 : i32
        %dma_wait3A_221 = tpu.memref_slice %arg29[%add3A_204, %dma_wait3A_220] : memref<10000x128xf32, #tpu.memory_space<vmem_shared>> -> memref<128x128xf32, #tpu.memory_space<vmem_shared>>
        %dma_wait3A_222 = arith.constant 0 : i32
        %dma_wait3A_223 = tpu.memref_slice %arg29[%add3A_204, %dma_wait3A_222] : memref<10000x128xf32, #tpu.memory_space<vmem_shared>> -> memref<128x128xf32, #tpu.memory_space<vmem_shared>>
        %dma_wait3A_224 = arith.constant 0 : i32
        %dma_wait3A_225 = arith.constant 0 : i32
        %dma_wait3A_226 = tpu.memref_slice %arg17[%dma_wait3A_224, %dma_wait3A_225] : memref<128x128xf32, #tpu.memory_space<vmem>> -> memref<128x128xf32, #tpu.memory_space<vmem>>
        tpu.wait_dma2 semaphore(%run_scoped3A : memref<!tpu.dma_semaphore, #tpu.memory_space<semaphore_mem>>) src(%dma_wait3A_226 : memref<128x128xf32, #tpu.memory_space<vmem>>) dst(%dma_wait3A_223 : memref<128x128xf32, #tpu.memory_space<vmem_shared>>)
        tpu.yield
      }) : () -> ()
      %add3A_205 = arith.constant 512 : i32
      %add3A_206 = arith.addi %mul3A_9, %add3A_205 : i32
      "tpu.region"() ({
        %run_scoped3A = tpu.sem_alloc : memref<!tpu.dma_semaphore, #tpu.memory_space<semaphore_mem>>
        %dma_start3A_207 = arith.constant 0 : i32
        %dma_start3A_208 = arith.constant 0 : i32
        %dma_start3A_209 = tpu.memref_slice %arg17[%dma_start3A_207, %dma_start3A_208] : memref<128x128xf32, #tpu.memory_space<vmem>> -> memref<128x128xf32, #tpu.memory_space<vmem>>
        %dma_start3A_210 = arith.constant 0 : i32
        %dma_start3A_211 = tpu.memref_slice %arg29[%add3A_206, %dma_start3A_210] : memref<10000x128xf32, #tpu.memory_space<vmem_shared>> -> memref<128x128xf32, #tpu.memory_space<vmem_shared>>
        %dma_start3A_212 = arith.constant 0 : i32
        %dma_start3A_213 = tpu.memref_slice %arg29[%add3A_206, %dma_start3A_212] : memref<10000x128xf32, #tpu.memory_space<vmem_shared>> -> memref<128x128xf32, #tpu.memory_space<vmem_shared>>
        %dma_start3A_214 = arith.constant 0 : i32
        %dma_start3A_215 = arith.constant 0 : i32
        %dma_start3A_216 = tpu.memref_slice %arg17[%dma_start3A_214, %dma_start3A_215] : memref<128x128xf32, #tpu.memory_space<vmem>> -> memref<128x128xf32, #tpu.memory_space<vmem>>
        tpu.enqueue_dma source(%dma_start3A_216 : memref<128x128xf32, #tpu.memory_space<vmem>>) target(%dma_start3A_213 : memref<128x128xf32, #tpu.memory_space<vmem_shared>>) target_semaphore(%run_scoped3A : memref<!tpu.dma_semaphore, #tpu.memory_space<semaphore_mem>>)
        %dma_wait3A_217 = arith.constant 0 : i32
        %dma_wait3A_218 = arith.constant 0 : i32
        %dma_wait3A_219 = tpu.memref_slice %arg17[%dma_wait3A_217, %dma_wait3A_218] : memref<128x128xf32, #tpu.memory_space<vmem>> -> memref<128x128xf32, #tpu.memory_space<vmem>>
        %dma_wait3A_220 = arith.constant 0 : i32
        %dma_wait3A_221 = tpu.memref_slice %arg29[%add3A_206, %dma_wait3A_220] : memref<10000x128xf32, #tpu.memory_space<vmem_shared>> -> memref<128x128xf32, #tpu.memory_space<vmem_shared>>
        %dma_wait3A_222 = arith.constant 0 : i32
        %dma_wait3A_223 = tpu.memref_slice %arg29[%add3A_206, %dma_wait3A_222] : memref<10000x128xf32, #tpu.memory_space<vmem_shared>> -> memref<128x128xf32, #tpu.memory_space<vmem_shared>>
        %dma_wait3A_224 = arith.constant 0 : i32
        %dma_wait3A_225 = arith.constant 0 : i32
        %dma_wait3A_226 = tpu.memref_slice %arg17[%dma_wait3A_224, %dma_wait3A_225] : memref<128x128xf32, #tpu.memory_space<vmem>> -> memref<128x128xf32, #tpu.memory_space<vmem>>
        tpu.wait_dma2 semaphore(%run_scoped3A : memref<!tpu.dma_semaphore, #tpu.memory_space<semaphore_mem>>) src(%dma_wait3A_226 : memref<128x128xf32, #tpu.memory_space<vmem>>) dst(%dma_wait3A_223 : memref<128x128xf32, #tpu.memory_space<vmem_shared>>)
        tpu.yield
      }) : () -> ()
    } else {
    }
    %eq3A = arith.constant 15 : i32
    %eq3A_35 = arith.cmpi eq, %arg1, %eq3A : i32
    %convert_element_type3A_36 = arith.extui %eq3A_35 : i1 to i32
    %cond3A_37 = arith.constant 0 : i32
    %cond3A_38 = arith.cmpi ne, %convert_element_type3A_36, %cond3A_37 : i32
    scf.if %cond3A_38 {
      %add3A_197 = arith.constant 0 : i32
      %add3A_198 = arith.addi %mul3A_9, %add3A_197 : i32
      "tpu.region"() ({
        %run_scoped3A = tpu.sem_alloc : memref<!tpu.dma_semaphore, #tpu.memory_space<semaphore_mem>>
        %dma_start3A_205 = arith.constant 0 : i32
        %dma_start3A_206 = arith.constant 0 : i32
        %dma_start3A_207 = tpu.memref_slice %arg17[%dma_start3A_205, %dma_start3A_206] : memref<128x128xf32, #tpu.memory_space<vmem>> -> memref<128x128xf32, #tpu.memory_space<vmem>>
        %dma_start3A_208 = arith.constant 0 : i32
        %dma_start3A_209 = tpu.memref_slice %arg29[%add3A_198, %dma_start3A_208] : memref<10000x128xf32, #tpu.memory_space<vmem_shared>> -> memref<128x128xf32, #tpu.memory_space<vmem_shared>>
        %dma_start3A_210 = arith.constant 0 : i32
        %dma_start3A_211 = tpu.memref_slice %arg29[%add3A_198, %dma_start3A_210] : memref<10000x128xf32, #tpu.memory_space<vmem_shared>> -> memref<128x128xf32, #tpu.memory_space<vmem_shared>>
        %dma_start3A_212 = arith.constant 0 : i32
        %dma_start3A_213 = arith.constant 0 : i32
        %dma_start3A_214 = tpu.memref_slice %arg17[%dma_start3A_212, %dma_start3A_213] : memref<128x128xf32, #tpu.memory_space<vmem>> -> memref<128x128xf32, #tpu.memory_space<vmem>>
        tpu.enqueue_dma source(%dma_start3A_214 : memref<128x128xf32, #tpu.memory_space<vmem>>) target(%dma_start3A_211 : memref<128x128xf32, #tpu.memory_space<vmem_shared>>) target_semaphore(%run_scoped3A : memref<!tpu.dma_semaphore, #tpu.memory_space<semaphore_mem>>)
        %dma_wait3A_215 = arith.constant 0 : i32
        %dma_wait3A_216 = arith.constant 0 : i32
        %dma_wait3A_217 = tpu.memref_slice %arg17[%dma_wait3A_215, %dma_wait3A_216] : memref<128x128xf32, #tpu.memory_space<vmem>> -> memref<128x128xf32, #tpu.memory_space<vmem>>
        %dma_wait3A_218 = arith.constant 0 : i32
        %dma_wait3A_219 = tpu.memref_slice %arg29[%add3A_198, %dma_wait3A_218] : memref<10000x128xf32, #tpu.memory_space<vmem_shared>> -> memref<128x128xf32, #tpu.memory_space<vmem_shared>>
        %dma_wait3A_220 = arith.constant 0 : i32
        %dma_wait3A_221 = tpu.memref_slice %arg29[%add3A_198, %dma_wait3A_220] : memref<10000x128xf32, #tpu.memory_space<vmem_shared>> -> memref<128x128xf32, #tpu.memory_space<vmem_shared>>
        %dma_wait3A_222 = arith.constant 0 : i32
        %dma_wait3A_223 = arith.constant 0 : i32
        %dma_wait3A_224 = tpu.memref_slice %arg17[%dma_wait3A_222, %dma_wait3A_223] : memref<128x128xf32, #tpu.memory_space<vmem>> -> memref<128x128xf32, #tpu.memory_space<vmem>>
        tpu.wait_dma2 semaphore(%run_scoped3A : memref<!tpu.dma_semaphore, #tpu.memory_space<semaphore_mem>>) src(%dma_wait3A_224 : memref<128x128xf32, #tpu.memory_space<vmem>>) dst(%dma_wait3A_221 : memref<128x128xf32, #tpu.memory_space<vmem_shared>>)
        tpu.yield
      }) : () -> ()
      %add3A_199 = arith.constant 128 : i32
      %add3A_200 = arith.addi %mul3A_9, %add3A_199 : i32
      "tpu.region"() ({
        %run_scoped3A = tpu.sem_alloc : memref<!tpu.dma_semaphore, #tpu.memory_space<semaphore_mem>>
        %dma_start3A_205 = arith.constant 0 : i32
        %dma_start3A_206 = arith.constant 0 : i32
        %dma_start3A_207 = tpu.memref_slice %arg17[%dma_start3A_205, %dma_start3A_206] : memref<128x128xf32, #tpu.memory_space<vmem>> -> memref<128x128xf32, #tpu.memory_space<vmem>>
        %dma_start3A_208 = arith.constant 0 : i32
        %dma_start3A_209 = tpu.memref_slice %arg29[%add3A_200, %dma_start3A_208] : memref<10000x128xf32, #tpu.memory_space<vmem_shared>> -> memref<128x128xf32, #tpu.memory_space<vmem_shared>>
        %dma_start3A_210 = arith.constant 0 : i32
        %dma_start3A_211 = tpu.memref_slice %arg29[%add3A_200, %dma_start3A_210] : memref<10000x128xf32, #tpu.memory_space<vmem_shared>> -> memref<128x128xf32, #tpu.memory_space<vmem_shared>>
        %dma_start3A_212 = arith.constant 0 : i32
        %dma_start3A_213 = arith.constant 0 : i32
        %dma_start3A_214 = tpu.memref_slice %arg17[%dma_start3A_212, %dma_start3A_213] : memref<128x128xf32, #tpu.memory_space<vmem>> -> memref<128x128xf32, #tpu.memory_space<vmem>>
        tpu.enqueue_dma source(%dma_start3A_214 : memref<128x128xf32, #tpu.memory_space<vmem>>) target(%dma_start3A_211 : memref<128x128xf32, #tpu.memory_space<vmem_shared>>) target_semaphore(%run_scoped3A : memref<!tpu.dma_semaphore, #tpu.memory_space<semaphore_mem>>)
        %dma_wait3A_215 = arith.constant 0 : i32
        %dma_wait3A_216 = arith.constant 0 : i32
        %dma_wait3A_217 = tpu.memref_slice %arg17[%dma_wait3A_215, %dma_wait3A_216] : memref<128x128xf32, #tpu.memory_space<vmem>> -> memref<128x128xf32, #tpu.memory_space<vmem>>
        %dma_wait3A_218 = arith.constant 0 : i32
        %dma_wait3A_219 = tpu.memref_slice %arg29[%add3A_200, %dma_wait3A_218] : memref<10000x128xf32, #tpu.memory_space<vmem_shared>> -> memref<128x128xf32, #tpu.memory_space<vmem_shared>>
        %dma_wait3A_220 = arith.constant 0 : i32
        %dma_wait3A_221 = tpu.memref_slice %arg29[%add3A_200, %dma_wait3A_220] : memref<10000x128xf32, #tpu.memory_space<vmem_shared>> -> memref<128x128xf32, #tpu.memory_space<vmem_shared>>
        %dma_wait3A_222 = arith.constant 0 : i32
        %dma_wait3A_223 = arith.constant 0 : i32
        %dma_wait3A_224 = tpu.memref_slice %arg17[%dma_wait3A_222, %dma_wait3A_223] : memref<128x128xf32, #tpu.memory_space<vmem>> -> memref<128x128xf32, #tpu.memory_space<vmem>>
        tpu.wait_dma2 semaphore(%run_scoped3A : memref<!tpu.dma_semaphore, #tpu.memory_space<semaphore_mem>>) src(%dma_wait3A_224 : memref<128x128xf32, #tpu.memory_space<vmem>>) dst(%dma_wait3A_221 : memref<128x128xf32, #tpu.memory_space<vmem_shared>>)
        tpu.yield
      }) : () -> ()
      %add3A_201 = arith.constant 256 : i32
      %add3A_202 = arith.addi %mul3A_9, %add3A_201 : i32
      "tpu.region"() ({
        %run_scoped3A = tpu.sem_alloc : memref<!tpu.dma_semaphore, #tpu.memory_space<semaphore_mem>>
        %dma_start3A_205 = arith.constant 0 : i32
        %dma_start3A_206 = arith.constant 0 : i32
        %dma_start3A_207 = tpu.memref_slice %arg17[%dma_start3A_205, %dma_start3A_206] : memref<128x128xf32, #tpu.memory_space<vmem>> -> memref<128x128xf32, #tpu.memory_space<vmem>>
        %dma_start3A_208 = arith.constant 0 : i32
        %dma_start3A_209 = tpu.memref_slice %arg29[%add3A_202, %dma_start3A_208] : memref<10000x128xf32, #tpu.memory_space<vmem_shared>> -> memref<128x128xf32, #tpu.memory_space<vmem_shared>>
        %dma_start3A_210 = arith.constant 0 : i32
        %dma_start3A_211 = tpu.memref_slice %arg29[%add3A_202, %dma_start3A_210] : memref<10000x128xf32, #tpu.memory_space<vmem_shared>> -> memref<128x128xf32, #tpu.memory_space<vmem_shared>>
        %dma_start3A_212 = arith.constant 0 : i32
        %dma_start3A_213 = arith.constant 0 : i32
        %dma_start3A_214 = tpu.memref_slice %arg17[%dma_start3A_212, %dma_start3A_213] : memref<128x128xf32, #tpu.memory_space<vmem>> -> memref<128x128xf32, #tpu.memory_space<vmem>>
        tpu.enqueue_dma source(%dma_start3A_214 : memref<128x128xf32, #tpu.memory_space<vmem>>) target(%dma_start3A_211 : memref<128x128xf32, #tpu.memory_space<vmem_shared>>) target_semaphore(%run_scoped3A : memref<!tpu.dma_semaphore, #tpu.memory_space<semaphore_mem>>)
        %dma_wait3A_215 = arith.constant 0 : i32
        %dma_wait3A_216 = arith.constant 0 : i32
        %dma_wait3A_217 = tpu.memref_slice %arg17[%dma_wait3A_215, %dma_wait3A_216] : memref<128x128xf32, #tpu.memory_space<vmem>> -> memref<128x128xf32, #tpu.memory_space<vmem>>
        %dma_wait3A_218 = arith.constant 0 : i32
        %dma_wait3A_219 = tpu.memref_slice %arg29[%add3A_202, %dma_wait3A_218] : memref<10000x128xf32, #tpu.memory_space<vmem_shared>> -> memref<128x128xf32, #tpu.memory_space<vmem_shared>>
        %dma_wait3A_220 = arith.constant 0 : i32
        %dma_wait3A_221 = tpu.memref_slice %arg29[%add3A_202, %dma_wait3A_220] : memref<10000x128xf32, #tpu.memory_space<vmem_shared>> -> memref<128x128xf32, #tpu.memory_space<vmem_shared>>
        %dma_wait3A_222 = arith.constant 0 : i32
        %dma_wait3A_223 = arith.constant 0 : i32
        %dma_wait3A_224 = tpu.memref_slice %arg17[%dma_wait3A_222, %dma_wait3A_223] : memref<128x128xf32, #tpu.memory_space<vmem>> -> memref<128x128xf32, #tpu.memory_space<vmem>>
        tpu.wait_dma2 semaphore(%run_scoped3A : memref<!tpu.dma_semaphore, #tpu.memory_space<semaphore_mem>>) src(%dma_wait3A_224 : memref<128x128xf32, #tpu.memory_space<vmem>>) dst(%dma_wait3A_221 : memref<128x128xf32, #tpu.memory_space<vmem_shared>>)
        tpu.yield
      }) : () -> ()
      %add3A_203 = arith.constant 384 : i32
      %add3A_204 = arith.addi %mul3A_9, %add3A_203 : i32
      "tpu.region"() ({
        %run_scoped3A = tpu.sem_alloc : memref<!tpu.dma_semaphore, #tpu.memory_space<semaphore_mem>>
        %dma_start3A_205 = arith.constant 0 : i32
        %dma_start3A_206 = arith.constant 0 : i32
        %dma_start3A_207 = tpu.memref_slice %arg17[%dma_start3A_205, %dma_start3A_206] : memref<128x128xf32, #tpu.memory_space<vmem>> -> memref<16x128xf32, #tpu.memory_space<vmem>>
        %dma_start3A_208 = arith.constant 0 : i32
        %dma_start3A_209 = tpu.memref_slice %arg29[%add3A_204, %dma_start3A_208] : memref<10000x128xf32, #tpu.memory_space<vmem_shared>> -> memref<16x128xf32, #tpu.memory_space<vmem_shared>>
        %dma_start3A_210 = arith.constant 0 : i32
        %dma_start3A_211 = tpu.memref_slice %arg29[%add3A_204, %dma_start3A_210] : memref<10000x128xf32, #tpu.memory_space<vmem_shared>> -> memref<16x128xf32, #tpu.memory_space<vmem_shared>>
        %dma_start3A_212 = arith.constant 0 : i32
        %dma_start3A_213 = arith.constant 0 : i32
        %dma_start3A_214 = tpu.memref_slice %arg17[%dma_start3A_212, %dma_start3A_213] : memref<128x128xf32, #tpu.memory_space<vmem>> -> memref<16x128xf32, #tpu.memory_space<vmem>>
        tpu.enqueue_dma source(%dma_start3A_214 : memref<16x128xf32, #tpu.memory_space<vmem>>) target(%dma_start3A_211 : memref<16x128xf32, #tpu.memory_space<vmem_shared>>) target_semaphore(%run_scoped3A : memref<!tpu.dma_semaphore, #tpu.memory_space<semaphore_mem>>)
        %dma_wait3A_215 = arith.constant 0 : i32
        %dma_wait3A_216 = arith.constant 0 : i32
        %dma_wait3A_217 = tpu.memref_slice %arg17[%dma_wait3A_215, %dma_wait3A_216] : memref<128x128xf32, #tpu.memory_space<vmem>> -> memref<16x128xf32, #tpu.memory_space<vmem>>
        %dma_wait3A_218 = arith.constant 0 : i32
        %dma_wait3A_219 = tpu.memref_slice %arg29[%add3A_204, %dma_wait3A_218] : memref<10000x128xf32, #tpu.memory_space<vmem_shared>> -> memref<16x128xf32, #tpu.memory_space<vmem_shared>>
        %dma_wait3A_220 = arith.constant 0 : i32
        %dma_wait3A_221 = tpu.memref_slice %arg29[%add3A_204, %dma_wait3A_220] : memref<10000x128xf32, #tpu.memory_space<vmem_shared>> -> memref<16x128xf32, #tpu.memory_space<vmem_shared>>
        %dma_wait3A_222 = arith.constant 0 : i32
        %dma_wait3A_223 = arith.constant 0 : i32
        %dma_wait3A_224 = tpu.memref_slice %arg17[%dma_wait3A_222, %dma_wait3A_223] : memref<128x128xf32, #tpu.memory_space<vmem>> -> memref<16x128xf32, #tpu.memory_space<vmem>>
        tpu.wait_dma2 semaphore(%run_scoped3A : memref<!tpu.dma_semaphore, #tpu.memory_space<semaphore_mem>>) src(%dma_wait3A_224 : memref<16x128xf32, #tpu.memory_space<vmem>>) dst(%dma_wait3A_221 : memref<16x128xf32, #tpu.memory_space<vmem_shared>>)
        tpu.yield
      }) : () -> ()
    } else {
    }
    %add3A_39 = arith.constant 0 : i32
    %add3A_40 = arith.addi %mul3A_2, %add3A_39 : i32
    %dma_wait3A = tpu.memref_slice %arg3[%add3A_40] : memref<320000xi32, #tpu.memory_space<hbm>> -> memref<128xi32, #tpu.memory_space<hbm>>
    %dma_wait3A_41 = tpu.memref_slice %arg3[%add3A_40] : memref<320000xi32, #tpu.memory_space<hbm>> -> memref<128xi32, #tpu.memory_space<hbm>>
    tpu.wait_dma2 semaphore(%arg23 : memref<!tpu.dma_semaphore, #tpu.memory_space<semaphore_mem>>) src(%dma_wait3A_41 : memref<128xi32, #tpu.memory_space<hbm>>) dst(%arg6 : memref<128xi32, #tpu.memory_space<vmem>>)
    %dma_wait3A_42 = tpu.memref_slice %arg4[%add3A_40] : memref<320000xi32, #tpu.memory_space<hbm>> -> memref<128xi32, #tpu.memory_space<hbm>>
    %dma_wait3A_43 = tpu.memref_slice %arg4[%add3A_40] : memref<320000xi32, #tpu.memory_space<hbm>> -> memref<128xi32, #tpu.memory_space<hbm>>
    tpu.wait_dma2 semaphore(%arg23 : memref<!tpu.dma_semaphore, #tpu.memory_space<semaphore_mem>>) src(%dma_wait3A_43 : memref<128xi32, #tpu.memory_space<hbm>>) dst(%arg9 : memref<128xi32, #tpu.memory_space<vmem>>)
    %dma_start3A_44 = arith.constant 0 : i32
    %dma_start3A_45 = arith.constant 0 : i32
    %dma_start3A_46 = tpu.memref_slice %arg2[%dma_start3A_44, %dma_start3A_45] : memref<10000x128xf32, #tpu.memory_space<hbm>> -> memref<10000x128xf32, #tpu.memory_space<hbm>>
    tpu.enqueue_indirect_dma source(%dma_start3A_46 : memref<10000x128xf32, #tpu.memory_space<hbm>>) target(%arg15 : memref<128x128xf32, #tpu.memory_space<vmem>>) offsets(%arg6 : memref<128xi32, #tpu.memory_space<vmem>>) semaphore(%arg20 : memref<!tpu.dma_semaphore, #tpu.memory_space<semaphore_mem>>)
    %add3A_47 = arith.constant 128 : i32
    %add3A_48 = arith.addi %mul3A_2, %add3A_47 : i32
    %dma_wait3A_49 = tpu.memref_slice %arg3[%add3A_48] : memref<320000xi32, #tpu.memory_space<hbm>> -> memref<128xi32, #tpu.memory_space<hbm>>
    %dma_wait3A_50 = tpu.memref_slice %arg3[%add3A_48] : memref<320000xi32, #tpu.memory_space<hbm>> -> memref<128xi32, #tpu.memory_space<hbm>>
    tpu.wait_dma2 semaphore(%arg24 : memref<!tpu.dma_semaphore, #tpu.memory_space<semaphore_mem>>) src(%dma_wait3A_50 : memref<128xi32, #tpu.memory_space<hbm>>) dst(%arg7 : memref<128xi32, #tpu.memory_space<vmem>>)
    %dma_wait3A_51 = tpu.memref_slice %arg4[%add3A_48] : memref<320000xi32, #tpu.memory_space<hbm>> -> memref<128xi32, #tpu.memory_space<hbm>>
    %dma_wait3A_52 = tpu.memref_slice %arg4[%add3A_48] : memref<320000xi32, #tpu.memory_space<hbm>> -> memref<128xi32, #tpu.memory_space<hbm>>
    tpu.wait_dma2 semaphore(%arg24 : memref<!tpu.dma_semaphore, #tpu.memory_space<semaphore_mem>>) src(%dma_wait3A_52 : memref<128xi32, #tpu.memory_space<hbm>>) dst(%arg10 : memref<128xi32, #tpu.memory_space<vmem>>)
    %dma_start3A_53 = arith.constant 0 : i32
    %dma_start3A_54 = arith.constant 0 : i32
    %dma_start3A_55 = tpu.memref_slice %arg2[%dma_start3A_53, %dma_start3A_54] : memref<10000x128xf32, #tpu.memory_space<hbm>> -> memref<10000x128xf32, #tpu.memory_space<hbm>>
    tpu.enqueue_indirect_dma source(%dma_start3A_55 : memref<10000x128xf32, #tpu.memory_space<hbm>>) target(%arg16 : memref<128x128xf32, #tpu.memory_space<vmem>>) offsets(%arg7 : memref<128xi32, #tpu.memory_space<vmem>>) semaphore(%arg21 : memref<!tpu.dma_semaphore, #tpu.memory_space<semaphore_mem>>)
    %barrier3A = arith.constant 0 : index
    tpu.barrier barrier_id(%barrier3A)
    %dma_wait3A_56 = arith.constant 0 : i32
    %dma_wait3A_57 = arith.constant 0 : i32
    %dma_wait3A_58 = tpu.memref_slice %arg2[%dma_wait3A_56, %dma_wait3A_57] : memref<10000x128xf32, #tpu.memory_space<hbm>> -> memref<10000x128xf32, #tpu.memory_space<hbm>>
    tpu.wait_indirect_dma semaphore(%arg20 : memref<!tpu.dma_semaphore, #tpu.memory_space<semaphore_mem>>) src(%dma_wait3A_58 : memref<10000x128xf32, #tpu.memory_space<hbm>>) dst(%arg15 : memref<128x128xf32, #tpu.memory_space<vmem>>)
    %dma_start3A_59 = arith.constant 0 : i32
    %dma_start3A_60 = arith.constant 0 : i32
    %dma_start3A_61 = tpu.memref_slice %arg29[%dma_start3A_59, %dma_start3A_60] : memref<10000x128xf32, #tpu.memory_space<vmem_shared>> -> memref<10000x128xf32, #tpu.memory_space<vmem_shared>>
    tpu.enqueue_indirect_dma source(%arg15 : memref<128x128xf32, #tpu.memory_space<vmem>>) target(%dma_start3A_61 : memref<10000x128xf32, #tpu.memory_space<vmem_shared>>) offsets(%arg9 : memref<128xi32, #tpu.memory_space<vmem>>) semaphore(%arg26 : memref<!tpu.dma_semaphore, #tpu.memory_space<semaphore_mem>>) {add = true}
    %add3A_62 = arith.constant 384 : i32
    %add3A_63 = arith.addi %mul3A_2, %add3A_62 : i32
    %dma_start3A_64 = tpu.memref_slice %arg3[%add3A_63] : memref<320000xi32, #tpu.memory_space<hbm>> -> memref<128xi32, #tpu.memory_space<hbm>>
    %dma_start3A_65 = tpu.memref_slice %arg3[%add3A_63] : memref<320000xi32, #tpu.memory_space<hbm>> -> memref<128xi32, #tpu.memory_space<hbm>>
    tpu.enqueue_dma source(%dma_start3A_65 : memref<128xi32, #tpu.memory_space<hbm>>) target(%arg6 : memref<128xi32, #tpu.memory_space<vmem>>) target_semaphore(%arg23 : memref<!tpu.dma_semaphore, #tpu.memory_space<semaphore_mem>>)
    %dma_start3A_66 = tpu.memref_slice %arg4[%add3A_63] : memref<320000xi32, #tpu.memory_space<hbm>> -> memref<128xi32, #tpu.memory_space<hbm>>
    %dma_start3A_67 = tpu.memref_slice %arg4[%add3A_63] : memref<320000xi32, #tpu.memory_space<hbm>> -> memref<128xi32, #tpu.memory_space<hbm>>
    tpu.enqueue_dma source(%dma_start3A_67 : memref<128xi32, #tpu.memory_space<hbm>>) target(%arg12 : memref<128xi32, #tpu.memory_space<vmem>>) target_semaphore(%arg23 : memref<!tpu.dma_semaphore, #tpu.memory_space<semaphore_mem>>)
    %add3A_68 = arith.constant 256 : i32
    %add3A_69 = arith.addi %mul3A_2, %add3A_68 : i32
    %dma_wait3A_70 = tpu.memref_slice %arg3[%add3A_69] : memref<320000xi32, #tpu.memory_space<hbm>> -> memref<128xi32, #tpu.memory_space<hbm>>
    %dma_wait3A_71 = tpu.memref_slice %arg3[%add3A_69] : memref<320000xi32, #tpu.memory_space<hbm>> -> memref<128xi32, #tpu.memory_space<hbm>>
    tpu.wait_dma2 semaphore(%arg25 : memref<!tpu.dma_semaphore, #tpu.memory_space<semaphore_mem>>) src(%dma_wait3A_71 : memref<128xi32, #tpu.memory_space<hbm>>) dst(%arg8 : memref<128xi32, #tpu.memory_space<vmem>>)
    %dma_wait3A_72 = tpu.memref_slice %arg4[%add3A_69] : memref<320000xi32, #tpu.memory_space<hbm>> -> memref<128xi32, #tpu.memory_space<hbm>>
    %dma_wait3A_73 = tpu.memref_slice %arg4[%add3A_69] : memref<320000xi32, #tpu.memory_space<hbm>> -> memref<128xi32, #tpu.memory_space<hbm>>
    tpu.wait_dma2 semaphore(%arg25 : memref<!tpu.dma_semaphore, #tpu.memory_space<semaphore_mem>>) src(%dma_wait3A_73 : memref<128xi32, #tpu.memory_space<hbm>>) dst(%arg11 : memref<128xi32, #tpu.memory_space<vmem>>)
    %dma_start3A_74 = arith.constant 0 : i32
    %dma_start3A_75 = arith.constant 0 : i32
    %dma_start3A_76 = tpu.memref_slice %arg2[%dma_start3A_74, %dma_start3A_75] : memref<10000x128xf32, #tpu.memory_space<hbm>> -> memref<10000x128xf32, #tpu.memory_space<hbm>>
    tpu.enqueue_indirect_dma source(%dma_start3A_76 : memref<10000x128xf32, #tpu.memory_space<hbm>>) target(%arg17 : memref<128x128xf32, #tpu.memory_space<vmem>>) offsets(%arg8 : memref<128xi32, #tpu.memory_space<vmem>>) semaphore(%arg22 : memref<!tpu.dma_semaphore, #tpu.memory_space<semaphore_mem>>)
    %dma_wait3A_77 = arith.constant 0 : i32
    %dma_wait3A_78 = arith.constant 0 : i32
    %dma_wait3A_79 = tpu.memref_slice %arg2[%dma_wait3A_77, %dma_wait3A_78] : memref<10000x128xf32, #tpu.memory_space<hbm>> -> memref<10000x128xf32, #tpu.memory_space<hbm>>
    tpu.wait_indirect_dma semaphore(%arg21 : memref<!tpu.dma_semaphore, #tpu.memory_space<semaphore_mem>>) src(%dma_wait3A_79 : memref<10000x128xf32, #tpu.memory_space<hbm>>) dst(%arg16 : memref<128x128xf32, #tpu.memory_space<vmem>>)
    %dma_start3A_80 = arith.constant 0 : i32
    %dma_start3A_81 = arith.constant 0 : i32
    %dma_start3A_82 = tpu.memref_slice %arg29[%dma_start3A_80, %dma_start3A_81] : memref<10000x128xf32, #tpu.memory_space<vmem_shared>> -> memref<10000x128xf32, #tpu.memory_space<vmem_shared>>
    tpu.enqueue_indirect_dma source(%arg16 : memref<128x128xf32, #tpu.memory_space<vmem>>) target(%dma_start3A_82 : memref<10000x128xf32, #tpu.memory_space<vmem_shared>>) offsets(%arg10 : memref<128xi32, #tpu.memory_space<vmem>>) semaphore(%arg27 : memref<!tpu.dma_semaphore, #tpu.memory_space<semaphore_mem>>) {add = true}
    %add3A_83 = arith.constant 512 : i32
    %add3A_84 = arith.addi %mul3A_2, %add3A_83 : i32
    %dma_start3A_85 = tpu.memref_slice %arg3[%add3A_84] : memref<320000xi32, #tpu.memory_space<hbm>> -> memref<128xi32, #tpu.memory_space<hbm>>
    %dma_start3A_86 = tpu.memref_slice %arg3[%add3A_84] : memref<320000xi32, #tpu.memory_space<hbm>> -> memref<128xi32, #tpu.memory_space<hbm>>
    tpu.enqueue_dma source(%dma_start3A_86 : memref<128xi32, #tpu.memory_space<hbm>>) target(%arg7 : memref<128xi32, #tpu.memory_space<vmem>>) target_semaphore(%arg24 : memref<!tpu.dma_semaphore, #tpu.memory_space<semaphore_mem>>)
    %dma_start3A_87 = tpu.memref_slice %arg4[%add3A_84] : memref<320000xi32, #tpu.memory_space<hbm>> -> memref<128xi32, #tpu.memory_space<hbm>>
    %dma_start3A_88 = tpu.memref_slice %arg4[%add3A_84] : memref<320000xi32, #tpu.memory_space<hbm>> -> memref<128xi32, #tpu.memory_space<hbm>>
    tpu.enqueue_dma source(%dma_start3A_88 : memref<128xi32, #tpu.memory_space<hbm>>) target(%arg13 : memref<128xi32, #tpu.memory_space<vmem>>) target_semaphore(%arg24 : memref<!tpu.dma_semaphore, #tpu.memory_space<semaphore_mem>>)
    %dma_wait3A_89 = arith.constant 0 : i32
    %dma_wait3A_90 = arith.constant 0 : i32
    %dma_wait3A_91 = tpu.memref_slice %arg29[%dma_wait3A_89, %dma_wait3A_90] : memref<10000x128xf32, #tpu.memory_space<vmem_shared>> -> memref<10000x128xf32, #tpu.memory_space<vmem_shared>>
    tpu.wait_indirect_dma semaphore(%arg26 : memref<!tpu.dma_semaphore, #tpu.memory_space<semaphore_mem>>) src(%arg15 : memref<128x128xf32, #tpu.memory_space<vmem>>) dst(%dma_wait3A_91 : memref<10000x128xf32, #tpu.memory_space<vmem_shared>>)
    %add3A_92 = arith.constant 384 : i32
    %add3A_93 = arith.addi %mul3A_2, %add3A_92 : i32
    %dma_wait3A_94 = tpu.memref_slice %arg3[%add3A_93] : memref<320000xi32, #tpu.memory_space<hbm>> -> memref<128xi32, #tpu.memory_space<hbm>>
    %dma_wait3A_95 = tpu.memref_slice %arg3[%add3A_93] : memref<320000xi32, #tpu.memory_space<hbm>> -> memref<128xi32, #tpu.memory_space<hbm>>
    tpu.wait_dma2 semaphore(%arg23 : memref<!tpu.dma_semaphore, #tpu.memory_space<semaphore_mem>>) src(%dma_wait3A_95 : memref<128xi32, #tpu.memory_space<hbm>>) dst(%arg6 : memref<128xi32, #tpu.memory_space<vmem>>)
    %dma_wait3A_96 = tpu.memref_slice %arg4[%add3A_93] : memref<320000xi32, #tpu.memory_space<hbm>> -> memref<128xi32, #tpu.memory_space<hbm>>
    %dma_wait3A_97 = tpu.memref_slice %arg4[%add3A_93] : memref<320000xi32, #tpu.memory_space<hbm>> -> memref<128xi32, #tpu.memory_space<hbm>>
    tpu.wait_dma2 semaphore(%arg23 : memref<!tpu.dma_semaphore, #tpu.memory_space<semaphore_mem>>) src(%dma_wait3A_97 : memref<128xi32, #tpu.memory_space<hbm>>) dst(%arg12 : memref<128xi32, #tpu.memory_space<vmem>>)
    %dma_start3A_98 = arith.constant 0 : i32
    %dma_start3A_99 = arith.constant 0 : i32
    %dma_start3A_100 = tpu.memref_slice %arg2[%dma_start3A_98, %dma_start3A_99] : memref<10000x128xf32, #tpu.memory_space<hbm>> -> memref<10000x128xf32, #tpu.memory_space<hbm>>
    tpu.enqueue_indirect_dma source(%dma_start3A_100 : memref<10000x128xf32, #tpu.memory_space<hbm>>) target(%arg15 : memref<128x128xf32, #tpu.memory_space<vmem>>) offsets(%arg6 : memref<128xi32, #tpu.memory_space<vmem>>) semaphore(%arg20 : memref<!tpu.dma_semaphore, #tpu.memory_space<semaphore_mem>>)
    %scan3A_101 = arith.constant 0 : i32
    %scan3A_102 = arith.constant 0 : i32
    %scan3A_103 = arith.constant 12 : i32
    %scan3A_104 = arith.addi %scan3A_102, %scan3A_103 : i32
    %scan3A_105 = arith.constant 1 : i32
    scf.for %scan3A_197 = %scan3A_102 to %scan3A_104 step %scan3A_105  : i32 {
      %mul3A_198 = arith.constant 6 : i32
      %mul3A_199 = arith.muli %mul3A_198, %scan3A_197 : i32
      %add3A_200 = arith.constant 2 : i32
      %add3A_201 = arith.addi %mul3A_199, %add3A_200 : i32
      %add3A_202 = arith.constant 0 : i32
      %add3A_203 = arith.addi %add3A_201, %add3A_202 : i32
      %dma_wait3A_204 = arith.constant 0 : i32
      %dma_wait3A_205 = arith.constant 0 : i32
      %dma_wait3A_206 = tpu.memref_slice %arg2[%dma_wait3A_204, %dma_wait3A_205] : memref<10000x128xf32, #tpu.memory_space<hbm>> -> memref<10000x128xf32, #tpu.memory_space<hbm>>
      tpu.wait_indirect_dma semaphore(%arg22 : memref<!tpu.dma_semaphore, #tpu.memory_space<semaphore_mem>>) src(%dma_wait3A_206 : memref<10000x128xf32, #tpu.memory_space<hbm>>) dst(%arg17 : memref<128x128xf32, #tpu.memory_space<vmem>>)
      %dma_start3A_207 = arith.constant 0 : i32
      %dma_start3A_208 = arith.constant 0 : i32
      %dma_start3A_209 = tpu.memref_slice %arg29[%dma_start3A_207, %dma_start3A_208] : memref<10000x128xf32, #tpu.memory_space<vmem_shared>> -> memref<10000x128xf32, #tpu.memory_space<vmem_shared>>
      tpu.enqueue_indirect_dma source(%arg17 : memref<128x128xf32, #tpu.memory_space<vmem>>) target(%dma_start3A_209 : memref<10000x128xf32, #tpu.memory_space<vmem_shared>>) offsets(%arg11 : memref<128xi32, #tpu.memory_space<vmem>>) semaphore(%arg26 : memref<!tpu.dma_semaphore, #tpu.memory_space<semaphore_mem>>) {add = true}
      %add3A_210 = arith.constant 3 : i32
      %add3A_211 = arith.addi %add3A_203, %add3A_210 : i32
      %mul3A_212 = arith.constant 128 : i32
      %mul3A_213 = arith.muli %add3A_211, %mul3A_212 : i32
      %add3A_214 = arith.addi %mul3A_2, %mul3A_213 : i32
      %dma_start3A_215 = tpu.memref_slice %arg3[%add3A_214] : memref<320000xi32, #tpu.memory_space<hbm>> -> memref<128xi32, #tpu.memory_space<hbm>>
      %dma_start3A_216 = tpu.memref_slice %arg3[%add3A_214] : memref<320000xi32, #tpu.memory_space<hbm>> -> memref<128xi32, #tpu.memory_space<hbm>>
      tpu.enqueue_dma source(%dma_start3A_216 : memref<128xi32, #tpu.memory_space<hbm>>) target(%arg8 : memref<128xi32, #tpu.memory_space<vmem>>) target_semaphore(%arg25 : memref<!tpu.dma_semaphore, #tpu.memory_space<semaphore_mem>>)
      %dma_start3A_217 = tpu.memref_slice %arg4[%add3A_214] : memref<320000xi32, #tpu.memory_space<hbm>> -> memref<128xi32, #tpu.memory_space<hbm>>
      %dma_start3A_218 = tpu.memref_slice %arg4[%add3A_214] : memref<320000xi32, #tpu.memory_space<hbm>> -> memref<128xi32, #tpu.memory_space<hbm>>
      tpu.enqueue_dma source(%dma_start3A_218 : memref<128xi32, #tpu.memory_space<hbm>>) target(%arg14 : memref<128xi32, #tpu.memory_space<vmem>>) target_semaphore(%arg25 : memref<!tpu.dma_semaphore, #tpu.memory_space<semaphore_mem>>)
      %dma_wait3A_219 = arith.constant 0 : i32
      %dma_wait3A_220 = arith.constant 0 : i32
      %dma_wait3A_221 = tpu.memref_slice %arg29[%dma_wait3A_219, %dma_wait3A_220] : memref<10000x128xf32, #tpu.memory_space<vmem_shared>> -> memref<10000x128xf32, #tpu.memory_space<vmem_shared>>
      tpu.wait_indirect_dma semaphore(%arg27 : memref<!tpu.dma_semaphore, #tpu.memory_space<semaphore_mem>>) src(%arg16 : memref<128x128xf32, #tpu.memory_space<vmem>>) dst(%dma_wait3A_221 : memref<10000x128xf32, #tpu.memory_space<vmem_shared>>)
      %add3A_222 = arith.constant 2 : i32
      %add3A_223 = arith.addi %add3A_203, %add3A_222 : i32
      %mul3A_224 = arith.constant 128 : i32
      %mul3A_225 = arith.muli %add3A_223, %mul3A_224 : i32
      %add3A_226 = arith.addi %mul3A_2, %mul3A_225 : i32
      %dma_wait3A_227 = tpu.memref_slice %arg3[%add3A_226] : memref<320000xi32, #tpu.memory_space<hbm>> -> memref<128xi32, #tpu.memory_space<hbm>>
      %dma_wait3A_228 = tpu.memref_slice %arg3[%add3A_226] : memref<320000xi32, #tpu.memory_space<hbm>> -> memref<128xi32, #tpu.memory_space<hbm>>
      tpu.wait_dma2 semaphore(%arg24 : memref<!tpu.dma_semaphore, #tpu.memory_space<semaphore_mem>>) src(%dma_wait3A_228 : memref<128xi32, #tpu.memory_space<hbm>>) dst(%arg7 : memref<128xi32, #tpu.memory_space<vmem>>)
      %dma_wait3A_229 = tpu.memref_slice %arg4[%add3A_226] : memref<320000xi32, #tpu.memory_space<hbm>> -> memref<128xi32, #tpu.memory_space<hbm>>
      %dma_wait3A_230 = tpu.memref_slice %arg4[%add3A_226] : memref<320000xi32, #tpu.memory_space<hbm>> -> memref<128xi32, #tpu.memory_space<hbm>>
      tpu.wait_dma2 semaphore(%arg24 : memref<!tpu.dma_semaphore, #tpu.memory_space<semaphore_mem>>) src(%dma_wait3A_230 : memref<128xi32, #tpu.memory_space<hbm>>) dst(%arg13 : memref<128xi32, #tpu.memory_space<vmem>>)
      %dma_start3A_231 = arith.constant 0 : i32
      %dma_start3A_232 = arith.constant 0 : i32
      %dma_start3A_233 = tpu.memref_slice %arg2[%dma_start3A_231, %dma_start3A_232] : memref<10000x128xf32, #tpu.memory_space<hbm>> -> memref<10000x128xf32, #tpu.memory_space<hbm>>
      tpu.enqueue_indirect_dma source(%dma_start3A_233 : memref<10000x128xf32, #tpu.memory_space<hbm>>) target(%arg16 : memref<128x128xf32, #tpu.memory_space<vmem>>) offsets(%arg7 : memref<128xi32, #tpu.memory_space<vmem>>) semaphore(%arg21 : memref<!tpu.dma_semaphore, #tpu.memory_space<semaphore_mem>>)
      %add3A_234 = arith.constant 1 : i32
      %add3A_235 = arith.addi %add3A_201, %add3A_234 : i32
      %dma_wait3A_236 = arith.constant 0 : i32
      %dma_wait3A_237 = arith.constant 0 : i32
      %dma_wait3A_238 = tpu.memref_slice %arg2[%dma_wait3A_236, %dma_wait3A_237] : memref<10000x128xf32, #tpu.memory_space<hbm>> -> memref<10000x128xf32, #tpu.memory_space<hbm>>
      tpu.wait_indirect_dma semaphore(%arg20 : memref<!tpu.dma_semaphore, #tpu.memory_space<semaphore_mem>>) src(%dma_wait3A_238 : memref<10000x128xf32, #tpu.memory_space<hbm>>) dst(%arg15 : memref<128x128xf32, #tpu.memory_space<vmem>>)
      %dma_start3A_239 = arith.constant 0 : i32
      %dma_start3A_240 = arith.constant 0 : i32
      %dma_start3A_241 = tpu.memref_slice %arg29[%dma_start3A_239, %dma_start3A_240] : memref<10000x128xf32, #tpu.memory_space<vmem_shared>> -> memref<10000x128xf32, #tpu.memory_space<vmem_shared>>
      tpu.enqueue_indirect_dma source(%arg15 : memref<128x128xf32, #tpu.memory_space<vmem>>) target(%dma_start3A_241 : memref<10000x128xf32, #tpu.memory_space<vmem_shared>>) offsets(%arg12 : memref<128xi32, #tpu.memory_space<vmem>>) semaphore(%arg27 : memref<!tpu.dma_semaphore, #tpu.memory_space<semaphore_mem>>) {add = true}
      %add3A_242 = arith.constant 3 : i32
      %add3A_243 = arith.addi %add3A_235, %add3A_242 : i32
      %mul3A_244 = arith.constant 128 : i32
      %mul3A_245 = arith.muli %add3A_243, %mul3A_244 : i32
      %add3A_246 = arith.addi %mul3A_2, %mul3A_245 : i32
      %dma_start3A_247 = tpu.memref_slice %arg3[%add3A_246] : memref<320000xi32, #tpu.memory_space<hbm>> -> memref<128xi32, #tpu.memory_space<hbm>>
      %dma_start3A_248 = tpu.memref_slice %arg3[%add3A_246] : memref<320000xi32, #tpu.memory_space<hbm>> -> memref<128xi32, #tpu.memory_space<hbm>>
      tpu.enqueue_dma source(%dma_start3A_248 : memref<128xi32, #tpu.memory_space<hbm>>) target(%arg6 : memref<128xi32, #tpu.memory_space<vmem>>) target_semaphore(%arg23 : memref<!tpu.dma_semaphore, #tpu.memory_space<semaphore_mem>>)
      %dma_start3A_249 = tpu.memref_slice %arg4[%add3A_246] : memref<320000xi32, #tpu.memory_space<hbm>> -> memref<128xi32, #tpu.memory_space<hbm>>
      %dma_start3A_250 = tpu.memref_slice %arg4[%add3A_246] : memref<320000xi32, #tpu.memory_space<hbm>> -> memref<128xi32, #tpu.memory_space<hbm>>
      tpu.enqueue_dma source(%dma_start3A_250 : memref<128xi32, #tpu.memory_space<hbm>>) target(%arg9 : memref<128xi32, #tpu.memory_space<vmem>>) target_semaphore(%arg23 : memref<!tpu.dma_semaphore, #tpu.memory_space<semaphore_mem>>)
      %dma_wait3A_251 = arith.constant 0 : i32
      %dma_wait3A_252 = arith.constant 0 : i32
      %dma_wait3A_253 = tpu.memref_slice %arg29[%dma_wait3A_251, %dma_wait3A_252] : memref<10000x128xf32, #tpu.memory_space<vmem_shared>> -> memref<10000x128xf32, #tpu.memory_space<vmem_shared>>
      tpu.wait_indirect_dma semaphore(%arg26 : memref<!tpu.dma_semaphore, #tpu.memory_space<semaphore_mem>>) src(%arg17 : memref<128x128xf32, #tpu.memory_space<vmem>>) dst(%dma_wait3A_253 : memref<10000x128xf32, #tpu.memory_space<vmem_shared>>)
      %add3A_254 = arith.constant 2 : i32
      %add3A_255 = arith.addi %add3A_235, %add3A_254 : i32
      %mul3A_256 = arith.constant 128 : i32
      %mul3A_257 = arith.muli %add3A_255, %mul3A_256 : i32
      %add3A_258 = arith.addi %mul3A_2, %mul3A_257 : i32
      %dma_wait3A_259 = tpu.memref_slice %arg3[%add3A_258] : memref<320000xi32, #tpu.memory_space<hbm>> -> memref<128xi32, #tpu.memory_space<hbm>>
      %dma_wait3A_260 = tpu.memref_slice %arg3[%add3A_258] : memref<320000xi32, #tpu.memory_space<hbm>> -> memref<128xi32, #tpu.memory_space<hbm>>
      tpu.wait_dma2 semaphore(%arg25 : memref<!tpu.dma_semaphore, #tpu.memory_space<semaphore_mem>>) src(%dma_wait3A_260 : memref<128xi32, #tpu.memory_space<hbm>>) dst(%arg8 : memref<128xi32, #tpu.memory_space<vmem>>)
      %dma_wait3A_261 = tpu.memref_slice %arg4[%add3A_258] : memref<320000xi32, #tpu.memory_space<hbm>> -> memref<128xi32, #tpu.memory_space<hbm>>
      %dma_wait3A_262 = tpu.memref_slice %arg4[%add3A_258] : memref<320000xi32, #tpu.memory_space<hbm>> -> memref<128xi32, #tpu.memory_space<hbm>>
      tpu.wait_dma2 semaphore(%arg25 : memref<!tpu.dma_semaphore, #tpu.memory_space<semaphore_mem>>) src(%dma_wait3A_262 : memref<128xi32, #tpu.memory_space<hbm>>) dst(%arg14 : memref<128xi32, #tpu.memory_space<vmem>>)
      %dma_start3A_263 = arith.constant 0 : i32
      %dma_start3A_264 = arith.constant 0 : i32
      %dma_start3A_265 = tpu.memref_slice %arg2[%dma_start3A_263, %dma_start3A_264] : memref<10000x128xf32, #tpu.memory_space<hbm>> -> memref<10000x128xf32, #tpu.memory_space<hbm>>
      tpu.enqueue_indirect_dma source(%dma_start3A_265 : memref<10000x128xf32, #tpu.memory_space<hbm>>) target(%arg17 : memref<128x128xf32, #tpu.memory_space<vmem>>) offsets(%arg8 : memref<128xi32, #tpu.memory_space<vmem>>) semaphore(%arg22 : memref<!tpu.dma_semaphore, #tpu.memory_space<semaphore_mem>>)
      %add3A_266 = arith.constant 2 : i32
      %add3A_267 = arith.addi %add3A_201, %add3A_266 : i32
      %dma_wait3A_268 = arith.constant 0 : i32
      %dma_wait3A_269 = arith.constant 0 : i32
      %dma_wait3A_270 = tpu.memref_slice %arg2[%dma_wait3A_268, %dma_wait3A_269] : memref<10000x128xf32, #tpu.memory_space<hbm>> -> memref<10000x128xf32, #tpu.memory_space<hbm>>
      tpu.wait_indirect_dma semaphore(%arg21 : memref<!tpu.dma_semaphore, #tpu.memory_space<semaphore_mem>>) src(%dma_wait3A_270 : memref<10000x128xf32, #tpu.memory_space<hbm>>) dst(%arg16 : memref<128x128xf32, #tpu.memory_space<vmem>>)
      %dma_start3A_271 = arith.constant 0 : i32
      %dma_start3A_272 = arith.constant 0 : i32
      %dma_start3A_273 = tpu.memref_slice %arg29[%dma_start3A_271, %dma_start3A_272] : memref<10000x128xf32, #tpu.memory_space<vmem_shared>> -> memref<10000x128xf32, #tpu.memory_space<vmem_shared>>
      tpu.enqueue_indirect_dma source(%arg16 : memref<128x128xf32, #tpu.memory_space<vmem>>) target(%dma_start3A_273 : memref<10000x128xf32, #tpu.memory_space<vmem_shared>>) offsets(%arg13 : memref<128xi32, #tpu.memory_space<vmem>>) semaphore(%arg26 : memref<!tpu.dma_semaphore, #tpu.memory_space<semaphore_mem>>) {add = true}
      %add3A_274 = arith.constant 3 : i32
      %add3A_275 = arith.addi %add3A_267, %add3A_274 : i32
      %mul3A_276 = arith.constant 128 : i32
      %mul3A_277 = arith.muli %add3A_275, %mul3A_276 : i32
      %add3A_278 = arith.addi %mul3A_2, %mul3A_277 : i32
      %dma_start3A_279 = tpu.memref_slice %arg3[%add3A_278] : memref<320000xi32, #tpu.memory_space<hbm>> -> memref<128xi32, #tpu.memory_space<hbm>>
      %dma_start3A_280 = tpu.memref_slice %arg3[%add3A_278] : memref<320000xi32, #tpu.memory_space<hbm>> -> memref<128xi32, #tpu.memory_space<hbm>>
      tpu.enqueue_dma source(%dma_start3A_280 : memref<128xi32, #tpu.memory_space<hbm>>) target(%arg7 : memref<128xi32, #tpu.memory_space<vmem>>) target_semaphore(%arg24 : memref<!tpu.dma_semaphore, #tpu.memory_space<semaphore_mem>>)
      %dma_start3A_281 = tpu.memref_slice %arg4[%add3A_278] : memref<320000xi32, #tpu.memory_space<hbm>> -> memref<128xi32, #tpu.memory_space<hbm>>
      %dma_start3A_282 = tpu.memref_slice %arg4[%add3A_278] : memref<320000xi32, #tpu.memory_space<hbm>> -> memref<128xi32, #tpu.memory_space<hbm>>
      tpu.enqueue_dma source(%dma_start3A_282 : memref<128xi32, #tpu.memory_space<hbm>>) target(%arg10 : memref<128xi32, #tpu.memory_space<vmem>>) target_semaphore(%arg24 : memref<!tpu.dma_semaphore, #tpu.memory_space<semaphore_mem>>)
      %dma_wait3A_283 = arith.constant 0 : i32
      %dma_wait3A_284 = arith.constant 0 : i32
      %dma_wait3A_285 = tpu.memref_slice %arg29[%dma_wait3A_283, %dma_wait3A_284] : memref<10000x128xf32, #tpu.memory_space<vmem_shared>> -> memref<10000x128xf32, #tpu.memory_space<vmem_shared>>
      tpu.wait_indirect_dma semaphore(%arg27 : memref<!tpu.dma_semaphore, #tpu.memory_space<semaphore_mem>>) src(%arg15 : memref<128x128xf32, #tpu.memory_space<vmem>>) dst(%dma_wait3A_285 : memref<10000x128xf32, #tpu.memory_space<vmem_shared>>)
      %add3A_286 = arith.constant 2 : i32
      %add3A_287 = arith.addi %add3A_267, %add3A_286 : i32
      %mul3A_288 = arith.constant 128 : i32
      %mul3A_289 = arith.muli %add3A_287, %mul3A_288 : i32
      %add3A_290 = arith.addi %mul3A_2, %mul3A_289 : i32
      %dma_wait3A_291 = tpu.memref_slice %arg3[%add3A_290] : memref<320000xi32, #tpu.memory_space<hbm>> -> memref<128xi32, #tpu.memory_space<hbm>>
      %dma_wait3A_292 = tpu.memref_slice %arg3[%add3A_290] : memref<320000xi32, #tpu.memory_space<hbm>> -> memref<128xi32, #tpu.memory_space<hbm>>
      tpu.wait_dma2 semaphore(%arg23 : memref<!tpu.dma_semaphore, #tpu.memory_space<semaphore_mem>>) src(%dma_wait3A_292 : memref<128xi32, #tpu.memory_space<hbm>>) dst(%arg6 : memref<128xi32, #tpu.memory_space<vmem>>)
      %dma_wait3A_293 = tpu.memref_slice %arg4[%add3A_290] : memref<320000xi32, #tpu.memory_space<hbm>> -> memref<128xi32, #tpu.memory_space<hbm>>
      %dma_wait3A_294 = tpu.memref_slice %arg4[%add3A_290] : memref<320000xi32, #tpu.memory_space<hbm>> -> memref<128xi32, #tpu.memory_space<hbm>>
      tpu.wait_dma2 semaphore(%arg23 : memref<!tpu.dma_semaphore, #tpu.memory_space<semaphore_mem>>) src(%dma_wait3A_294 : memref<128xi32, #tpu.memory_space<hbm>>) dst(%arg9 : memref<128xi32, #tpu.memory_space<vmem>>)
      %dma_start3A_295 = arith.constant 0 : i32
      %dma_start3A_296 = arith.constant 0 : i32
      %dma_start3A_297 = tpu.memref_slice %arg2[%dma_start3A_295, %dma_start3A_296] : memref<10000x128xf32, #tpu.memory_space<hbm>> -> memref<10000x128xf32, #tpu.memory_space<hbm>>
      tpu.enqueue_indirect_dma source(%dma_start3A_297 : memref<10000x128xf32, #tpu.memory_space<hbm>>) target(%arg15 : memref<128x128xf32, #tpu.memory_space<vmem>>) offsets(%arg6 : memref<128xi32, #tpu.memory_space<vmem>>) semaphore(%arg20 : memref<!tpu.dma_semaphore, #tpu.memory_space<semaphore_mem>>)
      %add3A_298 = arith.constant 3 : i32
      %add3A_299 = arith.addi %add3A_201, %add3A_298 : i32
      %dma_wait3A_300 = arith.constant 0 : i32
      %dma_wait3A_301 = arith.constant 0 : i32
      %dma_wait3A_302 = tpu.memref_slice %arg2[%dma_wait3A_300, %dma_wait3A_301] : memref<10000x128xf32, #tpu.memory_space<hbm>> -> memref<10000x128xf32, #tpu.memory_space<hbm>>
      tpu.wait_indirect_dma semaphore(%arg22 : memref<!tpu.dma_semaphore, #tpu.memory_space<semaphore_mem>>) src(%dma_wait3A_302 : memref<10000x128xf32, #tpu.memory_space<hbm>>) dst(%arg17 : memref<128x128xf32, #tpu.memory_space<vmem>>)
      %dma_start3A_303 = arith.constant 0 : i32
      %dma_start3A_304 = arith.constant 0 : i32
      %dma_start3A_305 = tpu.memref_slice %arg29[%dma_start3A_303, %dma_start3A_304] : memref<10000x128xf32, #tpu.memory_space<vmem_shared>> -> memref<10000x128xf32, #tpu.memory_space<vmem_shared>>
      tpu.enqueue_indirect_dma source(%arg17 : memref<128x128xf32, #tpu.memory_space<vmem>>) target(%dma_start3A_305 : memref<10000x128xf32, #tpu.memory_space<vmem_shared>>) offsets(%arg14 : memref<128xi32, #tpu.memory_space<vmem>>) semaphore(%arg27 : memref<!tpu.dma_semaphore, #tpu.memory_space<semaphore_mem>>) {add = true}
      %add3A_306 = arith.constant 3 : i32
      %add3A_307 = arith.addi %add3A_299, %add3A_306 : i32
      %mul3A_308 = arith.constant 128 : i32
      %mul3A_309 = arith.muli %add3A_307, %mul3A_308 : i32
      %add3A_310 = arith.addi %mul3A_2, %mul3A_309 : i32
      %dma_start3A_311 = tpu.memref_slice %arg3[%add3A_310] : memref<320000xi32, #tpu.memory_space<hbm>> -> memref<128xi32, #tpu.memory_space<hbm>>
      %dma_start3A_312 = tpu.memref_slice %arg3[%add3A_310] : memref<320000xi32, #tpu.memory_space<hbm>> -> memref<128xi32, #tpu.memory_space<hbm>>
      tpu.enqueue_dma source(%dma_start3A_312 : memref<128xi32, #tpu.memory_space<hbm>>) target(%arg8 : memref<128xi32, #tpu.memory_space<vmem>>) target_semaphore(%arg25 : memref<!tpu.dma_semaphore, #tpu.memory_space<semaphore_mem>>)
      %dma_start3A_313 = tpu.memref_slice %arg4[%add3A_310] : memref<320000xi32, #tpu.memory_space<hbm>> -> memref<128xi32, #tpu.memory_space<hbm>>
      %dma_start3A_314 = tpu.memref_slice %arg4[%add3A_310] : memref<320000xi32, #tpu.memory_space<hbm>> -> memref<128xi32, #tpu.memory_space<hbm>>
      tpu.enqueue_dma source(%dma_start3A_314 : memref<128xi32, #tpu.memory_space<hbm>>) target(%arg11 : memref<128xi32, #tpu.memory_space<vmem>>) target_semaphore(%arg25 : memref<!tpu.dma_semaphore, #tpu.memory_space<semaphore_mem>>)
      %dma_wait3A_315 = arith.constant 0 : i32
      %dma_wait3A_316 = arith.constant 0 : i32
      %dma_wait3A_317 = tpu.memref_slice %arg29[%dma_wait3A_315, %dma_wait3A_316] : memref<10000x128xf32, #tpu.memory_space<vmem_shared>> -> memref<10000x128xf32, #tpu.memory_space<vmem_shared>>
      tpu.wait_indirect_dma semaphore(%arg26 : memref<!tpu.dma_semaphore, #tpu.memory_space<semaphore_mem>>) src(%arg16 : memref<128x128xf32, #tpu.memory_space<vmem>>) dst(%dma_wait3A_317 : memref<10000x128xf32, #tpu.memory_space<vmem_shared>>)
      %add3A_318 = arith.constant 2 : i32
      %add3A_319 = arith.addi %add3A_299, %add3A_318 : i32
      %mul3A_320 = arith.constant 128 : i32
      %mul3A_321 = arith.muli %add3A_319, %mul3A_320 : i32
      %add3A_322 = arith.addi %mul3A_2, %mul3A_321 : i32
      %dma_wait3A_323 = tpu.memref_slice %arg3[%add3A_322] : memref<320000xi32, #tpu.memory_space<hbm>> -> memref<128xi32, #tpu.memory_space<hbm>>
      %dma_wait3A_324 = tpu.memref_slice %arg3[%add3A_322] : memref<320000xi32, #tpu.memory_space<hbm>> -> memref<128xi32, #tpu.memory_space<hbm>>
      tpu.wait_dma2 semaphore(%arg24 : memref<!tpu.dma_semaphore, #tpu.memory_space<semaphore_mem>>) src(%dma_wait3A_324 : memref<128xi32, #tpu.memory_space<hbm>>) dst(%arg7 : memref<128xi32, #tpu.memory_space<vmem>>)
      %dma_wait3A_325 = tpu.memref_slice %arg4[%add3A_322] : memref<320000xi32, #tpu.memory_space<hbm>> -> memref<128xi32, #tpu.memory_space<hbm>>
      %dma_wait3A_326 = tpu.memref_slice %arg4[%add3A_322] : memref<320000xi32, #tpu.memory_space<hbm>> -> memref<128xi32, #tpu.memory_space<hbm>>
      tpu.wait_dma2 semaphore(%arg24 : memref<!tpu.dma_semaphore, #tpu.memory_space<semaphore_mem>>) src(%dma_wait3A_326 : memref<128xi32, #tpu.memory_space<hbm>>) dst(%arg10 : memref<128xi32, #tpu.memory_space<vmem>>)
      %dma_start3A_327 = arith.constant 0 : i32
      %dma_start3A_328 = arith.constant 0 : i32
      %dma_start3A_329 = tpu.memref_slice %arg2[%dma_start3A_327, %dma_start3A_328] : memref<10000x128xf32, #tpu.memory_space<hbm>> -> memref<10000x128xf32, #tpu.memory_space<hbm>>
      tpu.enqueue_indirect_dma source(%dma_start3A_329 : memref<10000x128xf32, #tpu.memory_space<hbm>>) target(%arg16 : memref<128x128xf32, #tpu.memory_space<vmem>>) offsets(%arg7 : memref<128xi32, #tpu.memory_space<vmem>>) semaphore(%arg21 : memref<!tpu.dma_semaphore, #tpu.memory_space<semaphore_mem>>)
      %add3A_330 = arith.constant 4 : i32
      %add3A_331 = arith.addi %add3A_201, %add3A_330 : i32
      %dma_wait3A_332 = arith.constant 0 : i32
      %dma_wait3A_333 = arith.constant 0 : i32
      %dma_wait3A_334 = tpu.memref_slice %arg2[%dma_wait3A_332, %dma_wait3A_333] : memref<10000x128xf32, #tpu.memory_space<hbm>> -> memref<10000x128xf32, #tpu.memory_space<hbm>>
      tpu.wait_indirect_dma semaphore(%arg20 : memref<!tpu.dma_semaphore, #tpu.memory_space<semaphore_mem>>) src(%dma_wait3A_334 : memref<10000x128xf32, #tpu.memory_space<hbm>>) dst(%arg15 : memref<128x128xf32, #tpu.memory_space<vmem>>)
      %dma_start3A_335 = arith.constant 0 : i32
      %dma_start3A_336 = arith.constant 0 : i32
      %dma_start3A_337 = tpu.memref_slice %arg29[%dma_start3A_335, %dma_start3A_336] : memref<10000x128xf32, #tpu.memory_space<vmem_shared>> -> memref<10000x128xf32, #tpu.memory_space<vmem_shared>>
      tpu.enqueue_indirect_dma source(%arg15 : memref<128x128xf32, #tpu.memory_space<vmem>>) target(%dma_start3A_337 : memref<10000x128xf32, #tpu.memory_space<vmem_shared>>) offsets(%arg9 : memref<128xi32, #tpu.memory_space<vmem>>) semaphore(%arg26 : memref<!tpu.dma_semaphore, #tpu.memory_space<semaphore_mem>>) {add = true}
      %add3A_338 = arith.constant 3 : i32
      %add3A_339 = arith.addi %add3A_331, %add3A_338 : i32
      %mul3A_340 = arith.constant 128 : i32
      %mul3A_341 = arith.muli %add3A_339, %mul3A_340 : i32
      %add3A_342 = arith.addi %mul3A_2, %mul3A_341 : i32
      %dma_start3A_343 = tpu.memref_slice %arg3[%add3A_342] : memref<320000xi32, #tpu.memory_space<hbm>> -> memref<128xi32, #tpu.memory_space<hbm>>
      %dma_start3A_344 = tpu.memref_slice %arg3[%add3A_342] : memref<320000xi32, #tpu.memory_space<hbm>> -> memref<128xi32, #tpu.memory_space<hbm>>
      tpu.enqueue_dma source(%dma_start3A_344 : memref<128xi32, #tpu.memory_space<hbm>>) target(%arg6 : memref<128xi32, #tpu.memory_space<vmem>>) target_semaphore(%arg23 : memref<!tpu.dma_semaphore, #tpu.memory_space<semaphore_mem>>)
      %dma_start3A_345 = tpu.memref_slice %arg4[%add3A_342] : memref<320000xi32, #tpu.memory_space<hbm>> -> memref<128xi32, #tpu.memory_space<hbm>>
      %dma_start3A_346 = tpu.memref_slice %arg4[%add3A_342] : memref<320000xi32, #tpu.memory_space<hbm>> -> memref<128xi32, #tpu.memory_space<hbm>>
      tpu.enqueue_dma source(%dma_start3A_346 : memref<128xi32, #tpu.memory_space<hbm>>) target(%arg12 : memref<128xi32, #tpu.memory_space<vmem>>) target_semaphore(%arg23 : memref<!tpu.dma_semaphore, #tpu.memory_space<semaphore_mem>>)
      %dma_wait3A_347 = arith.constant 0 : i32
      %dma_wait3A_348 = arith.constant 0 : i32
      %dma_wait3A_349 = tpu.memref_slice %arg29[%dma_wait3A_347, %dma_wait3A_348] : memref<10000x128xf32, #tpu.memory_space<vmem_shared>> -> memref<10000x128xf32, #tpu.memory_space<vmem_shared>>
      tpu.wait_indirect_dma semaphore(%arg27 : memref<!tpu.dma_semaphore, #tpu.memory_space<semaphore_mem>>) src(%arg17 : memref<128x128xf32, #tpu.memory_space<vmem>>) dst(%dma_wait3A_349 : memref<10000x128xf32, #tpu.memory_space<vmem_shared>>)
      %add3A_350 = arith.constant 2 : i32
      %add3A_351 = arith.addi %add3A_331, %add3A_350 : i32
      %mul3A_352 = arith.constant 128 : i32
      %mul3A_353 = arith.muli %add3A_351, %mul3A_352 : i32
      %add3A_354 = arith.addi %mul3A_2, %mul3A_353 : i32
      %dma_wait3A_355 = tpu.memref_slice %arg3[%add3A_354] : memref<320000xi32, #tpu.memory_space<hbm>> -> memref<128xi32, #tpu.memory_space<hbm>>
      %dma_wait3A_356 = tpu.memref_slice %arg3[%add3A_354] : memref<320000xi32, #tpu.memory_space<hbm>> -> memref<128xi32, #tpu.memory_space<hbm>>
      tpu.wait_dma2 semaphore(%arg25 : memref<!tpu.dma_semaphore, #tpu.memory_space<semaphore_mem>>) src(%dma_wait3A_356 : memref<128xi32, #tpu.memory_space<hbm>>) dst(%arg8 : memref<128xi32, #tpu.memory_space<vmem>>)
      %dma_wait3A_357 = tpu.memref_slice %arg4[%add3A_354] : memref<320000xi32, #tpu.memory_space<hbm>> -> memref<128xi32, #tpu.memory_space<hbm>>
      %dma_wait3A_358 = tpu.memref_slice %arg4[%add3A_354] : memref<320000xi32, #tpu.memory_space<hbm>> -> memref<128xi32, #tpu.memory_space<hbm>>
      tpu.wait_dma2 semaphore(%arg25 : memref<!tpu.dma_semaphore, #tpu.memory_space<semaphore_mem>>) src(%dma_wait3A_358 : memref<128xi32, #tpu.memory_space<hbm>>) dst(%arg11 : memref<128xi32, #tpu.memory_space<vmem>>)
      %dma_start3A_359 = arith.constant 0 : i32
      %dma_start3A_360 = arith.constant 0 : i32
      %dma_start3A_361 = tpu.memref_slice %arg2[%dma_start3A_359, %dma_start3A_360] : memref<10000x128xf32, #tpu.memory_space<hbm>> -> memref<10000x128xf32, #tpu.memory_space<hbm>>
      tpu.enqueue_indirect_dma source(%dma_start3A_361 : memref<10000x128xf32, #tpu.memory_space<hbm>>) target(%arg17 : memref<128x128xf32, #tpu.memory_space<vmem>>) offsets(%arg8 : memref<128xi32, #tpu.memory_space<vmem>>) semaphore(%arg22 : memref<!tpu.dma_semaphore, #tpu.memory_space<semaphore_mem>>)
      %add3A_362 = arith.constant 5 : i32
      %add3A_363 = arith.addi %add3A_201, %add3A_362 : i32
      %dma_wait3A_364 = arith.constant 0 : i32
      %dma_wait3A_365 = arith.constant 0 : i32
      %dma_wait3A_366 = tpu.memref_slice %arg2[%dma_wait3A_364, %dma_wait3A_365] : memref<10000x128xf32, #tpu.memory_space<hbm>> -> memref<10000x128xf32, #tpu.memory_space<hbm>>
      tpu.wait_indirect_dma semaphore(%arg21 : memref<!tpu.dma_semaphore, #tpu.memory_space<semaphore_mem>>) src(%dma_wait3A_366 : memref<10000x128xf32, #tpu.memory_space<hbm>>) dst(%arg16 : memref<128x128xf32, #tpu.memory_space<vmem>>)
      %dma_start3A_367 = arith.constant 0 : i32
      %dma_start3A_368 = arith.constant 0 : i32
      %dma_start3A_369 = tpu.memref_slice %arg29[%dma_start3A_367, %dma_start3A_368] : memref<10000x128xf32, #tpu.memory_space<vmem_shared>> -> memref<10000x128xf32, #tpu.memory_space<vmem_shared>>
      tpu.enqueue_indirect_dma source(%arg16 : memref<128x128xf32, #tpu.memory_space<vmem>>) target(%dma_start3A_369 : memref<10000x128xf32, #tpu.memory_space<vmem_shared>>) offsets(%arg10 : memref<128xi32, #tpu.memory_space<vmem>>) semaphore(%arg27 : memref<!tpu.dma_semaphore, #tpu.memory_space<semaphore_mem>>) {add = true}
      %add3A_370 = arith.constant 3 : i32
      %add3A_371 = arith.addi %add3A_363, %add3A_370 : i32
      %mul3A_372 = arith.constant 128 : i32
      %mul3A_373 = arith.muli %add3A_371, %mul3A_372 : i32
      %add3A_374 = arith.addi %mul3A_2, %mul3A_373 : i32
      %dma_start3A_375 = tpu.memref_slice %arg3[%add3A_374] : memref<320000xi32, #tpu.memory_space<hbm>> -> memref<128xi32, #tpu.memory_space<hbm>>
      %dma_start3A_376 = tpu.memref_slice %arg3[%add3A_374] : memref<320000xi32, #tpu.memory_space<hbm>> -> memref<128xi32, #tpu.memory_space<hbm>>
      tpu.enqueue_dma source(%dma_start3A_376 : memref<128xi32, #tpu.memory_space<hbm>>) target(%arg7 : memref<128xi32, #tpu.memory_space<vmem>>) target_semaphore(%arg24 : memref<!tpu.dma_semaphore, #tpu.memory_space<semaphore_mem>>)
      %dma_start3A_377 = tpu.memref_slice %arg4[%add3A_374] : memref<320000xi32, #tpu.memory_space<hbm>> -> memref<128xi32, #tpu.memory_space<hbm>>
      %dma_start3A_378 = tpu.memref_slice %arg4[%add3A_374] : memref<320000xi32, #tpu.memory_space<hbm>> -> memref<128xi32, #tpu.memory_space<hbm>>
      tpu.enqueue_dma source(%dma_start3A_378 : memref<128xi32, #tpu.memory_space<hbm>>) target(%arg13 : memref<128xi32, #tpu.memory_space<vmem>>) target_semaphore(%arg24 : memref<!tpu.dma_semaphore, #tpu.memory_space<semaphore_mem>>)
      %dma_wait3A_379 = arith.constant 0 : i32
      %dma_wait3A_380 = arith.constant 0 : i32
      %dma_wait3A_381 = tpu.memref_slice %arg29[%dma_wait3A_379, %dma_wait3A_380] : memref<10000x128xf32, #tpu.memory_space<vmem_shared>> -> memref<10000x128xf32, #tpu.memory_space<vmem_shared>>
      tpu.wait_indirect_dma semaphore(%arg26 : memref<!tpu.dma_semaphore, #tpu.memory_space<semaphore_mem>>) src(%arg15 : memref<128x128xf32, #tpu.memory_space<vmem>>) dst(%dma_wait3A_381 : memref<10000x128xf32, #tpu.memory_space<vmem_shared>>)
      %add3A_382 = arith.constant 2 : i32
      %add3A_383 = arith.addi %add3A_363, %add3A_382 : i32
      %mul3A_384 = arith.constant 128 : i32
      %mul3A_385 = arith.muli %add3A_383, %mul3A_384 : i32
      %add3A_386 = arith.addi %mul3A_2, %mul3A_385 : i32
      %dma_wait3A_387 = tpu.memref_slice %arg3[%add3A_386] : memref<320000xi32, #tpu.memory_space<hbm>> -> memref<128xi32, #tpu.memory_space<hbm>>
      %dma_wait3A_388 = tpu.memref_slice %arg3[%add3A_386] : memref<320000xi32, #tpu.memory_space<hbm>> -> memref<128xi32, #tpu.memory_space<hbm>>
      tpu.wait_dma2 semaphore(%arg23 : memref<!tpu.dma_semaphore, #tpu.memory_space<semaphore_mem>>) src(%dma_wait3A_388 : memref<128xi32, #tpu.memory_space<hbm>>) dst(%arg6 : memref<128xi32, #tpu.memory_space<vmem>>)
      %dma_wait3A_389 = tpu.memref_slice %arg4[%add3A_386] : memref<320000xi32, #tpu.memory_space<hbm>> -> memref<128xi32, #tpu.memory_space<hbm>>
      %dma_wait3A_390 = tpu.memref_slice %arg4[%add3A_386] : memref<320000xi32, #tpu.memory_space<hbm>> -> memref<128xi32, #tpu.memory_space<hbm>>
      tpu.wait_dma2 semaphore(%arg23 : memref<!tpu.dma_semaphore, #tpu.memory_space<semaphore_mem>>) src(%dma_wait3A_390 : memref<128xi32, #tpu.memory_space<hbm>>) dst(%arg12 : memref<128xi32, #tpu.memory_space<vmem>>)
      %dma_start3A_391 = arith.constant 0 : i32
      %dma_start3A_392 = arith.constant 0 : i32
      %dma_start3A_393 = tpu.memref_slice %arg2[%dma_start3A_391, %dma_start3A_392] : memref<10000x128xf32, #tpu.memory_space<hbm>> -> memref<10000x128xf32, #tpu.memory_space<hbm>>
      tpu.enqueue_indirect_dma source(%dma_start3A_393 : memref<10000x128xf32, #tpu.memory_space<hbm>>) target(%arg15 : memref<128x128xf32, #tpu.memory_space<vmem>>) offsets(%arg6 : memref<128xi32, #tpu.memory_space<vmem>>) semaphore(%arg20 : memref<!tpu.dma_semaphore, #tpu.memory_space<semaphore_mem>>)
    }
    %scan3A_106 = arith.constant 12 : i32
    %dma_wait3A_107 = arith.constant 0 : i32
    %dma_wait3A_108 = arith.constant 0 : i32
    %dma_wait3A_109 = tpu.memref_slice %arg2[%dma_wait3A_107, %dma_wait3A_108] : memref<10000x128xf32, #tpu.memory_space<hbm>> -> memref<10000x128xf32, #tpu.memory_space<hbm>>
    tpu.wait_indirect_dma semaphore(%arg22 : memref<!tpu.dma_semaphore, #tpu.memory_space<semaphore_mem>>) src(%dma_wait3A_109 : memref<10000x128xf32, #tpu.memory_space<hbm>>) dst(%arg17 : memref<128x128xf32, #tpu.memory_space<vmem>>)
    %dma_start3A_110 = arith.constant 0 : i32
    %dma_start3A_111 = arith.constant 0 : i32
    %dma_start3A_112 = tpu.memref_slice %arg29[%dma_start3A_110, %dma_start3A_111] : memref<10000x128xf32, #tpu.memory_space<vmem_shared>> -> memref<10000x128xf32, #tpu.memory_space<vmem_shared>>
    tpu.enqueue_indirect_dma source(%arg17 : memref<128x128xf32, #tpu.memory_space<vmem>>) target(%dma_start3A_112 : memref<10000x128xf32, #tpu.memory_space<vmem_shared>>) offsets(%arg11 : memref<128xi32, #tpu.memory_space<vmem>>) semaphore(%arg26 : memref<!tpu.dma_semaphore, #tpu.memory_space<semaphore_mem>>) {add = true}
    %add3A_113 = arith.constant 9856 : i32
    %add3A_114 = arith.addi %mul3A_2, %add3A_113 : i32
    %dma_start3A_115 = tpu.memref_slice %arg3[%add3A_114] : memref<320000xi32, #tpu.memory_space<hbm>> -> memref<128xi32, #tpu.memory_space<hbm>>
    %dma_start3A_116 = tpu.memref_slice %arg3[%add3A_114] : memref<320000xi32, #tpu.memory_space<hbm>> -> memref<128xi32, #tpu.memory_space<hbm>>
    tpu.enqueue_dma source(%dma_start3A_116 : memref<128xi32, #tpu.memory_space<hbm>>) target(%arg8 : memref<128xi32, #tpu.memory_space<vmem>>) target_semaphore(%arg25 : memref<!tpu.dma_semaphore, #tpu.memory_space<semaphore_mem>>)
    %dma_start3A_117 = tpu.memref_slice %arg4[%add3A_114] : memref<320000xi32, #tpu.memory_space<hbm>> -> memref<128xi32, #tpu.memory_space<hbm>>
    %dma_start3A_118 = tpu.memref_slice %arg4[%add3A_114] : memref<320000xi32, #tpu.memory_space<hbm>> -> memref<128xi32, #tpu.memory_space<hbm>>
    tpu.enqueue_dma source(%dma_start3A_118 : memref<128xi32, #tpu.memory_space<hbm>>) target(%arg14 : memref<128xi32, #tpu.memory_space<vmem>>) target_semaphore(%arg25 : memref<!tpu.dma_semaphore, #tpu.memory_space<semaphore_mem>>)
    %dma_wait3A_119 = arith.constant 0 : i32
    %dma_wait3A_120 = arith.constant 0 : i32
    %dma_wait3A_121 = tpu.memref_slice %arg29[%dma_wait3A_119, %dma_wait3A_120] : memref<10000x128xf32, #tpu.memory_space<vmem_shared>> -> memref<10000x128xf32, #tpu.memory_space<vmem_shared>>
    tpu.wait_indirect_dma semaphore(%arg27 : memref<!tpu.dma_semaphore, #tpu.memory_space<semaphore_mem>>) src(%arg16 : memref<128x128xf32, #tpu.memory_space<vmem>>) dst(%dma_wait3A_121 : memref<10000x128xf32, #tpu.memory_space<vmem_shared>>)
    %add3A_122 = arith.constant 9728 : i32
    %add3A_123 = arith.addi %mul3A_2, %add3A_122 : i32
    %dma_wait3A_124 = tpu.memref_slice %arg3[%add3A_123] : memref<320000xi32, #tpu.memory_space<hbm>> -> memref<128xi32, #tpu.memory_space<hbm>>
    %dma_wait3A_125 = tpu.memref_slice %arg3[%add3A_123] : memref<320000xi32, #tpu.memory_space<hbm>> -> memref<128xi32, #tpu.memory_space<hbm>>
    tpu.wait_dma2 semaphore(%arg24 : memref<!tpu.dma_semaphore, #tpu.memory_space<semaphore_mem>>) src(%dma_wait3A_125 : memref<128xi32, #tpu.memory_space<hbm>>) dst(%arg7 : memref<128xi32, #tpu.memory_space<vmem>>)
    %dma_wait3A_126 = tpu.memref_slice %arg4[%add3A_123] : memref<320000xi32, #tpu.memory_space<hbm>> -> memref<128xi32, #tpu.memory_space<hbm>>
    %dma_wait3A_127 = tpu.memref_slice %arg4[%add3A_123] : memref<320000xi32, #tpu.memory_space<hbm>> -> memref<128xi32, #tpu.memory_space<hbm>>
    tpu.wait_dma2 semaphore(%arg24 : memref<!tpu.dma_semaphore, #tpu.memory_space<semaphore_mem>>) src(%dma_wait3A_127 : memref<128xi32, #tpu.memory_space<hbm>>) dst(%arg13 : memref<128xi32, #tpu.memory_space<vmem>>)
    %dma_start3A_128 = arith.constant 0 : i32
    %dma_start3A_129 = arith.constant 0 : i32
    %dma_start3A_130 = tpu.memref_slice %arg2[%dma_start3A_128, %dma_start3A_129] : memref<10000x128xf32, #tpu.memory_space<hbm>> -> memref<10000x128xf32, #tpu.memory_space<hbm>>
    tpu.enqueue_indirect_dma source(%dma_start3A_130 : memref<10000x128xf32, #tpu.memory_space<hbm>>) target(%arg16 : memref<128x128xf32, #tpu.memory_space<vmem>>) offsets(%arg7 : memref<128xi32, #tpu.memory_space<vmem>>) semaphore(%arg21 : memref<!tpu.dma_semaphore, #tpu.memory_space<semaphore_mem>>)
    %dma_wait3A_131 = arith.constant 0 : i32
    %dma_wait3A_132 = arith.constant 0 : i32
    %dma_wait3A_133 = tpu.memref_slice %arg2[%dma_wait3A_131, %dma_wait3A_132] : memref<10000x128xf32, #tpu.memory_space<hbm>> -> memref<10000x128xf32, #tpu.memory_space<hbm>>
    tpu.wait_indirect_dma semaphore(%arg20 : memref<!tpu.dma_semaphore, #tpu.memory_space<semaphore_mem>>) src(%dma_wait3A_133 : memref<10000x128xf32, #tpu.memory_space<hbm>>) dst(%arg15 : memref<128x128xf32, #tpu.memory_space<vmem>>)
    %dma_start3A_134 = arith.constant 0 : i32
    %dma_start3A_135 = arith.constant 0 : i32
    %dma_start3A_136 = tpu.memref_slice %arg29[%dma_start3A_134, %dma_start3A_135] : memref<10000x128xf32, #tpu.memory_space<vmem_shared>> -> memref<10000x128xf32, #tpu.memory_space<vmem_shared>>
    tpu.enqueue_indirect_dma source(%arg15 : memref<128x128xf32, #tpu.memory_space<vmem>>) target(%dma_start3A_136 : memref<10000x128xf32, #tpu.memory_space<vmem_shared>>) offsets(%arg12 : memref<128xi32, #tpu.memory_space<vmem>>) semaphore(%arg27 : memref<!tpu.dma_semaphore, #tpu.memory_space<semaphore_mem>>) {add = true}
    %dma_wait3A_137 = arith.constant 0 : i32
    %dma_wait3A_138 = arith.constant 0 : i32
    %dma_wait3A_139 = tpu.memref_slice %arg29[%dma_wait3A_137, %dma_wait3A_138] : memref<10000x128xf32, #tpu.memory_space<vmem_shared>> -> memref<10000x128xf32, #tpu.memory_space<vmem_shared>>
    tpu.wait_indirect_dma semaphore(%arg26 : memref<!tpu.dma_semaphore, #tpu.memory_space<semaphore_mem>>) src(%arg17 : memref<128x128xf32, #tpu.memory_space<vmem>>) dst(%dma_wait3A_139 : memref<10000x128xf32, #tpu.memory_space<vmem_shared>>)
    %add3A_140 = arith.constant 9856 : i32
    %add3A_141 = arith.addi %mul3A_2, %add3A_140 : i32
    %dma_wait3A_142 = tpu.memref_slice %arg3[%add3A_141] : memref<320000xi32, #tpu.memory_space<hbm>> -> memref<128xi32, #tpu.memory_space<hbm>>
    %dma_wait3A_143 = tpu.memref_slice %arg3[%add3A_141] : memref<320000xi32, #tpu.memory_space<hbm>> -> memref<128xi32, #tpu.memory_space<hbm>>
    tpu.wait_dma2 semaphore(%arg25 : memref<!tpu.dma_semaphore, #tpu.memory_space<semaphore_mem>>) src(%dma_wait3A_143 : memref<128xi32, #tpu.memory_space<hbm>>) dst(%arg8 : memref<128xi32, #tpu.memory_space<vmem>>)
    %dma_wait3A_144 = tpu.memref_slice %arg4[%add3A_141] : memref<320000xi32, #tpu.memory_space<hbm>> -> memref<128xi32, #tpu.memory_space<hbm>>
    %dma_wait3A_145 = tpu.memref_slice %arg4[%add3A_141] : memref<320000xi32, #tpu.memory_space<hbm>> -> memref<128xi32, #tpu.memory_space<hbm>>
    tpu.wait_dma2 semaphore(%arg25 : memref<!tpu.dma_semaphore, #tpu.memory_space<semaphore_mem>>) src(%dma_wait3A_145 : memref<128xi32, #tpu.memory_space<hbm>>) dst(%arg14 : memref<128xi32, #tpu.memory_space<vmem>>)
    %dma_start3A_146 = arith.constant 0 : i32
    %dma_start3A_147 = arith.constant 0 : i32
    %dma_start3A_148 = tpu.memref_slice %arg2[%dma_start3A_146, %dma_start3A_147] : memref<10000x128xf32, #tpu.memory_space<hbm>> -> memref<10000x128xf32, #tpu.memory_space<hbm>>
    tpu.enqueue_indirect_dma source(%dma_start3A_148 : memref<10000x128xf32, #tpu.memory_space<hbm>>) target(%arg17 : memref<128x128xf32, #tpu.memory_space<vmem>>) offsets(%arg8 : memref<128xi32, #tpu.memory_space<vmem>>) semaphore(%arg22 : memref<!tpu.dma_semaphore, #tpu.memory_space<semaphore_mem>>)
    %dma_wait3A_149 = arith.constant 0 : i32
    %dma_wait3A_150 = arith.constant 0 : i32
    %dma_wait3A_151 = tpu.memref_slice %arg2[%dma_wait3A_149, %dma_wait3A_150] : memref<10000x128xf32, #tpu.memory_space<hbm>> -> memref<10000x128xf32, #tpu.memory_space<hbm>>
    tpu.wait_indirect_dma semaphore(%arg21 : memref<!tpu.dma_semaphore, #tpu.memory_space<semaphore_mem>>) src(%dma_wait3A_151 : memref<10000x128xf32, #tpu.memory_space<hbm>>) dst(%arg16 : memref<128x128xf32, #tpu.memory_space<vmem>>)
    %dma_start3A_152 = arith.constant 0 : i32
    %dma_start3A_153 = arith.constant 0 : i32
    %dma_start3A_154 = tpu.memref_slice %arg29[%dma_start3A_152, %dma_start3A_153] : memref<10000x128xf32, #tpu.memory_space<vmem_shared>> -> memref<10000x128xf32, #tpu.memory_space<vmem_shared>>
    tpu.enqueue_indirect_dma source(%arg16 : memref<128x128xf32, #tpu.memory_space<vmem>>) target(%dma_start3A_154 : memref<10000x128xf32, #tpu.memory_space<vmem_shared>>) offsets(%arg13 : memref<128xi32, #tpu.memory_space<vmem>>) semaphore(%arg26 : memref<!tpu.dma_semaphore, #tpu.memory_space<semaphore_mem>>) {add = true}
    %dma_wait3A_155 = arith.constant 0 : i32
    %dma_wait3A_156 = arith.constant 0 : i32
    %dma_wait3A_157 = tpu.memref_slice %arg29[%dma_wait3A_155, %dma_wait3A_156] : memref<10000x128xf32, #tpu.memory_space<vmem_shared>> -> memref<10000x128xf32, #tpu.memory_space<vmem_shared>>
    tpu.wait_indirect_dma semaphore(%arg27 : memref<!tpu.dma_semaphore, #tpu.memory_space<semaphore_mem>>) src(%arg15 : memref<128x128xf32, #tpu.memory_space<vmem>>) dst(%dma_wait3A_157 : memref<10000x128xf32, #tpu.memory_space<vmem_shared>>)
    %dma_wait3A_158 = tpu.memref_slice %arg3[%add3A_28] : memref<320000xi32, #tpu.memory_space<hbm>> -> memref<16xi32, #tpu.memory_space<hbm>>
    %dma_wait3A_159 = tpu.memref_slice %arg3[%add3A_28] : memref<320000xi32, #tpu.memory_space<hbm>> -> memref<16xi32, #tpu.memory_space<hbm>>
    tpu.wait_dma2 semaphore(%arg28 : memref<!tpu.dma_semaphore, #tpu.memory_space<semaphore_mem>>) src(%dma_wait3A_159 : memref<16xi32, #tpu.memory_space<hbm>>) dst(%arg18 : memref<16xi32, #tpu.memory_space<vmem>>)
    %dma_wait3A_160 = tpu.memref_slice %arg4[%add3A_28] : memref<320000xi32, #tpu.memory_space<hbm>> -> memref<16xi32, #tpu.memory_space<hbm>>
    %dma_wait3A_161 = tpu.memref_slice %arg4[%add3A_28] : memref<320000xi32, #tpu.memory_space<hbm>> -> memref<16xi32, #tpu.memory_space<hbm>>
    tpu.wait_dma2 semaphore(%arg28 : memref<!tpu.dma_semaphore, #tpu.memory_space<semaphore_mem>>) src(%dma_wait3A_161 : memref<16xi32, #tpu.memory_space<hbm>>) dst(%arg19 : memref<16xi32, #tpu.memory_space<vmem>>)
    %dma_start3A_162 = arith.constant 0 : i32
    %dma_start3A_163 = arith.constant 0 : i32
    %dma_start3A_164 = tpu.memref_slice %arg15[%dma_start3A_162, %dma_start3A_163] : memref<128x128xf32, #tpu.memory_space<vmem>> -> memref<16x128xf32, #tpu.memory_space<vmem>>
    %dma_start3A_165 = arith.constant 0 : i32
    %dma_start3A_166 = arith.constant 0 : i32
    %dma_start3A_167 = tpu.memref_slice %arg2[%dma_start3A_165, %dma_start3A_166] : memref<10000x128xf32, #tpu.memory_space<hbm>> -> memref<10000x128xf32, #tpu.memory_space<hbm>>
    tpu.enqueue_indirect_dma source(%dma_start3A_167 : memref<10000x128xf32, #tpu.memory_space<hbm>>) target(%dma_start3A_164 : memref<16x128xf32, #tpu.memory_space<vmem>>) offsets(%arg18 : memref<16xi32, #tpu.memory_space<vmem>>) semaphore(%arg28 : memref<!tpu.dma_semaphore, #tpu.memory_space<semaphore_mem>>)
    %dma_wait3A_168 = arith.constant 0 : i32
    %dma_wait3A_169 = arith.constant 0 : i32
    %dma_wait3A_170 = tpu.memref_slice %arg2[%dma_wait3A_168, %dma_wait3A_169] : memref<10000x128xf32, #tpu.memory_space<hbm>> -> memref<10000x128xf32, #tpu.memory_space<hbm>>
    tpu.wait_indirect_dma semaphore(%arg22 : memref<!tpu.dma_semaphore, #tpu.memory_space<semaphore_mem>>) src(%dma_wait3A_170 : memref<10000x128xf32, #tpu.memory_space<hbm>>) dst(%arg17 : memref<128x128xf32, #tpu.memory_space<vmem>>)
    %dma_start3A_171 = arith.constant 0 : i32
    %dma_start3A_172 = arith.constant 0 : i32
    %dma_start3A_173 = tpu.memref_slice %arg29[%dma_start3A_171, %dma_start3A_172] : memref<10000x128xf32, #tpu.memory_space<vmem_shared>> -> memref<10000x128xf32, #tpu.memory_space<vmem_shared>>
    tpu.enqueue_indirect_dma source(%arg17 : memref<128x128xf32, #tpu.memory_space<vmem>>) target(%dma_start3A_173 : memref<10000x128xf32, #tpu.memory_space<vmem_shared>>) offsets(%arg14 : memref<128xi32, #tpu.memory_space<vmem>>) semaphore(%arg27 : memref<!tpu.dma_semaphore, #tpu.memory_space<semaphore_mem>>) {add = true}
    %dma_wait3A_174 = arith.constant 0 : i32
    %dma_wait3A_175 = arith.constant 0 : i32
    %dma_wait3A_176 = tpu.memref_slice %arg29[%dma_wait3A_174, %dma_wait3A_175] : memref<10000x128xf32, #tpu.memory_space<vmem_shared>> -> memref<10000x128xf32, #tpu.memory_space<vmem_shared>>
    tpu.wait_indirect_dma semaphore(%arg26 : memref<!tpu.dma_semaphore, #tpu.memory_space<semaphore_mem>>) src(%arg16 : memref<128x128xf32, #tpu.memory_space<vmem>>) dst(%dma_wait3A_176 : memref<10000x128xf32, #tpu.memory_space<vmem_shared>>)
    %dma_wait3A_177 = arith.constant 0 : i32
    %dma_wait3A_178 = arith.constant 0 : i32
    %dma_wait3A_179 = tpu.memref_slice %arg15[%dma_wait3A_177, %dma_wait3A_178] : memref<128x128xf32, #tpu.memory_space<vmem>> -> memref<16x128xf32, #tpu.memory_space<vmem>>
    %dma_wait3A_180 = arith.constant 0 : i32
    %dma_wait3A_181 = arith.constant 0 : i32
    %dma_wait3A_182 = tpu.memref_slice %arg2[%dma_wait3A_180, %dma_wait3A_181] : memref<10000x128xf32, #tpu.memory_space<hbm>> -> memref<10000x128xf32, #tpu.memory_space<hbm>>
    tpu.wait_indirect_dma semaphore(%arg28 : memref<!tpu.dma_semaphore, #tpu.memory_space<semaphore_mem>>) src(%dma_wait3A_182 : memref<10000x128xf32, #tpu.memory_space<hbm>>) dst(%dma_wait3A_179 : memref<16x128xf32, #tpu.memory_space<vmem>>)
    %dma_wait3A_183 = arith.constant 0 : i32
    %dma_wait3A_184 = arith.constant 0 : i32
    %dma_wait3A_185 = tpu.memref_slice %arg29[%dma_wait3A_183, %dma_wait3A_184] : memref<10000x128xf32, #tpu.memory_space<vmem_shared>> -> memref<10000x128xf32, #tpu.memory_space<vmem_shared>>
    tpu.wait_indirect_dma semaphore(%arg27 : memref<!tpu.dma_semaphore, #tpu.memory_space<semaphore_mem>>) src(%arg17 : memref<128x128xf32, #tpu.memory_space<vmem>>) dst(%dma_wait3A_185 : memref<10000x128xf32, #tpu.memory_space<vmem_shared>>)
    "tpu.region"() ({
      %run_scoped3A = tpu.sem_alloc : memref<!tpu.dma_semaphore, #tpu.memory_space<semaphore_mem>>
      %dma_start3A_197 = arith.constant 0 : i32
      %dma_start3A_198 = arith.constant 0 : i32
      %dma_start3A_199 = tpu.memref_slice %arg15[%dma_start3A_197, %dma_start3A_198] : memref<128x128xf32, #tpu.memory_space<vmem>> -> memref<16x128xf32, #tpu.memory_space<vmem>>
      %dma_start3A_200 = arith.constant 0 : i32
      %dma_start3A_201 = arith.constant 0 : i32
      %dma_start3A_202 = tpu.memref_slice %arg29[%dma_start3A_200, %dma_start3A_201] : memref<10000x128xf32, #tpu.memory_space<vmem_shared>> -> memref<10000x128xf32, #tpu.memory_space<vmem_shared>>
      tpu.enqueue_indirect_dma source(%dma_start3A_199 : memref<16x128xf32, #tpu.memory_space<vmem>>) target(%dma_start3A_202 : memref<10000x128xf32, #tpu.memory_space<vmem_shared>>) offsets(%arg19 : memref<16xi32, #tpu.memory_space<vmem>>) semaphore(%run_scoped3A : memref<!tpu.dma_semaphore, #tpu.memory_space<semaphore_mem>>) {add = true}
      %dma_wait3A_203 = arith.constant 0 : i32
      %dma_wait3A_204 = arith.constant 0 : i32
      %dma_wait3A_205 = tpu.memref_slice %arg15[%dma_wait3A_203, %dma_wait3A_204] : memref<128x128xf32, #tpu.memory_space<vmem>> -> memref<16x128xf32, #tpu.memory_space<vmem>>
      %dma_wait3A_206 = arith.constant 0 : i32
      %dma_wait3A_207 = arith.constant 0 : i32
      %dma_wait3A_208 = tpu.memref_slice %arg29[%dma_wait3A_206, %dma_wait3A_207] : memref<10000x128xf32, #tpu.memory_space<vmem_shared>> -> memref<10000x128xf32, #tpu.memory_space<vmem_shared>>
      tpu.wait_indirect_dma semaphore(%run_scoped3A : memref<!tpu.dma_semaphore, #tpu.memory_space<semaphore_mem>>) src(%dma_wait3A_205 : memref<16x128xf32, #tpu.memory_space<vmem>>) dst(%dma_wait3A_208 : memref<10000x128xf32, #tpu.memory_space<vmem_shared>>)
      tpu.yield
    }) : () -> ()
    %barrier3A_186 = arith.constant 0 : index
    tpu.barrier barrier_id(%barrier3A_186)
    %lt3A_187 = arith.constant 15 : i32
    %lt3A_188 = arith.cmpi slt, %arg1, %lt3A_187 : i32
    %convert_element_type3A_189 = arith.extui %lt3A_188 : i1 to i32
    %cond3A_190 = arith.constant 0 : i32
    %cond3A_191 = arith.cmpi ne, %convert_element_type3A_189, %cond3A_190 : i32
    scf.if %cond3A_191 {
      %mul3A_197 = arith.constant 10000 : i32
      %mul3A_198 = arith.muli %arg0, %mul3A_197 : i32
      %add3A_199 = arith.addi %mul3A_198, %mul3A_9 : i32
      "tpu.region"() ({
        %run_scoped3A = tpu.sem_alloc : memref<!tpu.dma_semaphore, #tpu.memory_space<semaphore_mem>>
        %dma_start3A_200 = arith.constant 0 : i32
        %dma_start3A_201 = tpu.memref_slice %arg5[%add3A_199, %dma_start3A_200] : memref<20000x128xf32, #tpu.memory_space<hbm>> -> memref<640x128xf32, #tpu.memory_space<hbm>>
        %dma_start3A_202 = arith.constant 0 : i32
        %dma_start3A_203 = tpu.memref_slice %arg29[%mul3A_9, %dma_start3A_202] : memref<10000x128xf32, #tpu.memory_space<vmem_shared>> -> memref<640x128xf32, #tpu.memory_space<vmem_shared>>
        tpu.enqueue_dma source(%dma_start3A_203 : memref<640x128xf32, #tpu.memory_space<vmem_shared>>) target(%dma_start3A_201 : memref<640x128xf32, #tpu.memory_space<hbm>>) target_semaphore(%run_scoped3A : memref<!tpu.dma_semaphore, #tpu.memory_space<semaphore_mem>>)
        %dma_wait3A_204 = arith.constant 0 : i32
        %dma_wait3A_205 = tpu.memref_slice %arg5[%add3A_199, %dma_wait3A_204] : memref<20000x128xf32, #tpu.memory_space<hbm>> -> memref<640x128xf32, #tpu.memory_space<hbm>>
        %dma_wait3A_206 = arith.constant 0 : i32
        %dma_wait3A_207 = tpu.memref_slice %arg29[%mul3A_9, %dma_wait3A_206] : memref<10000x128xf32, #tpu.memory_space<vmem_shared>> -> memref<640x128xf32, #tpu.memory_space<vmem_shared>>
        tpu.wait_dma2 semaphore(%run_scoped3A : memref<!tpu.dma_semaphore, #tpu.memory_space<semaphore_mem>>) src(%dma_wait3A_207 : memref<640x128xf32, #tpu.memory_space<vmem_shared>>) dst(%dma_wait3A_205 : memref<640x128xf32, #tpu.memory_space<hbm>>)
        tpu.yield
      }) : () -> ()
    } else {
    }
    %eq3A_192 = arith.constant 15 : i32
    %eq3A_193 = arith.cmpi eq, %arg1, %eq3A_192 : i32
    %convert_element_type3A_194 = arith.extui %eq3A_193 : i1 to i32
    %cond3A_195 = arith.constant 0 : i32
    %cond3A_196 = arith.cmpi ne, %convert_element_type3A_194, %cond3A_195 : i32
    scf.if %cond3A_196 {
      %mul3A_197 = arith.constant 10000 : i32
      %mul3A_198 = arith.muli %arg0, %mul3A_197 : i32
      %add3A_199 = arith.addi %mul3A_198, %mul3A_9 : i32
      "tpu.region"() ({
        %run_scoped3A = tpu.sem_alloc : memref<!tpu.dma_semaphore, #tpu.memory_space<semaphore_mem>>
        %dma_start3A_200 = arith.constant 0 : i32
        %dma_start3A_201 = tpu.memref_slice %arg5[%add3A_199, %dma_start3A_200] : memref<20000x128xf32, #tpu.memory_space<hbm>> -> memref<400x128xf32, #tpu.memory_space<hbm>>
        %dma_start3A_202 = arith.constant 0 : i32
        %dma_start3A_203 = tpu.memref_slice %arg29[%mul3A_9, %dma_start3A_202] : memref<10000x128xf32, #tpu.memory_space<vmem_shared>> -> memref<400x128xf32, #tpu.memory_space<vmem_shared>>
        tpu.enqueue_dma source(%dma_start3A_203 : memref<400x128xf32, #tpu.memory_space<vmem_shared>>) target(%dma_start3A_201 : memref<400x128xf32, #tpu.memory_space<hbm>>) target_semaphore(%run_scoped3A : memref<!tpu.dma_semaphore, #tpu.memory_space<semaphore_mem>>)
        %dma_wait3A_204 = arith.constant 0 : i32
        %dma_wait3A_205 = tpu.memref_slice %arg5[%add3A_199, %dma_wait3A_204] : memref<20000x128xf32, #tpu.memory_space<hbm>> -> memref<400x128xf32, #tpu.memory_space<hbm>>
        %dma_wait3A_206 = arith.constant 0 : i32
        %dma_wait3A_207 = tpu.memref_slice %arg29[%mul3A_9, %dma_wait3A_206] : memref<10000x128xf32, #tpu.memory_space<vmem_shared>> -> memref<400x128xf32, #tpu.memory_space<vmem_shared>>
        tpu.wait_dma2 semaphore(%run_scoped3A : memref<!tpu.dma_semaphore, #tpu.memory_space<semaphore_mem>>) src(%dma_wait3A_207 : memref<400x128xf32, #tpu.memory_space<vmem_shared>>) dst(%dma_wait3A_205 : memref<400x128xf32, #tpu.memory_space<hbm>>)
        tpu.yield
      }) : () -> ()
    } else {
    }
    return
  }
}

module attributes {stable_mosaic.version = 14 : i64} {
  func.func @_mlp_body(%arg0: i32, %arg1: memref<1000x128xf32, #tpu.memory_space<vmem>>, %arg2: memref<1000x128xf32, #tpu.memory_space<vmem>>, %arg3: memref<1000x128xf32, #tpu.memory_space<vmem>>, %arg4: memref<128x128xf32, #tpu.memory_space<vmem>>, %arg5: memref<1x128xf32, #tpu.memory_space<vmem>>, %arg6: memref<128x128xf32, #tpu.memory_space<vmem>>, %arg7: memref<1x128xf32, #tpu.memory_space<vmem>>, %arg8: memref<1000x128xf32, #tpu.memory_space<vmem>>) attributes {dimension_semantics = [#tpu.dimension_semantics<arbitrary>], iteration_bounds = array<i64: 10>, scalar_prefetch = 0 : i64, scratch_operands = 0 : i64, tpu.core_type = #tpu.core_type<tc>, window_params = [{transform_indices = @transform_0, window_bounds = array<i64: 1000, 128>}, {transform_indices = @transform_1, window_bounds = array<i64: 1000, 128>}, {transform_indices = @transform_2, window_bounds = array<i64: 1000, 128>}, {pipeline_mode = #tpu.pipeline_mode<synchronous>, transform_indices = @transform_3, window_bounds = array<i64: 128, 128>}, {pipeline_mode = #tpu.pipeline_mode<synchronous>, transform_indices = @transform_4, window_bounds = array<i64: 1, 128>}, {pipeline_mode = #tpu.pipeline_mode<synchronous>, transform_indices = @transform_5, window_bounds = array<i64: 128, 128>}, {pipeline_mode = #tpu.pipeline_mode<synchronous>, transform_indices = @transform_6, window_bounds = array<i64: 1, 128>}, {transform_indices = @transform_7, window_bounds = array<i64: 1000, 128>}]} {
    %get3A = arith.constant 0 : index
    %get3A_0 = arith.constant 0 : index
    %get3A_1 = vector.load %arg1[%get3A, %get3A_0] : memref<1000x128xf32, #tpu.memory_space<vmem>>, vector<1000x128xf32>
    %get3A_2 = arith.constant 0 : index
    %get3A_3 = arith.constant 0 : index
    %get3A_4 = vector.load %arg2[%get3A_2, %get3A_3] : memref<1000x128xf32, #tpu.memory_space<vmem>>, vector<1000x128xf32>
    %add3A = arith.addf %get3A_1, %get3A_4 : vector<1000x128xf32>
    %get3A_5 = arith.constant 0 : index
    %get3A_6 = arith.constant 0 : index
    %get3A_7 = vector.load %arg3[%get3A_5, %get3A_6] : memref<1000x128xf32, #tpu.memory_space<vmem>>, vector<1000x128xf32>
    %add3A_8 = arith.addf %add3A, %get3A_7 : vector<1000x128xf32>
    %get3A_9 = arith.constant 0 : index
    %get3A_10 = arith.constant 0 : index
    %get3A_11 = vector.load %arg4[%get3A_9, %get3A_10] : memref<128x128xf32, #tpu.memory_space<vmem>>, vector<128x128xf32>
    %dot_general3A = arith.constant dense<0.000000e+00> : vector<1000x128xf32>
    %dot_general3A_12 = tpu.matmul %add3A_8, %get3A_11, %dot_general3A {dimension_numbers = #tpu.dot_dimension_numbers<[1], [0], [0], [1], [0, 0, 1, 1], [], []>, transpose_lhs_hint = false} : vector<1000x128xf32>, vector<128x128xf32>, vector<1000x128xf32> -> vector<1000x128xf32>
    %get3A_13 = arith.constant 0 : index
    %get3A_14 = arith.constant 0 : index
    %get3A_15 = vector.load %arg5[%get3A_13, %get3A_14] : memref<1x128xf32, #tpu.memory_space<vmem>>, vector<1x128xf32>
    %add3A_16 = vector.broadcast %get3A_15 : vector<1x128xf32> to vector<1000x128xf32>
    %add3A_17 = arith.addf %dot_general3A_12, %add3A_16 : vector<1000x128xf32>
    %max3A = arith.constant 0.000000e+00 : f32
    %max3A_18 = vector.broadcast %max3A : f32 to vector<1000x128xf32>
    %max3A_19 = arith.maximumf %add3A_17, %max3A_18 : vector<1000x128xf32>
    %get3A_20 = arith.constant 0 : index
    %get3A_21 = arith.constant 0 : index
    %get3A_22 = vector.load %arg6[%get3A_20, %get3A_21] : memref<128x128xf32, #tpu.memory_space<vmem>>, vector<128x128xf32>
    %dot_general3A_23 = arith.constant dense<0.000000e+00> : vector<1000x128xf32>
    %dot_general3A_24 = tpu.matmul %max3A_19, %get3A_22, %dot_general3A_23 {dimension_numbers = #tpu.dot_dimension_numbers<[1], [0], [0], [1], [0, 0, 1, 1], [], []>, transpose_lhs_hint = false} : vector<1000x128xf32>, vector<128x128xf32>, vector<1000x128xf32> -> vector<1000x128xf32>
    %get3A_25 = arith.constant 0 : index
    %get3A_26 = arith.constant 0 : index
    %get3A_27 = vector.load %arg7[%get3A_25, %get3A_26] : memref<1x128xf32, #tpu.memory_space<vmem>>, vector<1x128xf32>
    %add3A_28 = vector.broadcast %get3A_27 : vector<1x128xf32> to vector<1000x128xf32>
    %add3A_29 = arith.addf %dot_general3A_24, %add3A_28 : vector<1000x128xf32>
    %max3A_30 = arith.constant 0.000000e+00 : f32
    %max3A_31 = vector.broadcast %max3A_30 : f32 to vector<1000x128xf32>
    %max3A_32 = arith.maximumf %add3A_29, %max3A_31 : vector<1000x128xf32>
    %swap3A = arith.constant 0 : index
    %swap3A_33 = arith.constant 0 : index
    %swap3A_34 = vector.load %arg8[%swap3A, %swap3A_33] : memref<1000x128xf32, #tpu.memory_space<vmem>>, vector<1000x128xf32>
    tpu.vector_store %arg8[%swap3A, %swap3A_33], %max3A_32 {strides = array<i32>} : memref<1000x128xf32, #tpu.memory_space<vmem>>, vector<1000x128xf32>,
    return
  }
  func.func @transform_0(%arg0: i32) -> (i32, i32) {
    %c0_i32 = arith.constant 0 : i32
    %c0_i32_0 = arith.constant 0 : i32
    return %arg0, %c0_i32 : i32, i32
  }
  func.func @transform_1(%arg0: i32) -> (i32, i32) {
    %c0_i32 = arith.constant 0 : i32
    %c0_i32_0 = arith.constant 0 : i32
    return %arg0, %c0_i32 : i32, i32
  }
  func.func @transform_2(%arg0: i32) -> (i32, i32) {
    %add3A = arith.constant 10 : i32
    %add3A_0 = arith.addi %add3A, %arg0 : i32
    %c0_i32 = arith.constant 0 : i32
    %c0_i32_1 = arith.constant 0 : i32
    return %add3A_0, %c0_i32 : i32, i32
  }
  func.func @transform_3(%arg0: i32) -> (i32, i32) {
    %c0_i32 = arith.constant 0 : i32
    %c0_i32_0 = arith.constant 0 : i32
    %c0_i32_1 = arith.constant 0 : i32
    return %c0_i32, %c0_i32_0 : i32, i32
  }
  func.func @transform_4(%arg0: i32) -> (i32, i32) {
    %c0_i32 = arith.constant 0 : i32
    %c0_i32_0 = arith.constant 0 : i32
    %c0_i32_1 = arith.constant 0 : i32
    return %c0_i32, %c0_i32_0 : i32, i32
  }
  func.func @transform_5(%arg0: i32) -> (i32, i32) {
    %c0_i32 = arith.constant 0 : i32
    %c0_i32_0 = arith.constant 0 : i32
    %c0_i32_1 = arith.constant 0 : i32
    return %c0_i32, %c0_i32_0 : i32, i32
  }
  func.func @transform_6(%arg0: i32) -> (i32, i32) {
    %c0_i32 = arith.constant 0 : i32
    %c0_i32_0 = arith.constant 0 : i32
    %c0_i32_1 = arith.constant 0 : i32
    return %c0_i32, %c0_i32_0 : i32, i32
  }
  func.func @transform_7(%arg0: i32) -> (i32, i32) {
    %c0_i32 = arith.constant 0 : i32
    %c0_i32_0 = arith.constant 0 : i32
    return %arg0, %c0_i32 : i32, i32
  }
}

module attributes {stable_mosaic.version = 14 : i64} {
  func.func @_mlp3_body(%arg0: i32, %arg1: memref<1000x1xi32, #tpu.memory_space<vmem>>, %arg2: memref<1000x128xf32, #tpu.memory_space<vmem>>, %arg3: memref<1000x128xf32, #tpu.memory_space<vmem>>, %arg4: memref<1000x128xf32, #tpu.memory_space<vmem>>, %arg5: memref<128x128xf32, #tpu.memory_space<vmem>>, %arg6: memref<1x128xf32, #tpu.memory_space<vmem>>, %arg7: memref<128x128xf32, #tpu.memory_space<vmem>>, %arg8: memref<1x128xf32, #tpu.memory_space<vmem>>, %arg9: memref<1000x128xf32, #tpu.memory_space<vmem>>, %arg10: memref<384x256xf32, #tpu.memory_space<vmem>>, %arg11: memref<1x256xf32, #tpu.memory_space<vmem>>, %arg12: memref<1x256xf32, #tpu.memory_space<vmem>>, %arg13: memref<1x256xf32, #tpu.memory_space<vmem>>, %arg14: memref<256x2xf32, #tpu.memory_space<vmem>>, %arg15: memref<1x2xf32, #tpu.memory_space<vmem>>, %arg16: memref<64x2xf32, #tpu.memory_space<vmem>>, %arg17: memref<64x384xf32, #tpu.memory_space<vmem>>) attributes {dimension_semantics = [#tpu.dimension_semantics<arbitrary>], iteration_bounds = array<i64: 10>, scalar_prefetch = 0 : i64, scratch_operands = 1 : i64, tpu.core_type = #tpu.core_type<tc>, window_params = [{transform_indices = @transform_0, window_bounds = array<i64: 1000, 1>}, {transform_indices = @transform_1, window_bounds = array<i64: 1000, 128>}, {transform_indices = @transform_2, window_bounds = array<i64: 1000, 128>}, {transform_indices = @transform_3, window_bounds = array<i64: 1000, 128>}, {pipeline_mode = #tpu.pipeline_mode<synchronous>, transform_indices = @transform_4, window_bounds = array<i64: 128, 128>}, {pipeline_mode = #tpu.pipeline_mode<synchronous>, transform_indices = @transform_5, window_bounds = array<i64: 1, 128>}, {pipeline_mode = #tpu.pipeline_mode<synchronous>, transform_indices = @transform_6, window_bounds = array<i64: 128, 128>}, {pipeline_mode = #tpu.pipeline_mode<synchronous>, transform_indices = @transform_7, window_bounds = array<i64: 1, 128>}, {transform_indices = @transform_8, window_bounds = array<i64: 1000, 128>}, {pipeline_mode = #tpu.pipeline_mode<synchronous>, transform_indices = @transform_9, window_bounds = array<i64: 384, 256>}, {pipeline_mode = #tpu.pipeline_mode<synchronous>, transform_indices = @transform_10, window_bounds = array<i64: 1, 256>}, {pipeline_mode = #tpu.pipeline_mode<synchronous>, transform_indices = @transform_11, window_bounds = array<i64: 1, 256>}, {pipeline_mode = #tpu.pipeline_mode<synchronous>, transform_indices = @transform_12, window_bounds = array<i64: 1, 256>}, {pipeline_mode = #tpu.pipeline_mode<synchronous>, transform_indices = @transform_13, window_bounds = array<i64: 256, 2>}, {pipeline_mode = #tpu.pipeline_mode<synchronous>, transform_indices = @transform_14, window_bounds = array<i64: 1, 2>}, {pipeline_mode = #tpu.pipeline_mode<synchronous>, transform_indices = @transform_15, window_bounds = array<i64: 64, 2>}]} {
    %eq3A = arith.constant 0 : i32
    %eq3A_0 = arith.cmpi eq, %arg0, %eq3A : i32
    %convert_element_type3A = arith.extui %eq3A_0 : i1 to i32
    %cond3A = arith.constant 0 : i32
    %cond3A_1 = arith.cmpi ne, %convert_element_type3A, %cond3A : i32
    scf.if %cond3A_1 {
      %broadcast_in_dim3A = arith.constant 0.000000e+00 : f32
      %broadcast_in_dim3A_62 = vector.broadcast %broadcast_in_dim3A : f32 to vector<64x384xf32>
      %swap3A_63 = arith.constant 0 : index
      %swap3A_64 = arith.constant 0 : index
      %swap3A_65 = vector.load %arg17[%swap3A_63, %swap3A_64] : memref<64x384xf32, #tpu.memory_space<vmem>>, vector<64x384xf32>
      tpu.vector_store %arg17[%swap3A_63, %swap3A_64], %broadcast_in_dim3A_62 {strides = array<i32>} : memref<64x384xf32, #tpu.memory_space<vmem>>, vector<64x384xf32>,
    } else {
    }
    %get3A = arith.constant 0 : index
    %get3A_2 = arith.constant 0 : index
    %get3A_3 = vector.load %arg2[%get3A, %get3A_2] : memref<1000x128xf32, #tpu.memory_space<vmem>>, vector<1000x128xf32>
    %get3A_4 = arith.constant 0 : index
    %get3A_5 = arith.constant 0 : index
    %get3A_6 = vector.load %arg3[%get3A_4, %get3A_5] : memref<1000x128xf32, #tpu.memory_space<vmem>>, vector<1000x128xf32>
    %add3A = arith.addf %get3A_3, %get3A_6 : vector<1000x128xf32>
    %get3A_7 = arith.constant 0 : index
    %get3A_8 = arith.constant 0 : index
    %get3A_9 = vector.load %arg4[%get3A_7, %get3A_8] : memref<1000x128xf32, #tpu.memory_space<vmem>>, vector<1000x128xf32>
    %add3A_10 = arith.addf %add3A, %get3A_9 : vector<1000x128xf32>
    %get3A_11 = arith.constant 0 : index
    %get3A_12 = arith.constant 0 : index
    %get3A_13 = vector.load %arg5[%get3A_11, %get3A_12] : memref<128x128xf32, #tpu.memory_space<vmem>>, vector<128x128xf32>
    %dot_general3A = arith.constant dense<0.000000e+00> : vector<1000x128xf32>
    %dot_general3A_14 = tpu.matmul %add3A_10, %get3A_13, %dot_general3A {dimension_numbers = #tpu.dot_dimension_numbers<[1], [0], [0], [1], [0, 0, 1, 1], [], []>, transpose_lhs_hint = false} : vector<1000x128xf32>, vector<128x128xf32>, vector<1000x128xf32> -> vector<1000x128xf32>
    %get3A_15 = arith.constant 0 : index
    %get3A_16 = arith.constant 0 : index
    %get3A_17 = vector.load %arg6[%get3A_15, %get3A_16] : memref<1x128xf32, #tpu.memory_space<vmem>>, vector<1x128xf32>
    %add3A_18 = vector.broadcast %get3A_17 : vector<1x128xf32> to vector<1000x128xf32>
    %add3A_19 = arith.addf %dot_general3A_14, %add3A_18 : vector<1000x128xf32>
    %max3A = arith.constant 0.000000e+00 : f32
    %max3A_20 = vector.broadcast %max3A : f32 to vector<1000x128xf32>
    %max3A_21 = arith.maximumf %add3A_19, %max3A_20 : vector<1000x128xf32>
    %get3A_22 = arith.constant 0 : index
    %get3A_23 = arith.constant 0 : index
    %get3A_24 = vector.load %arg7[%get3A_22, %get3A_23] : memref<128x128xf32, #tpu.memory_space<vmem>>, vector<128x128xf32>
    %dot_general3A_25 = arith.constant dense<0.000000e+00> : vector<1000x128xf32>
    %dot_general3A_26 = tpu.matmul %max3A_21, %get3A_24, %dot_general3A_25 {dimension_numbers = #tpu.dot_dimension_numbers<[1], [0], [0], [1], [0, 0, 1, 1], [], []>, transpose_lhs_hint = false} : vector<1000x128xf32>, vector<128x128xf32>, vector<1000x128xf32> -> vector<1000x128xf32>
    %get3A_27 = arith.constant 0 : index
    %get3A_28 = arith.constant 0 : index
    %get3A_29 = vector.load %arg8[%get3A_27, %get3A_28] : memref<1x128xf32, #tpu.memory_space<vmem>>, vector<1x128xf32>
    %add3A_30 = vector.broadcast %get3A_29 : vector<1x128xf32> to vector<1000x128xf32>
    %add3A_31 = arith.addf %dot_general3A_26, %add3A_30 : vector<1000x128xf32>
    %max3A_32 = arith.constant 0.000000e+00 : f32
    %max3A_33 = vector.broadcast %max3A_32 : f32 to vector<1000x128xf32>
    %max3A_34 = arith.maximumf %add3A_31, %max3A_33 : vector<1000x128xf32>
    %get3A_35 = arith.constant 0 : index
    %get3A_36 = arith.constant 0 : index
    %get3A_37 = vector.load %arg1[%get3A_35, %get3A_36] : memref<1000x1xi32, #tpu.memory_space<vmem>>, vector<1000x1xi32>
    %iota3A = tpu.iota {dimensions = array<i32: 1>} : vector<1x64xi32>
    %eq3A_38 = vector.broadcast %get3A_37 : vector<1000x1xi32> to vector<1000x64xi32>
    %eq3A_39 = vector.broadcast %iota3A : vector<1x64xi32> to vector<1000x64xi32>
    %eq3A_40 = arith.cmpi eq, %eq3A_38, %eq3A_39 : vector<1000x64xi32>
    %convert_element_type3A_41 = arith.extui %eq3A_40 : vector<1000x64xi1> to vector<1000x64xi32>
    %convert_element_type3A_42 = arith.sitofp %convert_element_type3A_41 : vector<1000x64xi32> to vector<1000x64xf32>
    %get3A_43 = arith.constant 0 : index
    %get3A_44 = arith.constant 0 : index
    %get3A_45 = vector.load %arg9[%get3A_43, %get3A_44] : memref<1000x128xf32, #tpu.memory_space<vmem>>, vector<1000x128xf32>
    %get3A_46 = arith.constant 0 : index
    %get3A_47 = arith.constant 0 : index
    %get3A_48 = vector.load %arg2[%get3A_46, %get3A_47] : memref<1000x128xf32, #tpu.memory_space<vmem>>, vector<1000x128xf32>
    %concatenate3A = tpu.concatenate %get3A_45, %get3A_48, %max3A_34 in 1 : vector<1000x128xf32>, vector<1000x128xf32>, vector<1000x128xf32> -> vector<1000x384xf32>
    %get3A_49 = arith.constant 0 : index
    %get3A_50 = arith.constant 0 : index
    %get3A_51 = vector.load %arg17[%get3A_49, %get3A_50] : memref<64x384xf32, #tpu.memory_space<vmem>>, vector<64x384xf32>
    %transpose3A = tpu.transpose %convert_element_type3A_42, [1, 0] : vector<1000x64xf32> -> vector<64x1000xf32>
    %dot_general3A_52 = arith.constant dense<0.000000e+00> : vector<64x384xf32>
    %dot_general3A_53 = tpu.matmul %transpose3A, %concatenate3A, %dot_general3A_52 {dimension_numbers = #tpu.dot_dimension_numbers<[1], [0], [0], [1], [0, 0, 1, 1], [], []>, transpose_lhs_hint = false} : vector<64x1000xf32>, vector<1000x384xf32>, vector<64x384xf32> -> vector<64x384xf32>
    %add3A_54 = arith.addf %get3A_51, %dot_general3A_53 : vector<64x384xf32>
    %swap3A = arith.constant 0 : index
    %swap3A_55 = arith.constant 0 : index
    %swap3A_56 = vector.load %arg17[%swap3A, %swap3A_55] : memref<64x384xf32, #tpu.memory_space<vmem>>, vector<64x384xf32>
    tpu.vector_store %arg17[%swap3A, %swap3A_55], %add3A_54 {strides = array<i32>} : memref<64x384xf32, #tpu.memory_space<vmem>>, vector<64x384xf32>,
    %eq3A_57 = arith.constant 9 : i32
    %eq3A_58 = arith.cmpi eq, %arg0, %eq3A_57 : i32
    %convert_element_type3A_59 = arith.extui %eq3A_58 : i1 to i32
    %cond3A_60 = arith.constant 0 : i32
    %cond3A_61 = arith.cmpi ne, %convert_element_type3A_59, %cond3A_60 : i32
    scf.if %cond3A_61 {
      %get3A_62 = arith.constant 0 : index
      %get3A_63 = arith.constant 0 : index
      %get3A_64 = vector.load %arg17[%get3A_62, %get3A_63] : memref<64x384xf32, #tpu.memory_space<vmem>>, vector<64x384xf32>
      %get3A_65 = arith.constant 0 : index
      %get3A_66 = arith.constant 0 : index
      %get3A_67 = vector.load %arg10[%get3A_65, %get3A_66] : memref<384x256xf32, #tpu.memory_space<vmem>>, vector<384x256xf32>
      %dot_general3A_68 = arith.constant dense<0.000000e+00> : vector<64x256xf32>
      %dot_general3A_69 = tpu.matmul %get3A_64, %get3A_67, %dot_general3A_68 {dimension_numbers = #tpu.dot_dimension_numbers<[1], [0], [0], [1], [0, 0, 1, 1], [], []>, transpose_lhs_hint = false} : vector<64x384xf32>, vector<384x256xf32>, vector<64x256xf32> -> vector<64x256xf32>
      %get3A_70 = arith.constant 0 : index
      %get3A_71 = arith.constant 0 : index
      %get3A_72 = vector.load %arg11[%get3A_70, %get3A_71] : memref<1x256xf32, #tpu.memory_space<vmem>>, vector<1x256xf32>
      %add3A_73 = vector.broadcast %get3A_72 : vector<1x256xf32> to vector<64x256xf32>
      %add3A_74 = arith.addf %dot_general3A_69, %add3A_73 : vector<64x256xf32>
      %mul3A = arith.constant 0.999994993 : f32
      %mul3A_75 = vector.broadcast %mul3A : f32 to vector<64x256xf32>
      %mul3A_76 = arith.mulf %add3A_74, %mul3A_75 : vector<64x256xf32>
      %get3A_77 = arith.constant 0 : index
      %get3A_78 = arith.constant 0 : index
      %get3A_79 = vector.load %arg12[%get3A_77, %get3A_78] : memref<1x256xf32, #tpu.memory_space<vmem>>, vector<1x256xf32>
      %mul3A_80 = vector.broadcast %get3A_79 : vector<1x256xf32> to vector<64x256xf32>
      %mul3A_81 = arith.mulf %mul3A_76, %mul3A_80 : vector<64x256xf32>
      %get3A_82 = arith.constant 0 : index
      %get3A_83 = arith.constant 0 : index
      %get3A_84 = vector.load %arg13[%get3A_82, %get3A_83] : memref<1x256xf32, #tpu.memory_space<vmem>>, vector<1x256xf32>
      %add3A_85 = vector.broadcast %get3A_84 : vector<1x256xf32> to vector<64x256xf32>
      %add3A_86 = arith.addf %mul3A_81, %add3A_85 : vector<64x256xf32>
      %max3A_87 = arith.constant 0.000000e+00 : f32
      %max3A_88 = vector.broadcast %max3A_87 : f32 to vector<64x256xf32>
      %max3A_89 = arith.maximumf %add3A_86, %max3A_88 : vector<64x256xf32>
      %get3A_90 = arith.constant 0 : index
      %get3A_91 = arith.constant 0 : index
      %get3A_92 = vector.load %arg14[%get3A_90, %get3A_91] : memref<256x2xf32, #tpu.memory_space<vmem>>, vector<256x2xf32>
      %dot_general3A_93 = arith.constant dense<0.000000e+00> : vector<64x2xf32>
      %dot_general3A_94 = tpu.matmul %max3A_89, %get3A_92, %dot_general3A_93 {dimension_numbers = #tpu.dot_dimension_numbers<[1], [0], [0], [1], [0, 0, 1, 1], [], []>, transpose_lhs_hint = false} : vector<64x256xf32>, vector<256x2xf32>, vector<64x2xf32> -> vector<64x2xf32>
      %get3A_95 = arith.constant 0 : index
      %get3A_96 = arith.constant 0 : index
      %get3A_97 = vector.load %arg15[%get3A_95, %get3A_96] : memref<1x2xf32, #tpu.memory_space<vmem>>, vector<1x2xf32>
      %add3A_98 = vector.broadcast %get3A_97 : vector<1x2xf32> to vector<64x2xf32>
      %add3A_99 = arith.addf %dot_general3A_94, %add3A_98 : vector<64x2xf32>
      %swap3A_100 = arith.constant 0 : index
      %swap3A_101 = arith.constant 0 : index
      %swap3A_102 = vector.load %arg16[%swap3A_100, %swap3A_101] : memref<64x2xf32, #tpu.memory_space<vmem>>, vector<64x2xf32>
      tpu.vector_store %arg16[%swap3A_100, %swap3A_101], %add3A_99 {strides = array<i32>} : memref<64x2xf32, #tpu.memory_space<vmem>>, vector<64x2xf32>,
    } else {
    }
    return
  }
  func.func @transform_0(%arg0: i32) -> (i32, i32) {
    %c0_i32 = arith.constant 0 : i32
    %c0_i32_0 = arith.constant 0 : i32
    return %arg0, %c0_i32 : i32, i32
  }
  func.func @transform_1(%arg0: i32) -> (i32, i32) {
    %c0_i32 = arith.constant 0 : i32
    %c0_i32_0 = arith.constant 0 : i32
    return %arg0, %c0_i32 : i32, i32
  }
  func.func @transform_2(%arg0: i32) -> (i32, i32) {
    %c0_i32 = arith.constant 0 : i32
    %c0_i32_0 = arith.constant 0 : i32
    return %arg0, %c0_i32 : i32, i32
  }
  func.func @transform_3(%arg0: i32) -> (i32, i32) {
    %add3A = arith.constant 10 : i32
    %add3A_0 = arith.addi %add3A, %arg0 : i32
    %c0_i32 = arith.constant 0 : i32
    %c0_i32_1 = arith.constant 0 : i32
    return %add3A_0, %c0_i32 : i32, i32
  }
  func.func @transform_4(%arg0: i32) -> (i32, i32) {
    %c0_i32 = arith.constant 0 : i32
    %c0_i32_0 = arith.constant 0 : i32
    %c0_i32_1 = arith.constant 0 : i32
    return %c0_i32, %c0_i32_0 : i32, i32
  }
  func.func @transform_5(%arg0: i32) -> (i32, i32) {
    %c0_i32 = arith.constant 0 : i32
    %c0_i32_0 = arith.constant 0 : i32
    %c0_i32_1 = arith.constant 0 : i32
    return %c0_i32, %c0_i32_0 : i32, i32
  }
  func.func @transform_6(%arg0: i32) -> (i32, i32) {
    %c0_i32 = arith.constant 0 : i32
    %c0_i32_0 = arith.constant 0 : i32
    %c0_i32_1 = arith.constant 0 : i32
    return %c0_i32, %c0_i32_0 : i32, i32
  }
  func.func @transform_7(%arg0: i32) -> (i32, i32) {
    %c0_i32 = arith.constant 0 : i32
    %c0_i32_0 = arith.constant 0 : i32
    %c0_i32_1 = arith.constant 0 : i32
    return %c0_i32, %c0_i32_0 : i32, i32
  }
  func.func @transform_8(%arg0: i32) -> (i32, i32) {
    %c0_i32 = arith.constant 0 : i32
    %c0_i32_0 = arith.constant 0 : i32
    return %arg0, %c0_i32 : i32, i32
  }
  func.func @transform_9(%arg0: i32) -> (i32, i32) {
    %c0_i32 = arith.constant 0 : i32
    %c0_i32_0 = arith.constant 0 : i32
    %c0_i32_1 = arith.constant 0 : i32
    return %c0_i32, %c0_i32_0 : i32, i32
  }
  func.func @transform_10(%arg0: i32) -> (i32, i32) {
    %c0_i32 = arith.constant 0 : i32
    %c0_i32_0 = arith.constant 0 : i32
    %c0_i32_1 = arith.constant 0 : i32
    return %c0_i32, %c0_i32_0 : i32, i32
  }
  func.func @transform_11(%arg0: i32) -> (i32, i32) {
    %c0_i32 = arith.constant 0 : i32
    %c0_i32_0 = arith.constant 0 : i32
    %c0_i32_1 = arith.constant 0 : i32
    return %c0_i32, %c0_i32_0 : i32, i32
  }
  func.func @transform_12(%arg0: i32) -> (i32, i32) {
    %c0_i32 = arith.constant 0 : i32
    %c0_i32_0 = arith.constant 0 : i32
    %c0_i32_1 = arith.constant 0 : i32
    return %c0_i32, %c0_i32_0 : i32, i32
  }
  func.func @transform_13(%arg0: i32) -> (i32, i32) {
    %c0_i32 = arith.constant 0 : i32
    %c0_i32_0 = arith.constant 0 : i32
    %c0_i32_1 = arith.constant 0 : i32
    return %c0_i32, %c0_i32_0 : i32, i32
  }
  func.func @transform_14(%arg0: i32) -> (i32, i32) {
    %c0_i32 = arith.constant 0 : i32
    %c0_i32_0 = arith.constant 0 : i32
    %c0_i32_1 = arith.constant 0 : i32
    return %c0_i32, %c0_i32_0 : i32, i32
  }
  func.func @transform_15(%arg0: i32) -> (i32, i32) {
    %c0_i32 = arith.constant 0 : i32
    %c0_i32_0 = arith.constant 0 : i32
    %c0_i32_1 = arith.constant 0 : i32
    return %c0_i32, %c0_i32_0 : i32, i32
  }
}

</mosaic_0001>

<sc_bundles>
// kernel: kernel.11.cloned.1.call-start
scs
__scs_entry_jumppad:
0x0: {  	(pc) =	sbr.rel $0x88, $3  }
0x1: {  	(tag) =	ssettag $0x0;
	lr =	simm.s32 $0x1  }
0x2: {  	[smem:$0x3F8C] =	sst lr;
	_ =	strace $0xD0000000  }
0x3: {  	_ = 	snop  }
0x4: {  	_ = 	snop  }
0x5: {  	_ = 	snop  }
0x6: {  	_ = 	snop  }
0x7: {  	_ = 	snop  }
__scs_overlays_trampoline_lowered:
0x8: {  	[smem:$0x3F9B] =	sst s0  }
0x9: {  	[smem:$0x3F9C] =	sst s1  }
0xa: {  	[smem:$0x3F9D] =	sst s2  }
0xb: {  	[smem:$0x3F9E] =	sst s3  }
0xc: {  	[smem:$0x3F9F] =	sst s4  }
0xd: {  	[smem:$0x3FA0] =	sst s5  }
0xe: {  	[smem:$0x3FA1] =	sst s6  }
0xf: {  	[smem:$0x3FA2] =	sst s7  }
0x10: {  	[smem:$0x3FA3] =	sst s8  }
0x11: {  	[smem:$0x3FA4] =	sst s9;
	s0 =	simm.s32 @!p0 $0x0  }
0x12: {  	s1 =	sld [smem:$0x3F8A];
	s0 =	simm.s32 @p0 $0x1  }
0x13: {  	[smem:$0x3FA5] =	sst s0;
	s0 =	simm.s32 @!p1 $0x0  }
0x14: {  	s2 =	sld [smem:$0x3F89];
	s0 =	simm.s32 @p1 $0x1  }
0x15: {  	[smem:$0x3FA6] =	sst s0;
	s0 =	simm.s32 @!p2 $0x0  }
0x16: {  	s3 =	sld [smem:$0x3FDB];
	s0 =	simm.s32 @p2 $0x1  }
0x17: {  	s4 =	simm.s32 $0x1BF5;
	[smem:$0x3FA8] =	sst s0  }
0x18: {  	s0 =	sld [smem:$0x3F8B];
	_ =	swait.ge [sflag:s4], $0x0  }
0x19: {  	s7 =	sld [smem:$0x3F8C]  }
0x1a: {  	s8 =	sadd.s32 $0xFFFFE003, lr  }
0x1b: {  	s9 =	sadd.s32 $0xFFFFFEF7, lr;
	s5 =	simm.s32 $0xFFFFFFFF;
	p2 =	slt.u32 s8, $0xFFFFF086  }
0x1c: {  	p1 =	slt.u32 s9, $0xF7A;
	s5 =	simm.s32 @!p2 $0x0  }
0x1d: {  	s5 =	simm.s32 @p1 $0x1;
	p0 =	seq.s32 s7, s2  }
0x1e: {  	s7 =	smul.u32 @!p0 $0xF7A, s2;
	p2 =	seq.s32 @!p0 s5, $0x0  }
0x1f: {  	s9 =	smul.u32 $0xF7A, s1;
	s8 =	simm.s32 @!p0 $0x1BF5;
	p2 =	por !p2, p0  }
0x20: {  	[sflag:s8] =	ssyncset.s32 @!p0 $0xFFFFF086;
	s6 =	sadd.s32 @!p0 s3, s7;
	s7 =	simm.s32 @!p0 $0x108  }
0x21: {  	s3 =	sadd.s32 s3, s9;
	s6 =	sadd.s32 @!p0 $0x88, s6;
	s7 =	simm.s32 @p2 $0x1082  }
0x22: {  	[simem:s7], [sflag:s8] =	dma.local @!p0 [hbm:s6], $0xF7A  }
0x23: {  	s9 =	sor.u32 $0xD0000000, s2;
	s6 =	simm.s32 $0x108;
	_ =	swait.ge @!p0 [sflag:s8], $0x0  }
0x24: {  	s3 =	sadd.s32 $0x88, s3;
	s6 =	simm.s32 @!p1 $0x1082;
	[sflag:s4] =	ssyncset.s32 $0xFFFFF086  }
0x25: {  	[simem:s6], [sflag:s4] =	dma.local [hbm:s3], $0xF7A  }
0x26: {  	[smem:$0x3F8C] =	sst s1;
	(tag) =	ssettag s2;
	_ =	strace s9  }
0x27: {  	s1 =	sld [smem:$0x3F9C]  }
0x28: {  	s2 =	sld [smem:$0x3F9D]  }
0x29: {  	s4 =	sld [smem:$0x3F9F]  }
0x2a: {  	p0 =	seq.s32 s5, $0x0;
	s5 =	sld [smem:$0x3FA0]  }
0x2b: {  	s6 =	sld [smem:$0x3FA1]  }
0x2c: {  	s7 =	sld [smem:$0x3FA2]  }
0x2d: {  	s3 =	simm.s32 $0x108;
	s8 =	sld [smem:$0x3FA3]  }
0x2e: {  	s3 =	simm.s32 @!p0 $0x1082;
	s9 =	sld [smem:$0x3FA4]  }
0x2f: {  	lr =	sadd.s32 s0, s3;
	s0 =	sld [smem:$0x3F9B]  }
0x30: {  	s3 =	sld [smem:$0x3F9E]  }
0x31: {  	[smem:$0x3FA7] =	sst s10  }
0x32: {  	s10 =	sld [smem:$0x3FA5];
	_ =	sdelay $0x3  }
0x33: {  	p0 =	seq.s32 s10, $0x1;
	s10 =	sld [smem:$0x3FA7];
	_ =	sdelay $0x3  }
0x34: {  	[smem:$0x3FA7] =	sst s10  }
0x35: {  	s10 =	sld [smem:$0x3FA6];
	_ =	sdelay $0x3  }
0x36: {  	p1 =	seq.s32 s10, $0x1;
	s10 =	sld [smem:$0x3FA7];
	_ =	sdelay $0x3  }
0x37: {  	[smem:$0x3FA7] =	sst s10  }
0x38: {  	s10 =	sld [smem:$0x3FA8]  }
0x39: {  	_ = 	snop;
	(pc) =	sbr.ind lr, $3  }
0x3a: {  	_ = 	snop  }
0x3b: {  	_ = 	snop  }
0x3c: {  	p2 =	seq.s32 s10, $0x1;
	s10 =	sld [smem:$0x3FA7]  }
0x3d: {  	_ =	shalt  }
0x3e: {  	_ =	shalt  }
0x3f: {  	_ =	shalt  }
0x40: {  	_ =	shalt  }
0x41: {  	_ =	shalt  }
0x42: {  	_ =	shalt  }
0x43: {  	_ =	shalt  }
0x44: {  	_ =	shalt  }
0x45: {  	_ =	shalt  }
0x46: {  	_ =	shalt  }
0x47: {  	_ =	shalt  }
0x48: {  	_ =	shalt  }
0x49: {  	_ =	shalt  }
0x4a: {  	_ =	shalt  }
0x4b: {  	_ =	shalt  }
0x4c: {  	_ =	shalt  }
0x4d: {  	_ =	shalt  }
0x4e: {  	_ =	shalt  }
0x4f: {  	_ =	shalt  }
0x50: {  	_ =	shalt  }
0x51: {  	_ =	shalt  }
0x52: {  	_ =	shalt  }
0x53: {  	_ =	shalt  }
0x54: {  	_ =	shalt  }
0x55: {  	_ =	shalt  }
0x56: {  	_ =	shalt  }
0x57: {  	_ =	shalt  }
0x58: {  	_ =	shalt  }
0x59: {  	_ =	shalt  }
0x5a: {  	_ =	shalt  }
0x5b: {  	_ =	shalt  }
0x5c: {  	_ =	shalt  }
0x5d: {  	_ =	shalt  }
0x5e: {  	_ =	shalt  }
0x5f: {  	_ =	shalt  }
0x60: {  	_ =	shalt  }
0x61: {  	_ =	shalt  }
0x62: {  	_ =	shalt  }
0x63: {  	_ =	shalt  }
0x64: {  	_ =	shalt  }
0x65: {  	_ =	shalt  }
0x66: {  	_ =	shalt  }
0x67: {  	_ =	shalt  }
0x68: {  	_ =	shalt  }
0x69: {  	_ =	shalt  }
0x6a: {  	_ =	shalt  }
0x6b: {  	_ =	shalt  }
0x6c: {  	_ =	shalt  }
0x6d: {  	_ =	shalt  }
0x6e: {  	_ =	shalt  }
0x6f: {  	_ =	shalt  }
0x70: {  	_ =	shalt  }
0x71: {  	_ =	shalt  }
0x72: {  	_ =	shalt  }
0x73: {  	_ =	shalt  }
0x74: {  	_ =	shalt  }
0x75: {  	_ =	shalt  }
0x76: {  	_ =	shalt  }
0x77: {  	_ =	shalt  }
0x78: {  	_ =	shalt  }
0x79: {  	_ =	shalt  }
0x7a: {  	_ =	shalt  }
0x7b: {  	_ =	shalt  }
0x7c: {  	_ =	shalt  }
0x7d: {  	_ =	shalt  }
0x7e: {  	_ =	shalt  }
0x7f: {  	_ =	shalt  }
0x80: {  	_ =	shalt  }
0x81: {  	_ =	shalt  }
0x82: {  	_ =	shalt  }
0x83: {  	_ =	shalt  }
0x84: {  	_ =	shalt  }
0x85: {  	_ =	shalt  }
0x86: {  	_ =	shalt  }
0x87: {  	_ =	shalt  }
.Lfunc_end0:
.L_simem_size_0:
called_computation.1_lowered:
.L_overlay_start_0:
0x88: {  	s2 =	sld [smem:$0x3FD9]  }
0x89: {  	s3 =	sld [smem:$0x3FFE];
	_ =	sdelay $0x1  }
0x8a: {  	s1 =	srdreg.scid  }
0x8b: {  	s0 =	sand.u32 $0x1, s1  }
0x8c: {  	s16 =	sshll.u32 s0, $0xA;
	s2 =	sadd.s32 s3, s2  }
0x8d: {  	s2 =	sadd.s32 s2, s16  }
0x8e: {  	[smem:$0x3FB3] =	sst s2  }
0x8f: {  	_ = 	snop  }
0x90: {  	(tm) =	ssettm $0x1  }
0x91: {  	s17 =	sld [smem:$0x3FFB];
	_ =	sdelay $0x3  }
0x92: {  	_ =	strace s17  }
0x93: {  	s2 =	sld [smem:$0x3FFC];
	_ =	sdelay $0x3  }
0x94: {  	_ =	strace s2  }
0x95: {  	s2 =	sld [smem:$0x3FFD];
	_ =	sdelay $0x3  }
0x96: {  	_ =	strace s2  }
0x97: {  	_ =	strace $0x8FFFFFFF  }
0x98: {  	s18 =	sld [smem:$0x3FDB];
	_ =	sdelay $0x1  }
0x99: {  	s19 =	simm.s32 $_scs_section_size  }
0x9a: {  	s4 =	simm.s32 $_size__tile_overlayer_lowered;
	s5 =	simm.s32 $_tile_overlayer_lowered  }
0x9b: {  	s22 =	simm.s32 $0x1BFF;
	s21 =	sshll.u32 s5, $0x1;
	s2 =	sadd.s32 s19, s18  }
0x9c: {  	s6 =	simm.s32 $0x0;
	s20 =	sshll.u32 s4, $0x1;
	s4 =	sadd.s32 s21, s2  }
0x9d: {  	[timem:s6], [sflag:s22] =	dma.local [hbm:s4], s20  }
0x9e: {  	_ =	swait.ge [sflag:s22], s20  }
0x9f: {  	s3 =	ssub.s32 $0x0, s20;
	[sflag:s22] =	ssyncset.done $0x0  }
0xa0: {  	[sflag:s22] =	ssyncadd.s32 s3;
	_ =	sdelay $0x1  }
0xa1: {  	s23 =	simm.s32 $0x1B8B  }
0xa2: {  	_ =	swait.ge [sflag:s23], $0x1  }
0xa3: {  	[sflag:s23] =	ssyncset.done $0x0  }
0xa4: {  	s25 =	simm.s32 $0x1B8E;
	s24 =	sld [smem:$0x3FFE];
	[sflag:s23] =	ssyncadd.s32 $0xFFFFFFFF  }
0xa5: {  	s26 =	simm.s32 $execute0_lowered;
	[smem:$0x3FD2] =	sst s25  }
0xa6: {  	s4 =	sshll.u32 s26, $0x1;
	_ =	strace $0x80000049;
	[dreg:$0x1] =	wrdreg $0xFFFFFFFF  }
0xa7: {  	s28 =	simm.s32 $_size_execute0_lowered;
	s2 =	sadd.s32 s2, s4;
	[dreg:$0x0] =	wrdreg $0x0  }
0xa8: {  	s4 =	sshll.u32 s28, $0x1;
	[dreg:$0x2] =	wrdreg s2  }
0xa9: {  	[dreg:$0x3] =	wrdreg s4  }
0xaa: {  	[dreg:$0x4] =	wrdreg $0xC0  }
0xab: {  	_ =	task [dreg:s6], $0x5FFFF  }
0xac: {  	[dreg:$0x1] =	wrdreg $0xFFFFFFFF  }
0xad: {  	[dreg:$0x0] =	wrdreg $0x60  }
0xae: {  	[dreg:$0x2] =	wrdreg s24  }
0xaf: {  	[dreg:$0x3] =	wrdreg $0xC5800  }
0xb0: {  	[dreg:$0x4] =	wrdreg $0x9  }
0xb1: {  	_ =	task.clear_ibuf [dreg:s6], $0x5FFFF;
	_ =	strace $0x90000049  }
0xb2: {  	s29 =	simm.s32 $0x9;
	_ =	strace $0x8000004B  }
0xb3: {  	_ =	swait.ge [sflag:s29], $0x1  }
0xb4: {  	[sflag:s29] =	ssyncadd.s32 $0xFFFFFFFF  }
0xb5: {  	_ =	strace $0x9000004B  }
0xb6: {  	_ =	sfence  }
0xb7: {  	s30 =	sld [smem:$0x0];
	_ =	sdelay $0x2  }
0xb8: {  	s31 =	sshll.u32 s1, $0xD;
	s1 =	sshrl.u32 s1, $0x2  }
0xb9: {  	s3 =	sand.u32 $0x4000, s31;
	s1 =	sadd.s32 s1, s30  }
0xba: {  	s0 =	sor.u32 s3, s0;
	s1 =	sshll.u32 s1, $0x11  }
0xbb: {  	s0 =	sor.u32 s1, s0  }
0xbc: {  	s0 =	sadd.s32 $0x8F2B, s0  }
0xbd: {  	[sflag:s0] =	ssyncadd.remote.s32 $0x1  }
0xbe: {  	_ =	sfence.sel $0xFFFF  }
0xbf: {  	[dreg:$0x0] =	wrdreg $0xFFFFFFFF;
	(pc) =	sbr.abs _section_cstart, $3  }
0xc0: {  	[dreg:$0x1] =	wrdreg $0xFFFFFFFF  }
0xc1: {  	_ =	task.clear_ibuf [dreg:s6], $0x2FFFF;
	_ =	strace $0x9FFFFFFF  }
0xc2: {  	(tm) =	ssettm $0x7FFFFFFF  }
0xc3: {  	_ =	shalt  }
tec
execute0_lowered:
.L_overlay_start_1:
0x0: {  	(tag) =	ssettag $0x1  }
0x1: {  	s0 =	rddreg [dreg:$0x0]  }
0x2: {  	s1 =	rddreg [dreg:$0x1]  }
0x3: {  	s2 =	srdreg.scid;
	s3 =	simm.s32 $0x0;
	s14 =	stileid.u32  }
0x4: {  	s2 =	sand.u32 $0x1, s2;
	[smem:$0x7FF] =	sst s3;
	s6 =	sadd.s32 $0x3E00, s0  }
0x5: {  	s10 =	sadd.s32 $0x3EC00, s0;
	s26 =	smul.u32 $0x2800, s14;
	s31 =	sadd.s32 $0x12C000, s1  }
0x6: {  	s4 =	sshll.u32 s2, $0x4;
	_ =	strace $0x8000004A;
	s12 =	smul.u32 $0x27100, s2  }
0x7: {  	s7 =	ssub.s32 $0x2, s2;
	s2 =	smul.u32 $0x138800, s2;
	s5 =	sor.u32 s14, s4  }
0x8: {  	s4 =	sadd.s32 $0x17A00, s0;
	s9 =	sshrl.u32 s7, $0x1;
	s8 =	smul.u32 $0x2710, s5  }
0x9: {  	s5 =	sadd.s32 $0xDC00, s0;
	s0 =	ssub.s32 s7, s9;
	s2 =	sshrl.u32 s2, $0x3  }
0xa: {  	[smem:$0x7FD] =	sst s31;
	s2 =	sadd.s32 s10, s2;
	s0 =	smax.u32 s0, $0x1  }
0xb: {  	s7 =	sshrl.u32 s8, $0x3;
	s2 =	sadd.s32 $0x25800, s2;
	[dreg:$0x1e] =	wrdreg s0  }
0xc: {  	s13 =	sadd.s32 s5, s7;
	[dreg:$0x1d] =	wrdreg s2  }
0xd: {  	s8 =	sadd.s32 s26, s12;
	s11 =	sadd.s32 s6, s7;
	[dreg:$0xd] =	wrdreg s13  }
0xe: {  	s15 =	sadd.s32 $0x10, s7;
	s8 =	sadd.s32 s10, s8;
	[dreg:$0xe] =	wrdreg s11  }
0xf: {  	s16 =	sadd.s32 s5, s15;
	[dreg:$0x18] =	wrdreg s8  }
0x10: {  	s17 =	sadd.s32 $0x20, s7;
	s9 =	sadd.s32 s6, s15;
	[dreg:$0xf] =	wrdreg s16  }
0x11: {  	s19 =	smul.u32 $0x50000, s14;
	s18 =	sadd.s32 s5, s17;
	[dreg:$0x10] =	wrdreg s9  }
0x12: {  	s20 =	sadd.s32 $0x4E0, s7;
	s11 =	sadd.s32 s6, s17;
	[dreg:$0x11] =	wrdreg s18  }
0x13: {  	s22 =	sadd.s32 $0x30, s7;
	s13 =	sadd.s32 s5, s20;
	[dreg:$0x12] =	wrdreg s11  }
0x14: {  	s21 =	smul.u32 $0x2710, s14;
	s23 =	sadd.s32 s5, s22;
	[dreg:$0x13] =	wrdreg s13  }
0x15: {  	s9 =	sshrl.u32 s19, $0x2;
	s11 =	sadd.s32 s6, s20;
	[dreg:$0x16] =	wrdreg s23  }
0x16: {  	[dreg:$0x14] =	wrdreg s11;
	s15 =	sadd.s32 s9, s1;
	s9 =	sadd.s32 s6, s22  }
0x17: {  	s28 =	simm.s32 $0x7;
	s11 =	sadd.s32 s21, s12;
	[dreg:$0x17] =	wrdreg s9  }
0x18: {  	s24 =	sadd.s32 $0x500, s11;
	s19 =	sadd.s32 $0x380, s11;
	[dreg:$0x15] =	wrdreg s15  }
0x19: {  	s25 =	sshrl.u32 s24, $0x3;
	s21 =	sshrl.u32 s19, $0x3;
	s19 =	sadd.s32 $0x300, s11  }
0x1a: {  	s26 =	sadd.s32 $0x480, s11;
	s9 =	sadd.s32 s25, s6;
	[dreg:$0x1f] =	wrdreg s19  }
0x1b: {  	s10 =	sshrl.u32 s26, $0x3;
	s8 =	sadd.s32 s25, s5;
	[dreg:$0x3] =	wrdreg s9  }
0x1c: {  	s13 =	sadd.s32 $0x400, s11;
	s12 =	sadd.s32 s10, s6;
	[dreg:$0x4] =	wrdreg s8  }
0x1d: {  	s17 =	sshrl.u32 s13, $0x3;
	s16 =	sadd.s32 s10, s5;
	[dreg:$0x5] =	wrdreg s12  }
0x1e: {  	s29 =	simm.s32 $0x3;
	s18 =	sadd.s32 s17, s6;
	[dreg:$0x6] =	wrdreg s16  }
0x1f: {  	s30 =	simm.s32 $0x400;
	s20 =	sadd.s32 s17, s5;
	[dreg:$0x7] =	wrdreg s18  }
0x20: {  	p0 =	seq.s32 s14, $0xF;
	s22 =	sadd.s32 s21, s6;
	[dreg:$0x8] =	wrdreg s20  }
0x21: {  	s26 =	sadd.s32 $0x40, s7;
	s24 =	sadd.s32 s21, s5;
	[dreg:$0x9] =	wrdreg s22  }
0x22: {  	s14 =	simm.s32 $0x9;
	s13 =	sadd.s32 s5, s26;
	[dreg:$0xa] =	wrdreg s24  }
0x23: {  	s23 =	sadd.s32 $0x280, s11;
	s17 =	sadd.s32 s6, s26;
	[dreg:$0x19] =	wrdreg s13  }
0x24: {  	s7 =	sadd.s32 $0x4D0, s7;
	s21 =	sadd.s32 $0x8000, s15;
	[dreg:$0x1a] =	wrdreg s17  }
0x25: {  	s25 =	sshrl.u32 s23, $0x3;
	s23 =	sadd.s32 $0x10000, s15;
	[smem:$0x7F7] =	sst s21  }
0x26: {  	s11 =	simm.s32 $0x100;
	s26 =	sadd.s32 $0x138000, s1;
	[smem:$0x7F9] =	sst s23  }
0x27: {  	s10 =	simm.s32 $0x200;
	s12 =	sadd.s32 s25, s6;
	[smem:$0x7FC] =	sst s26  }
0x28: {  	s19 =	simm.s32 $0x4480;
	s16 =	sadd.s32 s25, s5;
	[dreg:$0xb] =	wrdreg s12  }
0x29: {  	s18 =	sadd.s32 s5, s7;
	s7 =	sadd.s32 s6, s7;
	[dreg:$0xc] =	wrdreg s16  }
0x2a: {  	s20 =	sadd.s32 $0x4000, s15;
	s22 =	sadd.s32 $0xC000, s15;
	[dreg:$0x1b] =	wrdreg s18  }
0x2b: {  	s24 =	sadd.s32 $0x130000, s1;
	s25 =	sadd.s32 $0x134000, s1;
	[dreg:$0x1c] =	wrdreg s7  }
0x2c: {  	s8 =	simm.s32 $0x180;
	s9 =	simm.s32 $0x80;
	[smem:$0x7F6] =	sst s20  }
0x2d: {  	s17 =	simm.s32 $0x480;
	s21 =	simm.s32 $0x300;
	[smem:$0x7F8] =	sst s22  }
0x2e: {  	s23 =	simm.s32 $0x8480;
	s26 =	simm.s32 $0x380;
	[smem:$0x7FA] =	sst s24  }
0x2f: {  	s13 =	simm.s32 $0x8;
	[smem:$0x7FB] =	sst s25;
	s12 =	simm.s32 $0x280  }
0x30: {  	s16 =	simm.s32 $0x4;
	s18 =	simm.s32 $0x5;
	s20 =	simm.s32 $0x1  }
0x31: {  	v0 =	vimm.f32 $0.0e+00;
	s22 =	simm.s32 $0x6;
	s24 =	simm.s32 $0x2;
	s7 =	simm.s32 $0x0  }
.LBB2_1:
0x32: {  	s0 =	simm.s32 $0x0;
	s2 =	simm.s32 $0x200  }
.LBB2_2:
0x33: {  	p1 =	sne.s32 s2, $0xFE00;
	[tilespmem:s0+$0x84F0] =	vst v0  }
0x34: {  	[tilespmem:s0+$0x8480] =	vst v0  }
0x35: {  	[tilespmem:s0+$0x8490] =	vst v0  }
.Ltmp0:
0x36: {  	[tilespmem:s0+$0x84A0] =	vst v0;
	(pc) =	sbr.rel @p1 .LBB2_2-.Ltmp0, $4  }
0x37: {  	[tilespmem:s0+$0x84B0] =	vst v0  }
0x38: {  	[tilespmem:s0+$0x84C0] =	vst v0  }
0x39: {  	[tilespmem:s0+$0x84D0] =	vst v0  }
0x3a: {  	[tilespmem:s0+$0x84E0] =	vst v0;
	s0 =	sshra.s32 s2, $0x2;
	s2 =	sadd.s32 $0x200, s2  }
0x3b: {  	[tilespmem:s0+$0x84F0] =	vst v0  }
0x3c: {  	[tilespmem:s0+$0x8480] =	vst v0  }
0x3d: {  	[tilespmem:s0+$0x8490] =	vst v0  }
0x3e: {  	[tilespmem:s0+$0x84A0] =	vst v0  }
0x3f: {  	[tilespmem:s0+$0x84B0] =	vst v0  }
0x40: {  	[tilespmem:s0+$0x84C0] =	vst v0  }
0x41: {  	[tilespmem:s0+$0x84D0] =	vst v0  }
0x42: {  	[tilespmem:s0+$0x84E0] =	vst v0;
	s25 =	rddreg [dreg:$0xd]  }
0x43: {  	[tilespmem:s3], [sflag:$0x4] =	stream.linear.gather [hbm4b:s25+s3], $0x80, $0x38;
	[tilespmem:$0x1FE00] =	vst v63  }
0x44: {  	s2 =	rddreg [dreg:$0xe]  }
0x45: {  	[tilespmem:s8], [sflag:$0x4] =	stream.linear.gather [hbm4b:s2+s3], $0x80, $0x38;
	[tilespmem:$0x1FE00] =	vst v63  }
0x46: {  	s25 =	rddreg [dreg:$0xf]  }
0x47: {  	[tilespmem:s9], [sflag:$0x5] =	stream.linear.gather [hbm4b:s25+s3], $0x80, $0x38;
	[tilespmem:$0x1FE00] =	vst v63  }
0x48: {  	s2 =	rddreg [dreg:$0x10]  }
0x49: {  	[tilespmem:s10], [sflag:$0x5] =	stream.linear.gather [hbm4b:s2+s3], $0x80, $0x38;
	[tilespmem:$0x1FE00] =	vst v63  }
0x4a: {  	s25 =	rddreg [dreg:$0x11]  }
0x4b: {  	[tilespmem:s11], [sflag:$0x6] =	stream.linear.gather [hbm4b:s25+s3], $0x80, $0x38;
	[tilespmem:$0x1FE00] =	vst v63  }
0x4c: {  	s2 =	rddreg [dreg:$0x12]  }
0x4d: {  	[tilespmem:s12], [sflag:$0x6] =	stream.linear.gather [hbm4b:s2+s3], $0x80, $0x38;
	[tilespmem:$0x1FE00] =	vst v63  }
0x4e: {  	s25 =	rddreg [dreg:$0x13];
	s2 =	simm.s32 $0xC480  }
0x4f: {  	[tilespmem:s2], [sflag:$0x9] =	stream.linear.gather [hbm4b:s25+s3], $0x10, $0x38;
	[tilespmem:$0x1FE00] =	vst v63  }
0x50: {  	s2 =	rddreg [dreg:$0x14];
	s25 =	simm.s32 $0xC500  }
0x51: {  	[tilespmem:s25], [sflag:$0x9] =	stream.linear.gather [hbm4b:s2+s3], $0x10, $0x38;
	[tilespmem:$0x1FE00] =	vst v63  }
0x52: {  	s0 =	simm.s32 @p0 $0x8480;
	s2 =	simm.s32 @p0 $0xA  }
0x53: {  	[spmem:s31] =	stream.linear.scatter @p0 [tilespmem:s0], [sflag:$0xA], $0x4000, $0x38;
	[tilespmem:$0x1FE00] =	vst v63  }
0x54: {  	_ =	swait.ge @p0 [sflag:s2], $0x4000  }
0x55: {  	s25 =	sld [smem:$0x7FA]  }
0x56: {  	[sflag:s2] =	ssyncset.done @p0 $0x0  }
0x57: {  	[sflag:s2] =	ssyncadd.s32 @p0 $0xFFFFC000  }
0x58: {  	[spmem:s25] =	stream.linear.scatter @p0 [tilespmem:s0], [sflag:$0xA], $0x4000, $0x38;
	[tilespmem:$0x1FE00] =	vst v63  }
0x59: {  	_ =	swait.ge @p0 [sflag:s2], $0x4000  }
0x5a: {  	s25 =	sld [smem:$0x7FB]  }
0x5b: {  	[sflag:s2] =	ssyncset.done @p0 $0x0  }
0x5c: {  	[sflag:s2] =	ssyncadd.s32 @p0 $0xFFFFC000  }
0x5d: {  	[spmem:s25] =	stream.linear.scatter @p0 [tilespmem:s0], [sflag:$0xA], $0x4000, $0x38;
	[tilespmem:$0x1FE00] =	vst v63  }
0x5e: {  	_ =	swait.ge @p0 [sflag:s2], $0x4000  }
0x5f: {  	s25 =	sld [smem:$0x7FC]  }
0x60: {  	[sflag:s2] =	ssyncset.done @p0 $0x0  }
0x61: {  	[sflag:s2] =	ssyncadd.s32 @p0 $0xFFFFC000  }
0x62: {  	[spmem:s25] =	stream.linear.scatter @p0 [tilespmem:s0], [sflag:$0xA], $0x800, $0x38;
	[tilespmem:$0x1FE00] =	vst v63  }
0x63: {  	_ =	swait.ge @p0 [sflag:s2], $0x800  }
0x64: {  	[sflag:s2] =	ssyncset.done @p0 $0x0  }
0x65: {  	s0 =	simm.s32 @!p0 $0x8480;
	[sflag:s2] =	ssyncadd.s32 @p0 $0xFFFFF800;
	s2 =	simm.s32 @!p0 $0xA  }
0x66: {  	[spmem:s15] =	stream.linear.scatter @!p0 [tilespmem:s0], [sflag:$0xA], $0x4000, $0x38;
	[tilespmem:$0x1FE00] =	vst v63  }
0x67: {  	_ =	swait.ge @!p0 [sflag:s2], $0x4000  }
0x68: {  	s15 =	sld [smem:$0x7F6]  }
0x69: {  	[sflag:s2] =	ssyncset.done @!p0 $0x0  }
0x6a: {  	[sflag:s2] =	ssyncadd.s32 @!p0 $0xFFFFC000  }
0x6b: {  	[spmem:s15] =	stream.linear.scatter @!p0 [tilespmem:s0], [sflag:$0xA], $0x4000, $0x38;
	[tilespmem:$0x1FE00] =	vst v63  }
0x6c: {  	_ =	swait.ge @!p0 [sflag:s2], $0x4000  }
0x6d: {  	s15 =	sld [smem:$0x7F7]  }
0x6e: {  	[sflag:s2] =	ssyncset.done @!p0 $0x0  }
0x6f: {  	[sflag:s2] =	ssyncadd.s32 @!p0 $0xFFFFC000  }
0x70: {  	[spmem:s15] =	stream.linear.scatter @!p0 [tilespmem:s0], [sflag:$0xA], $0x4000, $0x38;
	[tilespmem:$0x1FE00] =	vst v63  }
0x71: {  	_ =	swait.ge @!p0 [sflag:s2], $0x4000  }
0x72: {  	s15 =	sld [smem:$0x7F8]  }
0x73: {  	[sflag:s2] =	ssyncset.done @!p0 $0x0  }
0x74: {  	[sflag:s2] =	ssyncadd.s32 @!p0 $0xFFFFC000  }
0x75: {  	[spmem:s15] =	stream.linear.scatter @!p0 [tilespmem:s0], [sflag:$0xA], $0x4000, $0x38;
	[tilespmem:$0x1FE00] =	vst v63  }
0x76: {  	_ =	swait.ge @!p0 [sflag:s2], $0x4000  }
0x77: {  	s15 =	sld [smem:$0x7F9]  }
0x78: {  	[sflag:s2] =	ssyncset.done @!p0 $0x0  }
0x79: {  	[sflag:s2] =	ssyncadd.s32 @!p0 $0xFFFFC000  }
0x7a: {  	[spmem:s15] =	stream.linear.scatter @!p0 [tilespmem:s0], [sflag:$0xA], $0x4000, $0x38;
	[tilespmem:$0x1FE00] =	vst v63  }
0x7b: {  	_ =	swait.ge @!p0 [sflag:s2], $0x4000  }
0x7c: {  	[sflag:s2] =	ssyncset.done @!p0 $0x0  }
0x7d: {  	[sflag:s2] =	ssyncadd.s32 @!p0 $0xFFFFC000  }
0x7e: {  	_ =	swait.ge [sflag:s16], $0x80  }
0x7f: {  	[sflag:s16] =	ssyncset.done $0x0  }
0x80: {  	[sflag:s16] =	ssyncadd.s32 $0xFFFFFF80  }
0x81: {  	_ =	swait.ge [sflag:s16], $0x80  }
0x82: {  	[sflag:s16] =	ssyncset.done $0x0  }
0x83: {  	s0 =	simm.s32 $0x0;
	[sflag:s16] =	ssyncadd.s32 $0xFFFFFF80  }
0x84: {  	[tilespmem:s17], [sflag:$0x1] =	stream.indirect.gather [hbm4b:s4+s9], $0x80, s0, s9, $0xb8;
	[tilespmem:$0x1FE00] =	vst v63  }
0x85: {  	_ =	swait.ge [sflag:s18], $0x80  }
0x86: {  	[sflag:s18] =	ssyncset.done $0x0  }
0x87: {  	[sflag:s18] =	ssyncadd.s32 $0xFFFFFF80  }
0x88: {  	_ =	swait.ge [sflag:s18], $0x80  }
0x89: {  	[sflag:s18] =	ssyncset.done $0x0  }
0x8a: {  	[sflag:s18] =	ssyncadd.s32 $0xFFFFFF80  }
0x8b: {  	[tilespmem:s19], [sflag:$0x2] =	stream.indirect.gather [hbm4b:s4+s9], $0x80, s9, s9, $0xb8;
	[tilespmem:$0x1FE00] =	vst v63  }
0x8c: {  	[bflag:$0x0] =	sbarrier.arrive $0xFFFF  }
0x8d: {  	_ =	swait.ge [sflag:s20], $0x4000  }
0x8e: {  	[sflag:s20] =	ssyncset.done $0x0  }
0x8f: {  	[sflag:s20] =	ssyncadd.s32 $0xFFFFC000  }
0x90: {  	[spmem:s1] =	stream.indirect.scatter.add.f32 [tilespmem:s17], [sflag:$0x7], $0x80, s8, s9, $0xb8;
	[tilespmem:$0x1FE00] =	vst v63  }
0x91: {  	s15 =	rddreg [dreg:$0x16]  }
0x92: {  	[tilespmem:s0], [sflag:$0x4] =	stream.linear.gather [hbm4b:s15+s0], $0x80, $0x38;
	[tilespmem:$0x1FE00] =	vst v63  }
0x93: {  	s25 =	rddreg [dreg:$0x17]  }
0x94: {  	[tilespmem:s21], [sflag:$0x4] =	stream.linear.gather [hbm4b:s25+s0], $0x80, $0x38;
	[tilespmem:$0x1FE00] =	vst v63  }
0x95: {  	_ =	swait.ge [sflag:s22], $0x80  }
0x96: {  	[sflag:s22] =	ssyncset.done $0x0  }
0x97: {  	[sflag:s22] =	ssyncadd.s32 $0xFFFFFF80  }
0x98: {  	_ =	swait.ge [sflag:s22], $0x80  }
0x99: {  	[sflag:s22] =	ssyncset.done $0x0  }
0x9a: {  	[sflag:s22] =	ssyncadd.s32 $0xFFFFFF80  }
0x9b: {  	[tilespmem:s23], [sflag:$0x3] =	stream.indirect.gather [hbm4b:s4+s9], $0x80, s11, s9, $0xb8;
	[tilespmem:$0x1FE00] =	vst v63  }
0x9c: {  	_ =	swait.ge [sflag:s24], $0x4000  }
0x9d: {  	[sflag:s24] =	ssyncset.done $0x0  }
0x9e: {  	[sflag:s24] =	ssyncadd.s32 $0xFFFFC000  }
0x9f: {  	[spmem:s1] =	stream.indirect.scatter.add.f32 [tilespmem:s19], [sflag:$0x8], $0x80, s10, s9, $0xb8;
	[tilespmem:$0x1FE00] =	vst v63  }
0xa0: {  	s31 =	rddreg [dreg:$0x19]  }
0xa1: {  	[tilespmem:s9], [sflag:$0x5] =	stream.linear.gather [hbm4b:s31+s0], $0x80, $0x38;
	[tilespmem:$0x1FE00] =	vst v63  }
0xa2: {  	s15 =	rddreg [dreg:$0x1a]  }
0xa3: {  	[tilespmem:s26], [sflag:$0x5] =	stream.linear.gather [hbm4b:s15+s0], $0x80, $0x38;
	[tilespmem:$0x1FE00] =	vst v63  }
0xa4: {  	_ =	swait.ge [sflag:s28], $0x4000  }
0xa5: {  	[sflag:s28] =	ssyncset.done $0x0  }
0xa6: {  	[sflag:s28] =	ssyncadd.s32 $0xFFFFC000  }
0xa7: {  	_ =	swait.ge [sflag:s16], $0x80  }
0xa8: {  	[sflag:s16] =	ssyncset.done $0x0  }
0xa9: {  	[sflag:s16] =	ssyncadd.s32 $0xFFFFFF80  }
0xaa: {  	_ =	swait.ge [sflag:s16], $0x80  }
0xab: {  	[sflag:s16] =	ssyncset.done $0x0  }
0xac: {  	[sflag:s16] =	ssyncadd.s32 $0xFFFFFF80  }
0xad: {  	[tilespmem:s17], [sflag:$0x1] =	stream.indirect.gather [hbm4b:s4+s9], $0x80, s0, s9, $0xb8;
	[tilespmem:$0x1FE00] =	vst v63  }
0xae: {  	_ =	swait.ge [sflag:s29], $0x4000  }
0xaf: {  	[sflag:s29] =	ssyncset.done $0x0  }
0xb0: {  	s25 =	rddreg [dreg:$0xc];
	[sflag:s29] =	ssyncadd.s32 $0xFFFFC000  }
0xb1: {  	[spmem:s1] =	stream.indirect.scatter.add.f32 [tilespmem:s23], [sflag:$0x7], $0x80, s12, s9, $0xb8;
	[tilespmem:$0x1FE00] =	vst v63  }
0xb2: {  	s31 =	rddreg [dreg:$0xb];
	s0 =	sadd.s32 $0x0, s25  }
0xb3: {  	[tilespmem:s11], [sflag:$0x6] =	stream.linear.gather [hbm4b:s0+s3], $0x80, $0x38;
	[tilespmem:$0x1FE00] =	vst v63  }
0xb4: {  	s15 =	sadd.s32 $0x0, s31  }
0xb5: {  	[tilespmem:s30], [sflag:$0x6] =	stream.linear.gather [hbm4b:s15+s3], $0x80, $0x38;
	[tilespmem:$0x1FE00] =	vst v63  }
0xb6: {  	_ =	swait.ge [sflag:s13], $0x4000  }
0xb7: {  	[sflag:s13] =	ssyncset.done $0x0  }
0xb8: {  	[sflag:s13] =	ssyncadd.s32 $0xFFFFC000  }
0xb9: {  	_ =	swait.ge [sflag:s18], $0x80  }
0xba: {  	[sflag:s18] =	ssyncset.done $0x0  }
0xbb: {  	[sflag:s18] =	ssyncadd.s32 $0xFFFFFF80  }
0xbc: {  	_ =	swait.ge [sflag:s18], $0x80  }
0xbd: {  	[sflag:s18] =	ssyncset.done $0x0  }
0xbe: {  	[sflag:s18] =	ssyncadd.s32 $0xFFFFFF80  }
0xbf: {  	[tilespmem:s19], [sflag:$0x2] =	stream.indirect.gather [hbm4b:s4+s9], $0x80, s9, s9, $0xb8;
	[tilespmem:$0x1FE00] =	vst v63  }
0xc0: {  	_ =	swait.ge [sflag:s20], $0x4000  }
0xc1: {  	[sflag:s20] =	ssyncset.done $0x0;
	s15 =	rddreg [dreg:$0x1f]  }
0xc2: {  	[sflag:s20] =	ssyncadd.s32 $0xFFFFC000;
	s25 =	sshrl.u32 s15, $0x3  }
0xc3: {  	[spmem:s1] =	stream.indirect.scatter.add.f32 [tilespmem:s17], [sflag:$0x8], $0x80, s21, s9, $0xb8;
	[tilespmem:$0x1FE00] =	vst v63  }
0xc4: {  	s31 =	sadd.s32 s5, s25  }
0xc5: {  	[tilespmem:s3], [sflag:$0x4] =	stream.linear.gather [hbm4b:s31+s3], $0x80, $0x38;
	[tilespmem:$0x1FE00] =	vst v63  }
0xc6: {  	s0 =	sadd.s32 s6, s25  }
0xc7: {  	[tilespmem:s8], [sflag:$0x4] =	stream.linear.gather [hbm4b:s0+s3], $0x80, $0x38;
	[tilespmem:$0x1FE00] =	vst v63  }
0xc8: {  	_ =	swait.ge [sflag:s28], $0x4000  }
0xc9: {  	[sflag:s28] =	ssyncset.done $0x0  }
0xca: {  	[sflag:s28] =	ssyncadd.s32 $0xFFFFC000  }
0xcb: {  	_ =	swait.ge [sflag:s22], $0x80  }
0xcc: {  	[sflag:s22] =	ssyncset.done $0x0  }
0xcd: {  	[sflag:s22] =	ssyncadd.s32 $0xFFFFFF80  }
0xce: {  	_ =	swait.ge [sflag:s22], $0x80  }
0xcf: {  	[sflag:s22] =	ssyncset.done $0x0  }
0xd0: {  	[sflag:s22] =	ssyncadd.s32 $0xFFFFFF80  }
0xd1: {  	[tilespmem:s23], [sflag:$0x3] =	stream.indirect.gather [hbm4b:s4+s9], $0x80, s11, s9, $0xb8;
	[tilespmem:$0x1FE00] =	vst v63  }
0xd2: {  	_ =	swait.ge [sflag:s24], $0x4000  }
0xd3: {  	[sflag:s24] =	ssyncset.done $0x0  }
0xd4: {  	s2 =	rddreg [dreg:$0xa];
	[sflag:s24] =	ssyncadd.s32 $0xFFFFC000  }
0xd5: {  	[spmem:s1] =	stream.indirect.scatter.add.f32 [tilespmem:s19], [sflag:$0x7], $0x80, s26, s9, $0xb8;
	[tilespmem:$0x1FE00] =	vst v63  }
0xd6: {  	s25 =	rddreg [dreg:$0x9];
	s0 =	sadd.s32 $0x0, s2  }
0xd7: {  	[tilespmem:s9], [sflag:$0x5] =	stream.linear.gather [hbm4b:s0+s3], $0x80, $0x38;
	[tilespmem:$0x1FE00] =	vst v63  }
0xd8: {  	s31 =	sadd.s32 $0x0, s25  }
0xd9: {  	[tilespmem:s10], [sflag:$0x5] =	stream.linear.gather [hbm4b:s31+s3], $0x80, $0x38;
	[tilespmem:$0x1FE00] =	vst v63  }
0xda: {  	_ =	swait.ge [sflag:s13], $0x4000  }
0xdb: {  	[sflag:s13] =	ssyncset.done $0x0  }
0xdc: {  	[sflag:s13] =	ssyncadd.s32 $0xFFFFC000  }
0xdd: {  	_ =	swait.ge [sflag:s16], $0x80  }
0xde: {  	[sflag:s16] =	ssyncset.done $0x0  }
0xdf: {  	[sflag:s16] =	ssyncadd.s32 $0xFFFFFF80  }
0xe0: {  	_ =	swait.ge [sflag:s16], $0x80  }
0xe1: {  	[sflag:s16] =	ssyncset.done $0x0  }
0xe2: {  	[sflag:s16] =	ssyncadd.s32 $0xFFFFFF80  }
0xe3: {  	[tilespmem:s17], [sflag:$0x1] =	stream.indirect.gather [hbm4b:s4+s9], $0x80, s3, s9, $0xb8;
	[tilespmem:$0x1FE00] =	vst v63  }
0xe4: {  	_ =	swait.ge [sflag:s29], $0x4000  }
0xe5: {  	[sflag:s29] =	ssyncset.done $0x0  }
0xe6: {  	s2 =	rddreg [dreg:$0x8];
	[sflag:s29] =	ssyncadd.s32 $0xFFFFC000  }
0xe7: {  	[spmem:s1] =	stream.indirect.scatter.add.f32 [tilespmem:s23], [sflag:$0x8], $0x80, s30, s9, $0xb8;
	[tilespmem:$0x1FE00] =	vst v63  }
0xe8: {  	s25 =	rddreg [dreg:$0x7];
	s0 =	sadd.s32 $0x0, s2  }
0xe9: {  	[tilespmem:s11], [sflag:$0x6] =	stream.linear.gather [hbm4b:s0+s3], $0x80, $0x38;
	[tilespmem:$0x1FE00] =	vst v63  }
0xea: {  	s31 =	sadd.s32 $0x0, s25  }
0xeb: {  	[tilespmem:s12], [sflag:$0x6] =	stream.linear.gather [hbm4b:s31+s3], $0x80, $0x38;
	[tilespmem:$0x1FE00] =	vst v63  }
0xec: {  	_ =	swait.ge [sflag:s28], $0x4000  }
0xed: {  	[sflag:s28] =	ssyncset.done $0x0  }
0xee: {  	[sflag:s28] =	ssyncadd.s32 $0xFFFFC000  }
0xef: {  	_ =	swait.ge [sflag:s18], $0x80  }
0xf0: {  	[sflag:s18] =	ssyncset.done $0x0  }
0xf1: {  	[sflag:s18] =	ssyncadd.s32 $0xFFFFFF80  }
0xf2: {  	_ =	swait.ge [sflag:s18], $0x80  }
0xf3: {  	[sflag:s18] =	ssyncset.done $0x0  }
0xf4: {  	[sflag:s18] =	ssyncadd.s32 $0xFFFFFF80  }
0xf5: {  	[tilespmem:s19], [sflag:$0x2] =	stream.indirect.gather [hbm4b:s4+s9], $0x80, s9, s9, $0xb8;
	[tilespmem:$0x1FE00] =	vst v63  }
0xf6: {  	_ =	swait.ge [sflag:s20], $0x4000  }
0xf7: {  	[sflag:s20] =	ssyncset.done $0x0  }
0xf8: {  	s2 =	rddreg [dreg:$0x6];
	[sflag:s20] =	ssyncadd.s32 $0xFFFFC000  }
0xf9: {  	[spmem:s1] =	stream.indirect.scatter.add.f32 [tilespmem:s17], [sflag:$0x7], $0x80, s8, s9, $0xb8;
	[tilespmem:$0x1FE00] =	vst v63  }
0xfa: {  	s25 =	rddreg [dreg:$0x5];
	s0 =	sadd.s32 $0x0, s2  }
0xfb: {  	[tilespmem:s3], [sflag:$0x4] =	stream.linear.gather [hbm4b:s0+s3], $0x80, $0x38;
	[tilespmem:$0x1FE00] =	vst v63  }
0xfc: {  	s31 =	sadd.s32 $0x0, s25  }
0xfd: {  	[tilespmem:s21], [sflag:$0x4] =	stream.linear.gather [hbm4b:s31+s3], $0x80, $0x38;
	[tilespmem:$0x1FE00] =	vst v63  }
0xfe: {  	_ =	swait.ge [sflag:s13], $0x4000  }
0xff: {  	[sflag:s13] =	ssyncset.done $0x0  }
0x100: {  	[sflag:s13] =	ssyncadd.s32 $0xFFFFC000  }
0x101: {  	_ =	swait.ge [sflag:s22], $0x80  }
0x102: {  	[sflag:s22] =	ssyncset.done $0x0  }
0x103: {  	[sflag:s22] =	ssyncadd.s32 $0xFFFFFF80  }
0x104: {  	_ =	swait.ge [sflag:s22], $0x80  }
0x105: {  	[sflag:s22] =	ssyncset.done $0x0  }
0x106: {  	[sflag:s22] =	ssyncadd.s32 $0xFFFFFF80  }
0x107: {  	[tilespmem:s23], [sflag:$0x3] =	stream.indirect.gather [hbm4b:s4+s9], $0x80, s11, s9, $0xb8;
	[tilespmem:$0x1FE00] =	vst v63  }
0x108: {  	_ =	swait.ge [sflag:s24], $0x4000  }
0x109: {  	[sflag:s24] =	ssyncset.done $0x0  }
0x10a: {  	s2 =	rddreg [dreg:$0x4];
	[sflag:s24] =	ssyncadd.s32 $0xFFFFC000  }
0x10b: {  	[spmem:s1] =	stream.indirect.scatter.add.f32 [tilespmem:s19], [sflag:$0x8], $0x80, s10, s9, $0xb8;
	[tilespmem:$0x1FE00] =	vst v63  }
0x10c: {  	s25 =	rddreg [dreg:$0x3];
	s0 =	sadd.s32 $0x0, s2  }
0x10d: {  	[tilespmem:s9], [sflag:$0x5] =	stream.linear.gather [hbm4b:s0+s3], $0x80, $0x38;
	[tilespmem:$0x1FE00] =	vst v63  }
0x10e: {  	s31 =	sadd.s32 $0x0, s25  }
0x10f: {  	[tilespmem:s26], [sflag:$0x5] =	stream.linear.gather [hbm4b:s31+s3], $0x80, $0x38;
	[tilespmem:$0x1FE00] =	vst v63  }
0x110: {  	_ =	swait.ge [sflag:s28], $0x4000  }
0x111: {  	[sflag:s28] =	ssyncset.done $0x0  }
0x112: {  	[sflag:s28] =	ssyncadd.s32 $0xFFFFC000  }
0x113: {  	_ =	swait.ge [sflag:s16], $0x80  }
0x114: {  	[sflag:s16] =	ssyncset.done $0x0  }
0x115: {  	[sflag:s16] =	ssyncadd.s32 $0xFFFFFF80  }
0x116: {  	_ =	swait.ge [sflag:s16], $0x80  }
0x117: {  	[sflag:s16] =	ssyncset.done $0x0  }
0x118: {  	s2 =	sadd.s32 $0x300, s15;
	s0 =	simm.s32 $0x60;
	[sflag:s16] =	ssyncadd.s32 $0xFFFFFF80  }
.LBB2_4:
0x119: {  	[tilespmem:s17], [sflag:$0x1] =	stream.indirect.gather [hbm4b:s4+s9], $0x80, s3, s9, $0xb8;
	[tilespmem:$0x1FE00] =	vst v63  }
0x11a: {  	_ =	swait.ge [sflag:s29], $0x4000  }
0x11b: {  	[sflag:s29] =	ssyncset.done $0x0  }
0x11c: {  	s15 =	smov.u32 s0;
	s25 =	rddreg [dreg:$0xc];
	[sflag:s29] =	ssyncadd.s32 $0xFFFFC000  }
0x11d: {  	[spmem:s1] =	stream.indirect.scatter.add.f32 [tilespmem:s23], [sflag:$0x7], $0x80, s12, s9, $0xb8;
	[tilespmem:$0x1FE00] =	vst v63  }
0x11e: {  	s31 =	rddreg [dreg:$0xb];
	s25 =	sadd.s32 s15, s25  }
0x11f: {  	[tilespmem:s11], [sflag:$0x6] =	stream.linear.gather [hbm4b:s25+s3], $0x80, $0x38;
	[tilespmem:$0x1FE00] =	vst v63  }
0x120: {  	s31 =	sadd.s32 s15, s31  }
0x121: {  	[tilespmem:s30], [sflag:$0x6] =	stream.linear.gather [hbm4b:s31+s3], $0x80, $0x38;
	[tilespmem:$0x1FE00] =	vst v63  }
0x122: {  	_ =	swait.ge [sflag:s13], $0x4000  }
0x123: {  	[sflag:s13] =	ssyncset.done $0x0  }
0x124: {  	[sflag:s13] =	ssyncadd.s32 $0xFFFFC000  }
0x125: {  	_ =	swait.ge [sflag:s18], $0x80  }
0x126: {  	[sflag:s18] =	ssyncset.done $0x0  }
0x127: {  	[sflag:s18] =	ssyncadd.s32 $0xFFFFFF80  }
0x128: {  	_ =	swait.ge [sflag:s18], $0x80  }
0x129: {  	[sflag:s18] =	ssyncset.done $0x0  }
0x12a: {  	[sflag:s18] =	ssyncadd.s32 $0xFFFFFF80  }
0x12b: {  	[tilespmem:s19], [sflag:$0x2] =	stream.indirect.gather [hbm4b:s4+s9], $0x80, s9, s9, $0xb8;
	[tilespmem:$0x1FE00] =	vst v63  }
0x12c: {  	_ =	swait.ge [sflag:s20], $0x4000  }
0x12d: {  	[sflag:s20] =	ssyncset.done $0x0  }
0x12e: {  	s25 =	sshrl.u32 s2, $0x3;
	[sflag:s20] =	ssyncadd.s32 $0xFFFFC000  }
0x12f: {  	[spmem:s1] =	stream.indirect.scatter.add.f32 [tilespmem:s17], [sflag:$0x8], $0x80, s21, s9, $0xb8;
	[tilespmem:$0x1FE00] =	vst v63  }
0x130: {  	s31 =	sadd.s32 s5, s25  }
0x131: {  	[tilespmem:s3], [sflag:$0x4] =	stream.linear.gather [hbm4b:s31+s3], $0x80, $0x38;
	[tilespmem:$0x1FE00] =	vst v63  }
0x132: {  	s25 =	sadd.s32 s6, s25  }
0x133: {  	[tilespmem:s8], [sflag:$0x4] =	stream.linear.gather [hbm4b:s25+s3], $0x80, $0x38;
	[tilespmem:$0x1FE00] =	vst v63  }
0x134: {  	_ =	swait.ge [sflag:s28], $0x4000  }
0x135: {  	[sflag:s28] =	ssyncset.done $0x0  }
0x136: {  	[sflag:s28] =	ssyncadd.s32 $0xFFFFC000  }
0x137: {  	_ =	swait.ge [sflag:s22], $0x80  }
0x138: {  	[sflag:s22] =	ssyncset.done $0x0  }
0x139: {  	[sflag:s22] =	ssyncadd.s32 $0xFFFFFF80  }
0x13a: {  	_ =	swait.ge [sflag:s22], $0x80  }
0x13b: {  	[sflag:s22] =	ssyncset.done $0x0  }
0x13c: {  	[sflag:s22] =	ssyncadd.s32 $0xFFFFFF80  }
0x13d: {  	[tilespmem:s23], [sflag:$0x3] =	stream.indirect.gather [hbm4b:s4+s9], $0x80, s11, s9, $0xb8;
	[tilespmem:$0x1FE00] =	vst v63  }
0x13e: {  	_ =	swait.ge [sflag:s24], $0x4000  }
0x13f: {  	[sflag:s24] =	ssyncset.done $0x0  }
0x140: {  	s25 =	rddreg [dreg:$0xa];
	[sflag:s24] =	ssyncadd.s32 $0xFFFFC000  }
0x141: {  	[spmem:s1] =	stream.indirect.scatter.add.f32 [tilespmem:s19], [sflag:$0x7], $0x80, s26, s9, $0xb8;
	[tilespmem:$0x1FE00] =	vst v63  }
0x142: {  	s31 =	rddreg [dreg:$0x9];
	s25 =	sadd.s32 s15, s25  }
0x143: {  	[tilespmem:s9], [sflag:$0x5] =	stream.linear.gather [hbm4b:s25+s3], $0x80, $0x38;
	[tilespmem:$0x1FE00] =	vst v63  }
0x144: {  	s31 =	sadd.s32 s15, s31  }
0x145: {  	[tilespmem:s10], [sflag:$0x5] =	stream.linear.gather [hbm4b:s31+s3], $0x80, $0x38;
	[tilespmem:$0x1FE00] =	vst v63  }
0x146: {  	_ =	swait.ge [sflag:s13], $0x4000  }
0x147: {  	[sflag:s13] =	ssyncset.done $0x0  }
0x148: {  	[sflag:s13] =	ssyncadd.s32 $0xFFFFC000  }
0x149: {  	_ =	swait.ge [sflag:s16], $0x80  }
0x14a: {  	[sflag:s16] =	ssyncset.done $0x0  }
0x14b: {  	[sflag:s16] =	ssyncadd.s32 $0xFFFFFF80  }
0x14c: {  	_ =	swait.ge [sflag:s16], $0x80  }
0x14d: {  	[sflag:s16] =	ssyncset.done $0x0  }
0x14e: {  	[sflag:s16] =	ssyncadd.s32 $0xFFFFFF80  }
0x14f: {  	[tilespmem:s17], [sflag:$0x1] =	stream.indirect.gather [hbm4b:s4+s9], $0x80, s3, s9, $0xb8;
	[tilespmem:$0x1FE00] =	vst v63  }
0x150: {  	_ =	swait.ge [sflag:s29], $0x4000  }
0x151: {  	[sflag:s29] =	ssyncset.done $0x0  }
0x152: {  	s25 =	rddreg [dreg:$0x8];
	[sflag:s29] =	ssyncadd.s32 $0xFFFFC000  }
0x153: {  	[spmem:s1] =	stream.indirect.scatter.add.f32 [tilespmem:s23], [sflag:$0x8], $0x80, s30, s9, $0xb8;
	[tilespmem:$0x1FE00] =	vst v63  }
0x154: {  	s31 =	rddreg [dreg:$0x7];
	s25 =	sadd.s32 s15, s25  }
0x155: {  	[tilespmem:s11], [sflag:$0x6] =	stream.linear.gather [hbm4b:s25+s3], $0x80, $0x38;
	[tilespmem:$0x1FE00] =	vst v63  }
0x156: {  	s31 =	sadd.s32 s15, s31  }
0x157: {  	[tilespmem:s12], [sflag:$0x6] =	stream.linear.gather [hbm4b:s31+s3], $0x80, $0x38;
	[tilespmem:$0x1FE00] =	vst v63  }
0x158: {  	_ =	swait.ge [sflag:s28], $0x4000  }
0x159: {  	[sflag:s28] =	ssyncset.done $0x0  }
0x15a: {  	[sflag:s28] =	ssyncadd.s32 $0xFFFFC000  }
0x15b: {  	_ =	swait.ge [sflag:s18], $0x80  }
0x15c: {  	[sflag:s18] =	ssyncset.done $0x0  }
0x15d: {  	[sflag:s18] =	ssyncadd.s32 $0xFFFFFF80  }
0x15e: {  	_ =	swait.ge [sflag:s18], $0x80  }
0x15f: {  	[sflag:s18] =	ssyncset.done $0x0  }
0x160: {  	[sflag:s18] =	ssyncadd.s32 $0xFFFFFF80  }
0x161: {  	[tilespmem:s19], [sflag:$0x2] =	stream.indirect.gather [hbm4b:s4+s9], $0x80, s9, s9, $0xb8;
	[tilespmem:$0x1FE00] =	vst v63  }
0x162: {  	_ =	swait.ge [sflag:s20], $0x4000  }
0x163: {  	[sflag:s20] =	ssyncset.done $0x0  }
0x164: {  	s25 =	rddreg [dreg:$0x6];
	[sflag:s20] =	ssyncadd.s32 $0xFFFFC000  }
0x165: {  	[spmem:s1] =	stream.indirect.scatter.add.f32 [tilespmem:s17], [sflag:$0x7], $0x80, s8, s9, $0xb8;
	[tilespmem:$0x1FE00] =	vst v63  }
0x166: {  	s31 =	rddreg [dreg:$0x5];
	s25 =	sadd.s32 s15, s25  }
0x167: {  	[tilespmem:s3], [sflag:$0x4] =	stream.linear.gather [hbm4b:s25+s3], $0x80, $0x38;
	[tilespmem:$0x1FE00] =	vst v63  }
0x168: {  	s31 =	sadd.s32 s15, s31  }
0x169: {  	[tilespmem:s21], [sflag:$0x4] =	stream.linear.gather [hbm4b:s31+s3], $0x80, $0x38;
	[tilespmem:$0x1FE00] =	vst v63  }
0x16a: {  	_ =	swait.ge [sflag:s13], $0x4000  }
0x16b: {  	[sflag:s13] =	ssyncset.done $0x0  }
0x16c: {  	[sflag:s13] =	ssyncadd.s32 $0xFFFFC000  }
0x16d: {  	_ =	swait.ge [sflag:s22], $0x80  }
0x16e: {  	[sflag:s22] =	ssyncset.done $0x0  }
0x16f: {  	[sflag:s22] =	ssyncadd.s32 $0xFFFFFF80  }
0x170: {  	_ =	swait.ge [sflag:s22], $0x80  }
0x171: {  	[sflag:s22] =	ssyncset.done $0x0  }
0x172: {  	[sflag:s22] =	ssyncadd.s32 $0xFFFFFF80  }
0x173: {  	[tilespmem:s23], [sflag:$0x3] =	stream.indirect.gather [hbm4b:s4+s9], $0x80, s11, s9, $0xb8;
	[tilespmem:$0x1FE00] =	vst v63  }
0x174: {  	_ =	swait.ge [sflag:s24], $0x4000  }
0x175: {  	[sflag:s24] =	ssyncset.done $0x0  }
0x176: {  	s25 =	rddreg [dreg:$0x4];
	[sflag:s24] =	ssyncadd.s32 $0xFFFFC000  }
0x177: {  	[spmem:s1] =	stream.indirect.scatter.add.f32 [tilespmem:s19], [sflag:$0x8], $0x80, s10, s9, $0xb8;
	[tilespmem:$0x1FE00] =	vst v63  }
0x178: {  	s31 =	rddreg [dreg:$0x3];
	s25 =	sadd.s32 s15, s25  }
0x179: {  	[tilespmem:s9], [sflag:$0x5] =	stream.linear.gather [hbm4b:s25+s3], $0x80, $0x38;
	[tilespmem:$0x1FE00] =	vst v63  }
0x17a: {  	s15 =	sadd.s32 s15, s31  }
0x17b: {  	[tilespmem:s26], [sflag:$0x5] =	stream.linear.gather [hbm4b:s15+s3], $0x80, $0x38;
	[tilespmem:$0x1FE00] =	vst v63  }
0x17c: {  	_ =	swait.ge [sflag:s28], $0x4000  }
0x17d: {  	[sflag:s28] =	ssyncset.done $0x0  }
0x17e: {  	[sflag:s28] =	ssyncadd.s32 $0xFFFFC000  }
0x17f: {  	p1 =	sne.s32 s0, $0x420;
	_ =	swait.ge [sflag:s16], $0x80  }
.Ltmp1:
0x180: {  	[sflag:s16] =	ssyncset.done $0x0;
	(pc) =	sbr.rel @p1 .LBB2_4-.Ltmp1, $4  }
0x181: {  	[sflag:s16] =	ssyncadd.s32 $0xFFFFFF80  }
0x182: {  	_ =	swait.ge [sflag:s16], $0x80  }
0x183: {  	[sflag:s16] =	ssyncset.done $0x0  }
0x184: {  	s0 =	sadd.s32 $0x60, s0;
	s2 =	sadd.s32 $0x300, s2;
	[sflag:s16] =	ssyncadd.s32 $0xFFFFFF80  }
0x185: {  	[tilespmem:s17], [sflag:$0x1] =	stream.indirect.gather [hbm4b:s4+s9], $0x80, s3, s9, $0xb8;
	[tilespmem:$0x1FE00] =	vst v63  }
0x186: {  	_ =	swait.ge [sflag:s29], $0x4000  }
0x187: {  	[sflag:s29] =	ssyncset.done $0x0  }
0x188: {  	[sflag:s29] =	ssyncadd.s32 $0xFFFFC000  }
0x189: {  	[spmem:s1] =	stream.indirect.scatter.add.f32 [tilespmem:s23], [sflag:$0x7], $0x80, s12, s9, $0xb8;
	[tilespmem:$0x1FE00] =	vst v63  }
0x18a: {  	s0 =	rddreg [dreg:$0x1b]  }
0x18b: {  	[tilespmem:s11], [sflag:$0x6] =	stream.linear.gather [hbm4b:s0+s3], $0x80, $0x38;
	[tilespmem:$0x1FE00] =	vst v63  }
0x18c: {  	s2 =	rddreg [dreg:$0x1c]  }
0x18d: {  	[tilespmem:s30], [sflag:$0x6] =	stream.linear.gather [hbm4b:s2+s3], $0x80, $0x38;
	[tilespmem:$0x1FE00] =	vst v63  }
0x18e: {  	_ =	swait.ge [sflag:s13], $0x4000  }
0x18f: {  	[sflag:s13] =	ssyncset.done $0x0  }
0x190: {  	[sflag:s13] =	ssyncadd.s32 $0xFFFFC000  }
0x191: {  	_ =	swait.ge [sflag:s18], $0x80  }
0x192: {  	[sflag:s18] =	ssyncset.done $0x0  }
0x193: {  	[sflag:s18] =	ssyncadd.s32 $0xFFFFFF80  }
0x194: {  	_ =	swait.ge [sflag:s18], $0x80  }
0x195: {  	[sflag:s18] =	ssyncset.done $0x0  }
0x196: {  	[sflag:s18] =	ssyncadd.s32 $0xFFFFFF80  }
0x197: {  	[tilespmem:s19], [sflag:$0x2] =	stream.indirect.gather [hbm4b:s4+s9], $0x80, s9, s9, $0xb8;
	[tilespmem:$0x1FE00] =	vst v63  }
0x198: {  	_ =	swait.ge [sflag:s20], $0x4000  }
0x199: {  	[sflag:s20] =	ssyncset.done $0x0  }
0x19a: {  	[sflag:s20] =	ssyncadd.s32 $0xFFFFC000  }
0x19b: {  	[spmem:s1] =	stream.indirect.scatter.add.f32 [tilespmem:s17], [sflag:$0x8], $0x80, s21, s9, $0xb8;
	[tilespmem:$0x1FE00] =	vst v63  }
0x19c: {  	_ =	swait.ge [sflag:s28], $0x4000  }
0x19d: {  	[sflag:s28] =	ssyncset.done $0x0  }
0x19e: {  	[sflag:s28] =	ssyncadd.s32 $0xFFFFC000  }
0x19f: {  	_ =	swait.ge [sflag:s22], $0x80  }
0x1a0: {  	[sflag:s22] =	ssyncset.done $0x0  }
0x1a1: {  	[sflag:s22] =	ssyncadd.s32 $0xFFFFFF80  }
0x1a2: {  	_ =	swait.ge [sflag:s22], $0x80  }
0x1a3: {  	[sflag:s22] =	ssyncset.done $0x0  }
0x1a4: {  	[sflag:s22] =	ssyncadd.s32 $0xFFFFFF80  }
0x1a5: {  	[tilespmem:s23], [sflag:$0x3] =	stream.indirect.gather [hbm4b:s4+s9], $0x80, s11, s9, $0xb8;
	[tilespmem:$0x1FE00] =	vst v63  }
0x1a6: {  	_ =	swait.ge [sflag:s24], $0x4000  }
0x1a7: {  	[sflag:s24] =	ssyncset.done $0x0  }
0x1a8: {  	[sflag:s24] =	ssyncadd.s32 $0xFFFFC000  }
0x1a9: {  	[spmem:s1] =	stream.indirect.scatter.add.f32 [tilespmem:s19], [sflag:$0x7], $0x80, s26, s9, $0xb8;
	[tilespmem:$0x1FE00] =	vst v63  }
0x1aa: {  	_ =	swait.ge [sflag:s13], $0x4000  }
0x1ab: {  	[sflag:s13] =	ssyncset.done $0x0  }
0x1ac: {  	[sflag:s13] =	ssyncadd.s32 $0xFFFFC000  }
0x1ad: {  	_ =	swait.ge [sflag:s14], $0x10  }
0x1ae: {  	[sflag:s14] =	ssyncset.done $0x0  }
0x1af: {  	[sflag:s14] =	ssyncadd.s32 $0xFFFFFFF0  }
0x1b0: {  	_ =	swait.ge [sflag:s14], $0x10  }
0x1b1: {  	[sflag:s14] =	ssyncset.done $0x0  }
0x1b2: {  	s15 =	simm.s32 $0xC480;
	s2 =	simm.s32 $0x10;
	[sflag:s14] =	ssyncadd.s32 $0xFFFFFFF0  }
0x1b3: {  	[tilespmem:s17], [sflag:$0x9] =	stream.indirect.gather [hbm4b:s4+s2], $0x80, s15, s2, $0xb8;
	[tilespmem:$0x1FE00] =	vst v63  }
0x1b4: {  	_ =	swait.ge [sflag:s29], $0x4000  }
0x1b5: {  	[sflag:s29] =	ssyncset.done $0x0  }
0x1b6: {  	[sflag:s29] =	ssyncadd.s32 $0xFFFFC000  }
0x1b7: {  	[spmem:s1] =	stream.indirect.scatter.add.f32 [tilespmem:s23], [sflag:$0x8], $0x80, s30, s9, $0xb8;
	[tilespmem:$0x1FE00] =	vst v63  }
0x1b8: {  	_ =	swait.ge [sflag:s28], $0x4000  }
0x1b9: {  	[sflag:s28] =	ssyncset.done $0x0  }
0x1ba: {  	[sflag:s28] =	ssyncadd.s32 $0xFFFFC000  }
0x1bb: {  	_ =	swait.ge [sflag:s14], $0x800  }
0x1bc: {  	[sflag:s14] =	ssyncset.done $0x0  }
0x1bd: {  	[sflag:s14] =	ssyncadd.s32 $0xFFFFF800  }
0x1be: {  	_ =	swait.ge [sflag:s13], $0x4000  }
0x1bf: {  	[sflag:s13] =	ssyncset.done $0x0  }
0x1c0: {  	s25 =	simm.s32 $0xC500;
	s15 =	simm.s32 $0xA;
	[sflag:s13] =	ssyncadd.s32 $0xFFFFC000  }
0x1c1: {  	[spmem:s1] =	stream.indirect.scatter.add.f32 [tilespmem:s17], [sflag:$0xA], $0x80, s25, s2, $0xb8;
	[tilespmem:$0x1FE00] =	vst v63  }
0x1c2: {  	_ =	swait.ge [sflag:s15], $0x800  }
0x1c3: {  	[sflag:s15] =	ssyncset.done $0x0  }
0x1c4: {  	[sflag:s15] =	ssyncadd.s32 $0xFFFFF800  }
0x1c5: {  	[bflag:$0x0] =	sbarrier.arrive $0xFFFF  }
0x1c6: {  	s31 =	sld [smem:$0x7FD];
	_ =	sdelay $0x2  }
0x1c7: {  	s2 =	simm.s32 @p0 $0x1FCA;
	s15 =	rddreg [dreg:$0x1d];
	s0 =	sshrl.u32 @p0 s31, $0x3  }
0x1c8: {  	[hbm:s15], [sflag:s2] =	dma.local @p0 [spmem:s0], $0x1900  }
0x1c9: {  	s0 =	simm.s32 @p0 $0xA  }
0x1ca: {  	_ =	swait.ge @p0 [sflag:s0], $0x1900  }
0x1cb: {  	s2 =	stileid.u32;
	s15 =	rddreg [dreg:$0x15]  }
0x1cc: {  	s2 =	sshll.u32 @!p0 s2, $0x6;
	[sflag:s0] =	ssyncset.done @p0 $0x0;
	s25 =	rddreg [dreg:$0x18]  }
0x1cd: {  	[sflag:s0] =	ssyncadd.s32 @p0 $0xFFFFE700;
	s0 =	sor.u32 @!p0 $0x1C0A, s2;
	s2 =	sshrl.u32 @!p0 s15, $0x3  }
0x1ce: {  	[hbm:s25], [sflag:s0] =	dma.local @!p0 [spmem:s2], $0x2800  }
0x1cf: {  	s0 =	simm.s32 @!p0 $0xA  }
0x1d0: {  	_ =	swait.ge @!p0 [sflag:s0], $0x2800  }
0x1d1: {  	s7 =	sadd.s32 $0x1, s7;
	s25 =	rddreg [dreg:$0x1e]  }
0x1d2: {  	p1 =	sne.s32 s7, s25  }
.Ltmp2:
0x1d3: {  	_ = 	snop;
	(pc) =	sbr.rel @p1 .LBB2_1-.Ltmp2, $3  }
0x1d4: {  	_ =	sdelay $0x1  }
0x1d5: {  	[sflag:s0] =	ssyncset.done @!p0 $0x0  }
0x1d6: {  	[sflag:s0] =	ssyncadd.s32 @!p0 $0xFFFFD800  }
0x1d7: {  	_ =	sfence.sel $0x180000  }
0x1d8: {  	[bflag:$0x0] =	sbarrier.arrive $0xFFFF  }
0x1d9: {  	_ =	strace $0x9000004A  }
0x1da: {  	s0 =	stileid.u32;
	[bflag:$0x2] =	sbarrier.arrive $0xFFFF  }
0x1db: {  	p0 =	sne.s32 s0, $0x0;
	s0 =	rddreg [dreg:$0x2]  }
0x1dc: {  	s0 =	sadd.s32 @!p0 $0x100000, s0  }
0x1dd: {  	[sflag:s0] =	ssyncadd.tile.s32 @!p0 $0x1;
	_ =	shalt  }
.Lfunc_end2:
_tile_overlayer_lowered:
.L_overlay_start_2:
0x1de: {  	(tag) =	ssettag $0x2  }
0x1df: {  	s0 =	rddreg [dreg:$0x0];
	s2 =	stileid.u32  }
0x1e0: {  	s1 =	rddreg [dreg:$0x1];
	p0 =	sne.s32 s2, $0x0  }
0x1e1: {  	s3 =	rddreg [dreg:$0x2];
	[bflag:$0x3] =	sbarrier.arrive $0xFFFF;
	s2 =	simm.s32 @!p0 $0x1C0A  }
0x1e2: {  	[timem:s3], [sflag:s2] =	dma.local @!p0 [hbm:s0], s1  }
0x1e3: {  	s0 =	simm.s32 @!p0 $0xA  }
0x1e4: {  	_ =	swait.ge @!p0 [sflag:s0], s1  }
0x1e5: {  	s1 =	ssub.s32 @!p0 $0x0, s1;
	[sflag:s0] =	ssyncset.done @!p0 $0x0  }
0x1e6: {  	[sflag:s0] =	ssyncadd.s32 @!p0 s1  }
0x1e7: {  	[bflag:$0x3] =	sbarrier.arrive $0xFFFF  }
0x1e8: {  	_ =	shalt  }

// kernel: kernel.14.cloned.1.call-start
scs
__scs_entry_jumppad:
0x0: {  	(pc) =	sbr.rel $0x88, $3  }
0x1: {  	(tag) =	ssettag $0x0;
	lr =	simm.s32 $0x1  }
0x2: {  	[smem:$0x3F8C] =	sst lr;
	_ =	strace $0xD0000000  }
0x3: {  	_ = 	snop  }
0x4: {  	_ = 	snop  }
0x5: {  	_ = 	snop  }
0x6: {  	_ = 	snop  }
0x7: {  	_ = 	snop  }
__scs_overlays_trampoline_lowered:
0x8: {  	[smem:$0x3F9B] =	sst s0  }
0x9: {  	[smem:$0x3F9C] =	sst s1  }
0xa: {  	[smem:$0x3F9D] =	sst s2  }
0xb: {  	[smem:$0x3F9E] =	sst s3  }
0xc: {  	[smem:$0x3F9F] =	sst s4  }
0xd: {  	[smem:$0x3FA0] =	sst s5  }
0xe: {  	[smem:$0x3FA1] =	sst s6  }
0xf: {  	[smem:$0x3FA2] =	sst s7  }
0x10: {  	[smem:$0x3FA3] =	sst s8  }
0x11: {  	[smem:$0x3FA4] =	sst s9;
	s0 =	simm.s32 @!p0 $0x0  }
0x12: {  	s1 =	sld [smem:$0x3F8A];
	s0 =	simm.s32 @p0 $0x1  }
0x13: {  	[smem:$0x3FA5] =	sst s0;
	s0 =	simm.s32 @!p1 $0x0  }
0x14: {  	s2 =	sld [smem:$0x3F89];
	s0 =	simm.s32 @p1 $0x1  }
0x15: {  	[smem:$0x3FA6] =	sst s0;
	s0 =	simm.s32 @!p2 $0x0  }
0x16: {  	s3 =	sld [smem:$0x3FDB];
	s0 =	simm.s32 @p2 $0x1  }
0x17: {  	s4 =	simm.s32 $0x1BF5;
	[smem:$0x3FA8] =	sst s0  }
0x18: {  	s0 =	sld [smem:$0x3F8B];
	_ =	swait.ge [sflag:s4], $0x0  }
0x19: {  	s7 =	sld [smem:$0x3F8C]  }
0x1a: {  	s8 =	sadd.s32 $0xFFFFE003, lr  }
0x1b: {  	s9 =	sadd.s32 $0xFFFFFEF7, lr;
	s5 =	simm.s32 $0xFFFFFFFF;
	p2 =	slt.u32 s8, $0xFFFFF086  }
0x1c: {  	p1 =	slt.u32 s9, $0xF7A;
	s5 =	simm.s32 @!p2 $0x0  }
0x1d: {  	s5 =	simm.s32 @p1 $0x1;
	p0 =	seq.s32 s7, s2  }
0x1e: {  	s7 =	smul.u32 @!p0 $0xF7A, s2;
	p2 =	seq.s32 @!p0 s5, $0x0  }
0x1f: {  	s9 =	smul.u32 $0xF7A, s1;
	s8 =	simm.s32 @!p0 $0x1BF5;
	p2 =	por !p2, p0  }
0x20: {  	[sflag:s8] =	ssyncset.s32 @!p0 $0xFFFFF086;
	s6 =	sadd.s32 @!p0 s3, s7;
	s7 =	simm.s32 @!p0 $0x108  }
0x21: {  	s3 =	sadd.s32 s3, s9;
	s6 =	sadd.s32 @!p0 $0x88, s6;
	s7 =	simm.s32 @p2 $0x1082  }
0x22: {  	[simem:s7], [sflag:s8] =	dma.local @!p0 [hbm:s6], $0xF7A  }
0x23: {  	s9 =	sor.u32 $0xD0000000, s2;
	s6 =	simm.s32 $0x108;
	_ =	swait.ge @!p0 [sflag:s8], $0x0  }
0x24: {  	s3 =	sadd.s32 $0x88, s3;
	s6 =	simm.s32 @!p1 $0x1082;
	[sflag:s4] =	ssyncset.s32 $0xFFFFF086  }
0x25: {  	[simem:s6], [sflag:s4] =	dma.local [hbm:s3], $0xF7A  }
0x26: {  	[smem:$0x3F8C] =	sst s1;
	(tag) =	ssettag s2;
	_ =	strace s9  }
0x27: {  	s1 =	sld [smem:$0x3F9C]  }
0x28: {  	s2 =	sld [smem:$0x3F9D]  }
0x29: {  	s4 =	sld [smem:$0x3F9F]  }
0x2a: {  	p0 =	seq.s32 s5, $0x0;
	s5 =	sld [smem:$0x3FA0]  }
0x2b: {  	s6 =	sld [smem:$0x3FA1]  }
0x2c: {  	s7 =	sld [smem:$0x3FA2]  }
0x2d: {  	s3 =	simm.s32 $0x108;
	s8 =	sld [smem:$0x3FA3]  }
0x2e: {  	s3 =	simm.s32 @!p0 $0x1082;
	s9 =	sld [smem:$0x3FA4]  }
0x2f: {  	lr =	sadd.s32 s0, s3;
	s0 =	sld [smem:$0x3F9B]  }
0x30: {  	s3 =	sld [smem:$0x3F9E]  }
0x31: {  	[smem:$0x3FA7] =	sst s10  }
0x32: {  	s10 =	sld [smem:$0x3FA5];
	_ =	sdelay $0x3  }
0x33: {  	p0 =	seq.s32 s10, $0x1;
	s10 =	sld [smem:$0x3FA7];
	_ =	sdelay $0x3  }
0x34: {  	[smem:$0x3FA7] =	sst s10  }
0x35: {  	s10 =	sld [smem:$0x3FA6];
	_ =	sdelay $0x3  }
0x36: {  	p1 =	seq.s32 s10, $0x1;
	s10 =	sld [smem:$0x3FA7];
	_ =	sdelay $0x3  }
0x37: {  	[smem:$0x3FA7] =	sst s10  }
0x38: {  	s10 =	sld [smem:$0x3FA8]  }
0x39: {  	_ = 	snop;
	(pc) =	sbr.ind lr, $3  }
0x3a: {  	_ = 	snop  }
0x3b: {  	_ = 	snop  }
0x3c: {  	p2 =	seq.s32 s10, $0x1;
	s10 =	sld [smem:$0x3FA7]  }
0x3d: {  	_ =	shalt  }
0x3e: {  	_ =	shalt  }
0x3f: {  	_ =	shalt  }
0x40: {  	_ =	shalt  }
0x41: {  	_ =	shalt  }
0x42: {  	_ =	shalt  }
0x43: {  	_ =	shalt  }
0x44: {  	_ =	shalt  }
0x45: {  	_ =	shalt  }
0x46: {  	_ =	shalt  }
0x47: {  	_ =	shalt  }
0x48: {  	_ =	shalt  }
0x49: {  	_ =	shalt  }
0x4a: {  	_ =	shalt  }
0x4b: {  	_ =	shalt  }
0x4c: {  	_ =	shalt  }
0x4d: {  	_ =	shalt  }
0x4e: {  	_ =	shalt  }
0x4f: {  	_ =	shalt  }
0x50: {  	_ =	shalt  }
0x51: {  	_ =	shalt  }
0x52: {  	_ =	shalt  }
0x53: {  	_ =	shalt  }
0x54: {  	_ =	shalt  }
0x55: {  	_ =	shalt  }
0x56: {  	_ =	shalt  }
0x57: {  	_ =	shalt  }
0x58: {  	_ =	shalt  }
0x59: {  	_ =	shalt  }
0x5a: {  	_ =	shalt  }
0x5b: {  	_ =	shalt  }
0x5c: {  	_ =	shalt  }
0x5d: {  	_ =	shalt  }
0x5e: {  	_ =	shalt  }
0x5f: {  	_ =	shalt  }
0x60: {  	_ =	shalt  }
0x61: {  	_ =	shalt  }
0x62: {  	_ =	shalt  }
0x63: {  	_ =	shalt  }
0x64: {  	_ =	shalt  }
0x65: {  	_ =	shalt  }
0x66: {  	_ =	shalt  }
0x67: {  	_ =	shalt  }
0x68: {  	_ =	shalt  }
0x69: {  	_ =	shalt  }
0x6a: {  	_ =	shalt  }
0x6b: {  	_ =	shalt  }
0x6c: {  	_ =	shalt  }
0x6d: {  	_ =	shalt  }
0x6e: {  	_ =	shalt  }
0x6f: {  	_ =	shalt  }
0x70: {  	_ =	shalt  }
0x71: {  	_ =	shalt  }
0x72: {  	_ =	shalt  }
0x73: {  	_ =	shalt  }
0x74: {  	_ =	shalt  }
0x75: {  	_ =	shalt  }
0x76: {  	_ =	shalt  }
0x77: {  	_ =	shalt  }
0x78: {  	_ =	shalt  }
0x79: {  	_ =	shalt  }
0x7a: {  	_ =	shalt  }
0x7b: {  	_ =	shalt  }
0x7c: {  	_ =	shalt  }
0x7d: {  	_ =	shalt  }
0x7e: {  	_ =	shalt  }
0x7f: {  	_ =	shalt  }
0x80: {  	_ =	shalt  }
0x81: {  	_ =	shalt  }
0x82: {  	_ =	shalt  }
0x83: {  	_ =	shalt  }
0x84: {  	_ =	shalt  }
0x85: {  	_ =	shalt  }
0x86: {  	_ =	shalt  }
0x87: {  	_ =	shalt  }
.Lfunc_end0:
.L_simem_size_0:
called_computation.2_lowered:
.L_overlay_start_0:
0x88: {  	s2 =	sld [smem:$0x3FD9]  }
0x89: {  	s3 =	sld [smem:$0x3FFE];
	_ =	sdelay $0x1  }
0x8a: {  	s1 =	srdreg.scid  }
0x8b: {  	s0 =	sand.u32 $0x1, s1  }
0x8c: {  	s16 =	sshll.u32 s0, $0xA;
	s2 =	sadd.s32 s3, s2  }
0x8d: {  	s2 =	sadd.s32 s2, s16  }
0x8e: {  	[smem:$0x3FB3] =	sst s2  }
0x8f: {  	_ = 	snop  }
0x90: {  	(tm) =	ssettm $0x1  }
0x91: {  	s17 =	sld [smem:$0x3FFB];
	_ =	sdelay $0x3  }
0x92: {  	_ =	strace s17  }
0x93: {  	s2 =	sld [smem:$0x3FFC];
	_ =	sdelay $0x3  }
0x94: {  	_ =	strace s2  }
0x95: {  	s2 =	sld [smem:$0x3FFD];
	_ =	sdelay $0x3  }
0x96: {  	_ =	strace s2  }
0x97: {  	_ =	strace $0x8FFFFFFF  }
0x98: {  	s18 =	sld [smem:$0x3FDB];
	_ =	sdelay $0x1  }
0x99: {  	s19 =	simm.s32 $_scs_section_size  }
0x9a: {  	s4 =	simm.s32 $_size__tile_overlayer_lowered;
	s5 =	simm.s32 $_tile_overlayer_lowered  }
0x9b: {  	s22 =	simm.s32 $0x1BFF;
	s21 =	sshll.u32 s5, $0x1;
	s2 =	sadd.s32 s19, s18  }
0x9c: {  	s6 =	simm.s32 $0x0;
	s20 =	sshll.u32 s4, $0x1;
	s4 =	sadd.s32 s21, s2  }
0x9d: {  	[timem:s6], [sflag:s22] =	dma.local [hbm:s4], s20  }
0x9e: {  	_ =	swait.ge [sflag:s22], s20  }
0x9f: {  	s3 =	ssub.s32 $0x0, s20;
	[sflag:s22] =	ssyncset.done $0x0  }
0xa0: {  	[sflag:s22] =	ssyncadd.s32 s3;
	_ =	sdelay $0x1  }
0xa1: {  	s23 =	simm.s32 $0x1B8B  }
0xa2: {  	_ =	swait.ge [sflag:s23], $0x1  }
0xa3: {  	[sflag:s23] =	ssyncset.done $0x0  }
0xa4: {  	s25 =	simm.s32 $0x1B8E;
	s24 =	sld [smem:$0x3FFE];
	[sflag:s23] =	ssyncadd.s32 $0xFFFFFFFF  }
0xa5: {  	s26 =	simm.s32 $execute0_lowered;
	[smem:$0x3FD2] =	sst s25  }
0xa6: {  	s4 =	sshll.u32 s26, $0x1;
	_ =	strace $0x8000004C;
	[dreg:$0x1] =	wrdreg $0xFFFFFFFF  }
0xa7: {  	s28 =	simm.s32 $_size_execute0_lowered;
	s2 =	sadd.s32 s2, s4;
	[dreg:$0x0] =	wrdreg $0x0  }
0xa8: {  	s4 =	sshll.u32 s28, $0x1;
	[dreg:$0x2] =	wrdreg s2  }
0xa9: {  	[dreg:$0x3] =	wrdreg s4  }
0xaa: {  	[dreg:$0x4] =	wrdreg $0xC0  }
0xab: {  	_ =	task [dreg:s6], $0x5FFFF  }
0xac: {  	[dreg:$0x1] =	wrdreg $0xFFFFFFFF  }
0xad: {  	[dreg:$0x0] =	wrdreg $0x60  }
0xae: {  	[dreg:$0x2] =	wrdreg s24  }
0xaf: {  	[dreg:$0x3] =	wrdreg $0xC5800  }
0xb0: {  	[dreg:$0x4] =	wrdreg $0x9  }
0xb1: {  	_ =	task.clear_ibuf [dreg:s6], $0x5FFFF;
	_ =	strace $0x9000004C  }
0xb2: {  	s29 =	simm.s32 $0x9;
	_ =	strace $0x8000004E  }
0xb3: {  	_ =	swait.ge [sflag:s29], $0x1  }
0xb4: {  	[sflag:s29] =	ssyncadd.s32 $0xFFFFFFFF  }
0xb5: {  	_ =	strace $0x9000004E  }
0xb6: {  	_ =	sfence  }
0xb7: {  	s30 =	sld [smem:$0x0];
	_ =	sdelay $0x2  }
0xb8: {  	s31 =	sshll.u32 s1, $0xD;
	s1 =	sshrl.u32 s1, $0x2  }
0xb9: {  	s3 =	sand.u32 $0x4000, s31;
	s1 =	sadd.s32 s1, s30  }
0xba: {  	s0 =	sor.u32 s3, s0;
	s1 =	sshll.u32 s1, $0x11  }
0xbb: {  	s0 =	sor.u32 s1, s0  }
0xbc: {  	s0 =	sadd.s32 $0x8F2B, s0  }
0xbd: {  	[sflag:s0] =	ssyncadd.remote.s32 $0x1  }
0xbe: {  	_ =	sfence.sel $0xFFFF  }
0xbf: {  	[dreg:$0x0] =	wrdreg $0xFFFFFFFF;
	(pc) =	sbr.abs _section_cstart, $3  }
0xc0: {  	[dreg:$0x1] =	wrdreg $0xFFFFFFFF  }
0xc1: {  	_ =	task.clear_ibuf [dreg:s6], $0x2FFFF;
	_ =	strace $0x9FFFFFFF  }
0xc2: {  	(tm) =	ssettm $0x7FFFFFFF  }
0xc3: {  	_ =	shalt  }
tec
execute0_lowered:
.L_overlay_start_1:
0x0: {  	(tag) =	ssettag $0x1  }
0x1: {  	s0 =	rddreg [dreg:$0x0]  }
0x2: {  	s1 =	rddreg [dreg:$0x1]  }
0x3: {  	s2 =	srdreg.scid;
	s3 =	simm.s32 $0x0;
	s14 =	stileid.u32  }
0x4: {  	s2 =	sand.u32 $0x1, s2;
	[smem:$0x7FF] =	sst s3;
	s6 =	sadd.s32 $0x3E00, s0  }
0x5: {  	s10 =	sadd.s32 $0x3EC00, s0;
	s26 =	smul.u32 $0x2800, s14;
	s31 =	sadd.s32 $0x12C000, s1  }
0x6: {  	s4 =	sshll.u32 s2, $0x4;
	_ =	strace $0x8000004D;
	s12 =	smul.u32 $0x27100, s2  }
0x7: {  	s7 =	ssub.s32 $0x2, s2;
	s2 =	smul.u32 $0x138800, s2;
	s5 =	sor.u32 s14, s4  }
0x8: {  	s4 =	sadd.s32 $0x17A00, s0;
	s9 =	sshrl.u32 s7, $0x1;
	s8 =	smul.u32 $0x2710, s5  }
0x9: {  	s5 =	sadd.s32 $0xDC00, s0;
	s0 =	ssub.s32 s7, s9;
	s2 =	sshrl.u32 s2, $0x3  }
0xa: {  	[smem:$0x7FD] =	sst s31;
	s2 =	sadd.s32 s10, s2;
	s0 =	smax.u32 s0, $0x1  }
0xb: {  	s7 =	sshrl.u32 s8, $0x3;
	s2 =	sadd.s32 $0x25800, s2;
	[dreg:$0x1e] =	wrdreg s0  }
0xc: {  	s13 =	sadd.s32 s5, s7;
	[dreg:$0x1d] =	wrdreg s2  }
0xd: {  	s8 =	sadd.s32 s26, s12;
	s11 =	sadd.s32 s6, s7;
	[dreg:$0xd] =	wrdreg s13  }
0xe: {  	s15 =	sadd.s32 $0x10, s7;
	s8 =	sadd.s32 s10, s8;
	[dreg:$0xe] =	wrdreg s11  }
0xf: {  	s16 =	sadd.s32 s5, s15;
	[dreg:$0x18] =	wrdreg s8  }
0x10: {  	s17 =	sadd.s32 $0x20, s7;
	s9 =	sadd.s32 s6, s15;
	[dreg:$0xf] =	wrdreg s16  }
0x11: {  	s19 =	smul.u32 $0x50000, s14;
	s18 =	sadd.s32 s5, s17;
	[dreg:$0x10] =	wrdreg s9  }
0x12: {  	s20 =	sadd.s32 $0x4E0, s7;
	s11 =	sadd.s32 s6, s17;
	[dreg:$0x11] =	wrdreg s18  }
0x13: {  	s22 =	sadd.s32 $0x30, s7;
	s13 =	sadd.s32 s5, s20;
	[dreg:$0x12] =	wrdreg s11  }
0x14: {  	s21 =	smul.u32 $0x2710, s14;
	s23 =	sadd.s32 s5, s22;
	[dreg:$0x13] =	wrdreg s13  }
0x15: {  	s9 =	sshrl.u32 s19, $0x2;
	s11 =	sadd.s32 s6, s20;
	[dreg:$0x16] =	wrdreg s23  }
0x16: {  	[dreg:$0x14] =	wrdreg s11;
	s15 =	sadd.s32 s9, s1;
	s9 =	sadd.s32 s6, s22  }
0x17: {  	s28 =	simm.s32 $0x7;
	s11 =	sadd.s32 s21, s12;
	[dreg:$0x17] =	wrdreg s9  }
0x18: {  	s24 =	sadd.s32 $0x500, s11;
	s19 =	sadd.s32 $0x380, s11;
	[dreg:$0x15] =	wrdreg s15  }
0x19: {  	s25 =	sshrl.u32 s24, $0x3;
	s21 =	sshrl.u32 s19, $0x3;
	s19 =	sadd.s32 $0x300, s11  }
0x1a: {  	s26 =	sadd.s32 $0x480, s11;
	s9 =	sadd.s32 s25, s6;
	[dreg:$0x1f] =	wrdreg s19  }
0x1b: {  	s10 =	sshrl.u32 s26, $0x3;
	s8 =	sadd.s32 s25, s5;
	[dreg:$0x3] =	wrdreg s9  }
0x1c: {  	s13 =	sadd.s32 $0x400, s11;
	s12 =	sadd.s32 s10, s6;
	[dreg:$0x4] =	wrdreg s8  }
0x1d: {  	s17 =	sshrl.u32 s13, $0x3;
	s16 =	sadd.s32 s10, s5;
	[dreg:$0x5] =	wrdreg s12  }
0x1e: {  	s29 =	simm.s32 $0x3;
	s18 =	sadd.s32 s17, s6;
	[dreg:$0x6] =	wrdreg s16  }
0x1f: {  	s30 =	simm.s32 $0x400;
	s20 =	sadd.s32 s17, s5;
	[dreg:$0x7] =	wrdreg s18  }
0x20: {  	p0 =	seq.s32 s14, $0xF;
	s22 =	sadd.s32 s21, s6;
	[dreg:$0x8] =	wrdreg s20  }
0x21: {  	s26 =	sadd.s32 $0x40, s7;
	s24 =	sadd.s32 s21, s5;
	[dreg:$0x9] =	wrdreg s22  }
0x22: {  	s14 =	simm.s32 $0x9;
	s13 =	sadd.s32 s5, s26;
	[dreg:$0xa] =	wrdreg s24  }
0x23: {  	s23 =	sadd.s32 $0x280, s11;
	s17 =	sadd.s32 s6, s26;
	[dreg:$0x19] =	wrdreg s13  }
0x24: {  	s7 =	sadd.s32 $0x4D0, s7;
	s21 =	sadd.s32 $0x8000, s15;
	[dreg:$0x1a] =	wrdreg s17  }
0x25: {  	s25 =	sshrl.u32 s23, $0x3;
	s23 =	sadd.s32 $0x10000, s15;
	[smem:$0x7F7] =	sst s21  }
0x26: {  	s11 =	simm.s32 $0x100;
	s26 =	sadd.s32 $0x138000, s1;
	[smem:$0x7F9] =	sst s23  }
0x27: {  	s10 =	simm.s32 $0x200;
	s12 =	sadd.s32 s25, s6;
	[smem:$0x7FC] =	sst s26  }
0x28: {  	s19 =	simm.s32 $0x4480;
	s16 =	sadd.s32 s25, s5;
	[dreg:$0xb] =	wrdreg s12  }
0x29: {  	s18 =	sadd.s32 s5, s7;
	s7 =	sadd.s32 s6, s7;
	[dreg:$0xc] =	wrdreg s16  }
0x2a: {  	s20 =	sadd.s32 $0x4000, s15;
	s22 =	sadd.s32 $0xC000, s15;
	[dreg:$0x1b] =	wrdreg s18  }
0x2b: {  	s24 =	sadd.s32 $0x130000, s1;
	s25 =	sadd.s32 $0x134000, s1;
	[dreg:$0x1c] =	wrdreg s7  }
0x2c: {  	s8 =	simm.s32 $0x180;
	s9 =	simm.s32 $0x80;
	[smem:$0x7F6] =	sst s20  }
0x2d: {  	s17 =	simm.s32 $0x480;
	s21 =	simm.s32 $0x300;
	[smem:$0x7F8] =	sst s22  }
0x2e: {  	s23 =	simm.s32 $0x8480;
	s26 =	simm.s32 $0x380;
	[smem:$0x7FA] =	sst s24  }
0x2f: {  	s13 =	simm.s32 $0x8;
	[smem:$0x7FB] =	sst s25;
	s12 =	simm.s32 $0x280  }
0x30: {  	s16 =	simm.s32 $0x4;
	s18 =	simm.s32 $0x5;
	s20 =	simm.s32 $0x1  }
0x31: {  	v0 =	vimm.f32 $0.0e+00;
	s22 =	simm.s32 $0x6;
	s24 =	simm.s32 $0x2;
	s7 =	simm.s32 $0x0  }
.LBB2_1:
0x32: {  	s0 =	simm.s32 $0x0;
	s2 =	simm.s32 $0x200  }
.LBB2_2:
0x33: {  	p1 =	sne.s32 s2, $0xFE00;
	[tilespmem:s0+$0x84F0] =	vst v0  }
0x34: {  	[tilespmem:s0+$0x8480] =	vst v0  }
0x35: {  	[tilespmem:s0+$0x8490] =	vst v0  }
.Ltmp0:
0x36: {  	[tilespmem:s0+$0x84A0] =	vst v0;
	(pc) =	sbr.rel @p1 .LBB2_2-.Ltmp0, $4  }
0x37: {  	[tilespmem:s0+$0x84B0] =	vst v0  }
0x38: {  	[tilespmem:s0+$0x84C0] =	vst v0  }
0x39: {  	[tilespmem:s0+$0x84D0] =	vst v0  }
0x3a: {  	[tilespmem:s0+$0x84E0] =	vst v0;
	s0 =	sshra.s32 s2, $0x2;
	s2 =	sadd.s32 $0x200, s2  }
0x3b: {  	[tilespmem:s0+$0x84F0] =	vst v0  }
0x3c: {  	[tilespmem:s0+$0x8480] =	vst v0  }
0x3d: {  	[tilespmem:s0+$0x8490] =	vst v0  }
0x3e: {  	[tilespmem:s0+$0x84A0] =	vst v0  }
0x3f: {  	[tilespmem:s0+$0x84B0] =	vst v0  }
0x40: {  	[tilespmem:s0+$0x84C0] =	vst v0  }
0x41: {  	[tilespmem:s0+$0x84D0] =	vst v0  }
0x42: {  	[tilespmem:s0+$0x84E0] =	vst v0;
	s25 =	rddreg [dreg:$0xd]  }
0x43: {  	[tilespmem:s3], [sflag:$0x4] =	stream.linear.gather [hbm4b:s25+s3], $0x80, $0x38;
	[tilespmem:$0x1FE00] =	vst v63  }
0x44: {  	s2 =	rddreg [dreg:$0xe]  }
0x45: {  	[tilespmem:s8], [sflag:$0x4] =	stream.linear.gather [hbm4b:s2+s3], $0x80, $0x38;
	[tilespmem:$0x1FE00] =	vst v63  }
0x46: {  	s25 =	rddreg [dreg:$0xf]  }
0x47: {  	[tilespmem:s9], [sflag:$0x5] =	stream.linear.gather [hbm4b:s25+s3], $0x80, $0x38;
	[tilespmem:$0x1FE00] =	vst v63  }
0x48: {  	s2 =	rddreg [dreg:$0x10]  }
0x49: {  	[tilespmem:s10], [sflag:$0x5] =	stream.linear.gather [hbm4b:s2+s3], $0x80, $0x38;
	[tilespmem:$0x1FE00] =	vst v63  }
0x4a: {  	s25 =	rddreg [dreg:$0x11]  }
0x4b: {  	[tilespmem:s11], [sflag:$0x6] =	stream.linear.gather [hbm4b:s25+s3], $0x80, $0x38;
	[tilespmem:$0x1FE00] =	vst v63  }
0x4c: {  	s2 =	rddreg [dreg:$0x12]  }
0x4d: {  	[tilespmem:s12], [sflag:$0x6] =	stream.linear.gather [hbm4b:s2+s3], $0x80, $0x38;
	[tilespmem:$0x1FE00] =	vst v63  }
0x4e: {  	s25 =	rddreg [dreg:$0x13];
	s2 =	simm.s32 $0xC480  }
0x4f: {  	[tilespmem:s2], [sflag:$0x9] =	stream.linear.gather [hbm4b:s25+s3], $0x10, $0x38;
	[tilespmem:$0x1FE00] =	vst v63  }
0x50: {  	s2 =	rddreg [dreg:$0x14];
	s25 =	simm.s32 $0xC500  }
0x51: {  	[tilespmem:s25], [sflag:$0x9] =	stream.linear.gather [hbm4b:s2+s3], $0x10, $0x38;
	[tilespmem:$0x1FE00] =	vst v63  }
0x52: {  	s0 =	simm.s32 @p0 $0x8480;
	s2 =	simm.s32 @p0 $0xA  }
0x53: {  	[spmem:s31] =	stream.linear.scatter @p0 [tilespmem:s0], [sflag:$0xA], $0x4000, $0x38;
	[tilespmem:$0x1FE00] =	vst v63  }
0x54: {  	_ =	swait.ge @p0 [sflag:s2], $0x4000  }
0x55: {  	s25 =	sld [smem:$0x7FA]  }
0x56: {  	[sflag:s2] =	ssyncset.done @p0 $0x0  }
0x57: {  	[sflag:s2] =	ssyncadd.s32 @p0 $0xFFFFC000  }
0x58: {  	[spmem:s25] =	stream.linear.scatter @p0 [tilespmem:s0], [sflag:$0xA], $0x4000, $0x38;
	[tilespmem:$0x1FE00] =	vst v63  }
0x59: {  	_ =	swait.ge @p0 [sflag:s2], $0x4000  }
0x5a: {  	s25 =	sld [smem:$0x7FB]  }
0x5b: {  	[sflag:s2] =	ssyncset.done @p0 $0x0  }
0x5c: {  	[sflag:s2] =	ssyncadd.s32 @p0 $0xFFFFC000  }
0x5d: {  	[spmem:s25] =	stream.linear.scatter @p0 [tilespmem:s0], [sflag:$0xA], $0x4000, $0x38;
	[tilespmem:$0x1FE00] =	vst v63  }
0x5e: {  	_ =	swait.ge @p0 [sflag:s2], $0x4000  }
0x5f: {  	s25 =	sld [smem:$0x7FC]  }
0x60: {  	[sflag:s2] =	ssyncset.done @p0 $0x0  }
0x61: {  	[sflag:s2] =	ssyncadd.s32 @p0 $0xFFFFC000  }
0x62: {  	[spmem:s25] =	stream.linear.scatter @p0 [tilespmem:s0], [sflag:$0xA], $0x800, $0x38;
	[tilespmem:$0x1FE00] =	vst v63  }
0x63: {  	_ =	swait.ge @p0 [sflag:s2], $0x800  }
0x64: {  	[sflag:s2] =	ssyncset.done @p0 $0x0  }
0x65: {  	s0 =	simm.s32 @!p0 $0x8480;
	[sflag:s2] =	ssyncadd.s32 @p0 $0xFFFFF800;
	s2 =	simm.s32 @!p0 $0xA  }
0x66: {  	[spmem:s15] =	stream.linear.scatter @!p0 [tilespmem:s0], [sflag:$0xA], $0x4000, $0x38;
	[tilespmem:$0x1FE00] =	vst v63  }
0x67: {  	_ =	swait.ge @!p0 [sflag:s2], $0x4000  }
0x68: {  	s15 =	sld [smem:$0x7F6]  }
0x69: {  	[sflag:s2] =	ssyncset.done @!p0 $0x0  }
0x6a: {  	[sflag:s2] =	ssyncadd.s32 @!p0 $0xFFFFC000  }
0x6b: {  	[spmem:s15] =	stream.linear.scatter @!p0 [tilespmem:s0], [sflag:$0xA], $0x4000, $0x38;
	[tilespmem:$0x1FE00] =	vst v63  }
0x6c: {  	_ =	swait.ge @!p0 [sflag:s2], $0x4000  }
0x6d: {  	s15 =	sld [smem:$0x7F7]  }
0x6e: {  	[sflag:s2] =	ssyncset.done @!p0 $0x0  }
0x6f: {  	[sflag:s2] =	ssyncadd.s32 @!p0 $0xFFFFC000  }
0x70: {  	[spmem:s15] =	stream.linear.scatter @!p0 [tilespmem:s0], [sflag:$0xA], $0x4000, $0x38;
	[tilespmem:$0x1FE00] =	vst v63  }
0x71: {  	_ =	swait.ge @!p0 [sflag:s2], $0x4000  }
0x72: {  	s15 =	sld [smem:$0x7F8]  }
0x73: {  	[sflag:s2] =	ssyncset.done @!p0 $0x0  }
0x74: {  	[sflag:s2] =	ssyncadd.s32 @!p0 $0xFFFFC000  }
0x75: {  	[spmem:s15] =	stream.linear.scatter @!p0 [tilespmem:s0], [sflag:$0xA], $0x4000, $0x38;
	[tilespmem:$0x1FE00] =	vst v63  }
0x76: {  	_ =	swait.ge @!p0 [sflag:s2], $0x4000  }
0x77: {  	s15 =	sld [smem:$0x7F9]  }
0x78: {  	[sflag:s2] =	ssyncset.done @!p0 $0x0  }
0x79: {  	[sflag:s2] =	ssyncadd.s32 @!p0 $0xFFFFC000  }
0x7a: {  	[spmem:s15] =	stream.linear.scatter @!p0 [tilespmem:s0], [sflag:$0xA], $0x4000, $0x38;
	[tilespmem:$0x1FE00] =	vst v63  }
0x7b: {  	_ =	swait.ge @!p0 [sflag:s2], $0x4000  }
0x7c: {  	[sflag:s2] =	ssyncset.done @!p0 $0x0  }
0x7d: {  	[sflag:s2] =	ssyncadd.s32 @!p0 $0xFFFFC000  }
0x7e: {  	_ =	swait.ge [sflag:s16], $0x80  }
0x7f: {  	[sflag:s16] =	ssyncset.done $0x0  }
0x80: {  	[sflag:s16] =	ssyncadd.s32 $0xFFFFFF80  }
0x81: {  	_ =	swait.ge [sflag:s16], $0x80  }
0x82: {  	[sflag:s16] =	ssyncset.done $0x0  }
0x83: {  	s0 =	simm.s32 $0x0;
	[sflag:s16] =	ssyncadd.s32 $0xFFFFFF80  }
0x84: {  	[tilespmem:s17], [sflag:$0x1] =	stream.indirect.gather [hbm4b:s4+s9], $0x80, s0, s9, $0xb8;
	[tilespmem:$0x1FE00] =	vst v63  }
0x85: {  	_ =	swait.ge [sflag:s18], $0x80  }
0x86: {  	[sflag:s18] =	ssyncset.done $0x0  }
0x87: {  	[sflag:s18] =	ssyncadd.s32 $0xFFFFFF80  }
0x88: {  	_ =	swait.ge [sflag:s18], $0x80  }
0x89: {  	[sflag:s18] =	ssyncset.done $0x0  }
0x8a: {  	[sflag:s18] =	ssyncadd.s32 $0xFFFFFF80  }
0x8b: {  	[tilespmem:s19], [sflag:$0x2] =	stream.indirect.gather [hbm4b:s4+s9], $0x80, s9, s9, $0xb8;
	[tilespmem:$0x1FE00] =	vst v63  }
0x8c: {  	[bflag:$0x0] =	sbarrier.arrive $0xFFFF  }
0x8d: {  	_ =	swait.ge [sflag:s20], $0x4000  }
0x8e: {  	[sflag:s20] =	ssyncset.done $0x0  }
0x8f: {  	[sflag:s20] =	ssyncadd.s32 $0xFFFFC000  }
0x90: {  	[spmem:s1] =	stream.indirect.scatter.add.f32 [tilespmem:s17], [sflag:$0x7], $0x80, s8, s9, $0xb8;
	[tilespmem:$0x1FE00] =	vst v63  }
0x91: {  	s15 =	rddreg [dreg:$0x16]  }
0x92: {  	[tilespmem:s0], [sflag:$0x4] =	stream.linear.gather [hbm4b:s15+s0], $0x80, $0x38;
	[tilespmem:$0x1FE00] =	vst v63  }
0x93: {  	s25 =	rddreg [dreg:$0x17]  }
0x94: {  	[tilespmem:s21], [sflag:$0x4] =	stream.linear.gather [hbm4b:s25+s0], $0x80, $0x38;
	[tilespmem:$0x1FE00] =	vst v63  }
0x95: {  	_ =	swait.ge [sflag:s22], $0x80  }
0x96: {  	[sflag:s22] =	ssyncset.done $0x0  }
0x97: {  	[sflag:s22] =	ssyncadd.s32 $0xFFFFFF80  }
0x98: {  	_ =	swait.ge [sflag:s22], $0x80  }
0x99: {  	[sflag:s22] =	ssyncset.done $0x0  }
0x9a: {  	[sflag:s22] =	ssyncadd.s32 $0xFFFFFF80  }
0x9b: {  	[tilespmem:s23], [sflag:$0x3] =	stream.indirect.gather [hbm4b:s4+s9], $0x80, s11, s9, $0xb8;
	[tilespmem:$0x1FE00] =	vst v63  }
0x9c: {  	_ =	swait.ge [sflag:s24], $0x4000  }
0x9d: {  	[sflag:s24] =	ssyncset.done $0x0  }
0x9e: {  	[sflag:s24] =	ssyncadd.s32 $0xFFFFC000  }
0x9f: {  	[spmem:s1] =	stream.indirect.scatter.add.f32 [tilespmem:s19], [sflag:$0x8], $0x80, s10, s9, $0xb8;
	[tilespmem:$0x1FE00] =	vst v63  }
0xa0: {  	s31 =	rddreg [dreg:$0x19]  }
0xa1: {  	[tilespmem:s9], [sflag:$0x5] =	stream.linear.gather [hbm4b:s31+s0], $0x80, $0x38;
	[tilespmem:$0x1FE00] =	vst v63  }
0xa2: {  	s15 =	rddreg [dreg:$0x1a]  }
0xa3: {  	[tilespmem:s26], [sflag:$0x5] =	stream.linear.gather [hbm4b:s15+s0], $0x80, $0x38;
	[tilespmem:$0x1FE00] =	vst v63  }
0xa4: {  	_ =	swait.ge [sflag:s28], $0x4000  }
0xa5: {  	[sflag:s28] =	ssyncset.done $0x0  }
0xa6: {  	[sflag:s28] =	ssyncadd.s32 $0xFFFFC000  }
0xa7: {  	_ =	swait.ge [sflag:s16], $0x80  }
0xa8: {  	[sflag:s16] =	ssyncset.done $0x0  }
0xa9: {  	[sflag:s16] =	ssyncadd.s32 $0xFFFFFF80  }
0xaa: {  	_ =	swait.ge [sflag:s16], $0x80  }
0xab: {  	[sflag:s16] =	ssyncset.done $0x0  }
0xac: {  	[sflag:s16] =	ssyncadd.s32 $0xFFFFFF80  }
0xad: {  	[tilespmem:s17], [sflag:$0x1] =	stream.indirect.gather [hbm4b:s4+s9], $0x80, s0, s9, $0xb8;
	[tilespmem:$0x1FE00] =	vst v63  }
0xae: {  	_ =	swait.ge [sflag:s29], $0x4000  }
0xaf: {  	[sflag:s29] =	ssyncset.done $0x0  }
0xb0: {  	s25 =	rddreg [dreg:$0xc];
	[sflag:s29] =	ssyncadd.s32 $0xFFFFC000  }
0xb1: {  	[spmem:s1] =	stream.indirect.scatter.add.f32 [tilespmem:s23], [sflag:$0x7], $0x80, s12, s9, $0xb8;
	[tilespmem:$0x1FE00] =	vst v63  }
0xb2: {  	s31 =	rddreg [dreg:$0xb];
	s0 =	sadd.s32 $0x0, s25  }
0xb3: {  	[tilespmem:s11], [sflag:$0x6] =	stream.linear.gather [hbm4b:s0+s3], $0x80, $0x38;
	[tilespmem:$0x1FE00] =	vst v63  }
0xb4: {  	s15 =	sadd.s32 $0x0, s31  }
0xb5: {  	[tilespmem:s30], [sflag:$0x6] =	stream.linear.gather [hbm4b:s15+s3], $0x80, $0x38;
	[tilespmem:$0x1FE00] =	vst v63  }
0xb6: {  	_ =	swait.ge [sflag:s13], $0x4000  }
0xb7: {  	[sflag:s13] =	ssyncset.done $0x0  }
0xb8: {  	[sflag:s13] =	ssyncadd.s32 $0xFFFFC000  }
0xb9: {  	_ =	swait.ge [sflag:s18], $0x80  }
0xba: {  	[sflag:s18] =	ssyncset.done $0x0  }
0xbb: {  	[sflag:s18] =	ssyncadd.s32 $0xFFFFFF80  }
0xbc: {  	_ =	swait.ge [sflag:s18], $0x80  }
0xbd: {  	[sflag:s18] =	ssyncset.done $0x0  }
0xbe: {  	[sflag:s18] =	ssyncadd.s32 $0xFFFFFF80  }
0xbf: {  	[tilespmem:s19], [sflag:$0x2] =	stream.indirect.gather [hbm4b:s4+s9], $0x80, s9, s9, $0xb8;
	[tilespmem:$0x1FE00] =	vst v63  }
0xc0: {  	_ =	swait.ge [sflag:s20], $0x4000  }
0xc1: {  	[sflag:s20] =	ssyncset.done $0x0;
	s15 =	rddreg [dreg:$0x1f]  }
0xc2: {  	[sflag:s20] =	ssyncadd.s32 $0xFFFFC000;
	s25 =	sshrl.u32 s15, $0x3  }
0xc3: {  	[spmem:s1] =	stream.indirect.scatter.add.f32 [tilespmem:s17], [sflag:$0x8], $0x80, s21, s9, $0xb8;
	[tilespmem:$0x1FE00] =	vst v63  }
0xc4: {  	s31 =	sadd.s32 s5, s25  }
0xc5: {  	[tilespmem:s3], [sflag:$0x4] =	stream.linear.gather [hbm4b:s31+s3], $0x80, $0x38;
	[tilespmem:$0x1FE00] =	vst v63  }
0xc6: {  	s0 =	sadd.s32 s6, s25  }
0xc7: {  	[tilespmem:s8], [sflag:$0x4] =	stream.linear.gather [hbm4b:s0+s3], $0x80, $0x38;
	[tilespmem:$0x1FE00] =	vst v63  }
0xc8: {  	_ =	swait.ge [sflag:s28], $0x4000  }
0xc9: {  	[sflag:s28] =	ssyncset.done $0x0  }
0xca: {  	[sflag:s28] =	ssyncadd.s32 $0xFFFFC000  }
0xcb: {  	_ =	swait.ge [sflag:s22], $0x80  }
0xcc: {  	[sflag:s22] =	ssyncset.done $0x0  }
0xcd: {  	[sflag:s22] =	ssyncadd.s32 $0xFFFFFF80  }
0xce: {  	_ =	swait.ge [sflag:s22], $0x80  }
0xcf: {  	[sflag:s22] =	ssyncset.done $0x0  }
0xd0: {  	[sflag:s22] =	ssyncadd.s32 $0xFFFFFF80  }
0xd1: {  	[tilespmem:s23], [sflag:$0x3] =	stream.indirect.gather [hbm4b:s4+s9], $0x80, s11, s9, $0xb8;
	[tilespmem:$0x1FE00] =	vst v63  }
0xd2: {  	_ =	swait.ge [sflag:s24], $0x4000  }
0xd3: {  	[sflag:s24] =	ssyncset.done $0x0  }
0xd4: {  	s2 =	rddreg [dreg:$0xa];
	[sflag:s24] =	ssyncadd.s32 $0xFFFFC000  }
0xd5: {  	[spmem:s1] =	stream.indirect.scatter.add.f32 [tilespmem:s19], [sflag:$0x7], $0x80, s26, s9, $0xb8;
	[tilespmem:$0x1FE00] =	vst v63  }
0xd6: {  	s25 =	rddreg [dreg:$0x9];
	s0 =	sadd.s32 $0x0, s2  }
0xd7: {  	[tilespmem:s9], [sflag:$0x5] =	stream.linear.gather [hbm4b:s0+s3], $0x80, $0x38;
	[tilespmem:$0x1FE00] =	vst v63  }
0xd8: {  	s31 =	sadd.s32 $0x0, s25  }
0xd9: {  	[tilespmem:s10], [sflag:$0x5] =	stream.linear.gather [hbm4b:s31+s3], $0x80, $0x38;
	[tilespmem:$0x1FE00] =	vst v63  }
0xda: {  	_ =	swait.ge [sflag:s13], $0x4000  }
0xdb: {  	[sflag:s13] =	ssyncset.done $0x0  }
0xdc: {  	[sflag:s13] =	ssyncadd.s32 $0xFFFFC000  }
0xdd: {  	_ =	swait.ge [sflag:s16], $0x80  }
0xde: {  	[sflag:s16] =	ssyncset.done $0x0  }
0xdf: {  	[sflag:s16] =	ssyncadd.s32 $0xFFFFFF80  }
0xe0: {  	_ =	swait.ge [sflag:s16], $0x80  }
0xe1: {  	[sflag:s16] =	ssyncset.done $0x0  }
0xe2: {  	[sflag:s16] =	ssyncadd.s32 $0xFFFFFF80  }
0xe3: {  	[tilespmem:s17], [sflag:$0x1] =	stream.indirect.gather [hbm4b:s4+s9], $0x80, s3, s9, $0xb8;
	[tilespmem:$0x1FE00] =	vst v63  }
0xe4: {  	_ =	swait.ge [sflag:s29], $0x4000  }
0xe5: {  	[sflag:s29] =	ssyncset.done $0x0  }
0xe6: {  	s2 =	rddreg [dreg:$0x8];
	[sflag:s29] =	ssyncadd.s32 $0xFFFFC000  }
0xe7: {  	[spmem:s1] =	stream.indirect.scatter.add.f32 [tilespmem:s23], [sflag:$0x8], $0x80, s30, s9, $0xb8;
	[tilespmem:$0x1FE00] =	vst v63  }
0xe8: {  	s25 =	rddreg [dreg:$0x7];
	s0 =	sadd.s32 $0x0, s2  }
0xe9: {  	[tilespmem:s11], [sflag:$0x6] =	stream.linear.gather [hbm4b:s0+s3], $0x80, $0x38;
	[tilespmem:$0x1FE00] =	vst v63  }
0xea: {  	s31 =	sadd.s32 $0x0, s25  }
0xeb: {  	[tilespmem:s12], [sflag:$0x6] =	stream.linear.gather [hbm4b:s31+s3], $0x80, $0x38;
	[tilespmem:$0x1FE00] =	vst v63  }
0xec: {  	_ =	swait.ge [sflag:s28], $0x4000  }
0xed: {  	[sflag:s28] =	ssyncset.done $0x0  }
0xee: {  	[sflag:s28] =	ssyncadd.s32 $0xFFFFC000  }
0xef: {  	_ =	swait.ge [sflag:s18], $0x80  }
0xf0: {  	[sflag:s18] =	ssyncset.done $0x0  }
0xf1: {  	[sflag:s18] =	ssyncadd.s32 $0xFFFFFF80  }
0xf2: {  	_ =	swait.ge [sflag:s18], $0x80  }
0xf3: {  	[sflag:s18] =	ssyncset.done $0x0  }
0xf4: {  	[sflag:s18] =	ssyncadd.s32 $0xFFFFFF80  }
0xf5: {  	[tilespmem:s19], [sflag:$0x2] =	stream.indirect.gather [hbm4b:s4+s9], $0x80, s9, s9, $0xb8;
	[tilespmem:$0x1FE00] =	vst v63  }
0xf6: {  	_ =	swait.ge [sflag:s20], $0x4000  }
0xf7: {  	[sflag:s20] =	ssyncset.done $0x0  }
0xf8: {  	s2 =	rddreg [dreg:$0x6];
	[sflag:s20] =	ssyncadd.s32 $0xFFFFC000  }
0xf9: {  	[spmem:s1] =	stream.indirect.scatter.add.f32 [tilespmem:s17], [sflag:$0x7], $0x80, s8, s9, $0xb8;
	[tilespmem:$0x1FE00] =	vst v63  }
0xfa: {  	s25 =	rddreg [dreg:$0x5];
	s0 =	sadd.s32 $0x0, s2  }
0xfb: {  	[tilespmem:s3], [sflag:$0x4] =	stream.linear.gather [hbm4b:s0+s3], $0x80, $0x38;
	[tilespmem:$0x1FE00] =	vst v63  }
0xfc: {  	s31 =	sadd.s32 $0x0, s25  }
0xfd: {  	[tilespmem:s21], [sflag:$0x4] =	stream.linear.gather [hbm4b:s31+s3], $0x80, $0x38;
	[tilespmem:$0x1FE00] =	vst v63  }
0xfe: {  	_ =	swait.ge [sflag:s13], $0x4000  }
0xff: {  	[sflag:s13] =	ssyncset.done $0x0  }
0x100: {  	[sflag:s13] =	ssyncadd.s32 $0xFFFFC000  }
0x101: {  	_ =	swait.ge [sflag:s22], $0x80  }
0x102: {  	[sflag:s22] =	ssyncset.done $0x0  }
0x103: {  	[sflag:s22] =	ssyncadd.s32 $0xFFFFFF80  }
0x104: {  	_ =	swait.ge [sflag:s22], $0x80  }
0x105: {  	[sflag:s22] =	ssyncset.done $0x0  }
0x106: {  	[sflag:s22] =	ssyncadd.s32 $0xFFFFFF80  }
0x107: {  	[tilespmem:s23], [sflag:$0x3] =	stream.indirect.gather [hbm4b:s4+s9], $0x80, s11, s9, $0xb8;
	[tilespmem:$0x1FE00] =	vst v63  }
0x108: {  	_ =	swait.ge [sflag:s24], $0x4000  }
0x109: {  	[sflag:s24] =	ssyncset.done $0x0  }
0x10a: {  	s2 =	rddreg [dreg:$0x4];
	[sflag:s24] =	ssyncadd.s32 $0xFFFFC000  }
0x10b: {  	[spmem:s1] =	stream.indirect.scatter.add.f32 [tilespmem:s19], [sflag:$0x8], $0x80, s10, s9, $0xb8;
	[tilespmem:$0x1FE00] =	vst v63  }
0x10c: {  	s25 =	rddreg [dreg:$0x3];
	s0 =	sadd.s32 $0x0, s2  }
0x10d: {  	[tilespmem:s9], [sflag:$0x5] =	stream.linear.gather [hbm4b:s0+s3], $0x80, $0x38;
	[tilespmem:$0x1FE00] =	vst v63  }
0x10e: {  	s31 =	sadd.s32 $0x0, s25  }
0x10f: {  	[tilespmem:s26], [sflag:$0x5] =	stream.linear.gather [hbm4b:s31+s3], $0x80, $0x38;
	[tilespmem:$0x1FE00] =	vst v63  }
0x110: {  	_ =	swait.ge [sflag:s28], $0x4000  }
0x111: {  	[sflag:s28] =	ssyncset.done $0x0  }
0x112: {  	[sflag:s28] =	ssyncadd.s32 $0xFFFFC000  }
0x113: {  	_ =	swait.ge [sflag:s16], $0x80  }
0x114: {  	[sflag:s16] =	ssyncset.done $0x0  }
0x115: {  	[sflag:s16] =	ssyncadd.s32 $0xFFFFFF80  }
0x116: {  	_ =	swait.ge [sflag:s16], $0x80  }
0x117: {  	[sflag:s16] =	ssyncset.done $0x0  }
0x118: {  	s2 =	sadd.s32 $0x300, s15;
	s0 =	simm.s32 $0x60;
	[sflag:s16] =	ssyncadd.s32 $0xFFFFFF80  }
.LBB2_4:
0x119: {  	[tilespmem:s17], [sflag:$0x1] =	stream.indirect.gather [hbm4b:s4+s9], $0x80, s3, s9, $0xb8;
	[tilespmem:$0x1FE00] =	vst v63  }
0x11a: {  	_ =	swait.ge [sflag:s29], $0x4000  }
0x11b: {  	[sflag:s29] =	ssyncset.done $0x0  }
0x11c: {  	s15 =	smov.u32 s0;
	s25 =	rddreg [dreg:$0xc];
	[sflag:s29] =	ssyncadd.s32 $0xFFFFC000  }
0x11d: {  	[spmem:s1] =	stream.indirect.scatter.add.f32 [tilespmem:s23], [sflag:$0x7], $0x80, s12, s9, $0xb8;
	[tilespmem:$0x1FE00] =	vst v63  }
0x11e: {  	s31 =	rddreg [dreg:$0xb];
	s25 =	sadd.s32 s15, s25  }
0x11f: {  	[tilespmem:s11], [sflag:$0x6] =	stream.linear.gather [hbm4b:s25+s3], $0x80, $0x38;
	[tilespmem:$0x1FE00] =	vst v63  }
0x120: {  	s31 =	sadd.s32 s15, s31  }
0x121: {  	[tilespmem:s30], [sflag:$0x6] =	stream.linear.gather [hbm4b:s31+s3], $0x80, $0x38;
	[tilespmem:$0x1FE00] =	vst v63  }
0x122: {  	_ =	swait.ge [sflag:s13], $0x4000  }
0x123: {  	[sflag:s13] =	ssyncset.done $0x0  }
0x124: {  	[sflag:s13] =	ssyncadd.s32 $0xFFFFC000  }
0x125: {  	_ =	swait.ge [sflag:s18], $0x80  }
0x126: {  	[sflag:s18] =	ssyncset.done $0x0  }
0x127: {  	[sflag:s18] =	ssyncadd.s32 $0xFFFFFF80  }
0x128: {  	_ =	swait.ge [sflag:s18], $0x80  }
0x129: {  	[sflag:s18] =	ssyncset.done $0x0  }
0x12a: {  	[sflag:s18] =	ssyncadd.s32 $0xFFFFFF80  }
0x12b: {  	[tilespmem:s19], [sflag:$0x2] =	stream.indirect.gather [hbm4b:s4+s9], $0x80, s9, s9, $0xb8;
	[tilespmem:$0x1FE00] =	vst v63  }
0x12c: {  	_ =	swait.ge [sflag:s20], $0x4000  }
0x12d: {  	[sflag:s20] =	ssyncset.done $0x0  }
0x12e: {  	s25 =	sshrl.u32 s2, $0x3;
	[sflag:s20] =	ssyncadd.s32 $0xFFFFC000  }
0x12f: {  	[spmem:s1] =	stream.indirect.scatter.add.f32 [tilespmem:s17], [sflag:$0x8], $0x80, s21, s9, $0xb8;
	[tilespmem:$0x1FE00] =	vst v63  }
0x130: {  	s31 =	sadd.s32 s5, s25  }
0x131: {  	[tilespmem:s3], [sflag:$0x4] =	stream.linear.gather [hbm4b:s31+s3], $0x80, $0x38;
	[tilespmem:$0x1FE00] =	vst v63  }
0x132: {  	s25 =	sadd.s32 s6, s25  }
0x133: {  	[tilespmem:s8], [sflag:$0x4] =	stream.linear.gather [hbm4b:s25+s3], $0x80, $0x38;
	[tilespmem:$0x1FE00] =	vst v63  }
0x134: {  	_ =	swait.ge [sflag:s28], $0x4000  }
0x135: {  	[sflag:s28] =	ssyncset.done $0x0  }
0x136: {  	[sflag:s28] =	ssyncadd.s32 $0xFFFFC000  }
0x137: {  	_ =	swait.ge [sflag:s22], $0x80  }
0x138: {  	[sflag:s22] =	ssyncset.done $0x0  }
0x139: {  	[sflag:s22] =	ssyncadd.s32 $0xFFFFFF80  }
0x13a: {  	_ =	swait.ge [sflag:s22], $0x80  }
0x13b: {  	[sflag:s22] =	ssyncset.done $0x0  }
0x13c: {  	[sflag:s22] =	ssyncadd.s32 $0xFFFFFF80  }
0x13d: {  	[tilespmem:s23], [sflag:$0x3] =	stream.indirect.gather [hbm4b:s4+s9], $0x80, s11, s9, $0xb8;
	[tilespmem:$0x1FE00] =	vst v63  }
0x13e: {  	_ =	swait.ge [sflag:s24], $0x4000  }
0x13f: {  	[sflag:s24] =	ssyncset.done $0x0  }
0x140: {  	s25 =	rddreg [dreg:$0xa];
	[sflag:s24] =	ssyncadd.s32 $0xFFFFC000  }
0x141: {  	[spmem:s1] =	stream.indirect.scatter.add.f32 [tilespmem:s19], [sflag:$0x7], $0x80, s26, s9, $0xb8;
	[tilespmem:$0x1FE00] =	vst v63  }
0x142: {  	s31 =	rddreg [dreg:$0x9];
	s25 =	sadd.s32 s15, s25  }
0x143: {  	[tilespmem:s9], [sflag:$0x5] =	stream.linear.gather [hbm4b:s25+s3], $0x80, $0x38;
	[tilespmem:$0x1FE00] =	vst v63  }
0x144: {  	s31 =	sadd.s32 s15, s31  }
0x145: {  	[tilespmem:s10], [sflag:$0x5] =	stream.linear.gather [hbm4b:s31+s3], $0x80, $0x38;
	[tilespmem:$0x1FE00] =	vst v63  }
0x146: {  	_ =	swait.ge [sflag:s13], $0x4000  }
0x147: {  	[sflag:s13] =	ssyncset.done $0x0  }
0x148: {  	[sflag:s13] =	ssyncadd.s32 $0xFFFFC000  }
0x149: {  	_ =	swait.ge [sflag:s16], $0x80  }
0x14a: {  	[sflag:s16] =	ssyncset.done $0x0  }
0x14b: {  	[sflag:s16] =	ssyncadd.s32 $0xFFFFFF80  }
0x14c: {  	_ =	swait.ge [sflag:s16], $0x80  }
0x14d: {  	[sflag:s16] =	ssyncset.done $0x0  }
0x14e: {  	[sflag:s16] =	ssyncadd.s32 $0xFFFFFF80  }
0x14f: {  	[tilespmem:s17], [sflag:$0x1] =	stream.indirect.gather [hbm4b:s4+s9], $0x80, s3, s9, $0xb8;
	[tilespmem:$0x1FE00] =	vst v63  }
0x150: {  	_ =	swait.ge [sflag:s29], $0x4000  }
0x151: {  	[sflag:s29] =	ssyncset.done $0x0  }
0x152: {  	s25 =	rddreg [dreg:$0x8];
	[sflag:s29] =	ssyncadd.s32 $0xFFFFC000  }
0x153: {  	[spmem:s1] =	stream.indirect.scatter.add.f32 [tilespmem:s23], [sflag:$0x8], $0x80, s30, s9, $0xb8;
	[tilespmem:$0x1FE00] =	vst v63  }
0x154: {  	s31 =	rddreg [dreg:$0x7];
	s25 =	sadd.s32 s15, s25  }
0x155: {  	[tilespmem:s11], [sflag:$0x6] =	stream.linear.gather [hbm4b:s25+s3], $0x80, $0x38;
	[tilespmem:$0x1FE00] =	vst v63  }
0x156: {  	s31 =	sadd.s32 s15, s31  }
0x157: {  	[tilespmem:s12], [sflag:$0x6] =	stream.linear.gather [hbm4b:s31+s3], $0x80, $0x38;
	[tilespmem:$0x1FE00] =	vst v63  }
0x158: {  	_ =	swait.ge [sflag:s28], $0x4000  }
0x159: {  	[sflag:s28] =	ssyncset.done $0x0  }
0x15a: {  	[sflag:s28] =	ssyncadd.s32 $0xFFFFC000  }
0x15b: {  	_ =	swait.ge [sflag:s18], $0x80  }
0x15c: {  	[sflag:s18] =	ssyncset.done $0x0  }
0x15d: {  	[sflag:s18] =	ssyncadd.s32 $0xFFFFFF80  }
0x15e: {  	_ =	swait.ge [sflag:s18], $0x80  }
0x15f: {  	[sflag:s18] =	ssyncset.done $0x0  }
0x160: {  	[sflag:s18] =	ssyncadd.s32 $0xFFFFFF80  }
0x161: {  	[tilespmem:s19], [sflag:$0x2] =	stream.indirect.gather [hbm4b:s4+s9], $0x80, s9, s9, $0xb8;
	[tilespmem:$0x1FE00] =	vst v63  }
0x162: {  	_ =	swait.ge [sflag:s20], $0x4000  }
0x163: {  	[sflag:s20] =	ssyncset.done $0x0  }
0x164: {  	s25 =	rddreg [dreg:$0x6];
	[sflag:s20] =	ssyncadd.s32 $0xFFFFC000  }
0x165: {  	[spmem:s1] =	stream.indirect.scatter.add.f32 [tilespmem:s17], [sflag:$0x7], $0x80, s8, s9, $0xb8;
	[tilespmem:$0x1FE00] =	vst v63  }
0x166: {  	s31 =	rddreg [dreg:$0x5];
	s25 =	sadd.s32 s15, s25  }
0x167: {  	[tilespmem:s3], [sflag:$0x4] =	stream.linear.gather [hbm4b:s25+s3], $0x80, $0x38;
	[tilespmem:$0x1FE00] =	vst v63  }
0x168: {  	s31 =	sadd.s32 s15, s31  }
0x169: {  	[tilespmem:s21], [sflag:$0x4] =	stream.linear.gather [hbm4b:s31+s3], $0x80, $0x38;
	[tilespmem:$0x1FE00] =	vst v63  }
0x16a: {  	_ =	swait.ge [sflag:s13], $0x4000  }
0x16b: {  	[sflag:s13] =	ssyncset.done $0x0  }
0x16c: {  	[sflag:s13] =	ssyncadd.s32 $0xFFFFC000  }
0x16d: {  	_ =	swait.ge [sflag:s22], $0x80  }
0x16e: {  	[sflag:s22] =	ssyncset.done $0x0  }
0x16f: {  	[sflag:s22] =	ssyncadd.s32 $0xFFFFFF80  }
0x170: {  	_ =	swait.ge [sflag:s22], $0x80  }
0x171: {  	[sflag:s22] =	ssyncset.done $0x0  }
0x172: {  	[sflag:s22] =	ssyncadd.s32 $0xFFFFFF80  }
0x173: {  	[tilespmem:s23], [sflag:$0x3] =	stream.indirect.gather [hbm4b:s4+s9], $0x80, s11, s9, $0xb8;
	[tilespmem:$0x1FE00] =	vst v63  }
0x174: {  	_ =	swait.ge [sflag:s24], $0x4000  }
0x175: {  	[sflag:s24] =	ssyncset.done $0x0  }
0x176: {  	s25 =	rddreg [dreg:$0x4];
	[sflag:s24] =	ssyncadd.s32 $0xFFFFC000  }
0x177: {  	[spmem:s1] =	stream.indirect.scatter.add.f32 [tilespmem:s19], [sflag:$0x8], $0x80, s10, s9, $0xb8;
	[tilespmem:$0x1FE00] =	vst v63  }
0x178: {  	s31 =	rddreg [dreg:$0x3];
	s25 =	sadd.s32 s15, s25  }
0x179: {  	[tilespmem:s9], [sflag:$0x5] =	stream.linear.gather [hbm4b:s25+s3], $0x80, $0x38;
	[tilespmem:$0x1FE00] =	vst v63  }
0x17a: {  	s15 =	sadd.s32 s15, s31  }
0x17b: {  	[tilespmem:s26], [sflag:$0x5] =	stream.linear.gather [hbm4b:s15+s3], $0x80, $0x38;
	[tilespmem:$0x1FE00] =	vst v63  }
0x17c: {  	_ =	swait.ge [sflag:s28], $0x4000  }
0x17d: {  	[sflag:s28] =	ssyncset.done $0x0  }
0x17e: {  	[sflag:s28] =	ssyncadd.s32 $0xFFFFC000  }
0x17f: {  	p1 =	sne.s32 s0, $0x420;
	_ =	swait.ge [sflag:s16], $0x80  }
.Ltmp1:
0x180: {  	[sflag:s16] =	ssyncset.done $0x0;
	(pc) =	sbr.rel @p1 .LBB2_4-.Ltmp1, $4  }
0x181: {  	[sflag:s16] =	ssyncadd.s32 $0xFFFFFF80  }
0x182: {  	_ =	swait.ge [sflag:s16], $0x80  }
0x183: {  	[sflag:s16] =	ssyncset.done $0x0  }
0x184: {  	s0 =	sadd.s32 $0x60, s0;
	s2 =	sadd.s32 $0x300, s2;
	[sflag:s16] =	ssyncadd.s32 $0xFFFFFF80  }
0x185: {  	[tilespmem:s17], [sflag:$0x1] =	stream.indirect.gather [hbm4b:s4+s9], $0x80, s3, s9, $0xb8;
	[tilespmem:$0x1FE00] =	vst v63  }
0x186: {  	_ =	swait.ge [sflag:s29], $0x4000  }
0x187: {  	[sflag:s29] =	ssyncset.done $0x0  }
0x188: {  	[sflag:s29] =	ssyncadd.s32 $0xFFFFC000  }
0x189: {  	[spmem:s1] =	stream.indirect.scatter.add.f32 [tilespmem:s23], [sflag:$0x7], $0x80, s12, s9, $0xb8;
	[tilespmem:$0x1FE00] =	vst v63  }
0x18a: {  	s0 =	rddreg [dreg:$0x1b]  }
0x18b: {  	[tilespmem:s11], [sflag:$0x6] =	stream.linear.gather [hbm4b:s0+s3], $0x80, $0x38;
	[tilespmem:$0x1FE00] =	vst v63  }
0x18c: {  	s2 =	rddreg [dreg:$0x1c]  }
0x18d: {  	[tilespmem:s30], [sflag:$0x6] =	stream.linear.gather [hbm4b:s2+s3], $0x80, $0x38;
	[tilespmem:$0x1FE00] =	vst v63  }
0x18e: {  	_ =	swait.ge [sflag:s13], $0x4000  }
0x18f: {  	[sflag:s13] =	ssyncset.done $0x0  }
0x190: {  	[sflag:s13] =	ssyncadd.s32 $0xFFFFC000  }
0x191: {  	_ =	swait.ge [sflag:s18], $0x80  }
0x192: {  	[sflag:s18] =	ssyncset.done $0x0  }
0x193: {  	[sflag:s18] =	ssyncadd.s32 $0xFFFFFF80  }
0x194: {  	_ =	swait.ge [sflag:s18], $0x80  }
0x195: {  	[sflag:s18] =	ssyncset.done $0x0  }
0x196: {  	[sflag:s18] =	ssyncadd.s32 $0xFFFFFF80  }
0x197: {  	[tilespmem:s19], [sflag:$0x2] =	stream.indirect.gather [hbm4b:s4+s9], $0x80, s9, s9, $0xb8;
	[tilespmem:$0x1FE00] =	vst v63  }
0x198: {  	_ =	swait.ge [sflag:s20], $0x4000  }
0x199: {  	[sflag:s20] =	ssyncset.done $0x0  }
0x19a: {  	[sflag:s20] =	ssyncadd.s32 $0xFFFFC000  }
0x19b: {  	[spmem:s1] =	stream.indirect.scatter.add.f32 [tilespmem:s17], [sflag:$0x8], $0x80, s21, s9, $0xb8;
	[tilespmem:$0x1FE00] =	vst v63  }
0x19c: {  	_ =	swait.ge [sflag:s28], $0x4000  }
0x19d: {  	[sflag:s28] =	ssyncset.done $0x0  }
0x19e: {  	[sflag:s28] =	ssyncadd.s32 $0xFFFFC000  }
0x19f: {  	_ =	swait.ge [sflag:s22], $0x80  }
0x1a0: {  	[sflag:s22] =	ssyncset.done $0x0  }
0x1a1: {  	[sflag:s22] =	ssyncadd.s32 $0xFFFFFF80  }
0x1a2: {  	_ =	swait.ge [sflag:s22], $0x80  }
0x1a3: {  	[sflag:s22] =	ssyncset.done $0x0  }
0x1a4: {  	[sflag:s22] =	ssyncadd.s32 $0xFFFFFF80  }
0x1a5: {  	[tilespmem:s23], [sflag:$0x3] =	stream.indirect.gather [hbm4b:s4+s9], $0x80, s11, s9, $0xb8;
	[tilespmem:$0x1FE00] =	vst v63  }
0x1a6: {  	_ =	swait.ge [sflag:s24], $0x4000  }
0x1a7: {  	[sflag:s24] =	ssyncset.done $0x0  }
0x1a8: {  	[sflag:s24] =	ssyncadd.s32 $0xFFFFC000  }
0x1a9: {  	[spmem:s1] =	stream.indirect.scatter.add.f32 [tilespmem:s19], [sflag:$0x7], $0x80, s26, s9, $0xb8;
	[tilespmem:$0x1FE00] =	vst v63  }
0x1aa: {  	_ =	swait.ge [sflag:s13], $0x4000  }
0x1ab: {  	[sflag:s13] =	ssyncset.done $0x0  }
0x1ac: {  	[sflag:s13] =	ssyncadd.s32 $0xFFFFC000  }
0x1ad: {  	_ =	swait.ge [sflag:s14], $0x10  }
0x1ae: {  	[sflag:s14] =	ssyncset.done $0x0  }
0x1af: {  	[sflag:s14] =	ssyncadd.s32 $0xFFFFFFF0  }
0x1b0: {  	_ =	swait.ge [sflag:s14], $0x10  }
0x1b1: {  	[sflag:s14] =	ssyncset.done $0x0  }
0x1b2: {  	s15 =	simm.s32 $0xC480;
	s2 =	simm.s32 $0x10;
	[sflag:s14] =	ssyncadd.s32 $0xFFFFFFF0  }
0x1b3: {  	[tilespmem:s17], [sflag:$0x9] =	stream.indirect.gather [hbm4b:s4+s2], $0x80, s15, s2, $0xb8;
	[tilespmem:$0x1FE00] =	vst v63  }
0x1b4: {  	_ =	swait.ge [sflag:s29], $0x4000  }
0x1b5: {  	[sflag:s29] =	ssyncset.done $0x0  }
0x1b6: {  	[sflag:s29] =	ssyncadd.s32 $0xFFFFC000  }
0x1b7: {  	[spmem:s1] =	stream.indirect.scatter.add.f32 [tilespmem:s23], [sflag:$0x8], $0x80, s30, s9, $0xb8;
	[tilespmem:$0x1FE00] =	vst v63  }
0x1b8: {  	_ =	swait.ge [sflag:s28], $0x4000  }
0x1b9: {  	[sflag:s28] =	ssyncset.done $0x0  }
0x1ba: {  	[sflag:s28] =	ssyncadd.s32 $0xFFFFC000  }
0x1bb: {  	_ =	swait.ge [sflag:s14], $0x800  }
0x1bc: {  	[sflag:s14] =	ssyncset.done $0x0  }
0x1bd: {  	[sflag:s14] =	ssyncadd.s32 $0xFFFFF800  }
0x1be: {  	_ =	swait.ge [sflag:s13], $0x4000  }
0x1bf: {  	[sflag:s13] =	ssyncset.done $0x0  }
0x1c0: {  	s25 =	simm.s32 $0xC500;
	s15 =	simm.s32 $0xA;
	[sflag:s13] =	ssyncadd.s32 $0xFFFFC000  }
0x1c1: {  	[spmem:s1] =	stream.indirect.scatter.add.f32 [tilespmem:s17], [sflag:$0xA], $0x80, s25, s2, $0xb8;
	[tilespmem:$0x1FE00] =	vst v63  }
0x1c2: {  	_ =	swait.ge [sflag:s15], $0x800  }
0x1c3: {  	[sflag:s15] =	ssyncset.done $0x0  }
0x1c4: {  	[sflag:s15] =	ssyncadd.s32 $0xFFFFF800  }
0x1c5: {  	[bflag:$0x0] =	sbarrier.arrive $0xFFFF  }
0x1c6: {  	s31 =	sld [smem:$0x7FD];
	_ =	sdelay $0x2  }
0x1c7: {  	s2 =	simm.s32 @p0 $0x1FCA;
	s15 =	rddreg [dreg:$0x1d];
	s0 =	sshrl.u32 @p0 s31, $0x3  }
0x1c8: {  	[hbm:s15], [sflag:s2] =	dma.local @p0 [spmem:s0], $0x1900  }
0x1c9: {  	s0 =	simm.s32 @p0 $0xA  }
0x1ca: {  	_ =	swait.ge @p0 [sflag:s0], $0x1900  }
0x1cb: {  	s2 =	stileid.u32;
	s15 =	rddreg [dreg:$0x15]  }
0x1cc: {  	s2 =	sshll.u32 @!p0 s2, $0x6;
	[sflag:s0] =	ssyncset.done @p0 $0x0;
	s25 =	rddreg [dreg:$0x18]  }
0x1cd: {  	[sflag:s0] =	ssyncadd.s32 @p0 $0xFFFFE700;
	s0 =	sor.u32 @!p0 $0x1C0A, s2;
	s2 =	sshrl.u32 @!p0 s15, $0x3  }
0x1ce: {  	[hbm:s25], [sflag:s0] =	dma.local @!p0 [spmem:s2], $0x2800  }
0x1cf: {  	s0 =	simm.s32 @!p0 $0xA  }
0x1d0: {  	_ =	swait.ge @!p0 [sflag:s0], $0x2800  }
0x1d1: {  	s7 =	sadd.s32 $0x1, s7;
	s25 =	rddreg [dreg:$0x1e]  }
0x1d2: {  	p1 =	sne.s32 s7, s25  }
.Ltmp2:
0x1d3: {  	_ = 	snop;
	(pc) =	sbr.rel @p1 .LBB2_1-.Ltmp2, $3  }
0x1d4: {  	_ =	sdelay $0x1  }
0x1d5: {  	[sflag:s0] =	ssyncset.done @!p0 $0x0  }
0x1d6: {  	[sflag:s0] =	ssyncadd.s32 @!p0 $0xFFFFD800  }
0x1d7: {  	_ =	sfence.sel $0x180000  }
0x1d8: {  	[bflag:$0x0] =	sbarrier.arrive $0xFFFF  }
0x1d9: {  	_ =	strace $0x9000004D  }
0x1da: {  	s0 =	stileid.u32;
	[bflag:$0x2] =	sbarrier.arrive $0xFFFF  }
0x1db: {  	p0 =	sne.s32 s0, $0x0;
	s0 =	rddreg [dreg:$0x2]  }
0x1dc: {  	s0 =	sadd.s32 @!p0 $0x100000, s0  }
0x1dd: {  	[sflag:s0] =	ssyncadd.tile.s32 @!p0 $0x1;
	_ =	shalt  }
.Lfunc_end2:
_tile_overlayer_lowered:
.L_overlay_start_2:
0x1de: {  	(tag) =	ssettag $0x2  }
0x1df: {  	s0 =	rddreg [dreg:$0x0];
	s2 =	stileid.u32  }
0x1e0: {  	s1 =	rddreg [dreg:$0x1];
	p0 =	sne.s32 s2, $0x0  }
0x1e1: {  	s3 =	rddreg [dreg:$0x2];
	[bflag:$0x3] =	sbarrier.arrive $0xFFFF;
	s2 =	simm.s32 @!p0 $0x1C0A  }
0x1e2: {  	[timem:s3], [sflag:s2] =	dma.local @!p0 [hbm:s0], s1  }
0x1e3: {  	s0 =	simm.s32 @!p0 $0xA  }
0x1e4: {  	_ =	swait.ge @!p0 [sflag:s0], s1  }
0x1e5: {  	s1 =	ssub.s32 @!p0 $0x0, s1;
	[sflag:s0] =	ssyncset.done @!p0 $0x0  }
0x1e6: {  	[sflag:s0] =	ssyncadd.s32 @!p0 s1  }
0x1e7: {  	[bflag:$0x3] =	sbarrier.arrive $0xFFFF  }
0x1e8: {  	_ =	shalt  }

// kernel: kernel.8.cloned.1.call-start
scs
__scs_entry_jumppad:
0x0: {  	(pc) =	sbr.rel $0x88, $3  }
0x1: {  	(tag) =	ssettag $0x0;
	lr =	simm.s32 $0x1  }
0x2: {  	[smem:$0x3F8C] =	sst lr;
	_ =	strace $0xD0000000  }
0x3: {  	_ = 	snop  }
0x4: {  	_ = 	snop  }
0x5: {  	_ = 	snop  }
0x6: {  	_ = 	snop  }
0x7: {  	_ = 	snop  }
__scs_overlays_trampoline_lowered:
0x8: {  	[smem:$0x3F9B] =	sst s0  }
0x9: {  	[smem:$0x3F9C] =	sst s1  }
0xa: {  	[smem:$0x3F9D] =	sst s2  }
0xb: {  	[smem:$0x3F9E] =	sst s3  }
0xc: {  	[smem:$0x3F9F] =	sst s4  }
0xd: {  	[smem:$0x3FA0] =	sst s5  }
0xe: {  	[smem:$0x3FA1] =	sst s6  }
0xf: {  	[smem:$0x3FA2] =	sst s7  }
0x10: {  	[smem:$0x3FA3] =	sst s8  }
0x11: {  	[smem:$0x3FA4] =	sst s9;
	s0 =	simm.s32 @!p0 $0x0  }
0x12: {  	s1 =	sld [smem:$0x3F8A];
	s0 =	simm.s32 @p0 $0x1  }
0x13: {  	[smem:$0x3FA5] =	sst s0;
	s0 =	simm.s32 @!p1 $0x0  }
0x14: {  	s2 =	sld [smem:$0x3F89];
	s0 =	simm.s32 @p1 $0x1  }
0x15: {  	[smem:$0x3FA6] =	sst s0;
	s0 =	simm.s32 @!p2 $0x0  }
0x16: {  	s3 =	sld [smem:$0x3FDB];
	s0 =	simm.s32 @p2 $0x1  }
0x17: {  	s4 =	simm.s32 $0x1BF5;
	[smem:$0x3FA8] =	sst s0  }
0x18: {  	s0 =	sld [smem:$0x3F8B];
	_ =	swait.ge [sflag:s4], $0x0  }
0x19: {  	s7 =	sld [smem:$0x3F8C]  }
0x1a: {  	s8 =	sadd.s32 $0xFFFFE003, lr  }
0x1b: {  	s9 =	sadd.s32 $0xFFFFFEF7, lr;
	s5 =	simm.s32 $0xFFFFFFFF;
	p2 =	slt.u32 s8, $0xFFFFF086  }
0x1c: {  	p1 =	slt.u32 s9, $0xF7A;
	s5 =	simm.s32 @!p2 $0x0  }
0x1d: {  	s5 =	simm.s32 @p1 $0x1;
	p0 =	seq.s32 s7, s2  }
0x1e: {  	s7 =	smul.u32 @!p0 $0xF7A, s2;
	p2 =	seq.s32 @!p0 s5, $0x0  }
0x1f: {  	s9 =	smul.u32 $0xF7A, s1;
	s8 =	simm.s32 @!p0 $0x1BF5;
	p2 =	por !p2, p0  }
0x20: {  	[sflag:s8] =	ssyncset.s32 @!p0 $0xFFFFF086;
	s6 =	sadd.s32 @!p0 s3, s7;
	s7 =	simm.s32 @!p0 $0x108  }
0x21: {  	s3 =	sadd.s32 s3, s9;
	s6 =	sadd.s32 @!p0 $0x88, s6;
	s7 =	simm.s32 @p2 $0x1082  }
0x22: {  	[simem:s7], [sflag:s8] =	dma.local @!p0 [hbm:s6], $0xF7A  }
0x23: {  	s9 =	sor.u32 $0xD0000000, s2;
	s6 =	simm.s32 $0x108;
	_ =	swait.ge @!p0 [sflag:s8], $0x0  }
0x24: {  	s3 =	sadd.s32 $0x88, s3;
	s6 =	simm.s32 @!p1 $0x1082;
	[sflag:s4] =	ssyncset.s32 $0xFFFFF086  }
0x25: {  	[simem:s6], [sflag:s4] =	dma.local [hbm:s3], $0xF7A  }
0x26: {  	[smem:$0x3F8C] =	sst s1;
	(tag) =	ssettag s2;
	_ =	strace s9  }
0x27: {  	s1 =	sld [smem:$0x3F9C]  }
0x28: {  	s2 =	sld [smem:$0x3F9D]  }
0x29: {  	s4 =	sld [smem:$0x3F9F]  }
0x2a: {  	p0 =	seq.s32 s5, $0x0;
	s5 =	sld [smem:$0x3FA0]  }
0x2b: {  	s6 =	sld [smem:$0x3FA1]  }
0x2c: {  	s7 =	sld [smem:$0x3FA2]  }
0x2d: {  	s3 =	simm.s32 $0x108;
	s8 =	sld [smem:$0x3FA3]  }
0x2e: {  	s3 =	simm.s32 @!p0 $0x1082;
	s9 =	sld [smem:$0x3FA4]  }
0x2f: {  	lr =	sadd.s32 s0, s3;
	s0 =	sld [smem:$0x3F9B]  }
0x30: {  	s3 =	sld [smem:$0x3F9E]  }
0x31: {  	[smem:$0x3FA7] =	sst s10  }
0x32: {  	s10 =	sld [smem:$0x3FA5];
	_ =	sdelay $0x3  }
0x33: {  	p0 =	seq.s32 s10, $0x1;
	s10 =	sld [smem:$0x3FA7];
	_ =	sdelay $0x3  }
0x34: {  	[smem:$0x3FA7] =	sst s10  }
0x35: {  	s10 =	sld [smem:$0x3FA6];
	_ =	sdelay $0x3  }
0x36: {  	p1 =	seq.s32 s10, $0x1;
	s10 =	sld [smem:$0x3FA7];
	_ =	sdelay $0x3  }
0x37: {  	[smem:$0x3FA7] =	sst s10  }
0x38: {  	s10 =	sld [smem:$0x3FA8]  }
0x39: {  	_ = 	snop;
	(pc) =	sbr.ind lr, $3  }
0x3a: {  	_ = 	snop  }
0x3b: {  	_ = 	snop  }
0x3c: {  	p2 =	seq.s32 s10, $0x1;
	s10 =	sld [smem:$0x3FA7]  }
0x3d: {  	_ =	shalt  }
0x3e: {  	_ =	shalt  }
0x3f: {  	_ =	shalt  }
0x40: {  	_ =	shalt  }
0x41: {  	_ =	shalt  }
0x42: {  	_ =	shalt  }
0x43: {  	_ =	shalt  }
0x44: {  	_ =	shalt  }
0x45: {  	_ =	shalt  }
0x46: {  	_ =	shalt  }
0x47: {  	_ =	shalt  }
0x48: {  	_ =	shalt  }
0x49: {  	_ =	shalt  }
0x4a: {  	_ =	shalt  }
0x4b: {  	_ =	shalt  }
0x4c: {  	_ =	shalt  }
0x4d: {  	_ =	shalt  }
0x4e: {  	_ =	shalt  }
0x4f: {  	_ =	shalt  }
0x50: {  	_ =	shalt  }
0x51: {  	_ =	shalt  }
0x52: {  	_ =	shalt  }
0x53: {  	_ =	shalt  }
0x54: {  	_ =	shalt  }
0x55: {  	_ =	shalt  }
0x56: {  	_ =	shalt  }
0x57: {  	_ =	shalt  }
0x58: {  	_ =	shalt  }
0x59: {  	_ =	shalt  }
0x5a: {  	_ =	shalt  }
0x5b: {  	_ =	shalt  }
0x5c: {  	_ =	shalt  }
0x5d: {  	_ =	shalt  }
0x5e: {  	_ =	shalt  }
0x5f: {  	_ =	shalt  }
0x60: {  	_ =	shalt  }
0x61: {  	_ =	shalt  }
0x62: {  	_ =	shalt  }
0x63: {  	_ =	shalt  }
0x64: {  	_ =	shalt  }
0x65: {  	_ =	shalt  }
0x66: {  	_ =	shalt  }
0x67: {  	_ =	shalt  }
0x68: {  	_ =	shalt  }
0x69: {  	_ =	shalt  }
0x6a: {  	_ =	shalt  }
0x6b: {  	_ =	shalt  }
0x6c: {  	_ =	shalt  }
0x6d: {  	_ =	shalt  }
0x6e: {  	_ =	shalt  }
0x6f: {  	_ =	shalt  }
0x70: {  	_ =	shalt  }
0x71: {  	_ =	shalt  }
0x72: {  	_ =	shalt  }
0x73: {  	_ =	shalt  }
0x74: {  	_ =	shalt  }
0x75: {  	_ =	shalt  }
0x76: {  	_ =	shalt  }
0x77: {  	_ =	shalt  }
0x78: {  	_ =	shalt  }
0x79: {  	_ =	shalt  }
0x7a: {  	_ =	shalt  }
0x7b: {  	_ =	shalt  }
0x7c: {  	_ =	shalt  }
0x7d: {  	_ =	shalt  }
0x7e: {  	_ =	shalt  }
0x7f: {  	_ =	shalt  }
0x80: {  	_ =	shalt  }
0x81: {  	_ =	shalt  }
0x82: {  	_ =	shalt  }
0x83: {  	_ =	shalt  }
0x84: {  	_ =	shalt  }
0x85: {  	_ =	shalt  }
0x86: {  	_ =	shalt  }
0x87: {  	_ =	shalt  }
.Lfunc_end0:
.L_simem_size_0:
called_computation_lowered:
.L_overlay_start_0:
0x88: {  	s2 =	sld [smem:$0x3FD9]  }
0x89: {  	s3 =	sld [smem:$0x3FFE];
	_ =	sdelay $0x1  }
0x8a: {  	s1 =	srdreg.scid  }
0x8b: {  	s0 =	sand.u32 $0x1, s1  }
0x8c: {  	s17 =	sshll.u32 s0, $0xA;
	s2 =	sadd.s32 s3, s2  }
0x8d: {  	s2 =	sadd.s32 s2, s17  }
0x8e: {  	[smem:$0x3FB3] =	sst s2  }
0x8f: {  	_ = 	snop  }
0x90: {  	s2 =	sld [smem:$0x3FC9];
	(tm) =	ssettm $0x1  }
0x91: {  	s18 =	sld [smem:$0x3FFB];
	_ =	sdelay $0x3  }
0x92: {  	_ =	strace s18  }
0x93: {  	s3 =	sld [smem:$0x3FFC];
	_ =	sdelay $0x3  }
0x94: {  	_ =	strace s3  }
0x95: {  	s3 =	sld [smem:$0x3FFD];
	_ =	sdelay $0x3  }
0x96: {  	_ =	strace s3  }
0x97: {  	_ =	strace $0x8FFFFFFF  }
0x98: {  	s19 =	sld [smem:$0x3FDB];
	_ =	sdelay $0x1  }
0x99: {  	s4 =	simm.s32 $_scs_section_size  }
0x9a: {  	s5 =	simm.s32 $_size__tile_overlayer_lowered;
	s6 =	simm.s32 $_tile_overlayer_lowered  }
0x9b: {  	s22 =	simm.s32 $0x1BFF;
	s21 =	sshll.u32 s6, $0x1;
	s3 =	sadd.s32 s4, s19  }
0x9c: {  	s7 =	simm.s32 $0x0;
	s20 =	sshll.u32 s5, $0x1;
	s5 =	sadd.s32 s21, s3  }
0x9d: {  	[timem:s7], [sflag:s22] =	dma.local [hbm:s5], s20  }
0x9e: {  	_ =	swait.ge [sflag:s22], s20  }
0x9f: {  	s4 =	ssub.s32 $0x0, s20;
	[sflag:s22] =	ssyncset.done $0x0  }
0xa0: {  	[sflag:s22] =	ssyncadd.s32 s4;
	_ =	sdelay $0x1  }
0xa1: {  	s23 =	simm.s32 $0x1B8B  }
0xa2: {  	_ =	swait.ge [sflag:s23], $0x1  }
0xa3: {  	[sflag:s23] =	ssyncset.done $0x0  }
0xa4: {  	s25 =	simm.s32 $0x1B8E;
	s24 =	sld [smem:$0x3FFE];
	[sflag:s23] =	ssyncadd.s32 $0xFFFFFFFF  }
0xa5: {  	s26 =	simm.s32 $execute0_lowered;
	[smem:$0x3FD2] =	sst s25  }
0xa6: {  	s5 =	sshll.u32 s26, $0x1;
	_ =	strace $0x80000046;
	[dreg:$0x1] =	wrdreg $0xFFFFFFFF  }
0xa7: {  	s28 =	simm.s32 $_size_execute0_lowered;
	s3 =	sadd.s32 s3, s5;
	[dreg:$0x0] =	wrdreg $0x0  }
0xa8: {  	s5 =	sshll.u32 s28, $0x1;
	[dreg:$0x2] =	wrdreg s3  }
0xa9: {  	[dreg:$0x3] =	wrdreg s5  }
0xaa: {  	[dreg:$0x4] =	wrdreg $0xC0  }
0xab: {  	_ =	task [dreg:s7], $0x5FFFF  }
0xac: {  	[dreg:$0x1] =	wrdreg $0xFFFFFFFF  }
0xad: {  	[dreg:$0x0] =	wrdreg $0x60  }
0xae: {  	[dreg:$0x2] =	wrdreg s2  }
0xaf: {  	[dreg:$0x3] =	wrdreg s24  }
0xb0: {  	[dreg:$0x4] =	wrdreg $0xC5800  }
0xb1: {  	[dreg:$0x5] =	wrdreg $0x9  }
0xb2: {  	_ =	task.clear_ibuf [dreg:s7], $0x6FFFF;
	_ =	strace $0x90000046  }
0xb3: {  	s29 =	simm.s32 $0x9;
	_ =	strace $0x80000048  }
0xb4: {  	_ =	swait.ge [sflag:s29], $0x1  }
0xb5: {  	[sflag:s29] =	ssyncadd.s32 $0xFFFFFFFF  }
0xb6: {  	_ =	strace $0x90000048  }
0xb7: {  	_ =	sfence  }
0xb8: {  	s30 =	sld [smem:$0x0];
	_ =	sdelay $0x2  }
0xb9: {  	s31 =	sshll.u32 s1, $0xD;
	s1 =	sshrl.u32 s1, $0x2  }
0xba: {  	s3 =	sand.u32 $0x4000, s31;
	s1 =	sadd.s32 s1, s30  }
0xbb: {  	s0 =	sor.u32 s3, s0;
	s1 =	sshll.u32 s1, $0x11  }
0xbc: {  	s0 =	sor.u32 s1, s0  }
0xbd: {  	s0 =	sadd.s32 $0x8F2B, s0  }
0xbe: {  	[sflag:s0] =	ssyncadd.remote.s32 $0x1  }
0xbf: {  	_ =	sfence.sel $0xFFFF  }
0xc0: {  	[dreg:$0x0] =	wrdreg $0xFFFFFFFF;
	(pc) =	sbr.abs _section_cstart, $3  }
0xc1: {  	[dreg:$0x1] =	wrdreg $0xFFFFFFFF  }
0xc2: {  	_ =	task.clear_ibuf [dreg:s7], $0x2FFFF;
	_ =	strace $0x9FFFFFFF  }
0xc3: {  	(tm) =	ssettm $0x7FFFFFFF  }
tec
execute0_lowered:
.L_overlay_start_1:
0x0: {  	(tag) =	ssettag $0x1  }
0x1: {  	s1 =	rddreg [dreg:$0x0]  }
0x2: {  	s0 =	rddreg [dreg:$0x1]  }
0x3: {  	s2 =	rddreg [dreg:$0x2];
	s3 =	srdreg.scid;
	s4 =	simm.s32 $0x0  }
0x4: {  	s14 =	stileid.u32;
	s3 =	sand.u32 $0x1, s3;
	[smem:$0x7FF] =	sst s4  }
0x5: {  	s6 =	sadd.s32 $0x3E00, s0;
	s10 =	sadd.s32 $0x17A00, s0;
	s26 =	smul.u32 $0x2800, s14  }
0x6: {  	s31 =	sadd.s32 $0x12C000, s2;
	s5 =	sshll.u32 s3, $0x4;
	s12 =	smul.u32 $0x27100, s3  }
0x7: {  	s7 =	ssub.s32 $0x2, s3;
	s3 =	smul.u32 $0x138800, s3;
	s5 =	sor.u32 s14, s5  }
0x8: {  	_ =	strace $0x80000047;
	s9 =	sshrl.u32 s7, $0x1;
	s8 =	smul.u32 $0x2710, s5  }
0x9: {  	s5 =	sadd.s32 $0xDC00, s0;
	s0 =	ssub.s32 s7, s9;
	s3 =	sshrl.u32 s3, $0x3  }
0xa: {  	[smem:$0x7FD] =	sst s31;
	s3 =	sadd.s32 s10, s3;
	s0 =	smax.u32 s0, $0x1  }
0xb: {  	s7 =	sshrl.u32 s8, $0x3;
	s3 =	sadd.s32 $0x25800, s3;
	[dreg:$0x1f] =	wrdreg s0  }
0xc: {  	s13 =	sadd.s32 s5, s7;
	[dreg:$0x1e] =	wrdreg s3  }
0xd: {  	s8 =	sadd.s32 s26, s12;
	s11 =	sadd.s32 s6, s7;
	[dreg:$0xe] =	wrdreg s13  }
0xe: {  	s15 =	sadd.s32 $0x10, s7;
	s8 =	sadd.s32 s10, s8;
	[dreg:$0xf] =	wrdreg s11  }
0xf: {  	s16 =	sadd.s32 s5, s15;
	[dreg:$0x19] =	wrdreg s8  }
0x10: {  	s17 =	sadd.s32 $0x20, s7;
	s9 =	sadd.s32 s6, s15;
	[dreg:$0x10] =	wrdreg s16  }
0x11: {  	s19 =	smul.u32 $0x50000, s14;
	s18 =	sadd.s32 s5, s17;
	[dreg:$0x11] =	wrdreg s9  }
0x12: {  	s20 =	sadd.s32 $0x4E0, s7;
	s11 =	sadd.s32 s6, s17;
	[dreg:$0x12] =	wrdreg s18  }
0x13: {  	s22 =	sadd.s32 $0x30, s7;
	s13 =	sadd.s32 s5, s20;
	[dreg:$0x13] =	wrdreg s11  }
0x14: {  	s21 =	smul.u32 $0x2710, s14;
	s23 =	sadd.s32 s5, s22;
	[dreg:$0x14] =	wrdreg s13  }
0x15: {  	s9 =	sshrl.u32 s19, $0x2;
	s11 =	sadd.s32 s6, s20;
	[dreg:$0x17] =	wrdreg s23  }
0x16: {  	[dreg:$0x15] =	wrdreg s11;
	s15 =	sadd.s32 s9, s2;
	s9 =	sadd.s32 s6, s22  }
0x17: {  	s28 =	simm.s32 $0x7;
	s11 =	sadd.s32 s21, s12;
	[dreg:$0x18] =	wrdreg s9  }
0x18: {  	s24 =	sadd.s32 $0x500, s11;
	s19 =	sadd.s32 $0x380, s11;
	[dreg:$0x16] =	wrdreg s15  }
0x19: {  	s25 =	sshrl.u32 s24, $0x3;
	s21 =	sshrl.u32 s19, $0x3;
	s19 =	sadd.s32 $0x300, s11  }
0x1a: {  	s26 =	sadd.s32 $0x480, s11;
	s9 =	sadd.s32 s25, s6;
	[smem:$0x7F5] =	sst s19  }
0x1b: {  	s10 =	sshrl.u32 s26, $0x3;
	s8 =	sadd.s32 s25, s5;
	[dreg:$0x4] =	wrdreg s9  }
0x1c: {  	s13 =	sadd.s32 $0x400, s11;
	s12 =	sadd.s32 s10, s6;
	[dreg:$0x5] =	wrdreg s8  }
0x1d: {  	s17 =	sshrl.u32 s13, $0x3;
	s16 =	sadd.s32 s10, s5;
	[dreg:$0x6] =	wrdreg s12  }
0x1e: {  	s29 =	simm.s32 $0x3;
	s18 =	sadd.s32 s17, s6;
	[dreg:$0x7] =	wrdreg s16  }
0x1f: {  	s30 =	simm.s32 $0x400;
	s20 =	sadd.s32 s17, s5;
	[dreg:$0x8] =	wrdreg s18  }
0x20: {  	p0 =	seq.s32 s14, $0xF;
	s22 =	sadd.s32 s21, s6;
	[dreg:$0x9] =	wrdreg s20  }
0x21: {  	s26 =	sadd.s32 $0x40, s7;
	s24 =	sadd.s32 s21, s5;
	[dreg:$0xa] =	wrdreg s22  }
0x22: {  	s14 =	simm.s32 $0x9;
	s13 =	sadd.s32 s5, s26;
	[dreg:$0xb] =	wrdreg s24  }
0x23: {  	s23 =	sadd.s32 $0x280, s11;
	s17 =	sadd.s32 s6, s26;
	[dreg:$0x1a] =	wrdreg s13  }
0x24: {  	s7 =	sadd.s32 $0x4D0, s7;
	s21 =	sadd.s32 $0x8000, s15;
	[dreg:$0x1b] =	wrdreg s17  }
0x25: {  	s25 =	sshrl.u32 s23, $0x3;
	s23 =	sadd.s32 $0x10000, s15;
	[smem:$0x7F7] =	sst s21  }
0x26: {  	s11 =	simm.s32 $0x100;
	s26 =	sadd.s32 $0x138000, s2;
	[smem:$0x7F9] =	sst s23  }
0x27: {  	s10 =	simm.s32 $0x200;
	s12 =	sadd.s32 s25, s6;
	[smem:$0x7FC] =	sst s26  }
0x28: {  	s19 =	simm.s32 $0x4480;
	s16 =	sadd.s32 s25, s5;
	[dreg:$0xc] =	wrdreg s12  }
0x29: {  	s18 =	sadd.s32 s5, s7;
	s7 =	sadd.s32 s6, s7;
	[dreg:$0xd] =	wrdreg s16  }
0x2a: {  	s20 =	sadd.s32 $0x4000, s15;
	s22 =	sadd.s32 $0xC000, s15;
	[dreg:$0x1c] =	wrdreg s18  }
0x2b: {  	s24 =	sadd.s32 $0x130000, s2;
	s25 =	sadd.s32 $0x134000, s2;
	[dreg:$0x1d] =	wrdreg s7  }
0x2c: {  	s8 =	simm.s32 $0x180;
	s9 =	simm.s32 $0x80;
	[smem:$0x7F6] =	sst s20  }
0x2d: {  	s17 =	simm.s32 $0x480;
	s21 =	simm.s32 $0x300;
	[smem:$0x7F8] =	sst s22  }
0x2e: {  	s23 =	simm.s32 $0x8480;
	s26 =	simm.s32 $0x380;
	[smem:$0x7FA] =	sst s24  }
0x2f: {  	s13 =	simm.s32 $0x8;
	[smem:$0x7FB] =	sst s25;
	s12 =	simm.s32 $0x280  }
0x30: {  	s16 =	simm.s32 $0x4;
	s18 =	simm.s32 $0x5;
	s20 =	simm.s32 $0x1  }
0x31: {  	v0 =	vimm.f32 $0.0e+00;
	s22 =	simm.s32 $0x6;
	s24 =	simm.s32 $0x2;
	s7 =	simm.s32 $0x0  }
.LBB2_1:
0x32: {  	s0 =	simm.s32 $0x0;
	s3 =	simm.s32 $0x200  }
.LBB2_2:
0x33: {  	p1 =	sne.s32 s3, $0xFE00;
	[tilespmem:s0+$0x84F0] =	vst v0  }
0x34: {  	[tilespmem:s0+$0x8480] =	vst v0  }
0x35: {  	[tilespmem:s0+$0x8490] =	vst v0  }
.Ltmp0:
0x36: {  	[tilespmem:s0+$0x84A0] =	vst v0;
	(pc) =	sbr.rel @p1 .LBB2_2-.Ltmp0, $4  }
0x37: {  	[tilespmem:s0+$0x84B0] =	vst v0  }
0x38: {  	[tilespmem:s0+$0x84C0] =	vst v0  }
0x39: {  	[tilespmem:s0+$0x84D0] =	vst v0  }
0x3a: {  	[tilespmem:s0+$0x84E0] =	vst v0;
	s0 =	sshra.s32 s3, $0x2;
	s3 =	sadd.s32 $0x200, s3  }
0x3b: {  	[tilespmem:s0+$0x84F0] =	vst v0  }
0x3c: {  	[tilespmem:s0+$0x8480] =	vst v0  }
0x3d: {  	[tilespmem:s0+$0x8490] =	vst v0  }
0x3e: {  	[tilespmem:s0+$0x84A0] =	vst v0  }
0x3f: {  	[tilespmem:s0+$0x84B0] =	vst v0  }
0x40: {  	[tilespmem:s0+$0x84C0] =	vst v0  }
0x41: {  	[tilespmem:s0+$0x84D0] =	vst v0  }
0x42: {  	[tilespmem:s0+$0x84E0] =	vst v0;
	s25 =	rddreg [dreg:$0xe]  }
0x43: {  	[tilespmem:s4], [sflag:$0x4] =	stream.linear.gather [hbm4b:s25+s4], $0x80, $0x38;
	[tilespmem:$0x1FE00] =	vst v63  }
0x44: {  	s3 =	rddreg [dreg:$0xf]  }
0x45: {  	[tilespmem:s8], [sflag:$0x4] =	stream.linear.gather [hbm4b:s3+s4], $0x80, $0x38;
	[tilespmem:$0x1FE00] =	vst v63  }
0x46: {  	s25 =	rddreg [dreg:$0x10]  }
0x47: {  	[tilespmem:s9], [sflag:$0x5] =	stream.linear.gather [hbm4b:s25+s4], $0x80, $0x38;
	[tilespmem:$0x1FE00] =	vst v63  }
0x48: {  	s3 =	rddreg [dreg:$0x11]  }
0x49: {  	[tilespmem:s10], [sflag:$0x5] =	stream.linear.gather [hbm4b:s3+s4], $0x80, $0x38;
	[tilespmem:$0x1FE00] =	vst v63  }
0x4a: {  	s25 =	rddreg [dreg:$0x12]  }
0x4b: {  	[tilespmem:s11], [sflag:$0x6] =	stream.linear.gather [hbm4b:s25+s4], $0x80, $0x38;
	[tilespmem:$0x1FE00] =	vst v63  }
0x4c: {  	s3 =	rddreg [dreg:$0x13]  }
0x4d: {  	[tilespmem:s12], [sflag:$0x6] =	stream.linear.gather [hbm4b:s3+s4], $0x80, $0x38;
	[tilespmem:$0x1FE00] =	vst v63  }
0x4e: {  	s25 =	rddreg [dreg:$0x14];
	s3 =	simm.s32 $0xC480  }
0x4f: {  	[tilespmem:s3], [sflag:$0x9] =	stream.linear.gather [hbm4b:s25+s4], $0x10, $0x38;
	[tilespmem:$0x1FE00] =	vst v63  }
0x50: {  	s3 =	rddreg [dreg:$0x15];
	s25 =	simm.s32 $0xC500  }
0x51: {  	[tilespmem:s25], [sflag:$0x9] =	stream.linear.gather [hbm4b:s3+s4], $0x10, $0x38;
	[tilespmem:$0x1FE00] =	vst v63  }
0x52: {  	s0 =	simm.s32 @p0 $0x8480;
	s3 =	simm.s32 @p0 $0xA  }
0x53: {  	[spmem:s31] =	stream.linear.scatter @p0 [tilespmem:s0], [sflag:$0xA], $0x4000, $0x38;
	[tilespmem:$0x1FE00] =	vst v63  }
0x54: {  	_ =	swait.ge @p0 [sflag:s3], $0x4000  }
0x55: {  	s25 =	sld [smem:$0x7FA]  }
0x56: {  	[sflag:s3] =	ssyncset.done @p0 $0x0  }
0x57: {  	[sflag:s3] =	ssyncadd.s32 @p0 $0xFFFFC000  }
0x58: {  	[spmem:s25] =	stream.linear.scatter @p0 [tilespmem:s0], [sflag:$0xA], $0x4000, $0x38;
	[tilespmem:$0x1FE00] =	vst v63  }
0x59: {  	_ =	swait.ge @p0 [sflag:s3], $0x4000  }
0x5a: {  	s25 =	sld [smem:$0x7FB]  }
0x5b: {  	[sflag:s3] =	ssyncset.done @p0 $0x0  }
0x5c: {  	[sflag:s3] =	ssyncadd.s32 @p0 $0xFFFFC000  }
0x5d: {  	[spmem:s25] =	stream.linear.scatter @p0 [tilespmem:s0], [sflag:$0xA], $0x4000, $0x38;
	[tilespmem:$0x1FE00] =	vst v63  }
0x5e: {  	_ =	swait.ge @p0 [sflag:s3], $0x4000  }
0x5f: {  	s25 =	sld [smem:$0x7FC]  }
0x60: {  	[sflag:s3] =	ssyncset.done @p0 $0x0  }
0x61: {  	[sflag:s3] =	ssyncadd.s32 @p0 $0xFFFFC000  }
0x62: {  	[spmem:s25] =	stream.linear.scatter @p0 [tilespmem:s0], [sflag:$0xA], $0x800, $0x38;
	[tilespmem:$0x1FE00] =	vst v63  }
0x63: {  	_ =	swait.ge @p0 [sflag:s3], $0x800  }
0x64: {  	[sflag:s3] =	ssyncset.done @p0 $0x0  }
0x65: {  	s0 =	simm.s32 @!p0 $0x8480;
	[sflag:s3] =	ssyncadd.s32 @p0 $0xFFFFF800;
	s3 =	simm.s32 @!p0 $0xA  }
0x66: {  	[spmem:s15] =	stream.linear.scatter @!p0 [tilespmem:s0], [sflag:$0xA], $0x4000, $0x38;
	[tilespmem:$0x1FE00] =	vst v63  }
0x67: {  	_ =	swait.ge @!p0 [sflag:s3], $0x4000  }
0x68: {  	s15 =	sld [smem:$0x7F6]  }
0x69: {  	[sflag:s3] =	ssyncset.done @!p0 $0x0  }
0x6a: {  	[sflag:s3] =	ssyncadd.s32 @!p0 $0xFFFFC000  }
0x6b: {  	[spmem:s15] =	stream.linear.scatter @!p0 [tilespmem:s0], [sflag:$0xA], $0x4000, $0x38;
	[tilespmem:$0x1FE00] =	vst v63  }
0x6c: {  	_ =	swait.ge @!p0 [sflag:s3], $0x4000  }
0x6d: {  	s15 =	sld [smem:$0x7F7]  }
0x6e: {  	[sflag:s3] =	ssyncset.done @!p0 $0x0  }
0x6f: {  	[sflag:s3] =	ssyncadd.s32 @!p0 $0xFFFFC000  }
0x70: {  	[spmem:s15] =	stream.linear.scatter @!p0 [tilespmem:s0], [sflag:$0xA], $0x4000, $0x38;
	[tilespmem:$0x1FE00] =	vst v63  }
0x71: {  	_ =	swait.ge @!p0 [sflag:s3], $0x4000  }
0x72: {  	s15 =	sld [smem:$0x7F8]  }
0x73: {  	[sflag:s3] =	ssyncset.done @!p0 $0x0  }
0x74: {  	[sflag:s3] =	ssyncadd.s32 @!p0 $0xFFFFC000  }
0x75: {  	[spmem:s15] =	stream.linear.scatter @!p0 [tilespmem:s0], [sflag:$0xA], $0x4000, $0x38;
	[tilespmem:$0x1FE00] =	vst v63  }
0x76: {  	_ =	swait.ge @!p0 [sflag:s3], $0x4000  }
0x77: {  	s15 =	sld [smem:$0x7F9]  }
0x78: {  	[sflag:s3] =	ssyncset.done @!p0 $0x0  }
0x79: {  	[sflag:s3] =	ssyncadd.s32 @!p0 $0xFFFFC000  }
0x7a: {  	[spmem:s15] =	stream.linear.scatter @!p0 [tilespmem:s0], [sflag:$0xA], $0x4000, $0x38;
	[tilespmem:$0x1FE00] =	vst v63  }
0x7b: {  	_ =	swait.ge @!p0 [sflag:s3], $0x4000  }
0x7c: {  	[sflag:s3] =	ssyncset.done @!p0 $0x0  }
0x7d: {  	[sflag:s3] =	ssyncadd.s32 @!p0 $0xFFFFC000  }
0x7e: {  	_ =	swait.ge [sflag:s16], $0x80  }
0x7f: {  	[sflag:s16] =	ssyncset.done $0x0  }
0x80: {  	[sflag:s16] =	ssyncadd.s32 $0xFFFFFF80  }
0x81: {  	_ =	swait.ge [sflag:s16], $0x80  }
0x82: {  	[sflag:s16] =	ssyncset.done $0x0  }
0x83: {  	s0 =	simm.s32 $0x0;
	[sflag:s16] =	ssyncadd.s32 $0xFFFFFF80  }
0x84: {  	[tilespmem:s17], [sflag:$0x1] =	stream.indirect.gather [hbm4b:s1+s9], $0x80, s0, s9, $0xb8;
	[tilespmem:$0x1FE00] =	vst v63  }
0x85: {  	_ =	swait.ge [sflag:s18], $0x80  }
0x86: {  	[sflag:s18] =	ssyncset.done $0x0  }
0x87: {  	[sflag:s18] =	ssyncadd.s32 $0xFFFFFF80  }
0x88: {  	_ =	swait.ge [sflag:s18], $0x80  }
0x89: {  	[sflag:s18] =	ssyncset.done $0x0  }
0x8a: {  	[sflag:s18] =	ssyncadd.s32 $0xFFFFFF80  }
0x8b: {  	[tilespmem:s19], [sflag:$0x2] =	stream.indirect.gather [hbm4b:s1+s9], $0x80, s9, s9, $0xb8;
	[tilespmem:$0x1FE00] =	vst v63  }
0x8c: {  	[bflag:$0x0] =	sbarrier.arrive $0xFFFF  }
0x8d: {  	_ =	swait.ge [sflag:s20], $0x4000  }
0x8e: {  	[sflag:s20] =	ssyncset.done $0x0  }
0x8f: {  	[sflag:s20] =	ssyncadd.s32 $0xFFFFC000  }
0x90: {  	[spmem:s2] =	stream.indirect.scatter.add.f32 [tilespmem:s17], [sflag:$0x7], $0x80, s8, s9, $0xb8;
	[tilespmem:$0x1FE00] =	vst v63  }
0x91: {  	s15 =	rddreg [dreg:$0x17]  }
0x92: {  	[tilespmem:s0], [sflag:$0x4] =	stream.linear.gather [hbm4b:s15+s0], $0x80, $0x38;
	[tilespmem:$0x1FE00] =	vst v63  }
0x93: {  	s25 =	rddreg [dreg:$0x18]  }
0x94: {  	[tilespmem:s21], [sflag:$0x4] =	stream.linear.gather [hbm4b:s25+s0], $0x80, $0x38;
	[tilespmem:$0x1FE00] =	vst v63  }
0x95: {  	_ =	swait.ge [sflag:s22], $0x80  }
0x96: {  	[sflag:s22] =	ssyncset.done $0x0  }
0x97: {  	[sflag:s22] =	ssyncadd.s32 $0xFFFFFF80  }
0x98: {  	_ =	swait.ge [sflag:s22], $0x80  }
0x99: {  	[sflag:s22] =	ssyncset.done $0x0  }
0x9a: {  	[sflag:s22] =	ssyncadd.s32 $0xFFFFFF80  }
0x9b: {  	[tilespmem:s23], [sflag:$0x3] =	stream.indirect.gather [hbm4b:s1+s9], $0x80, s11, s9, $0xb8;
	[tilespmem:$0x1FE00] =	vst v63  }
0x9c: {  	_ =	swait.ge [sflag:s24], $0x4000  }
0x9d: {  	[sflag:s24] =	ssyncset.done $0x0  }
0x9e: {  	[sflag:s24] =	ssyncadd.s32 $0xFFFFC000  }
0x9f: {  	[spmem:s2] =	stream.indirect.scatter.add.f32 [tilespmem:s19], [sflag:$0x8], $0x80, s10, s9, $0xb8;
	[tilespmem:$0x1FE00] =	vst v63  }
0xa0: {  	s31 =	rddreg [dreg:$0x1a]  }
0xa1: {  	[tilespmem:s9], [sflag:$0x5] =	stream.linear.gather [hbm4b:s31+s0], $0x80, $0x38;
	[tilespmem:$0x1FE00] =	vst v63  }
0xa2: {  	s15 =	rddreg [dreg:$0x1b]  }
0xa3: {  	[tilespmem:s26], [sflag:$0x5] =	stream.linear.gather [hbm4b:s15+s0], $0x80, $0x38;
	[tilespmem:$0x1FE00] =	vst v63  }
0xa4: {  	_ =	swait.ge [sflag:s28], $0x4000  }
0xa5: {  	[sflag:s28] =	ssyncset.done $0x0  }
0xa6: {  	[sflag:s28] =	ssyncadd.s32 $0xFFFFC000  }
0xa7: {  	_ =	swait.ge [sflag:s16], $0x80  }
0xa8: {  	[sflag:s16] =	ssyncset.done $0x0  }
0xa9: {  	[sflag:s16] =	ssyncadd.s32 $0xFFFFFF80  }
0xaa: {  	_ =	swait.ge [sflag:s16], $0x80  }
0xab: {  	[sflag:s16] =	ssyncset.done $0x0  }
0xac: {  	[sflag:s16] =	ssyncadd.s32 $0xFFFFFF80  }
0xad: {  	[tilespmem:s17], [sflag:$0x1] =	stream.indirect.gather [hbm4b:s1+s9], $0x80, s0, s9, $0xb8;
	[tilespmem:$0x1FE00] =	vst v63  }
0xae: {  	_ =	swait.ge [sflag:s29], $0x4000  }
0xaf: {  	[sflag:s29] =	ssyncset.done $0x0  }
0xb0: {  	s25 =	rddreg [dreg:$0xd];
	[sflag:s29] =	ssyncadd.s32 $0xFFFFC000  }
0xb1: {  	[spmem:s2] =	stream.indirect.scatter.add.f32 [tilespmem:s23], [sflag:$0x7], $0x80, s12, s9, $0xb8;
	[tilespmem:$0x1FE00] =	vst v63  }
0xb2: {  	s31 =	rddreg [dreg:$0xc];
	s0 =	sadd.s32 $0x0, s25  }
0xb3: {  	[tilespmem:s11], [sflag:$0x6] =	stream.linear.gather [hbm4b:s0+s4], $0x80, $0x38;
	[tilespmem:$0x1FE00] =	vst v63  }
0xb4: {  	s15 =	sadd.s32 $0x0, s31  }
0xb5: {  	[tilespmem:s30], [sflag:$0x6] =	stream.linear.gather [hbm4b:s15+s4], $0x80, $0x38;
	[tilespmem:$0x1FE00] =	vst v63  }
0xb6: {  	_ =	swait.ge [sflag:s13], $0x4000  }
0xb7: {  	[sflag:s13] =	ssyncset.done $0x0  }
0xb8: {  	[sflag:s13] =	ssyncadd.s32 $0xFFFFC000  }
0xb9: {  	_ =	swait.ge [sflag:s18], $0x80  }
0xba: {  	[sflag:s18] =	ssyncset.done $0x0  }
0xbb: {  	[sflag:s18] =	ssyncadd.s32 $0xFFFFFF80  }
0xbc: {  	_ =	swait.ge [sflag:s18], $0x80  }
0xbd: {  	[sflag:s18] =	ssyncset.done $0x0  }
0xbe: {  	[sflag:s18] =	ssyncadd.s32 $0xFFFFFF80  }
0xbf: {  	[tilespmem:s19], [sflag:$0x2] =	stream.indirect.gather [hbm4b:s1+s9], $0x80, s9, s9, $0xb8;
	[tilespmem:$0x1FE00] =	vst v63  }
0xc0: {  	_ =	swait.ge [sflag:s20], $0x4000  }
0xc1: {  	[sflag:s20] =	ssyncset.done $0x0;
	s15 =	sld [smem:$0x7F5]  }
0xc2: {  	[sflag:s20] =	ssyncadd.s32 $0xFFFFC000  }
0xc3: {  	[spmem:s2] =	stream.indirect.scatter.add.f32 [tilespmem:s17], [sflag:$0x8], $0x80, s21, s9, $0xb8;
	[tilespmem:$0x1FE00] =	vst v63  }
0xc4: {  	s25 =	sshrl.u32 s15, $0x3  }
0xc5: {  	s31 =	sadd.s32 s5, s25  }
0xc6: {  	[tilespmem:s4], [sflag:$0x4] =	stream.linear.gather [hbm4b:s31+s4], $0x80, $0x38;
	[tilespmem:$0x1FE00] =	vst v63  }
0xc7: {  	s0 =	sadd.s32 s6, s25  }
0xc8: {  	[tilespmem:s8], [sflag:$0x4] =	stream.linear.gather [hbm4b:s0+s4], $0x80, $0x38;
	[tilespmem:$0x1FE00] =	vst v63  }
0xc9: {  	_ =	swait.ge [sflag:s28], $0x4000  }
0xca: {  	[sflag:s28] =	ssyncset.done $0x0  }
0xcb: {  	[sflag:s28] =	ssyncadd.s32 $0xFFFFC000  }
0xcc: {  	_ =	swait.ge [sflag:s22], $0x80  }
0xcd: {  	[sflag:s22] =	ssyncset.done $0x0  }
0xce: {  	[sflag:s22] =	ssyncadd.s32 $0xFFFFFF80  }
0xcf: {  	_ =	swait.ge [sflag:s22], $0x80  }
0xd0: {  	[sflag:s22] =	ssyncset.done $0x0  }
0xd1: {  	[sflag:s22] =	ssyncadd.s32 $0xFFFFFF80  }
0xd2: {  	[tilespmem:s23], [sflag:$0x3] =	stream.indirect.gather [hbm4b:s1+s9], $0x80, s11, s9, $0xb8;
	[tilespmem:$0x1FE00] =	vst v63  }
0xd3: {  	_ =	swait.ge [sflag:s24], $0x4000  }
0xd4: {  	[sflag:s24] =	ssyncset.done $0x0  }
0xd5: {  	s3 =	rddreg [dreg:$0xb];
	[sflag:s24] =	ssyncadd.s32 $0xFFFFC000  }
0xd6: {  	[spmem:s2] =	stream.indirect.scatter.add.f32 [tilespmem:s19], [sflag:$0x7], $0x80, s26, s9, $0xb8;
	[tilespmem:$0x1FE00] =	vst v63  }
0xd7: {  	s25 =	rddreg [dreg:$0xa];
	s0 =	sadd.s32 $0x0, s3  }
0xd8: {  	[tilespmem:s9], [sflag:$0x5] =	stream.linear.gather [hbm4b:s0+s4], $0x80, $0x38;
	[tilespmem:$0x1FE00] =	vst v63  }
0xd9: {  	s31 =	sadd.s32 $0x0, s25  }
0xda: {  	[tilespmem:s10], [sflag:$0x5] =	stream.linear.gather [hbm4b:s31+s4], $0x80, $0x38;
	[tilespmem:$0x1FE00] =	vst v63  }
0xdb: {  	_ =	swait.ge [sflag:s13], $0x4000  }
0xdc: {  	[sflag:s13] =	ssyncset.done $0x0  }
0xdd: {  	[sflag:s13] =	ssyncadd.s32 $0xFFFFC000  }
0xde: {  	_ =	swait.ge [sflag:s16], $0x80  }
0xdf: {  	[sflag:s16] =	ssyncset.done $0x0  }
0xe0: {  	[sflag:s16] =	ssyncadd.s32 $0xFFFFFF80  }
0xe1: {  	_ =	swait.ge [sflag:s16], $0x80  }
0xe2: {  	[sflag:s16] =	ssyncset.done $0x0  }
0xe3: {  	[sflag:s16] =	ssyncadd.s32 $0xFFFFFF80  }
0xe4: {  	[tilespmem:s17], [sflag:$0x1] =	stream.indirect.gather [hbm4b:s1+s9], $0x80, s4, s9, $0xb8;
	[tilespmem:$0x1FE00] =	vst v63  }
0xe5: {  	_ =	swait.ge [sflag:s29], $0x4000  }
0xe6: {  	[sflag:s29] =	ssyncset.done $0x0  }
0xe7: {  	s3 =	rddreg [dreg:$0x9];
	[sflag:s29] =	ssyncadd.s32 $0xFFFFC000  }
0xe8: {  	[spmem:s2] =	stream.indirect.scatter.add.f32 [tilespmem:s23], [sflag:$0x8], $0x80, s30, s9, $0xb8;
	[tilespmem:$0x1FE00] =	vst v63  }
0xe9: {  	s25 =	rddreg [dreg:$0x8];
	s0 =	sadd.s32 $0x0, s3  }
0xea: {  	[tilespmem:s11], [sflag:$0x6] =	stream.linear.gather [hbm4b:s0+s4], $0x80, $0x38;
	[tilespmem:$0x1FE00] =	vst v63  }
0xeb: {  	s31 =	sadd.s32 $0x0, s25  }
0xec: {  	[tilespmem:s12], [sflag:$0x6] =	stream.linear.gather [hbm4b:s31+s4], $0x80, $0x38;
	[tilespmem:$0x1FE00] =	vst v63  }
0xed: {  	_ =	swait.ge [sflag:s28], $0x4000  }
0xee: {  	[sflag:s28] =	ssyncset.done $0x0  }
0xef: {  	[sflag:s28] =	ssyncadd.s32 $0xFFFFC000  }
0xf0: {  	_ =	swait.ge [sflag:s18], $0x80  }
0xf1: {  	[sflag:s18] =	ssyncset.done $0x0  }
0xf2: {  	[sflag:s18] =	ssyncadd.s32 $0xFFFFFF80  }
0xf3: {  	_ =	swait.ge [sflag:s18], $0x80  }
0xf4: {  	[sflag:s18] =	ssyncset.done $0x0  }
0xf5: {  	[sflag:s18] =	ssyncadd.s32 $0xFFFFFF80  }
0xf6: {  	[tilespmem:s19], [sflag:$0x2] =	stream.indirect.gather [hbm4b:s1+s9], $0x80, s9, s9, $0xb8;
	[tilespmem:$0x1FE00] =	vst v63  }
0xf7: {  	_ =	swait.ge [sflag:s20], $0x4000  }
0xf8: {  	[sflag:s20] =	ssyncset.done $0x0  }
0xf9: {  	s3 =	rddreg [dreg:$0x7];
	[sflag:s20] =	ssyncadd.s32 $0xFFFFC000  }
0xfa: {  	[spmem:s2] =	stream.indirect.scatter.add.f32 [tilespmem:s17], [sflag:$0x7], $0x80, s8, s9, $0xb8;
	[tilespmem:$0x1FE00] =	vst v63  }
0xfb: {  	s25 =	rddreg [dreg:$0x6];
	s0 =	sadd.s32 $0x0, s3  }
0xfc: {  	[tilespmem:s4], [sflag:$0x4] =	stream.linear.gather [hbm4b:s0+s4], $0x80, $0x38;
	[tilespmem:$0x1FE00] =	vst v63  }
0xfd: {  	s31 =	sadd.s32 $0x0, s25  }
0xfe: {  	[tilespmem:s21], [sflag:$0x4] =	stream.linear.gather [hbm4b:s31+s4], $0x80, $0x38;
	[tilespmem:$0x1FE00] =	vst v63  }
0xff: {  	_ =	swait.ge [sflag:s13], $0x4000  }
0x100: {  	[sflag:s13] =	ssyncset.done $0x0  }
0x101: {  	[sflag:s13] =	ssyncadd.s32 $0xFFFFC000  }
0x102: {  	_ =	swait.ge [sflag:s22], $0x80  }
0x103: {  	[sflag:s22] =	ssyncset.done $0x0  }
0x104: {  	[sflag:s22] =	ssyncadd.s32 $0xFFFFFF80  }
0x105: {  	_ =	swait.ge [sflag:s22], $0x80  }
0x106: {  	[sflag:s22] =	ssyncset.done $0x0  }
0x107: {  	[sflag:s22] =	ssyncadd.s32 $0xFFFFFF80  }
0x108: {  	[tilespmem:s23], [sflag:$0x3] =	stream.indirect.gather [hbm4b:s1+s9], $0x80, s11, s9, $0xb8;
	[tilespmem:$0x1FE00] =	vst v63  }
0x109: {  	_ =	swait.ge [sflag:s24], $0x4000  }
0x10a: {  	[sflag:s24] =	ssyncset.done $0x0  }
0x10b: {  	s3 =	rddreg [dreg:$0x5];
	[sflag:s24] =	ssyncadd.s32 $0xFFFFC000  }
0x10c: {  	[spmem:s2] =	stream.indirect.scatter.add.f32 [tilespmem:s19], [sflag:$0x8], $0x80, s10, s9, $0xb8;
	[tilespmem:$0x1FE00] =	vst v63  }
0x10d: {  	s25 =	rddreg [dreg:$0x4];
	s0 =	sadd.s32 $0x0, s3  }
0x10e: {  	[tilespmem:s9], [sflag:$0x5] =	stream.linear.gather [hbm4b:s0+s4], $0x80, $0x38;
	[tilespmem:$0x1FE00] =	vst v63  }
0x10f: {  	s31 =	sadd.s32 $0x0, s25  }
0x110: {  	[tilespmem:s26], [sflag:$0x5] =	stream.linear.gather [hbm4b:s31+s4], $0x80, $0x38;
	[tilespmem:$0x1FE00] =	vst v63  }
0x111: {  	_ =	swait.ge [sflag:s28], $0x4000  }
0x112: {  	[sflag:s28] =	ssyncset.done $0x0  }
0x113: {  	[sflag:s28] =	ssyncadd.s32 $0xFFFFC000  }
0x114: {  	_ =	swait.ge [sflag:s16], $0x80  }
0x115: {  	[sflag:s16] =	ssyncset.done $0x0  }
0x116: {  	[sflag:s16] =	ssyncadd.s32 $0xFFFFFF80  }
0x117: {  	_ =	swait.ge [sflag:s16], $0x80  }
0x118: {  	[sflag:s16] =	ssyncset.done $0x0  }
0x119: {  	s3 =	sadd.s32 $0x300, s15;
	s0 =	simm.s32 $0x60;
	[sflag:s16] =	ssyncadd.s32 $0xFFFFFF80  }
.LBB2_4:
0x11a: {  	[tilespmem:s17], [sflag:$0x1] =	stream.indirect.gather [hbm4b:s1+s9], $0x80, s4, s9, $0xb8;
	[tilespmem:$0x1FE00] =	vst v63  }
0x11b: {  	_ =	swait.ge [sflag:s29], $0x4000  }
0x11c: {  	[sflag:s29] =	ssyncset.done $0x0  }
0x11d: {  	s15 =	smov.u32 s0;
	s25 =	rddreg [dreg:$0xd];
	[sflag:s29] =	ssyncadd.s32 $0xFFFFC000  }
0x11e: {  	[spmem:s2] =	stream.indirect.scatter.add.f32 [tilespmem:s23], [sflag:$0x7], $0x80, s12, s9, $0xb8;
	[tilespmem:$0x1FE00] =	vst v63  }
0x11f: {  	s31 =	rddreg [dreg:$0xc];
	s25 =	sadd.s32 s15, s25  }
0x120: {  	[tilespmem:s11], [sflag:$0x6] =	stream.linear.gather [hbm4b:s25+s4], $0x80, $0x38;
	[tilespmem:$0x1FE00] =	vst v63  }
0x121: {  	s31 =	sadd.s32 s15, s31  }
0x122: {  	[tilespmem:s30], [sflag:$0x6] =	stream.linear.gather [hbm4b:s31+s4], $0x80, $0x38;
	[tilespmem:$0x1FE00] =	vst v63  }
0x123: {  	_ =	swait.ge [sflag:s13], $0x4000  }
0x124: {  	[sflag:s13] =	ssyncset.done $0x0  }
0x125: {  	[sflag:s13] =	ssyncadd.s32 $0xFFFFC000  }
0x126: {  	_ =	swait.ge [sflag:s18], $0x80  }
0x127: {  	[sflag:s18] =	ssyncset.done $0x0  }
0x128: {  	[sflag:s18] =	ssyncadd.s32 $0xFFFFFF80  }
0x129: {  	_ =	swait.ge [sflag:s18], $0x80  }
0x12a: {  	[sflag:s18] =	ssyncset.done $0x0  }
0x12b: {  	[sflag:s18] =	ssyncadd.s32 $0xFFFFFF80  }
0x12c: {  	[tilespmem:s19], [sflag:$0x2] =	stream.indirect.gather [hbm4b:s1+s9], $0x80, s9, s9, $0xb8;
	[tilespmem:$0x1FE00] =	vst v63  }
0x12d: {  	_ =	swait.ge [sflag:s20], $0x4000  }
0x12e: {  	[sflag:s20] =	ssyncset.done $0x0  }
0x12f: {  	s25 =	sshrl.u32 s3, $0x3;
	[sflag:s20] =	ssyncadd.s32 $0xFFFFC000  }
0x130: {  	[spmem:s2] =	stream.indirect.scatter.add.f32 [tilespmem:s17], [sflag:$0x8], $0x80, s21, s9, $0xb8;
	[tilespmem:$0x1FE00] =	vst v63  }
0x131: {  	s31 =	sadd.s32 s5, s25  }
0x132: {  	[tilespmem:s4], [sflag:$0x4] =	stream.linear.gather [hbm4b:s31+s4], $0x80, $0x38;
	[tilespmem:$0x1FE00] =	vst v63  }
0x133: {  	s25 =	sadd.s32 s6, s25  }
0x134: {  	[tilespmem:s8], [sflag:$0x4] =	stream.linear.gather [hbm4b:s25+s4], $0x80, $0x38;
	[tilespmem:$0x1FE00] =	vst v63  }
0x135: {  	_ =	swait.ge [sflag:s28], $0x4000  }
0x136: {  	[sflag:s28] =	ssyncset.done $0x0  }
0x137: {  	[sflag:s28] =	ssyncadd.s32 $0xFFFFC000  }
0x138: {  	_ =	swait.ge [sflag:s22], $0x80  }
0x139: {  	[sflag:s22] =	ssyncset.done $0x0  }
0x13a: {  	[sflag:s22] =	ssyncadd.s32 $0xFFFFFF80  }
0x13b: {  	_ =	swait.ge [sflag:s22], $0x80  }
0x13c: {  	[sflag:s22] =	ssyncset.done $0x0  }
0x13d: {  	[sflag:s22] =	ssyncadd.s32 $0xFFFFFF80  }
0x13e: {  	[tilespmem:s23], [sflag:$0x3] =	stream.indirect.gather [hbm4b:s1+s9], $0x80, s11, s9, $0xb8;
	[tilespmem:$0x1FE00] =	vst v63  }
0x13f: {  	_ =	swait.ge [sflag:s24], $0x4000  }
0x140: {  	[sflag:s24] =	ssyncset.done $0x0  }
0x141: {  	s25 =	rddreg [dreg:$0xb];
	[sflag:s24] =	ssyncadd.s32 $0xFFFFC000  }
0x142: {  	[spmem:s2] =	stream.indirect.scatter.add.f32 [tilespmem:s19], [sflag:$0x7], $0x80, s26, s9, $0xb8;
	[tilespmem:$0x1FE00] =	vst v63  }
0x143: {  	s31 =	rddreg [dreg:$0xa];
	s25 =	sadd.s32 s15, s25  }
0x144: {  	[tilespmem:s9], [sflag:$0x5] =	stream.linear.gather [hbm4b:s25+s4], $0x80, $0x38;
	[tilespmem:$0x1FE00] =	vst v63  }
0x145: {  	s31 =	sadd.s32 s15, s31  }
0x146: {  	[tilespmem:s10], [sflag:$0x5] =	stream.linear.gather [hbm4b:s31+s4], $0x80, $0x38;
	[tilespmem:$0x1FE00] =	vst v63  }
0x147: {  	_ =	swait.ge [sflag:s13], $0x4000  }
0x148: {  	[sflag:s13] =	ssyncset.done $0x0  }
0x149: {  	[sflag:s13] =	ssyncadd.s32 $0xFFFFC000  }
0x14a: {  	_ =	swait.ge [sflag:s16], $0x80  }
0x14b: {  	[sflag:s16] =	ssyncset.done $0x0  }
0x14c: {  	[sflag:s16] =	ssyncadd.s32 $0xFFFFFF80  }
0x14d: {  	_ =	swait.ge [sflag:s16], $0x80  }
0x14e: {  	[sflag:s16] =	ssyncset.done $0x0  }
0x14f: {  	[sflag:s16] =	ssyncadd.s32 $0xFFFFFF80  }
0x150: {  	[tilespmem:s17], [sflag:$0x1] =	stream.indirect.gather [hbm4b:s1+s9], $0x80, s4, s9, $0xb8;
	[tilespmem:$0x1FE00] =	vst v63  }
0x151: {  	_ =	swait.ge [sflag:s29], $0x4000  }
0x152: {  	[sflag:s29] =	ssyncset.done $0x0  }
0x153: {  	s25 =	rddreg [dreg:$0x9];
	[sflag:s29] =	ssyncadd.s32 $0xFFFFC000  }
0x154: {  	[spmem:s2] =	stream.indirect.scatter.add.f32 [tilespmem:s23], [sflag:$0x8], $0x80, s30, s9, $0xb8;
	[tilespmem:$0x1FE00] =	vst v63  }
0x155: {  	s31 =	rddreg [dreg:$0x8];
	s25 =	sadd.s32 s15, s25  }
0x156: {  	[tilespmem:s11], [sflag:$0x6] =	stream.linear.gather [hbm4b:s25+s4], $0x80, $0x38;
	[tilespmem:$0x1FE00] =	vst v63  }
0x157: {  	s31 =	sadd.s32 s15, s31  }
0x158: {  	[tilespmem:s12], [sflag:$0x6] =	stream.linear.gather [hbm4b:s31+s4], $0x80, $0x38;
	[tilespmem:$0x1FE00] =	vst v63  }
0x159: {  	_ =	swait.ge [sflag:s28], $0x4000  }
0x15a: {  	[sflag:s28] =	ssyncset.done $0x0  }
0x15b: {  	[sflag:s28] =	ssyncadd.s32 $0xFFFFC000  }
0x15c: {  	_ =	swait.ge [sflag:s18], $0x80  }
0x15d: {  	[sflag:s18] =	ssyncset.done $0x0  }
0x15e: {  	[sflag:s18] =	ssyncadd.s32 $0xFFFFFF80  }
0x15f: {  	_ =	swait.ge [sflag:s18], $0x80  }
0x160: {  	[sflag:s18] =	ssyncset.done $0x0  }
0x161: {  	[sflag:s18] =	ssyncadd.s32 $0xFFFFFF80  }
0x162: {  	[tilespmem:s19], [sflag:$0x2] =	stream.indirect.gather [hbm4b:s1+s9], $0x80, s9, s9, $0xb8;
	[tilespmem:$0x1FE00] =	vst v63  }
0x163: {  	_ =	swait.ge [sflag:s20], $0x4000  }
0x164: {  	[sflag:s20] =	ssyncset.done $0x0  }
0x165: {  	s25 =	rddreg [dreg:$0x7];
	[sflag:s20] =	ssyncadd.s32 $0xFFFFC000  }
0x166: {  	[spmem:s2] =	stream.indirect.scatter.add.f32 [tilespmem:s17], [sflag:$0x7], $0x80, s8, s9, $0xb8;
	[tilespmem:$0x1FE00] =	vst v63  }
0x167: {  	s31 =	rddreg [dreg:$0x6];
	s25 =	sadd.s32 s15, s25  }
0x168: {  	[tilespmem:s4], [sflag:$0x4] =	stream.linear.gather [hbm4b:s25+s4], $0x80, $0x38;
	[tilespmem:$0x1FE00] =	vst v63  }
0x169: {  	s31 =	sadd.s32 s15, s31  }
0x16a: {  	[tilespmem:s21], [sflag:$0x4] =	stream.linear.gather [hbm4b:s31+s4], $0x80, $0x38;
	[tilespmem:$0x1FE00] =	vst v63  }
0x16b: {  	_ =	swait.ge [sflag:s13], $0x4000  }
0x16c: {  	[sflag:s13] =	ssyncset.done $0x0  }
0x16d: {  	[sflag:s13] =	ssyncadd.s32 $0xFFFFC000  }
0x16e: {  	_ =	swait.ge [sflag:s22], $0x80  }
0x16f: {  	[sflag:s22] =	ssyncset.done $0x0  }
0x170: {  	[sflag:s22] =	ssyncadd.s32 $0xFFFFFF80  }
0x171: {  	_ =	swait.ge [sflag:s22], $0x80  }
0x172: {  	[sflag:s22] =	ssyncset.done $0x0  }
0x173: {  	[sflag:s22] =	ssyncadd.s32 $0xFFFFFF80  }
0x174: {  	[tilespmem:s23], [sflag:$0x3] =	stream.indirect.gather [hbm4b:s1+s9], $0x80, s11, s9, $0xb8;
	[tilespmem:$0x1FE00] =	vst v63  }
0x175: {  	_ =	swait.ge [sflag:s24], $0x4000  }
0x176: {  	[sflag:s24] =	ssyncset.done $0x0  }
0x177: {  	s25 =	rddreg [dreg:$0x5];
	[sflag:s24] =	ssyncadd.s32 $0xFFFFC000  }
0x178: {  	[spmem:s2] =	stream.indirect.scatter.add.f32 [tilespmem:s19], [sflag:$0x8], $0x80, s10, s9, $0xb8;
	[tilespmem:$0x1FE00] =	vst v63  }
0x179: {  	s31 =	rddreg [dreg:$0x4];
	s25 =	sadd.s32 s15, s25  }
0x17a: {  	[tilespmem:s9], [sflag:$0x5] =	stream.linear.gather [hbm4b:s25+s4], $0x80, $0x38;
	[tilespmem:$0x1FE00] =	vst v63  }
0x17b: {  	s15 =	sadd.s32 s15, s31  }
0x17c: {  	[tilespmem:s26], [sflag:$0x5] =	stream.linear.gather [hbm4b:s15+s4], $0x80, $0x38;
	[tilespmem:$0x1FE00] =	vst v63  }
0x17d: {  	_ =	swait.ge [sflag:s28], $0x4000  }
0x17e: {  	[sflag:s28] =	ssyncset.done $0x0  }
0x17f: {  	[sflag:s28] =	ssyncadd.s32 $0xFFFFC000  }
0x180: {  	p1 =	sne.s32 s0, $0x420;
	_ =	swait.ge [sflag:s16], $0x80  }
.Ltmp1:
0x181: {  	[sflag:s16] =	ssyncset.done $0x0;
	(pc) =	sbr.rel @p1 .LBB2_4-.Ltmp1, $4  }
0x182: {  	[sflag:s16] =	ssyncadd.s32 $0xFFFFFF80  }
0x183: {  	_ =	swait.ge [sflag:s16], $0x80  }
0x184: {  	[sflag:s16] =	ssyncset.done $0x0  }
0x185: {  	s0 =	sadd.s32 $0x60, s0;
	s3 =	sadd.s32 $0x300, s3;
	[sflag:s16] =	ssyncadd.s32 $0xFFFFFF80  }
0x186: {  	[tilespmem:s17], [sflag:$0x1] =	stream.indirect.gather [hbm4b:s1+s9], $0x80, s4, s9, $0xb8;
	[tilespmem:$0x1FE00] =	vst v63  }
0x187: {  	_ =	swait.ge [sflag:s29], $0x4000  }
0x188: {  	[sflag:s29] =	ssyncset.done $0x0  }
0x189: {  	[sflag:s29] =	ssyncadd.s32 $0xFFFFC000  }
0x18a: {  	[spmem:s2] =	stream.indirect.scatter.add.f32 [tilespmem:s23], [sflag:$0x7], $0x80, s12, s9, $0xb8;
	[tilespmem:$0x1FE00] =	vst v63  }
0x18b: {  	s0 =	rddreg [dreg:$0x1c]  }
0x18c: {  	[tilespmem:s11], [sflag:$0x6] =	stream.linear.gather [hbm4b:s0+s4], $0x80, $0x38;
	[tilespmem:$0x1FE00] =	vst v63  }
0x18d: {  	s3 =	rddreg [dreg:$0x1d]  }
0x18e: {  	[tilespmem:s30], [sflag:$0x6] =	stream.linear.gather [hbm4b:s3+s4], $0x80, $0x38;
	[tilespmem:$0x1FE00] =	vst v63  }
0x18f: {  	_ =	swait.ge [sflag:s13], $0x4000  }
0x190: {  	[sflag:s13] =	ssyncset.done $0x0  }
0x191: {  	[sflag:s13] =	ssyncadd.s32 $0xFFFFC000  }
0x192: {  	_ =	swait.ge [sflag:s18], $0x80  }
0x193: {  	[sflag:s18] =	ssyncset.done $0x0  }
0x194: {  	[sflag:s18] =	ssyncadd.s32 $0xFFFFFF80  }
0x195: {  	_ =	swait.ge [sflag:s18], $0x80  }
0x196: {  	[sflag:s18] =	ssyncset.done $0x0  }
0x197: {  	[sflag:s18] =	ssyncadd.s32 $0xFFFFFF80  }
0x198: {  	[tilespmem:s19], [sflag:$0x2] =	stream.indirect.gather [hbm4b:s1+s9], $0x80, s9, s9, $0xb8;
	[tilespmem:$0x1FE00] =	vst v63  }
0x199: {  	_ =	swait.ge [sflag:s20], $0x4000  }
0x19a: {  	[sflag:s20] =	ssyncset.done $0x0  }
0x19b: {  	[sflag:s20] =	ssyncadd.s32 $0xFFFFC000  }
0x19c: {  	[spmem:s2] =	stream.indirect.scatter.add.f32 [tilespmem:s17], [sflag:$0x8], $0x80, s21, s9, $0xb8;
	[tilespmem:$0x1FE00] =	vst v63  }
0x19d: {  	_ =	swait.ge [sflag:s28], $0x4000  }
0x19e: {  	[sflag:s28] =	ssyncset.done $0x0  }
0x19f: {  	[sflag:s28] =	ssyncadd.s32 $0xFFFFC000  }
0x1a0: {  	_ =	swait.ge [sflag:s22], $0x80  }
0x1a1: {  	[sflag:s22] =	ssyncset.done $0x0  }
0x1a2: {  	[sflag:s22] =	ssyncadd.s32 $0xFFFFFF80  }
0x1a3: {  	_ =	swait.ge [sflag:s22], $0x80  }
0x1a4: {  	[sflag:s22] =	ssyncset.done $0x0  }
0x1a5: {  	[sflag:s22] =	ssyncadd.s32 $0xFFFFFF80  }
0x1a6: {  	[tilespmem:s23], [sflag:$0x3] =	stream.indirect.gather [hbm4b:s1+s9], $0x80, s11, s9, $0xb8;
	[tilespmem:$0x1FE00] =	vst v63  }
0x1a7: {  	_ =	swait.ge [sflag:s24], $0x4000  }
0x1a8: {  	[sflag:s24] =	ssyncset.done $0x0  }
0x1a9: {  	[sflag:s24] =	ssyncadd.s32 $0xFFFFC000  }
0x1aa: {  	[spmem:s2] =	stream.indirect.scatter.add.f32 [tilespmem:s19], [sflag:$0x7], $0x80, s26, s9, $0xb8;
	[tilespmem:$0x1FE00] =	vst v63  }
0x1ab: {  	_ =	swait.ge [sflag:s13], $0x4000  }
0x1ac: {  	[sflag:s13] =	ssyncset.done $0x0  }
0x1ad: {  	[sflag:s13] =	ssyncadd.s32 $0xFFFFC000  }
0x1ae: {  	_ =	swait.ge [sflag:s14], $0x10  }
0x1af: {  	[sflag:s14] =	ssyncset.done $0x0  }
0x1b0: {  	[sflag:s14] =	ssyncadd.s32 $0xFFFFFFF0  }
0x1b1: {  	_ =	swait.ge [sflag:s14], $0x10  }
0x1b2: {  	[sflag:s14] =	ssyncset.done $0x0  }
0x1b3: {  	s15 =	simm.s32 $0xC480;
	s3 =	simm.s32 $0x10;
	[sflag:s14] =	ssyncadd.s32 $0xFFFFFFF0  }
0x1b4: {  	[tilespmem:s17], [sflag:$0x9] =	stream.indirect.gather [hbm4b:s1+s3], $0x80, s15, s3, $0xb8;
	[tilespmem:$0x1FE00] =	vst v63  }
0x1b5: {  	_ =	swait.ge [sflag:s29], $0x4000  }
0x1b6: {  	[sflag:s29] =	ssyncset.done $0x0  }
0x1b7: {  	[sflag:s29] =	ssyncadd.s32 $0xFFFFC000  }
0x1b8: {  	[spmem:s2] =	stream.indirect.scatter.add.f32 [tilespmem:s23], [sflag:$0x8], $0x80, s30, s9, $0xb8;
	[tilespmem:$0x1FE00] =	vst v63  }
0x1b9: {  	_ =	swait.ge [sflag:s28], $0x4000  }
0x1ba: {  	[sflag:s28] =	ssyncset.done $0x0  }
0x1bb: {  	[sflag:s28] =	ssyncadd.s32 $0xFFFFC000  }
0x1bc: {  	_ =	swait.ge [sflag:s14], $0x800  }
0x1bd: {  	[sflag:s14] =	ssyncset.done $0x0  }
0x1be: {  	[sflag:s14] =	ssyncadd.s32 $0xFFFFF800  }
0x1bf: {  	_ =	swait.ge [sflag:s13], $0x4000  }
0x1c0: {  	[sflag:s13] =	ssyncset.done $0x0  }
0x1c1: {  	s25 =	simm.s32 $0xC500;
	s15 =	simm.s32 $0xA;
	[sflag:s13] =	ssyncadd.s32 $0xFFFFC000  }
0x1c2: {  	[spmem:s2] =	stream.indirect.scatter.add.f32 [tilespmem:s17], [sflag:$0xA], $0x80, s25, s3, $0xb8;
	[tilespmem:$0x1FE00] =	vst v63  }
0x1c3: {  	_ =	swait.ge [sflag:s15], $0x800  }
0x1c4: {  	[sflag:s15] =	ssyncset.done $0x0  }
0x1c5: {  	[sflag:s15] =	ssyncadd.s32 $0xFFFFF800  }
0x1c6: {  	[bflag:$0x0] =	sbarrier.arrive $0xFFFF  }
0x1c7: {  	s31 =	sld [smem:$0x7FD];
	_ =	sdelay $0x2  }
0x1c8: {  	s3 =	simm.s32 @p0 $0x1FCA;
	s15 =	rddreg [dreg:$0x1e];
	s0 =	sshrl.u32 @p0 s31, $0x3  }
0x1c9: {  	[hbm:s15], [sflag:s3] =	dma.local @p0 [spmem:s0], $0x1900  }
0x1ca: {  	s0 =	simm.s32 @p0 $0xA  }
0x1cb: {  	_ =	swait.ge @p0 [sflag:s0], $0x1900  }
0x1cc: {  	s3 =	stileid.u32;
	s15 =	rddreg [dreg:$0x16]  }
0x1cd: {  	s3 =	sshll.u32 @!p0 s3, $0x6;
	[sflag:s0] =	ssyncset.done @p0 $0x0;
	s25 =	rddreg [dreg:$0x19]  }
0x1ce: {  	[sflag:s0] =	ssyncadd.s32 @p0 $0xFFFFE700;
	s0 =	sor.u32 @!p0 $0x1C0A, s3;
	s3 =	sshrl.u32 @!p0 s15, $0x3  }
0x1cf: {  	[hbm:s25], [sflag:s0] =	dma.local @!p0 [spmem:s3], $0x2800  }
0x1d0: {  	s0 =	simm.s32 @!p0 $0xA  }
0x1d1: {  	_ =	swait.ge @!p0 [sflag:s0], $0x2800  }
0x1d2: {  	s7 =	sadd.s32 $0x1, s7;
	s25 =	rddreg [dreg:$0x1f]  }
0x1d3: {  	p1 =	sne.s32 s7, s25  }
.Ltmp2:
0x1d4: {  	_ = 	snop;
	(pc) =	sbr.rel @p1 .LBB2_1-.Ltmp2, $3  }
0x1d5: {  	_ =	sdelay $0x1  }
0x1d6: {  	[sflag:s0] =	ssyncset.done @!p0 $0x0  }
0x1d7: {  	[sflag:s0] =	ssyncadd.s32 @!p0 $0xFFFFD800  }
0x1d8: {  	_ =	sfence.sel $0x180000  }
0x1d9: {  	[bflag:$0x0] =	sbarrier.arrive $0xFFFF  }
0x1da: {  	_ =	strace $0x90000047  }
0x1db: {  	s0 =	stileid.u32;
	[bflag:$0x2] =	sbarrier.arrive $0xFFFF  }
0x1dc: {  	p0 =	sne.s32 s0, $0x0;
	s0 =	rddreg [dreg:$0x3]  }
0x1dd: {  	s0 =	sadd.s32 @!p0 $0x100000, s0  }
0x1de: {  	[sflag:s0] =	ssyncadd.tile.s32 @!p0 $0x1;
	_ =	shalt  }
.Lfunc_end2:
_tile_overlayer_lowered:
.L_overlay_start_2:
0x1df: {  	(tag) =	ssettag $0x2  }
0x1e0: {  	s0 =	rddreg [dreg:$0x0];
	s2 =	stileid.u32  }
0x1e1: {  	s1 =	rddreg [dreg:$0x1];
	p0 =	sne.s32 s2, $0x0  }
0x1e2: {  	s3 =	rddreg [dreg:$0x2];
	[bflag:$0x3] =	sbarrier.arrive $0xFFFF;
	s2 =	simm.s32 @!p0 $0x1C0A  }
0x1e3: {  	[timem:s3], [sflag:s2] =	dma.local @!p0 [hbm:s0], s1  }
0x1e4: {  	s0 =	simm.s32 @!p0 $0xA  }
0x1e5: {  	_ =	swait.ge @!p0 [sflag:s0], s1  }
0x1e6: {  	s1 =	ssub.s32 @!p0 $0x0, s1;
	[sflag:s0] =	ssyncset.done @!p0 $0x0  }
0x1e7: {  	[sflag:s0] =	ssyncadd.s32 @!p0 s1  }
0x1e8: {  	[bflag:$0x3] =	sbarrier.arrive $0xFFFF  }
0x1e9: {  	_ =	shalt  }

</sc_bundles>
